<compile_context>
chip_gen: v7x
topology: tpu7x:2x2x1
jax: 0.10.2.dev20260603
libtpu: 0.0.44.dev20260713+nightly
codegen_flags: <defaults>
</compile_context>

<pallas_src>
import functools
import math

import jax
import jax.numpy as jnp
from jax import lax
from jax.experimental import pallas as pl
from jax.experimental.pallas import tpu as pltpu
from jax.experimental.pallas import tpu_sc as plsc

N = 10000
E = 320000
D = 128
L = 3

NC = 2
NS = 16
NW = NC * NS

CH = 128
EW = E // NW
NCH = -(-EW // CH)
EWP = NCH * CH
EPAD = NW * EWP
PADN = EPAD - E

NPAD = 10112
HR = 79
IPB = NPAD // NS

_INV_SQRT2 = 1.0 / math.sqrt(2.0)



def _deg_body(dst_hbm, out_hbm, dst_v, hist_v):
    c = lax.axis_index("c")
    s = lax.axis_index("s")
    w = c * NS + s
    pltpu.sync_copy(dst_hbm.at[w], dst_v)
    zero16 = jnp.zeros((16,), jnp.float32)
    one16 = jnp.ones((16,), jnp.float32)

    def zbody(i, carry):
        for g in range(CH // 16):
            hist_v[i, pl.ds(g * 16, 16)] = zero16
        return carry

    lax.fori_loop(0, HR, zbody, 0)

    def ebody(j, carry):
        for g in range(CH // 16):
            idx = dst_v[j, pl.ds(g * 16, 16)]
            row = lax.shift_right_logical(idx, 7)
            col = lax.bitwise_and(idx, 127)
            plsc.addupdate_scatter(hist_v, [row, col], one16)
        return carry

    lax.fori_loop(0, NCH, ebody, 0)
    pltpu.sync_copy(hist_v, out_hbm.at[w])


def _sc_deg(dst3):
    mesh = plsc.VectorSubcoreMesh(core_axis_name="c", subcore_axis_name="s")
    f = pl.kernel(
        _deg_body,
        out_type=jax.ShapeDtypeStruct((NW, HR, CH), jnp.float32),
        mesh=mesh,
        scratch_types=[
            pltpu.VMEM((NCH, CH), jnp.int32),
            pltpu.VMEM((HR, CH), jnp.float32),
        ],
        compiler_params=pltpu.CompilerParams(needs_layout_passes=False),
    )
    return f(dst3)


def _agg_body(hwp_hbm, src_hbm, dst_hbm, z_hbm, out_hbm,
              src_v, dstb, rows0, rows1, gsem0, gsem1,
              dsem0, dsem1, dsem2, dsem3, acc):
    c = lax.axis_index("c")
    s = lax.axis_index("s")
    w = c * NS + s
    rows = (rows0, rows1)
    gsems = (gsem0, gsem1)
    dsems = (dsem0, dsem1, dsem2, dsem3)
    pltpu.sync_copy(z_hbm.at[pl.ds(s * IPB, IPB)], acc.at[pl.ds(s * IPB, IPB)])
    pltpu.sync_copy(src_hbm.at[w], src_v)
    plsc.subcore_barrier()

    def gather(j, p):
        pltpu.async_copy(hwp_hbm.at[src_v.at[j]], rows[p], gsems[p])

    def gdrain(p):
        pltpu.make_async_copy(hwp_hbm.at[src_v.at[0]], rows[p], gsems[p]).wait()

    def dfetch(j, b):
        pltpu.async_copy(dst_hbm.at[w, j], dstb.at[b], dsems[b])

    def ddrain(b):
        pltpu.make_async_copy(dst_hbm.at[w, 0], dstb.at[b], dsems[b]).wait()

    def scatter(p, b):
        pltpu.sync_copy(rows[p], acc.at[dstb.at[b]], add=True)

    for b in range(4):
        dfetch(b, b)
    gather(0, 0)

    def body(i, carry):
        c0 = 4 * i
        for b in range(4):
            cb = c0 + b
            nxt = jnp.minimum(cb + 1, NCH - 1)
            gather(nxt, (b + 1) % 2)
            gdrain(b % 2)
            ddrain(b)
            scatter(b % 2, b)

            @pl.when(cb + 4 < NCH)
            def _():
                dfetch(cb + 4, b)
        return carry

    lax.fori_loop(0, NCH // 4, body, 0)
    for b in range(3):
        cb = (NCH // 4) * 4 + b
        if cb + 1 < NCH:
            gather(cb + 1, (b + 1) % 2)
        gdrain(b % 2)
        ddrain(b)
        scatter(b % 2, b)
    plsc.subcore_barrier()
    pltpu.sync_copy(acc.at[pl.ds(s * IPB, IPB)],
                    out_hbm.at[c, pl.ds(s * IPB, IPB)])


def _sc_agg(hwp, src3, dst3, zinit):
    mesh = plsc.VectorSubcoreMesh(core_axis_name="c", subcore_axis_name="s")
    f = pl.kernel(
        _agg_body,
        out_type=jax.ShapeDtypeStruct((NC, NPAD, D), jnp.float32),
        mesh=mesh,
        scratch_types=[
            pltpu.VMEM((NCH, CH), jnp.int32),
            pltpu.VMEM((4, CH), jnp.int32),
            pltpu.VMEM((CH, D), jnp.float32),
            pltpu.VMEM((CH, D), jnp.float32),
            pltpu.SemaphoreType.DMA,
            pltpu.SemaphoreType.DMA,
            pltpu.SemaphoreType.DMA,
            pltpu.SemaphoreType.DMA,
            pltpu.SemaphoreType.DMA,
            pltpu.SemaphoreType.DMA,
            pltpu.VMEM_SHARED((NPAD, D), jnp.float32),
        ],
    )
    return f(hwp, src3, dst3, zinit)



def _layer_norm(h, g, b):
    mu = jnp.mean(h, axis=-1, keepdims=True)
    d = h - mu
    var = jnp.mean(d * d, axis=-1, keepdims=True)
    return d * lax.rsqrt(var + 1e-5) * g + b


def _gelu(h):
    return 0.5 * h * (1.0 + lax.erf(h * _INV_SQRT2))


def _dinv(dpt):
    return lax.rsqrt(1.0 + jnp.sum(dpt, axis=1, keepdims=True))


def _inpre_body(x_ref, w_ref, b_ref, g_ref, be_ref, wn_ref, dpt_ref,
                ho_ref, po_ref):
    x = x_ref[...]
    x = jnp.where(jnp.isnan(x), jnp.float32(0.0), x)
    h = jnp.dot(x, w_ref[...], preferred_element_type=jnp.float32) + b_ref[...]
    h = _gelu(_layer_norm(h, g_ref[...], be_ref[...]))
    ho_ref[...] = h
    po_ref[...] = jnp.dot(h, wn_ref[...],
                          preferred_element_type=jnp.float32) * _dinv(dpt_ref[...])


def _postpre_body(hin_ref, a0_ref, a1_ref, hwp_ref, dpt_ref, b_ref, g_ref,
                  be_ref, wn_ref, ho_ref, po_ref):
    dinv = _dinv(dpt_ref[...])
    s = (a0_ref[...] + a1_ref[...] + hwp_ref[...]) * dinv + b_ref[...]
    h = _gelu(_layer_norm(s, g_ref[...], be_ref[...])) + hin_ref[...]
    ho_ref[...] = h
    po_ref[...] = jnp.dot(h, wn_ref[...],
                          preferred_element_type=jnp.float32) * dinv


def _posthead_body(hin_ref, a0_ref, a1_ref, hwp_ref, dpt_ref, b_ref, g_ref,
                   be_ref, wh_ref, bh_ref, o_ref):
    dinv = _dinv(dpt_ref[...])
    s = (a0_ref[...] + a1_ref[...] + hwp_ref[...]) * dinv + b_ref[...]
    h = _gelu(_layer_norm(s, g_ref[...], be_ref[...])) + hin_ref[...]
    o_ref[...] = jnp.dot(h, wh_ref[...],
                         preferred_element_type=jnp.float32) + bh_ref[...]


_R = 1000
_G = N // _R


def _row_spec():
    return pl.BlockSpec((_R, D), lambda i: (i, 0))


def _const_spec(shape):
    return pl.BlockSpec(shape, lambda i: (0, 0))


def _dpt_spec():
    return pl.BlockSpec((_R, NW), lambda i: (i, 0))


def _tc_inpre(x, w, b, g, be, wn, dpt):
    return pl.pallas_call(
        _inpre_body,
        grid=(_G,),
        in_specs=[_row_spec(), _const_spec((D, D)), _const_spec((1, D)),
                  _const_spec((1, D)), _const_spec((1, D)),
                  _const_spec((D, D)), _dpt_spec()],
        out_specs=(_row_spec(), _row_spec()),
        out_shape=(jax.ShapeDtypeStruct((N, D), jnp.float32),
                   jax.ShapeDtypeStruct((N, D), jnp.float32)),
    )(x, w, b, g, be, wn, dpt)


def _tc_postpre(hin, a0, a1, hwp, dpt, b, g, be, wn):
    return pl.pallas_call(
        _postpre_body,
        grid=(_G,),
        in_specs=[_row_spec(), _row_spec(), _row_spec(), _row_spec(),
                  _dpt_spec(), _const_spec((1, D)), _const_spec((1, D)),
                  _const_spec((1, D)), _const_spec((D, D))],
        out_specs=(_row_spec(), _row_spec()),
        out_shape=(jax.ShapeDtypeStruct((N, D), jnp.float32),
                   jax.ShapeDtypeStruct((N, D), jnp.float32)),
    )(hin, a0, a1, hwp, dpt, b, g, be, wn)


def _tc_posthead(hin, a0, a1, hwp, dpt, b, g, be, wh, bh):
    return pl.pallas_call(
        _posthead_body,
        grid=(_G,),
        in_specs=[_row_spec(), _row_spec(), _row_spec(), _row_spec(),
                  _dpt_spec(), _const_spec((1, D)), _const_spec((1, D)),
                  _const_spec((1, D)), _const_spec((D, 1)),
                  _const_spec((1, 1))],
        out_specs=pl.BlockSpec((_R, 1), lambda i: (i, 0)),
        out_shape=jax.ShapeDtypeStruct((N, 1), jnp.float32),
    )(hin, a0, a1, hwp, dpt, b, g, be, wh, bh)



def kernel(x, edge_index, W_in, b_in, g_in, be_in, Wc, bc, gc, bec, Wh, bh):
    src = edge_index[0]
    dst = edge_index[1]
    src_p = jnp.concatenate([src, jnp.zeros((PADN,), jnp.int32)])
    dst_p = jnp.concatenate([dst, jnp.full((PADN,), N, jnp.int32)])
    src3 = src_p.reshape(NW, NCH, CH)
    dst3 = dst_p.reshape(NW, NCH, CH)
    zinit = jnp.zeros((NPAD, D), jnp.float32)

    deg_parts = _sc_deg(dst3)
    dpt = deg_parts.reshape(NW, HR * CH)[:, :N].T

    h, hwp = _tc_inpre(x, W_in, b_in.reshape(1, D), g_in.reshape(1, D),
                       be_in.reshape(1, D), Wc[0], dpt)

    for i in range(L - 1):
        agg = _sc_agg(hwp, src3, dst3, zinit)
        h, hwp = _tc_postpre(h, agg[0, :N], agg[1, :N], hwp, dpt,
                             bc[i].reshape(1, D), gc[i].reshape(1, D),
                             bec[i].reshape(1, D), Wc[i + 1])

    agg = _sc_agg(hwp, src3, dst3, zinit)
    return _tc_posthead(h, agg[0, :N], agg[1, :N], hwp, dpt,
                        bc[L - 1].reshape(1, D), gc[L - 1].reshape(1, D),
                        bec[L - 1].reshape(1, D), Wh, bh.reshape(1, 1))

# --- scband reference (transcript-rebuilt; emitter-appended) ---
"""Pipeline reference for scband-gnnprobe-model-79130477462155 (READ-ONLY COPY).

The authoritative reference and input builder live on the scoring server;
editing this copy changes nothing except your own understanding.
"""

import jax, jax.numpy as jnp
import numpy as np

N = 10000
E = 320000
D = 128
L = 3

def _layer_norm(h, g, b):
    mu = jnp.mean(h, axis=-1, keepdims=True)
    var = jnp.var(h, axis=-1, keepdims=True)
    return (h - mu) / jnp.sqrt(var + 1e-5) * g + b

def _gcn_conv(h, src, dst, W, b):
    # PyG GCNConv with add_self_loops=True and symmetric normalization.
    deg = jnp.zeros((N,), dtype=h.dtype).at[dst].add(1.0)
    dinv = jnp.where(deg > 0, 1.0 / jnp.sqrt(deg), 0.0)
    norm = dinv[src] * dinv[dst]
    hW = h @ W
    msgs = hW[src] * norm[:, None]
    out = jnp.zeros((N, hW.shape[1]), dtype=h.dtype).at[dst].add(msgs)
    return out + b

def setup_inputs(seed: int = 0):
    key = jax.random.key(seed)
    ks = jax.random.split(key, 8)
    x = jax.random.normal(ks[0], (N, D), dtype=jnp.float32)
    edge_index = jax.random.randint(ks[1], (2, E), 0, N, dtype=jnp.int32)
    W_in = jax.random.normal(ks[2], (D, D), dtype=jnp.float32) * 0.05
    b_in = jnp.zeros((D,), dtype=jnp.float32)
    g_in = jnp.ones((D,), dtype=jnp.float32)
    be_in = jnp.zeros((D,), dtype=jnp.float32)
    Wc = jax.random.normal(ks[3], (L, D, D), dtype=jnp.float32) * 0.05
    bc = jnp.zeros((L, D), dtype=jnp.float32)
    gc = jnp.ones((L, D), dtype=jnp.float32)
    bec = jnp.zeros((L, D), dtype=jnp.float32)
    Wh = jax.random.normal(ks[4], (D, 1), dtype=jnp.float32) * 0.05
    bh = jnp.zeros((1,), dtype=jnp.float32)
    return {"x": x, "edge_index": edge_index, "W_in": W_in, "b_in": b_in, "g_in": g_in, "be_in": be_in, "Wc": Wc, "bc": bc, "gc": gc, "bec": bec, "Wh": Wh, "bh": bh}

def reference(x, edge_index, W_in, b_in, g_in, be_in, Wc, bc, gc, bec, Wh, bh):
    x = jnp.nan_to_num(x, nan=0.0)
    loop = jnp.arange(N, dtype=edge_index.dtype)
    src = jnp.concatenate([edge_index[0], loop])
    dst = jnp.concatenate([edge_index[1], loop])
    h = x @ W_in + b_in
    h = _layer_norm(h, g_in, be_in)
    h = jax.nn.gelu(h, approximate=False)
    for i in range(L):
        h_in = h
        h = _gcn_conv(h, src, dst, Wc[i], bc[i])
        h = _layer_norm(h, gc[i], bec[i])
        h = jax.nn.gelu(h, approximate=False)
        # dropout=0.0 -> identity in eval
        h = h + h_in
    return h @ Wh + bh

if __name__ == "__main__":
    import jax
    _d = setup_inputs()
    print(jax.jit(kernel)(*tuple(_d.values())))

</pallas_src>

<mosaic_0001>
#map = affine_map<(d0, d1) -> (0, 0)>
#map1 = affine_map<(d0, d1) -> (0, 0, 0)>
module attributes {stable_mosaic.version = 14 : i64} {
  func.func @_agg_body(%arg0: i32, %arg1: i32, %arg2: memref<10000x128xf32, #tpu.memory_space<hbm>>, %arg3: memref<32x79x128xi32, #tpu.memory_space<hbm>>, %arg4: memref<32x79x128xi32, #tpu.memory_space<hbm>>, %arg5: memref<10112x128xf32, #tpu.memory_space<hbm>>, %arg6: memref<2x10112x128xf32, #tpu.memory_space<hbm>>, %arg7: memref<79x128xi32, #tpu.memory_space<vmem>>, %arg8: memref<4x128xi32, #tpu.memory_space<vmem>>, %arg9: memref<128x128xf32, #tpu.memory_space<vmem>>, %arg10: memref<128x128xf32, #tpu.memory_space<vmem>>, %arg11: memref<!tpu.dma_semaphore, #tpu.memory_space<semaphore_mem>>, %arg12: memref<!tpu.dma_semaphore, #tpu.memory_space<semaphore_mem>>, %arg13: memref<!tpu.dma_semaphore, #tpu.memory_space<semaphore_mem>>, %arg14: memref<!tpu.dma_semaphore, #tpu.memory_space<semaphore_mem>>, %arg15: memref<!tpu.dma_semaphore, #tpu.memory_space<semaphore_mem>>, %arg16: memref<!tpu.dma_semaphore, #tpu.memory_space<semaphore_mem>>, %arg17: memref<10112x128xf32, #tpu.memory_space<vmem_shared>>) attributes {dimension_semantics = [#tpu.dimension_semantics<core_parallel>, #tpu.dimension_semantics<subcore_parallel>], iteration_bounds = array<i64: 2, 16>, scalar_prefetch = 0 : i64, scratch_operands = 11 : i64, tpu.core_type = #tpu.core_type<sc_vector_subcore>, window_params = [{transform_indices = #map}, {transform_indices = #map1}, {transform_indices = #map1}, {transform_indices = #map}, {transform_indices = #map1}]} {
    %mul3A = arith.constant 16 : i32
    %mul3A_0 = arith.muli %arg0, %mul3A : i32
    %add3A = arith.addi %mul3A_0, %arg1 : i32
    %mul3A_1 = arith.constant 632 : i32
    %mul3A_2 = arith.muli %arg1, %mul3A_1 : i32
    %mul3A_3 = arith.constant 632 : i32
    %mul3A_4 = arith.muli %arg1, %mul3A_3 : i32
    "tpu.region"() ({
      %run_scoped3A_155 = tpu.sem_alloc : memref<!tpu.dma_semaphore, #tpu.memory_space<semaphore_mem>>
      %dma_start3A_156 = arith.constant 0 : i32
      %dma_start3A_157 = tpu.memref_slice %arg17[%mul3A_4, %dma_start3A_156] : memref<10112x128xf32, #tpu.memory_space<vmem_shared>> -> memref<632x128xf32, #tpu.memory_space<vmem_shared>>
      %dma_start3A_158 = arith.constant 0 : i32
      %dma_start3A_159 = tpu.memref_slice %arg5[%mul3A_2, %dma_start3A_158] : memref<10112x128xf32, #tpu.memory_space<hbm>> -> memref<632x128xf32, #tpu.memory_space<hbm>>
      tpu.enqueue_dma source(%dma_start3A_159 : memref<632x128xf32, #tpu.memory_space<hbm>>) target(%dma_start3A_157 : memref<632x128xf32, #tpu.memory_space<vmem_shared>>) target_semaphore(%run_scoped3A_155 : memref<!tpu.dma_semaphore, #tpu.memory_space<semaphore_mem>>)
      %dma_wait3A_160 = arith.constant 0 : i32
      %dma_wait3A_161 = tpu.memref_slice %arg17[%mul3A_4, %dma_wait3A_160] : memref<10112x128xf32, #tpu.memory_space<vmem_shared>> -> memref<632x128xf32, #tpu.memory_space<vmem_shared>>
      %dma_wait3A_162 = arith.constant 0 : i32
      %dma_wait3A_163 = tpu.memref_slice %arg5[%mul3A_2, %dma_wait3A_162] : memref<10112x128xf32, #tpu.memory_space<hbm>> -> memref<632x128xf32, #tpu.memory_space<hbm>>
      tpu.wait_dma2 semaphore(%run_scoped3A_155 : memref<!tpu.dma_semaphore, #tpu.memory_space<semaphore_mem>>) src(%dma_wait3A_163 : memref<632x128xf32, #tpu.memory_space<hbm>>) dst(%dma_wait3A_161 : memref<632x128xf32, #tpu.memory_space<vmem_shared>>)
      tpu.yield
    }) : () -> ()
    "tpu.region"() ({
      %run_scoped3A_155 = tpu.sem_alloc : memref<!tpu.dma_semaphore, #tpu.memory_space<semaphore_mem>>
      %dma_start3A_156 = arith.constant 0 : i32
      %dma_start3A_157 = arith.constant 0 : i32
      %dma_start3A_158 = tpu.memref_slice %arg3[%add3A, %dma_start3A_156, %dma_start3A_157] : memref<32x79x128xi32, #tpu.memory_space<hbm>> -> memref<1x79x128xi32, #tpu.memory_space<hbm>>
      %dma_start3A_159 = tpu.memref_squeeze %dma_start3A_158 : memref<1x79x128xi32, #tpu.memory_space<hbm>> -> memref<79x128xi32, #tpu.memory_space<hbm>>
      %dma_start3A_160 = arith.constant 0 : i32
      %dma_start3A_161 = arith.constant 0 : i32
      %dma_start3A_162 = tpu.memref_slice %arg3[%add3A, %dma_start3A_160, %dma_start3A_161] : memref<32x79x128xi32, #tpu.memory_space<hbm>> -> memref<1x79x128xi32, #tpu.memory_space<hbm>>
      %dma_start3A_163 = tpu.memref_squeeze %dma_start3A_162 : memref<1x79x128xi32, #tpu.memory_space<hbm>> -> memref<79x128xi32, #tpu.memory_space<hbm>>
      tpu.enqueue_dma source(%dma_start3A_163 : memref<79x128xi32, #tpu.memory_space<hbm>>) target(%arg7 : memref<79x128xi32, #tpu.memory_space<vmem>>) target_semaphore(%run_scoped3A_155 : memref<!tpu.dma_semaphore, #tpu.memory_space<semaphore_mem>>)
      %dma_wait3A_164 = arith.constant 0 : i32
      %dma_wait3A_165 = arith.constant 0 : i32
      %dma_wait3A_166 = tpu.memref_slice %arg3[%add3A, %dma_wait3A_164, %dma_wait3A_165] : memref<32x79x128xi32, #tpu.memory_space<hbm>> -> memref<1x79x128xi32, #tpu.memory_space<hbm>>
      %dma_wait3A_167 = tpu.memref_squeeze %dma_wait3A_166 : memref<1x79x128xi32, #tpu.memory_space<hbm>> -> memref<79x128xi32, #tpu.memory_space<hbm>>
      %dma_wait3A_168 = arith.constant 0 : i32
      %dma_wait3A_169 = arith.constant 0 : i32
      %dma_wait3A_170 = tpu.memref_slice %arg3[%add3A, %dma_wait3A_168, %dma_wait3A_169] : memref<32x79x128xi32, #tpu.memory_space<hbm>> -> memref<1x79x128xi32, #tpu.memory_space<hbm>>
      %dma_wait3A_171 = tpu.memref_squeeze %dma_wait3A_170 : memref<1x79x128xi32, #tpu.memory_space<hbm>> -> memref<79x128xi32, #tpu.memory_space<hbm>>
      tpu.wait_dma2 semaphore(%run_scoped3A_155 : memref<!tpu.dma_semaphore, #tpu.memory_space<semaphore_mem>>) src(%dma_wait3A_171 : memref<79x128xi32, #tpu.memory_space<hbm>>) dst(%arg7 : memref<79x128xi32, #tpu.memory_space<vmem>>)
      tpu.yield
    }) : () -> ()
    %barrier3A = arith.constant 0 : index
    tpu.barrier barrier_id(%barrier3A)
    %dma_start3A = arith.constant 0 : i32
    %dma_start3A_5 = arith.constant 0 : i32
    %dma_start3A_6 = arith.constant 0 : i32
    %dma_start3A_7 = tpu.memref_slice %arg8[%dma_start3A_5, %dma_start3A_6] : memref<4x128xi32, #tpu.memory_space<vmem>> -> memref<1x128xi32, #tpu.memory_space<vmem>>
    %dma_start3A_8 = tpu.memref_squeeze %dma_start3A_7 : memref<1x128xi32, #tpu.memory_space<vmem>> -> memref<128xi32, #tpu.memory_space<vmem>>
    %dma_start3A_9 = arith.constant 0 : i32
    %dma_start3A_10 = tpu.memref_slice %arg4[%add3A, %dma_start3A, %dma_start3A_9] : memref<32x79x128xi32, #tpu.memory_space<hbm>> -> memref<1x1x128xi32, #tpu.memory_space<hbm>>
    %dma_start3A_11 = tpu.memref_squeeze %dma_start3A_10 : memref<1x1x128xi32, #tpu.memory_space<hbm>> -> memref<128xi32, #tpu.memory_space<hbm>>
    %dma_start3A_12 = arith.constant 0 : i32
    %dma_start3A_13 = tpu.memref_slice %arg8[%dma_start3A_5, %dma_start3A_12] : memref<4x128xi32, #tpu.memory_space<vmem>> -> memref<1x128xi32, #tpu.memory_space<vmem>>
    %dma_start3A_14 = tpu.memref_squeeze %dma_start3A_13 : memref<1x128xi32, #tpu.memory_space<vmem>> -> memref<128xi32, #tpu.memory_space<vmem>>
    %dma_start3A_15 = arith.constant 0 : i32
    %dma_start3A_16 = tpu.memref_slice %arg4[%add3A, %dma_start3A, %dma_start3A_15] : memref<32x79x128xi32, #tpu.memory_space<hbm>> -> memref<1x1x128xi32, #tpu.memory_space<hbm>>
    %dma_start3A_17 = tpu.memref_squeeze %dma_start3A_16 : memref<1x1x128xi32, #tpu.memory_space<hbm>> -> memref<128xi32, #tpu.memory_space<hbm>>
    tpu.enqueue_dma source(%dma_start3A_17 : memref<128xi32, #tpu.memory_space<hbm>>) target(%dma_start3A_14 : memref<128xi32, #tpu.memory_space<vmem>>) target_semaphore(%arg13 : memref<!tpu.dma_semaphore, #tpu.memory_space<semaphore_mem>>)
    %dma_start3A_18 = arith.constant 1 : i32
    %dma_start3A_19 = arith.constant 1 : i32
    %dma_start3A_20 = arith.constant 0 : i32
    %dma_start3A_21 = tpu.memref_slice %arg8[%dma_start3A_19, %dma_start3A_20] : memref<4x128xi32, #tpu.memory_space<vmem>> -> memref<1x128xi32, #tpu.memory_space<vmem>>
    %dma_start3A_22 = tpu.memref_squeeze %dma_start3A_21 : memref<1x128xi32, #tpu.memory_space<vmem>> -> memref<128xi32, #tpu.memory_space<vmem>>
    %dma_start3A_23 = arith.constant 0 : i32
    %dma_start3A_24 = tpu.memref_slice %arg4[%add3A, %dma_start3A_18, %dma_start3A_23] : memref<32x79x128xi32, #tpu.memory_space<hbm>> -> memref<1x1x128xi32, #tpu.memory_space<hbm>>
    %dma_start3A_25 = tpu.memref_squeeze %dma_start3A_24 : memref<1x1x128xi32, #tpu.memory_space<hbm>> -> memref<128xi32, #tpu.memory_space<hbm>>
    %dma_start3A_26 = arith.constant 0 : i32
    %dma_start3A_27 = tpu.memref_slice %arg8[%dma_start3A_19, %dma_start3A_26] : memref<4x128xi32, #tpu.memory_space<vmem>> -> memref<1x128xi32, #tpu.memory_space<vmem>>
    %dma_start3A_28 = tpu.memref_squeeze %dma_start3A_27 : memref<1x128xi32, #tpu.memory_space<vmem>> -> memref<128xi32, #tpu.memory_space<vmem>>
    %dma_start3A_29 = arith.constant 0 : i32
    %dma_start3A_30 = tpu.memref_slice %arg4[%add3A, %dma_start3A_18, %dma_start3A_29] : memref<32x79x128xi32, #tpu.memory_space<hbm>> -> memref<1x1x128xi32, #tpu.memory_space<hbm>>
    %dma_start3A_31 = tpu.memref_squeeze %dma_start3A_30 : memref<1x1x128xi32, #tpu.memory_space<hbm>> -> memref<128xi32, #tpu.memory_space<hbm>>
    tpu.enqueue_dma source(%dma_start3A_31 : memref<128xi32, #tpu.memory_space<hbm>>) target(%dma_start3A_28 : memref<128xi32, #tpu.memory_space<vmem>>) target_semaphore(%arg14 : memref<!tpu.dma_semaphore, #tpu.memory_space<semaphore_mem>>)
    %dma_start3A_32 = arith.constant 2 : i32
    %dma_start3A_33 = arith.constant 2 : i32
    %dma_start3A_34 = arith.constant 0 : i32
    %dma_start3A_35 = tpu.memref_slice %arg8[%dma_start3A_33, %dma_start3A_34] : memref<4x128xi32, #tpu.memory_space<vmem>> -> memref<1x128xi32, #tpu.memory_space<vmem>>
    %dma_start3A_36 = tpu.memref_squeeze %dma_start3A_35 : memref<1x128xi32, #tpu.memory_space<vmem>> -> memref<128xi32, #tpu.memory_space<vmem>>
    %dma_start3A_37 = arith.constant 0 : i32
    %dma_start3A_38 = tpu.memref_slice %arg4[%add3A, %dma_start3A_32, %dma_start3A_37] : memref<32x79x128xi32, #tpu.memory_space<hbm>> -> memref<1x1x128xi32, #tpu.memory_space<hbm>>
    %dma_start3A_39 = tpu.memref_squeeze %dma_start3A_38 : memref<1x1x128xi32, #tpu.memory_space<hbm>> -> memref<128xi32, #tpu.memory_space<hbm>>
    %dma_start3A_40 = arith.constant 0 : i32
    %dma_start3A_41 = tpu.memref_slice %arg8[%dma_start3A_33, %dma_start3A_40] : memref<4x128xi32, #tpu.memory_space<vmem>> -> memref<1x128xi32, #tpu.memory_space<vmem>>
    %dma_start3A_42 = tpu.memref_squeeze %dma_start3A_41 : memref<1x128xi32, #tpu.memory_space<vmem>> -> memref<128xi32, #tpu.memory_space<vmem>>
    %dma_start3A_43 = arith.constant 0 : i32
    %dma_start3A_44 = tpu.memref_slice %arg4[%add3A, %dma_start3A_32, %dma_start3A_43] : memref<32x79x128xi32, #tpu.memory_space<hbm>> -> memref<1x1x128xi32, #tpu.memory_space<hbm>>
    %dma_start3A_45 = tpu.memref_squeeze %dma_start3A_44 : memref<1x1x128xi32, #tpu.memory_space<hbm>> -> memref<128xi32, #tpu.memory_space<hbm>>
    tpu.enqueue_dma source(%dma_start3A_45 : memref<128xi32, #tpu.memory_space<hbm>>) target(%dma_start3A_42 : memref<128xi32, #tpu.memory_space<vmem>>) target_semaphore(%arg15 : memref<!tpu.dma_semaphore, #tpu.memory_space<semaphore_mem>>)
    %dma_start3A_46 = arith.constant 3 : i32
    %dma_start3A_47 = arith.constant 3 : i32
    %dma_start3A_48 = arith.constant 0 : i32
    %dma_start3A_49 = tpu.memref_slice %arg8[%dma_start3A_47, %dma_start3A_48] : memref<4x128xi32, #tpu.memory_space<vmem>> -> memref<1x128xi32, #tpu.memory_space<vmem>>
    %dma_start3A_50 = tpu.memref_squeeze %dma_start3A_49 : memref<1x128xi32, #tpu.memory_space<vmem>> -> memref<128xi32, #tpu.memory_space<vmem>>
    %dma_start3A_51 = arith.constant 0 : i32
    %dma_start3A_52 = tpu.memref_slice %arg4[%add3A, %dma_start3A_46, %dma_start3A_51] : memref<32x79x128xi32, #tpu.memory_space<hbm>> -> memref<1x1x128xi32, #tpu.memory_space<hbm>>
    %dma_start3A_53 = tpu.memref_squeeze %dma_start3A_52 : memref<1x1x128xi32, #tpu.memory_space<hbm>> -> memref<128xi32, #tpu.memory_space<hbm>>
    %dma_start3A_54 = arith.constant 0 : i32
    %dma_start3A_55 = tpu.memref_slice %arg8[%dma_start3A_47, %dma_start3A_54] : memref<4x128xi32, #tpu.memory_space<vmem>> -> memref<1x128xi32, #tpu.memory_space<vmem>>
    %dma_start3A_56 = tpu.memref_squeeze %dma_start3A_55 : memref<1x128xi32, #tpu.memory_space<vmem>> -> memref<128xi32, #tpu.memory_space<vmem>>
    %dma_start3A_57 = arith.constant 0 : i32
    %dma_start3A_58 = tpu.memref_slice %arg4[%add3A, %dma_start3A_46, %dma_start3A_57] : memref<32x79x128xi32, #tpu.memory_space<hbm>> -> memref<1x1x128xi32, #tpu.memory_space<hbm>>
    %dma_start3A_59 = tpu.memref_squeeze %dma_start3A_58 : memref<1x1x128xi32, #tpu.memory_space<hbm>> -> memref<128xi32, #tpu.memory_space<hbm>>
    tpu.enqueue_dma source(%dma_start3A_59 : memref<128xi32, #tpu.memory_space<hbm>>) target(%dma_start3A_56 : memref<128xi32, #tpu.memory_space<vmem>>) target_semaphore(%arg16 : memref<!tpu.dma_semaphore, #tpu.memory_space<semaphore_mem>>)
    %dma_start3A_60 = arith.constant 0 : i32
    %dma_start3A_61 = arith.constant 0 : i32
    %dma_start3A_62 = tpu.memref_slice %arg7[%dma_start3A_60, %dma_start3A_61] : memref<79x128xi32, #tpu.memory_space<vmem>> -> memref<1x128xi32, #tpu.memory_space<vmem>>
    %dma_start3A_63 = tpu.memref_squeeze %dma_start3A_62 : memref<1x128xi32, #tpu.memory_space<vmem>> -> memref<128xi32, #tpu.memory_space<vmem>>
    %dma_start3A_64 = arith.constant 0 : i32
    %dma_start3A_65 = arith.constant 0 : i32
    %dma_start3A_66 = tpu.memref_slice %arg2[%dma_start3A_64, %dma_start3A_65] : memref<10000x128xf32, #tpu.memory_space<hbm>> -> memref<10000x128xf32, #tpu.memory_space<hbm>>
    tpu.enqueue_indirect_dma source(%dma_start3A_66 : memref<10000x128xf32, #tpu.memory_space<hbm>>) target(%arg9 : memref<128x128xf32, #tpu.memory_space<vmem>>) offsets(%dma_start3A_63 : memref<128xi32, #tpu.memory_space<vmem>>) semaphore(%arg11 : memref<!tpu.dma_semaphore, #tpu.memory_space<semaphore_mem>>)
    %scan3A = arith.constant 0 : i32
    %scan3A_67 = arith.constant 0 : i32
    %scan3A_68 = arith.constant 19 : i32
    %scan3A_69 = arith.addi %scan3A_67, %scan3A_68 : i32
    %scan3A_70 = arith.constant 1 : i32
    scf.for %scan3A_155 = %scan3A_67 to %scan3A_69 step %scan3A_70  : i32 {
      %mul3A_156 = arith.constant 4 : i32
      %mul3A_157 = arith.muli %mul3A_156, %scan3A_155 : i32
      %add3A_158 = arith.constant 0 : i32
      %add3A_159 = arith.addi %mul3A_157, %add3A_158 : i32
      %add3A_160 = arith.constant 1 : i32
      %add3A_161 = arith.addi %add3A_159, %add3A_160 : i32
      %min3A = arith.constant 78 : i32
      %min3A_162 = arith.minsi %add3A_161, %min3A : i32
      %dma_start3A_163 = arith.constant 0 : i32
      %dma_start3A_164 = tpu.memref_slice %arg7[%min3A_162, %dma_start3A_163] : memref<79x128xi32, #tpu.memory_space<vmem>> -> memref<1x128xi32, #tpu.memory_space<vmem>>
      %dma_start3A_165 = tpu.memref_squeeze %dma_start3A_164 : memref<1x128xi32, #tpu.memory_space<vmem>> -> memref<128xi32, #tpu.memory_space<vmem>>
      %dma_start3A_166 = arith.constant 0 : i32
      %dma_start3A_167 = arith.constant 0 : i32
      %dma_start3A_168 = tpu.memref_slice %arg2[%dma_start3A_166, %dma_start3A_167] : memref<10000x128xf32, #tpu.memory_space<hbm>> -> memref<10000x128xf32, #tpu.memory_space<hbm>>
      tpu.enqueue_indirect_dma source(%dma_start3A_168 : memref<10000x128xf32, #tpu.memory_space<hbm>>) target(%arg10 : memref<128x128xf32, #tpu.memory_space<vmem>>) offsets(%dma_start3A_165 : memref<128xi32, #tpu.memory_space<vmem>>) semaphore(%arg12 : memref<!tpu.dma_semaphore, #tpu.memory_space<semaphore_mem>>)
      %dma_wait3A_169 = arith.constant 0 : i32
      %dma_wait3A_170 = arith.constant 0 : i32
      %dma_wait3A_171 = tpu.memref_slice %arg7[%dma_wait3A_169, %dma_wait3A_170] : memref<79x128xi32, #tpu.memory_space<vmem>> -> memref<1x128xi32, #tpu.memory_space<vmem>>
      %dma_wait3A_172 = tpu.memref_squeeze %dma_wait3A_171 : memref<1x128xi32, #tpu.memory_space<vmem>> -> memref<128xi32, #tpu.memory_space<vmem>>
      %dma_wait3A_173 = arith.constant 0 : i32
      %dma_wait3A_174 = arith.constant 0 : i32
      %dma_wait3A_175 = tpu.memref_slice %arg2[%dma_wait3A_173, %dma_wait3A_174] : memref<10000x128xf32, #tpu.memory_space<hbm>> -> memref<10000x128xf32, #tpu.memory_space<hbm>>
      tpu.wait_indirect_dma semaphore(%arg11 : memref<!tpu.dma_semaphore, #tpu.memory_space<semaphore_mem>>) src(%dma_wait3A_175 : memref<10000x128xf32, #tpu.memory_space<hbm>>) dst(%arg9 : memref<128x128xf32, #tpu.memory_space<vmem>>)
      %dma_wait3A_176 = arith.constant 0 : i32
      %dma_wait3A_177 = arith.constant 0 : i32
      %dma_wait3A_178 = arith.constant 0 : i32
      %dma_wait3A_179 = tpu.memref_slice %arg8[%dma_wait3A_177, %dma_wait3A_178] : memref<4x128xi32, #tpu.memory_space<vmem>> -> memref<1x128xi32, #tpu.memory_space<vmem>>
      %dma_wait3A_180 = tpu.memref_squeeze %dma_wait3A_179 : memref<1x128xi32, #tpu.memory_space<vmem>> -> memref<128xi32, #tpu.memory_space<vmem>>
      %dma_wait3A_181 = arith.constant 0 : i32
      %dma_wait3A_182 = tpu.memref_slice %arg4[%add3A, %dma_wait3A_176, %dma_wait3A_181] : memref<32x79x128xi32, #tpu.memory_space<hbm>> -> memref<1x1x128xi32, #tpu.memory_space<hbm>>
      %dma_wait3A_183 = tpu.memref_squeeze %dma_wait3A_182 : memref<1x1x128xi32, #tpu.memory_space<hbm>> -> memref<128xi32, #tpu.memory_space<hbm>>
      %dma_wait3A_184 = arith.constant 0 : i32
      %dma_wait3A_185 = tpu.memref_slice %arg8[%dma_wait3A_177, %dma_wait3A_184] : memref<4x128xi32, #tpu.memory_space<vmem>> -> memref<1x128xi32, #tpu.memory_space<vmem>>
      %dma_wait3A_186 = tpu.memref_squeeze %dma_wait3A_185 : memref<1x128xi32, #tpu.memory_space<vmem>> -> memref<128xi32, #tpu.memory_space<vmem>>
      %dma_wait3A_187 = arith.constant 0 : i32
      %dma_wait3A_188 = tpu.memref_slice %arg4[%add3A, %dma_wait3A_176, %dma_wait3A_187] : memref<32x79x128xi32, #tpu.memory_space<hbm>> -> memref<1x1x128xi32, #tpu.memory_space<hbm>>
      %dma_wait3A_189 = tpu.memref_squeeze %dma_wait3A_188 : memref<1x1x128xi32, #tpu.memory_space<hbm>> -> memref<128xi32, #tpu.memory_space<hbm>>
      tpu.wait_dma2 semaphore(%arg13 : memref<!tpu.dma_semaphore, #tpu.memory_space<semaphore_mem>>) src(%dma_wait3A_189 : memref<128xi32, #tpu.memory_space<hbm>>) dst(%dma_wait3A_186 : memref<128xi32, #tpu.memory_space<vmem>>)
      %run_scoped3A_190 = arith.constant 0 : i32
      "tpu.region"() ({
        %run_scoped3A_318 = tpu.sem_alloc : memref<!tpu.dma_semaphore, #tpu.memory_space<semaphore_mem>>
        %dma_start3A_319 = arith.constant 0 : i32
        %dma_start3A_320 = tpu.memref_slice %arg8[%run_scoped3A_190, %dma_start3A_319] : memref<4x128xi32, #tpu.memory_space<vmem>> -> memref<1x128xi32, #tpu.memory_space<vmem>>
        %dma_start3A_321 = tpu.memref_squeeze %dma_start3A_320 : memref<1x128xi32, #tpu.memory_space<vmem>> -> memref<128xi32, #tpu.memory_space<vmem>>
        %dma_start3A_322 = arith.constant 0 : i32
        %dma_start3A_323 = arith.constant 0 : i32
        %dma_start3A_324 = tpu.memref_slice %arg17[%dma_start3A_322, %dma_start3A_323] : memref<10112x128xf32, #tpu.memory_space<vmem_shared>> -> memref<10112x128xf32, #tpu.memory_space<vmem_shared>>
        tpu.enqueue_indirect_dma source(%arg9 : memref<128x128xf32, #tpu.memory_space<vmem>>) target(%dma_start3A_324 : memref<10112x128xf32, #tpu.memory_space<vmem_shared>>) offsets(%dma_start3A_321 : memref<128xi32, #tpu.memory_space<vmem>>) semaphore(%run_scoped3A_318 : memref<!tpu.dma_semaphore, #tpu.memory_space<semaphore_mem>>) {add = true}
        %dma_wait3A_325 = arith.constant 0 : i32
        %dma_wait3A_326 = tpu.memref_slice %arg8[%run_scoped3A_190, %dma_wait3A_325] : memref<4x128xi32, #tpu.memory_space<vmem>> -> memref<1x128xi32, #tpu.memory_space<vmem>>
        %dma_wait3A_327 = tpu.memref_squeeze %dma_wait3A_326 : memref<1x128xi32, #tpu.memory_space<vmem>> -> memref<128xi32, #tpu.memory_space<vmem>>
        %dma_wait3A_328 = arith.constant 0 : i32
        %dma_wait3A_329 = arith.constant 0 : i32
        %dma_wait3A_330 = tpu.memref_slice %arg17[%dma_wait3A_328, %dma_wait3A_329] : memref<10112x128xf32, #tpu.memory_space<vmem_shared>> -> memref<10112x128xf32, #tpu.memory_space<vmem_shared>>
        tpu.wait_indirect_dma semaphore(%run_scoped3A_318 : memref<!tpu.dma_semaphore, #tpu.memory_space<semaphore_mem>>) src(%arg9 : memref<128x128xf32, #tpu.memory_space<vmem>>) dst(%dma_wait3A_330 : memref<10112x128xf32, #tpu.memory_space<vmem_shared>>)
        tpu.yield
      }) : () -> ()
      %add3A_191 = arith.constant 4 : i32
      %add3A_192 = arith.addi %add3A_159, %add3A_191 : i32
      %lt3A = arith.constant 79 : i32
      %lt3A_193 = arith.cmpi slt, %add3A_192, %lt3A : i32
      %convert_element_type3A = arith.extui %lt3A_193 : i1 to i32
      %cond3A = arith.constant 0 : i32
      %cond3A_194 = arith.cmpi ne, %convert_element_type3A, %cond3A : i32
      scf.if %cond3A_194 {
        %add3A_318 = arith.constant 4 : i32
        %add3A_319 = arith.addi %add3A_159, %add3A_318 : i32
        %dma_start3A_320 = arith.constant 0 : i32
        %dma_start3A_321 = arith.constant 0 : i32
        %dma_start3A_322 = tpu.memref_slice %arg8[%dma_start3A_320, %dma_start3A_321] : memref<4x128xi32, #tpu.memory_space<vmem>> -> memref<1x128xi32, #tpu.memory_space<vmem>>
        %dma_start3A_323 = tpu.memref_squeeze %dma_start3A_322 : memref<1x128xi32, #tpu.memory_space<vmem>> -> memref<128xi32, #tpu.memory_space<vmem>>
        %dma_start3A_324 = arith.constant 0 : i32
        %dma_start3A_325 = tpu.memref_slice %arg4[%add3A, %add3A_319, %dma_start3A_324] : memref<32x79x128xi32, #tpu.memory_space<hbm>> -> memref<1x1x128xi32, #tpu.memory_space<hbm>>
        %dma_start3A_326 = tpu.memref_squeeze %dma_start3A_325 : memref<1x1x128xi32, #tpu.memory_space<hbm>> -> memref<128xi32, #tpu.memory_space<hbm>>
        %dma_start3A_327 = arith.constant 0 : i32
        %dma_start3A_328 = tpu.memref_slice %arg8[%dma_start3A_320, %dma_start3A_327] : memref<4x128xi32, #tpu.memory_space<vmem>> -> memref<1x128xi32, #tpu.memory_space<vmem>>
        %dma_start3A_329 = tpu.memref_squeeze %dma_start3A_328 : memref<1x128xi32, #tpu.memory_space<vmem>> -> memref<128xi32, #tpu.memory_space<vmem>>
        %dma_start3A_330 = arith.constant 0 : i32
        %dma_start3A_331 = tpu.memref_slice %arg4[%add3A, %add3A_319, %dma_start3A_330] : memref<32x79x128xi32, #tpu.memory_space<hbm>> -> memref<1x1x128xi32, #tpu.memory_space<hbm>>
        %dma_start3A_332 = tpu.memref_squeeze %dma_start3A_331 : memref<1x1x128xi32, #tpu.memory_space<hbm>> -> memref<128xi32, #tpu.memory_space<hbm>>
        tpu.enqueue_dma source(%dma_start3A_332 : memref<128xi32, #tpu.memory_space<hbm>>) target(%dma_start3A_329 : memref<128xi32, #tpu.memory_space<vmem>>) target_semaphore(%arg13 : memref<!tpu.dma_semaphore, #tpu.memory_space<semaphore_mem>>)
      } else {
      }
      %add3A_195 = arith.constant 1 : i32
      %add3A_196 = arith.addi %mul3A_157, %add3A_195 : i32
      %add3A_197 = arith.constant 1 : i32
      %add3A_198 = arith.addi %add3A_196, %add3A_197 : i32
      %min3A_199 = arith.constant 78 : i32
      %min3A_200 = arith.minsi %add3A_198, %min3A_199 : i32
      %dma_start3A_201 = arith.constant 0 : i32
      %dma_start3A_202 = tpu.memref_slice %arg7[%min3A_200, %dma_start3A_201] : memref<79x128xi32, #tpu.memory_space<vmem>> -> memref<1x128xi32, #tpu.memory_space<vmem>>
      %dma_start3A_203 = tpu.memref_squeeze %dma_start3A_202 : memref<1x128xi32, #tpu.memory_space<vmem>> -> memref<128xi32, #tpu.memory_space<vmem>>
      %dma_start3A_204 = arith.constant 0 : i32
      %dma_start3A_205 = arith.constant 0 : i32
      %dma_start3A_206 = tpu.memref_slice %arg2[%dma_start3A_204, %dma_start3A_205] : memref<10000x128xf32, #tpu.memory_space<hbm>> -> memref<10000x128xf32, #tpu.memory_space<hbm>>
      tpu.enqueue_indirect_dma source(%dma_start3A_206 : memref<10000x128xf32, #tpu.memory_space<hbm>>) target(%arg9 : memref<128x128xf32, #tpu.memory_space<vmem>>) offsets(%dma_start3A_203 : memref<128xi32, #tpu.memory_space<vmem>>) semaphore(%arg11 : memref<!tpu.dma_semaphore, #tpu.memory_space<semaphore_mem>>)
      %dma_wait3A_207 = arith.constant 0 : i32
      %dma_wait3A_208 = arith.constant 0 : i32
      %dma_wait3A_209 = tpu.memref_slice %arg7[%dma_wait3A_207, %dma_wait3A_208] : memref<79x128xi32, #tpu.memory_space<vmem>> -> memref<1x128xi32, #tpu.memory_space<vmem>>
      %dma_wait3A_210 = tpu.memref_squeeze %dma_wait3A_209 : memref<1x128xi32, #tpu.memory_space<vmem>> -> memref<128xi32, #tpu.memory_space<vmem>>
      %dma_wait3A_211 = arith.constant 0 : i32
      %dma_wait3A_212 = arith.constant 0 : i32
      %dma_wait3A_213 = tpu.memref_slice %arg2[%dma_wait3A_211, %dma_wait3A_212] : memref<10000x128xf32, #tpu.memory_space<hbm>> -> memref<10000x128xf32, #tpu.memory_space<hbm>>
      tpu.wait_indirect_dma semaphore(%arg12 : memref<!tpu.dma_semaphore, #tpu.memory_space<semaphore_mem>>) src(%dma_wait3A_213 : memref<10000x128xf32, #tpu.memory_space<hbm>>) dst(%arg10 : memref<128x128xf32, #tpu.memory_space<vmem>>)
      %dma_wait3A_214 = arith.constant 0 : i32
      %dma_wait3A_215 = arith.constant 1 : i32
      %dma_wait3A_216 = arith.constant 0 : i32
      %dma_wait3A_217 = tpu.memref_slice %arg8[%dma_wait3A_215, %dma_wait3A_216] : memref<4x128xi32, #tpu.memory_space<vmem>> -> memref<1x128xi32, #tpu.memory_space<vmem>>
      %dma_wait3A_218 = tpu.memref_squeeze %dma_wait3A_217 : memref<1x128xi32, #tpu.memory_space<vmem>> -> memref<128xi32, #tpu.memory_space<vmem>>
      %dma_wait3A_219 = arith.constant 0 : i32
      %dma_wait3A_220 = tpu.memref_slice %arg4[%add3A, %dma_wait3A_214, %dma_wait3A_219] : memref<32x79x128xi32, #tpu.memory_space<hbm>> -> memref<1x1x128xi32, #tpu.memory_space<hbm>>
      %dma_wait3A_221 = tpu.memref_squeeze %dma_wait3A_220 : memref<1x1x128xi32, #tpu.memory_space<hbm>> -> memref<128xi32, #tpu.memory_space<hbm>>
      %dma_wait3A_222 = arith.constant 0 : i32
      %dma_wait3A_223 = tpu.memref_slice %arg8[%dma_wait3A_215, %dma_wait3A_222] : memref<4x128xi32, #tpu.memory_space<vmem>> -> memref<1x128xi32, #tpu.memory_space<vmem>>
      %dma_wait3A_224 = tpu.memref_squeeze %dma_wait3A_223 : memref<1x128xi32, #tpu.memory_space<vmem>> -> memref<128xi32, #tpu.memory_space<vmem>>
      %dma_wait3A_225 = arith.constant 0 : i32
      %dma_wait3A_226 = tpu.memref_slice %arg4[%add3A, %dma_wait3A_214, %dma_wait3A_225] : memref<32x79x128xi32, #tpu.memory_space<hbm>> -> memref<1x1x128xi32, #tpu.memory_space<hbm>>
      %dma_wait3A_227 = tpu.memref_squeeze %dma_wait3A_226 : memref<1x1x128xi32, #tpu.memory_space<hbm>> -> memref<128xi32, #tpu.memory_space<hbm>>
      tpu.wait_dma2 semaphore(%arg14 : memref<!tpu.dma_semaphore, #tpu.memory_space<semaphore_mem>>) src(%dma_wait3A_227 : memref<128xi32, #tpu.memory_space<hbm>>) dst(%dma_wait3A_224 : memref<128xi32, #tpu.memory_space<vmem>>)
      %run_scoped3A_228 = arith.constant 1 : i32
      "tpu.region"() ({
        %run_scoped3A_318 = tpu.sem_alloc : memref<!tpu.dma_semaphore, #tpu.memory_space<semaphore_mem>>
        %dma_start3A_319 = arith.constant 0 : i32
        %dma_start3A_320 = tpu.memref_slice %arg8[%run_scoped3A_228, %dma_start3A_319] : memref<4x128xi32, #tpu.memory_space<vmem>> -> memref<1x128xi32, #tpu.memory_space<vmem>>
        %dma_start3A_321 = tpu.memref_squeeze %dma_start3A_320 : memref<1x128xi32, #tpu.memory_space<vmem>> -> memref<128xi32, #tpu.memory_space<vmem>>
        %dma_start3A_322 = arith.constant 0 : i32
        %dma_start3A_323 = arith.constant 0 : i32
        %dma_start3A_324 = tpu.memref_slice %arg17[%dma_start3A_322, %dma_start3A_323] : memref<10112x128xf32, #tpu.memory_space<vmem_shared>> -> memref<10112x128xf32, #tpu.memory_space<vmem_shared>>
        tpu.enqueue_indirect_dma source(%arg10 : memref<128x128xf32, #tpu.memory_space<vmem>>) target(%dma_start3A_324 : memref<10112x128xf32, #tpu.memory_space<vmem_shared>>) offsets(%dma_start3A_321 : memref<128xi32, #tpu.memory_space<vmem>>) semaphore(%run_scoped3A_318 : memref<!tpu.dma_semaphore, #tpu.memory_space<semaphore_mem>>) {add = true}
        %dma_wait3A_325 = arith.constant 0 : i32
        %dma_wait3A_326 = tpu.memref_slice %arg8[%run_scoped3A_228, %dma_wait3A_325] : memref<4x128xi32, #tpu.memory_space<vmem>> -> memref<1x128xi32, #tpu.memory_space<vmem>>
        %dma_wait3A_327 = tpu.memref_squeeze %dma_wait3A_326 : memref<1x128xi32, #tpu.memory_space<vmem>> -> memref<128xi32, #tpu.memory_space<vmem>>
        %dma_wait3A_328 = arith.constant 0 : i32
        %dma_wait3A_329 = arith.constant 0 : i32
        %dma_wait3A_330 = tpu.memref_slice %arg17[%dma_wait3A_328, %dma_wait3A_329] : memref<10112x128xf32, #tpu.memory_space<vmem_shared>> -> memref<10112x128xf32, #tpu.memory_space<vmem_shared>>
        tpu.wait_indirect_dma semaphore(%run_scoped3A_318 : memref<!tpu.dma_semaphore, #tpu.memory_space<semaphore_mem>>) src(%arg10 : memref<128x128xf32, #tpu.memory_space<vmem>>) dst(%dma_wait3A_330 : memref<10112x128xf32, #tpu.memory_space<vmem_shared>>)
        tpu.yield
      }) : () -> ()
      %add3A_229 = arith.constant 4 : i32
      %add3A_230 = arith.addi %add3A_196, %add3A_229 : i32
      %lt3A_231 = arith.constant 79 : i32
      %lt3A_232 = arith.cmpi slt, %add3A_230, %lt3A_231 : i32
      %convert_element_type3A_233 = arith.extui %lt3A_232 : i1 to i32
      %cond3A_234 = arith.constant 0 : i32
      %cond3A_235 = arith.cmpi ne, %convert_element_type3A_233, %cond3A_234 : i32
      scf.if %cond3A_235 {
        %add3A_318 = arith.constant 4 : i32
        %add3A_319 = arith.addi %add3A_196, %add3A_318 : i32
        %dma_start3A_320 = arith.constant 1 : i32
        %dma_start3A_321 = arith.constant 0 : i32
        %dma_start3A_322 = tpu.memref_slice %arg8[%dma_start3A_320, %dma_start3A_321] : memref<4x128xi32, #tpu.memory_space<vmem>> -> memref<1x128xi32, #tpu.memory_space<vmem>>
        %dma_start3A_323 = tpu.memref_squeeze %dma_start3A_322 : memref<1x128xi32, #tpu.memory_space<vmem>> -> memref<128xi32, #tpu.memory_space<vmem>>
        %dma_start3A_324 = arith.constant 0 : i32
        %dma_start3A_325 = tpu.memref_slice %arg4[%add3A, %add3A_319, %dma_start3A_324] : memref<32x79x128xi32, #tpu.memory_space<hbm>> -> memref<1x1x128xi32, #tpu.memory_space<hbm>>
        %dma_start3A_326 = tpu.memref_squeeze %dma_start3A_325 : memref<1x1x128xi32, #tpu.memory_space<hbm>> -> memref<128xi32, #tpu.memory_space<hbm>>
        %dma_start3A_327 = arith.constant 0 : i32
        %dma_start3A_328 = tpu.memref_slice %arg8[%dma_start3A_320, %dma_start3A_327] : memref<4x128xi32, #tpu.memory_space<vmem>> -> memref<1x128xi32, #tpu.memory_space<vmem>>
        %dma_start3A_329 = tpu.memref_squeeze %dma_start3A_328 : memref<1x128xi32, #tpu.memory_space<vmem>> -> memref<128xi32, #tpu.memory_space<vmem>>
        %dma_start3A_330 = arith.constant 0 : i32
        %dma_start3A_331 = tpu.memref_slice %arg4[%add3A, %add3A_319, %dma_start3A_330] : memref<32x79x128xi32, #tpu.memory_space<hbm>> -> memref<1x1x128xi32, #tpu.memory_space<hbm>>
        %dma_start3A_332 = tpu.memref_squeeze %dma_start3A_331 : memref<1x1x128xi32, #tpu.memory_space<hbm>> -> memref<128xi32, #tpu.memory_space<hbm>>
        tpu.enqueue_dma source(%dma_start3A_332 : memref<128xi32, #tpu.memory_space<hbm>>) target(%dma_start3A_329 : memref<128xi32, #tpu.memory_space<vmem>>) target_semaphore(%arg14 : memref<!tpu.dma_semaphore, #tpu.memory_space<semaphore_mem>>)
      } else {
      }
      %add3A_236 = arith.constant 2 : i32
      %add3A_237 = arith.addi %mul3A_157, %add3A_236 : i32
      %add3A_238 = arith.constant 1 : i32
      %add3A_239 = arith.addi %add3A_237, %add3A_238 : i32
      %min3A_240 = arith.constant 78 : i32
      %min3A_241 = arith.minsi %add3A_239, %min3A_240 : i32
      %dma_start3A_242 = arith.constant 0 : i32
      %dma_start3A_243 = tpu.memref_slice %arg7[%min3A_241, %dma_start3A_242] : memref<79x128xi32, #tpu.memory_space<vmem>> -> memref<1x128xi32, #tpu.memory_space<vmem>>
      %dma_start3A_244 = tpu.memref_squeeze %dma_start3A_243 : memref<1x128xi32, #tpu.memory_space<vmem>> -> memref<128xi32, #tpu.memory_space<vmem>>
      %dma_start3A_245 = arith.constant 0 : i32
      %dma_start3A_246 = arith.constant 0 : i32
      %dma_start3A_247 = tpu.memref_slice %arg2[%dma_start3A_245, %dma_start3A_246] : memref<10000x128xf32, #tpu.memory_space<hbm>> -> memref<10000x128xf32, #tpu.memory_space<hbm>>
      tpu.enqueue_indirect_dma source(%dma_start3A_247 : memref<10000x128xf32, #tpu.memory_space<hbm>>) target(%arg10 : memref<128x128xf32, #tpu.memory_space<vmem>>) offsets(%dma_start3A_244 : memref<128xi32, #tpu.memory_space<vmem>>) semaphore(%arg12 : memref<!tpu.dma_semaphore, #tpu.memory_space<semaphore_mem>>)
      %dma_wait3A_248 = arith.constant 0 : i32
      %dma_wait3A_249 = arith.constant 0 : i32
      %dma_wait3A_250 = tpu.memref_slice %arg7[%dma_wait3A_248, %dma_wait3A_249] : memref<79x128xi32, #tpu.memory_space<vmem>> -> memref<1x128xi32, #tpu.memory_space<vmem>>
      %dma_wait3A_251 = tpu.memref_squeeze %dma_wait3A_250 : memref<1x128xi32, #tpu.memory_space<vmem>> -> memref<128xi32, #tpu.memory_space<vmem>>
      %dma_wait3A_252 = arith.constant 0 : i32
      %dma_wait3A_253 = arith.constant 0 : i32
      %dma_wait3A_254 = tpu.memref_slice %arg2[%dma_wait3A_252, %dma_wait3A_253] : memref<10000x128xf32, #tpu.memory_space<hbm>> -> memref<10000x128xf32, #tpu.memory_space<hbm>>
      tpu.wait_indirect_dma semaphore(%arg11 : memref<!tpu.dma_semaphore, #tpu.memory_space<semaphore_mem>>) src(%dma_wait3A_254 : memref<10000x128xf32, #tpu.memory_space<hbm>>) dst(%arg9 : memref<128x128xf32, #tpu.memory_space<vmem>>)
      %dma_wait3A_255 = arith.constant 0 : i32
      %dma_wait3A_256 = arith.constant 2 : i32
      %dma_wait3A_257 = arith.constant 0 : i32
      %dma_wait3A_258 = tpu.memref_slice %arg8[%dma_wait3A_256, %dma_wait3A_257] : memref<4x128xi32, #tpu.memory_space<vmem>> -> memref<1x128xi32, #tpu.memory_space<vmem>>
      %dma_wait3A_259 = tpu.memref_squeeze %dma_wait3A_258 : memref<1x128xi32, #tpu.memory_space<vmem>> -> memref<128xi32, #tpu.memory_space<vmem>>
      %dma_wait3A_260 = arith.constant 0 : i32
      %dma_wait3A_261 = tpu.memref_slice %arg4[%add3A, %dma_wait3A_255, %dma_wait3A_260] : memref<32x79x128xi32, #tpu.memory_space<hbm>> -> memref<1x1x128xi32, #tpu.memory_space<hbm>>
      %dma_wait3A_262 = tpu.memref_squeeze %dma_wait3A_261 : memref<1x1x128xi32, #tpu.memory_space<hbm>> -> memref<128xi32, #tpu.memory_space<hbm>>
      %dma_wait3A_263 = arith.constant 0 : i32
      %dma_wait3A_264 = tpu.memref_slice %arg8[%dma_wait3A_256, %dma_wait3A_263] : memref<4x128xi32, #tpu.memory_space<vmem>> -> memref<1x128xi32, #tpu.memory_space<vmem>>
      %dma_wait3A_265 = tpu.memref_squeeze %dma_wait3A_264 : memref<1x128xi32, #tpu.memory_space<vmem>> -> memref<128xi32, #tpu.memory_space<vmem>>
      %dma_wait3A_266 = arith.constant 0 : i32
      %dma_wait3A_267 = tpu.memref_slice %arg4[%add3A, %dma_wait3A_255, %dma_wait3A_266] : memref<32x79x128xi32, #tpu.memory_space<hbm>> -> memref<1x1x128xi32, #tpu.memory_space<hbm>>
      %dma_wait3A_268 = tpu.memref_squeeze %dma_wait3A_267 : memref<1x1x128xi32, #tpu.memory_space<hbm>> -> memref<128xi32, #tpu.memory_space<hbm>>
      tpu.wait_dma2 semaphore(%arg15 : memref<!tpu.dma_semaphore, #tpu.memory_space<semaphore_mem>>) src(%dma_wait3A_268 : memref<128xi32, #tpu.memory_space<hbm>>) dst(%dma_wait3A_265 : memref<128xi32, #tpu.memory_space<vmem>>)
      %run_scoped3A_269 = arith.constant 2 : i32
      "tpu.region"() ({
        %run_scoped3A_318 = tpu.sem_alloc : memref<!tpu.dma_semaphore, #tpu.memory_space<semaphore_mem>>
        %dma_start3A_319 = arith.constant 0 : i32
        %dma_start3A_320 = tpu.memref_slice %arg8[%run_scoped3A_269, %dma_start3A_319] : memref<4x128xi32, #tpu.memory_space<vmem>> -> memref<1x128xi32, #tpu.memory_space<vmem>>
        %dma_start3A_321 = tpu.memref_squeeze %dma_start3A_320 : memref<1x128xi32, #tpu.memory_space<vmem>> -> memref<128xi32, #tpu.memory_space<vmem>>
        %dma_start3A_322 = arith.constant 0 : i32
        %dma_start3A_323 = arith.constant 0 : i32
        %dma_start3A_324 = tpu.memref_slice %arg17[%dma_start3A_322, %dma_start3A_323] : memref<10112x128xf32, #tpu.memory_space<vmem_shared>> -> memref<10112x128xf32, #tpu.memory_space<vmem_shared>>
        tpu.enqueue_indirect_dma source(%arg9 : memref<128x128xf32, #tpu.memory_space<vmem>>) target(%dma_start3A_324 : memref<10112x128xf32, #tpu.memory_space<vmem_shared>>) offsets(%dma_start3A_321 : memref<128xi32, #tpu.memory_space<vmem>>) semaphore(%run_scoped3A_318 : memref<!tpu.dma_semaphore, #tpu.memory_space<semaphore_mem>>) {add = true}
        %dma_wait3A_325 = arith.constant 0 : i32
        %dma_wait3A_326 = tpu.memref_slice %arg8[%run_scoped3A_269, %dma_wait3A_325] : memref<4x128xi32, #tpu.memory_space<vmem>> -> memref<1x128xi32, #tpu.memory_space<vmem>>
        %dma_wait3A_327 = tpu.memref_squeeze %dma_wait3A_326 : memref<1x128xi32, #tpu.memory_space<vmem>> -> memref<128xi32, #tpu.memory_space<vmem>>
        %dma_wait3A_328 = arith.constant 0 : i32
        %dma_wait3A_329 = arith.constant 0 : i32
        %dma_wait3A_330 = tpu.memref_slice %arg17[%dma_wait3A_328, %dma_wait3A_329] : memref<10112x128xf32, #tpu.memory_space<vmem_shared>> -> memref<10112x128xf32, #tpu.memory_space<vmem_shared>>
        tpu.wait_indirect_dma semaphore(%run_scoped3A_318 : memref<!tpu.dma_semaphore, #tpu.memory_space<semaphore_mem>>) src(%arg9 : memref<128x128xf32, #tpu.memory_space<vmem>>) dst(%dma_wait3A_330 : memref<10112x128xf32, #tpu.memory_space<vmem_shared>>)
        tpu.yield
      }) : () -> ()
      %add3A_270 = arith.constant 4 : i32
      %add3A_271 = arith.addi %add3A_237, %add3A_270 : i32
      %lt3A_272 = arith.constant 79 : i32
      %lt3A_273 = arith.cmpi slt, %add3A_271, %lt3A_272 : i32
      %convert_element_type3A_274 = arith.extui %lt3A_273 : i1 to i32
      %cond3A_275 = arith.constant 0 : i32
      %cond3A_276 = arith.cmpi ne, %convert_element_type3A_274, %cond3A_275 : i32
      scf.if %cond3A_276 {
        %add3A_318 = arith.constant 4 : i32
        %add3A_319 = arith.addi %add3A_237, %add3A_318 : i32
        %dma_start3A_320 = arith.constant 2 : i32
        %dma_start3A_321 = arith.constant 0 : i32
        %dma_start3A_322 = tpu.memref_slice %arg8[%dma_start3A_320, %dma_start3A_321] : memref<4x128xi32, #tpu.memory_space<vmem>> -> memref<1x128xi32, #tpu.memory_space<vmem>>
        %dma_start3A_323 = tpu.memref_squeeze %dma_start3A_322 : memref<1x128xi32, #tpu.memory_space<vmem>> -> memref<128xi32, #tpu.memory_space<vmem>>
        %dma_start3A_324 = arith.constant 0 : i32
        %dma_start3A_325 = tpu.memref_slice %arg4[%add3A, %add3A_319, %dma_start3A_324] : memref<32x79x128xi32, #tpu.memory_space<hbm>> -> memref<1x1x128xi32, #tpu.memory_space<hbm>>
        %dma_start3A_326 = tpu.memref_squeeze %dma_start3A_325 : memref<1x1x128xi32, #tpu.memory_space<hbm>> -> memref<128xi32, #tpu.memory_space<hbm>>
        %dma_start3A_327 = arith.constant 0 : i32
        %dma_start3A_328 = tpu.memref_slice %arg8[%dma_start3A_320, %dma_start3A_327] : memref<4x128xi32, #tpu.memory_space<vmem>> -> memref<1x128xi32, #tpu.memory_space<vmem>>
        %dma_start3A_329 = tpu.memref_squeeze %dma_start3A_328 : memref<1x128xi32, #tpu.memory_space<vmem>> -> memref<128xi32, #tpu.memory_space<vmem>>
        %dma_start3A_330 = arith.constant 0 : i32
        %dma_start3A_331 = tpu.memref_slice %arg4[%add3A, %add3A_319, %dma_start3A_330] : memref<32x79x128xi32, #tpu.memory_space<hbm>> -> memref<1x1x128xi32, #tpu.memory_space<hbm>>
        %dma_start3A_332 = tpu.memref_squeeze %dma_start3A_331 : memref<1x1x128xi32, #tpu.memory_space<hbm>> -> memref<128xi32, #tpu.memory_space<hbm>>
        tpu.enqueue_dma source(%dma_start3A_332 : memref<128xi32, #tpu.memory_space<hbm>>) target(%dma_start3A_329 : memref<128xi32, #tpu.memory_space<vmem>>) target_semaphore(%arg15 : memref<!tpu.dma_semaphore, #tpu.memory_space<semaphore_mem>>)
      } else {
      }
      %add3A_277 = arith.constant 3 : i32
      %add3A_278 = arith.addi %mul3A_157, %add3A_277 : i32
      %add3A_279 = arith.constant 1 : i32
      %add3A_280 = arith.addi %add3A_278, %add3A_279 : i32
      %min3A_281 = arith.constant 78 : i32
      %min3A_282 = arith.minsi %add3A_280, %min3A_281 : i32
      %dma_start3A_283 = arith.constant 0 : i32
      %dma_start3A_284 = tpu.memref_slice %arg7[%min3A_282, %dma_start3A_283] : memref<79x128xi32, #tpu.memory_space<vmem>> -> memref<1x128xi32, #tpu.memory_space<vmem>>
      %dma_start3A_285 = tpu.memref_squeeze %dma_start3A_284 : memref<1x128xi32, #tpu.memory_space<vmem>> -> memref<128xi32, #tpu.memory_space<vmem>>
      %dma_start3A_286 = arith.constant 0 : i32
      %dma_start3A_287 = arith.constant 0 : i32
      %dma_start3A_288 = tpu.memref_slice %arg2[%dma_start3A_286, %dma_start3A_287] : memref<10000x128xf32, #tpu.memory_space<hbm>> -> memref<10000x128xf32, #tpu.memory_space<hbm>>
      tpu.enqueue_indirect_dma source(%dma_start3A_288 : memref<10000x128xf32, #tpu.memory_space<hbm>>) target(%arg9 : memref<128x128xf32, #tpu.memory_space<vmem>>) offsets(%dma_start3A_285 : memref<128xi32, #tpu.memory_space<vmem>>) semaphore(%arg11 : memref<!tpu.dma_semaphore, #tpu.memory_space<semaphore_mem>>)
      %dma_wait3A_289 = arith.constant 0 : i32
      %dma_wait3A_290 = arith.constant 0 : i32
      %dma_wait3A_291 = tpu.memref_slice %arg7[%dma_wait3A_289, %dma_wait3A_290] : memref<79x128xi32, #tpu.memory_space<vmem>> -> memref<1x128xi32, #tpu.memory_space<vmem>>
      %dma_wait3A_292 = tpu.memref_squeeze %dma_wait3A_291 : memref<1x128xi32, #tpu.memory_space<vmem>> -> memref<128xi32, #tpu.memory_space<vmem>>
      %dma_wait3A_293 = arith.constant 0 : i32
      %dma_wait3A_294 = arith.constant 0 : i32
      %dma_wait3A_295 = tpu.memref_slice %arg2[%dma_wait3A_293, %dma_wait3A_294] : memref<10000x128xf32, #tpu.memory_space<hbm>> -> memref<10000x128xf32, #tpu.memory_space<hbm>>
      tpu.wait_indirect_dma semaphore(%arg12 : memref<!tpu.dma_semaphore, #tpu.memory_space<semaphore_mem>>) src(%dma_wait3A_295 : memref<10000x128xf32, #tpu.memory_space<hbm>>) dst(%arg10 : memref<128x128xf32, #tpu.memory_space<vmem>>)
      %dma_wait3A_296 = arith.constant 0 : i32
      %dma_wait3A_297 = arith.constant 3 : i32
      %dma_wait3A_298 = arith.constant 0 : i32
      %dma_wait3A_299 = tpu.memref_slice %arg8[%dma_wait3A_297, %dma_wait3A_298] : memref<4x128xi32, #tpu.memory_space<vmem>> -> memref<1x128xi32, #tpu.memory_space<vmem>>
      %dma_wait3A_300 = tpu.memref_squeeze %dma_wait3A_299 : memref<1x128xi32, #tpu.memory_space<vmem>> -> memref<128xi32, #tpu.memory_space<vmem>>
      %dma_wait3A_301 = arith.constant 0 : i32
      %dma_wait3A_302 = tpu.memref_slice %arg4[%add3A, %dma_wait3A_296, %dma_wait3A_301] : memref<32x79x128xi32, #tpu.memory_space<hbm>> -> memref<1x1x128xi32, #tpu.memory_space<hbm>>
      %dma_wait3A_303 = tpu.memref_squeeze %dma_wait3A_302 : memref<1x1x128xi32, #tpu.memory_space<hbm>> -> memref<128xi32, #tpu.memory_space<hbm>>
      %dma_wait3A_304 = arith.constant 0 : i32
      %dma_wait3A_305 = tpu.memref_slice %arg8[%dma_wait3A_297, %dma_wait3A_304] : memref<4x128xi32, #tpu.memory_space<vmem>> -> memref<1x128xi32, #tpu.memory_space<vmem>>
      %dma_wait3A_306 = tpu.memref_squeeze %dma_wait3A_305 : memref<1x128xi32, #tpu.memory_space<vmem>> -> memref<128xi32, #tpu.memory_space<vmem>>
      %dma_wait3A_307 = arith.constant 0 : i32
      %dma_wait3A_308 = tpu.memref_slice %arg4[%add3A, %dma_wait3A_296, %dma_wait3A_307] : memref<32x79x128xi32, #tpu.memory_space<hbm>> -> memref<1x1x128xi32, #tpu.memory_space<hbm>>
      %dma_wait3A_309 = tpu.memref_squeeze %dma_wait3A_308 : memref<1x1x128xi32, #tpu.memory_space<hbm>> -> memref<128xi32, #tpu.memory_space<hbm>>
      tpu.wait_dma2 semaphore(%arg16 : memref<!tpu.dma_semaphore, #tpu.memory_space<semaphore_mem>>) src(%dma_wait3A_309 : memref<128xi32, #tpu.memory_space<hbm>>) dst(%dma_wait3A_306 : memref<128xi32, #tpu.memory_space<vmem>>)
      %run_scoped3A_310 = arith.constant 3 : i32
      "tpu.region"() ({
        %run_scoped3A_318 = tpu.sem_alloc : memref<!tpu.dma_semaphore, #tpu.memory_space<semaphore_mem>>
        %dma_start3A_319 = arith.constant 0 : i32
        %dma_start3A_320 = tpu.memref_slice %arg8[%run_scoped3A_310, %dma_start3A_319] : memref<4x128xi32, #tpu.memory_space<vmem>> -> memref<1x128xi32, #tpu.memory_space<vmem>>
        %dma_start3A_321 = tpu.memref_squeeze %dma_start3A_320 : memref<1x128xi32, #tpu.memory_space<vmem>> -> memref<128xi32, #tpu.memory_space<vmem>>
        %dma_start3A_322 = arith.constant 0 : i32
        %dma_start3A_323 = arith.constant 0 : i32
        %dma_start3A_324 = tpu.memref_slice %arg17[%dma_start3A_322, %dma_start3A_323] : memref<10112x128xf32, #tpu.memory_space<vmem_shared>> -> memref<10112x128xf32, #tpu.memory_space<vmem_shared>>
        tpu.enqueue_indirect_dma source(%arg10 : memref<128x128xf32, #tpu.memory_space<vmem>>) target(%dma_start3A_324 : memref<10112x128xf32, #tpu.memory_space<vmem_shared>>) offsets(%dma_start3A_321 : memref<128xi32, #tpu.memory_space<vmem>>) semaphore(%run_scoped3A_318 : memref<!tpu.dma_semaphore, #tpu.memory_space<semaphore_mem>>) {add = true}
        %dma_wait3A_325 = arith.constant 0 : i32
        %dma_wait3A_326 = tpu.memref_slice %arg8[%run_scoped3A_310, %dma_wait3A_325] : memref<4x128xi32, #tpu.memory_space<vmem>> -> memref<1x128xi32, #tpu.memory_space<vmem>>
        %dma_wait3A_327 = tpu.memref_squeeze %dma_wait3A_326 : memref<1x128xi32, #tpu.memory_space<vmem>> -> memref<128xi32, #tpu.memory_space<vmem>>
        %dma_wait3A_328 = arith.constant 0 : i32
        %dma_wait3A_329 = arith.constant 0 : i32
        %dma_wait3A_330 = tpu.memref_slice %arg17[%dma_wait3A_328, %dma_wait3A_329] : memref<10112x128xf32, #tpu.memory_space<vmem_shared>> -> memref<10112x128xf32, #tpu.memory_space<vmem_shared>>
        tpu.wait_indirect_dma semaphore(%run_scoped3A_318 : memref<!tpu.dma_semaphore, #tpu.memory_space<semaphore_mem>>) src(%arg10 : memref<128x128xf32, #tpu.memory_space<vmem>>) dst(%dma_wait3A_330 : memref<10112x128xf32, #tpu.memory_space<vmem_shared>>)
        tpu.yield
      }) : () -> ()
      %add3A_311 = arith.constant 4 : i32
      %add3A_312 = arith.addi %add3A_278, %add3A_311 : i32
      %lt3A_313 = arith.constant 79 : i32
      %lt3A_314 = arith.cmpi slt, %add3A_312, %lt3A_313 : i32
      %convert_element_type3A_315 = arith.extui %lt3A_314 : i1 to i32
      %cond3A_316 = arith.constant 0 : i32
      %cond3A_317 = arith.cmpi ne, %convert_element_type3A_315, %cond3A_316 : i32
      scf.if %cond3A_317 {
        %add3A_318 = arith.constant 4 : i32
        %add3A_319 = arith.addi %add3A_278, %add3A_318 : i32
        %dma_start3A_320 = arith.constant 3 : i32
        %dma_start3A_321 = arith.constant 0 : i32
        %dma_start3A_322 = tpu.memref_slice %arg8[%dma_start3A_320, %dma_start3A_321] : memref<4x128xi32, #tpu.memory_space<vmem>> -> memref<1x128xi32, #tpu.memory_space<vmem>>
        %dma_start3A_323 = tpu.memref_squeeze %dma_start3A_322 : memref<1x128xi32, #tpu.memory_space<vmem>> -> memref<128xi32, #tpu.memory_space<vmem>>
        %dma_start3A_324 = arith.constant 0 : i32
        %dma_start3A_325 = tpu.memref_slice %arg4[%add3A, %add3A_319, %dma_start3A_324] : memref<32x79x128xi32, #tpu.memory_space<hbm>> -> memref<1x1x128xi32, #tpu.memory_space<hbm>>
        %dma_start3A_326 = tpu.memref_squeeze %dma_start3A_325 : memref<1x1x128xi32, #tpu.memory_space<hbm>> -> memref<128xi32, #tpu.memory_space<hbm>>
        %dma_start3A_327 = arith.constant 0 : i32
        %dma_start3A_328 = tpu.memref_slice %arg8[%dma_start3A_320, %dma_start3A_327] : memref<4x128xi32, #tpu.memory_space<vmem>> -> memref<1x128xi32, #tpu.memory_space<vmem>>
        %dma_start3A_329 = tpu.memref_squeeze %dma_start3A_328 : memref<1x128xi32, #tpu.memory_space<vmem>> -> memref<128xi32, #tpu.memory_space<vmem>>
        %dma_start3A_330 = arith.constant 0 : i32
        %dma_start3A_331 = tpu.memref_slice %arg4[%add3A, %add3A_319, %dma_start3A_330] : memref<32x79x128xi32, #tpu.memory_space<hbm>> -> memref<1x1x128xi32, #tpu.memory_space<hbm>>
        %dma_start3A_332 = tpu.memref_squeeze %dma_start3A_331 : memref<1x1x128xi32, #tpu.memory_space<hbm>> -> memref<128xi32, #tpu.memory_space<hbm>>
        tpu.enqueue_dma source(%dma_start3A_332 : memref<128xi32, #tpu.memory_space<hbm>>) target(%dma_start3A_329 : memref<128xi32, #tpu.memory_space<vmem>>) target_semaphore(%arg16 : memref<!tpu.dma_semaphore, #tpu.memory_space<semaphore_mem>>)
      } else {
      }
    }
    %scan3A_71 = arith.constant 19 : i32
    %dma_start3A_72 = arith.constant 77 : i32
    %dma_start3A_73 = arith.constant 0 : i32
    %dma_start3A_74 = tpu.memref_slice %arg7[%dma_start3A_72, %dma_start3A_73] : memref<79x128xi32, #tpu.memory_space<vmem>> -> memref<1x128xi32, #tpu.memory_space<vmem>>
    %dma_start3A_75 = tpu.memref_squeeze %dma_start3A_74 : memref<1x128xi32, #tpu.memory_space<vmem>> -> memref<128xi32, #tpu.memory_space<vmem>>
    %dma_start3A_76 = arith.constant 0 : i32
    %dma_start3A_77 = arith.constant 0 : i32
    %dma_start3A_78 = tpu.memref_slice %arg2[%dma_start3A_76, %dma_start3A_77] : memref<10000x128xf32, #tpu.memory_space<hbm>> -> memref<10000x128xf32, #tpu.memory_space<hbm>>
    tpu.enqueue_indirect_dma source(%dma_start3A_78 : memref<10000x128xf32, #tpu.memory_space<hbm>>) target(%arg10 : memref<128x128xf32, #tpu.memory_space<vmem>>) offsets(%dma_start3A_75 : memref<128xi32, #tpu.memory_space<vmem>>) semaphore(%arg12 : memref<!tpu.dma_semaphore, #tpu.memory_space<semaphore_mem>>)
    %dma_wait3A = arith.constant 0 : i32
    %dma_wait3A_79 = arith.constant 0 : i32
    %dma_wait3A_80 = tpu.memref_slice %arg7[%dma_wait3A, %dma_wait3A_79] : memref<79x128xi32, #tpu.memory_space<vmem>> -> memref<1x128xi32, #tpu.memory_space<vmem>>
    %dma_wait3A_81 = tpu.memref_squeeze %dma_wait3A_80 : memref<1x128xi32, #tpu.memory_space<vmem>> -> memref<128xi32, #tpu.memory_space<vmem>>
    %dma_wait3A_82 = arith.constant 0 : i32
    %dma_wait3A_83 = arith.constant 0 : i32
    %dma_wait3A_84 = tpu.memref_slice %arg2[%dma_wait3A_82, %dma_wait3A_83] : memref<10000x128xf32, #tpu.memory_space<hbm>> -> memref<10000x128xf32, #tpu.memory_space<hbm>>
    tpu.wait_indirect_dma semaphore(%arg11 : memref<!tpu.dma_semaphore, #tpu.memory_space<semaphore_mem>>) src(%dma_wait3A_84 : memref<10000x128xf32, #tpu.memory_space<hbm>>) dst(%arg9 : memref<128x128xf32, #tpu.memory_space<vmem>>)
    %dma_wait3A_85 = arith.constant 0 : i32
    %dma_wait3A_86 = arith.constant 0 : i32
    %dma_wait3A_87 = arith.constant 0 : i32
    %dma_wait3A_88 = tpu.memref_slice %arg8[%dma_wait3A_86, %dma_wait3A_87] : memref<4x128xi32, #tpu.memory_space<vmem>> -> memref<1x128xi32, #tpu.memory_space<vmem>>
    %dma_wait3A_89 = tpu.memref_squeeze %dma_wait3A_88 : memref<1x128xi32, #tpu.memory_space<vmem>> -> memref<128xi32, #tpu.memory_space<vmem>>
    %dma_wait3A_90 = arith.constant 0 : i32
    %dma_wait3A_91 = tpu.memref_slice %arg4[%add3A, %dma_wait3A_85, %dma_wait3A_90] : memref<32x79x128xi32, #tpu.memory_space<hbm>> -> memref<1x1x128xi32, #tpu.memory_space<hbm>>
    %dma_wait3A_92 = tpu.memref_squeeze %dma_wait3A_91 : memref<1x1x128xi32, #tpu.memory_space<hbm>> -> memref<128xi32, #tpu.memory_space<hbm>>
    %dma_wait3A_93 = arith.constant 0 : i32
    %dma_wait3A_94 = tpu.memref_slice %arg8[%dma_wait3A_86, %dma_wait3A_93] : memref<4x128xi32, #tpu.memory_space<vmem>> -> memref<1x128xi32, #tpu.memory_space<vmem>>
    %dma_wait3A_95 = tpu.memref_squeeze %dma_wait3A_94 : memref<1x128xi32, #tpu.memory_space<vmem>> -> memref<128xi32, #tpu.memory_space<vmem>>
    %dma_wait3A_96 = arith.constant 0 : i32
    %dma_wait3A_97 = tpu.memref_slice %arg4[%add3A, %dma_wait3A_85, %dma_wait3A_96] : memref<32x79x128xi32, #tpu.memory_space<hbm>> -> memref<1x1x128xi32, #tpu.memory_space<hbm>>
    %dma_wait3A_98 = tpu.memref_squeeze %dma_wait3A_97 : memref<1x1x128xi32, #tpu.memory_space<hbm>> -> memref<128xi32, #tpu.memory_space<hbm>>
    tpu.wait_dma2 semaphore(%arg13 : memref<!tpu.dma_semaphore, #tpu.memory_space<semaphore_mem>>) src(%dma_wait3A_98 : memref<128xi32, #tpu.memory_space<hbm>>) dst(%dma_wait3A_95 : memref<128xi32, #tpu.memory_space<vmem>>)
    %run_scoped3A = arith.constant 0 : i32
    "tpu.region"() ({
      %run_scoped3A_155 = tpu.sem_alloc : memref<!tpu.dma_semaphore, #tpu.memory_space<semaphore_mem>>
      %dma_start3A_156 = arith.constant 0 : i32
      %dma_start3A_157 = tpu.memref_slice %arg8[%run_scoped3A, %dma_start3A_156] : memref<4x128xi32, #tpu.memory_space<vmem>> -> memref<1x128xi32, #tpu.memory_space<vmem>>
      %dma_start3A_158 = tpu.memref_squeeze %dma_start3A_157 : memref<1x128xi32, #tpu.memory_space<vmem>> -> memref<128xi32, #tpu.memory_space<vmem>>
      %dma_start3A_159 = arith.constant 0 : i32
      %dma_start3A_160 = arith.constant 0 : i32
      %dma_start3A_161 = tpu.memref_slice %arg17[%dma_start3A_159, %dma_start3A_160] : memref<10112x128xf32, #tpu.memory_space<vmem_shared>> -> memref<10112x128xf32, #tpu.memory_space<vmem_shared>>
      tpu.enqueue_indirect_dma source(%arg9 : memref<128x128xf32, #tpu.memory_space<vmem>>) target(%dma_start3A_161 : memref<10112x128xf32, #tpu.memory_space<vmem_shared>>) offsets(%dma_start3A_158 : memref<128xi32, #tpu.memory_space<vmem>>) semaphore(%run_scoped3A_155 : memref<!tpu.dma_semaphore, #tpu.memory_space<semaphore_mem>>) {add = true}
      %dma_wait3A_162 = arith.constant 0 : i32
      %dma_wait3A_163 = tpu.memref_slice %arg8[%run_scoped3A, %dma_wait3A_162] : memref<4x128xi32, #tpu.memory_space<vmem>> -> memref<1x128xi32, #tpu.memory_space<vmem>>
      %dma_wait3A_164 = tpu.memref_squeeze %dma_wait3A_163 : memref<1x128xi32, #tpu.memory_space<vmem>> -> memref<128xi32, #tpu.memory_space<vmem>>
      %dma_wait3A_165 = arith.constant 0 : i32
      %dma_wait3A_166 = arith.constant 0 : i32
      %dma_wait3A_167 = tpu.memref_slice %arg17[%dma_wait3A_165, %dma_wait3A_166] : memref<10112x128xf32, #tpu.memory_space<vmem_shared>> -> memref<10112x128xf32, #tpu.memory_space<vmem_shared>>
      tpu.wait_indirect_dma semaphore(%run_scoped3A_155 : memref<!tpu.dma_semaphore, #tpu.memory_space<semaphore_mem>>) src(%arg9 : memref<128x128xf32, #tpu.memory_space<vmem>>) dst(%dma_wait3A_167 : memref<10112x128xf32, #tpu.memory_space<vmem_shared>>)
      tpu.yield
    }) : () -> ()
    %dma_start3A_99 = arith.constant 78 : i32
    %dma_start3A_100 = arith.constant 0 : i32
    %dma_start3A_101 = tpu.memref_slice %arg7[%dma_start3A_99, %dma_start3A_100] : memref<79x128xi32, #tpu.memory_space<vmem>> -> memref<1x128xi32, #tpu.memory_space<vmem>>
    %dma_start3A_102 = tpu.memref_squeeze %dma_start3A_101 : memref<1x128xi32, #tpu.memory_space<vmem>> -> memref<128xi32, #tpu.memory_space<vmem>>
    %dma_start3A_103 = arith.constant 0 : i32
    %dma_start3A_104 = arith.constant 0 : i32
    %dma_start3A_105 = tpu.memref_slice %arg2[%dma_start3A_103, %dma_start3A_104] : memref<10000x128xf32, #tpu.memory_space<hbm>> -> memref<10000x128xf32, #tpu.memory_space<hbm>>
    tpu.enqueue_indirect_dma source(%dma_start3A_105 : memref<10000x128xf32, #tpu.memory_space<hbm>>) target(%arg9 : memref<128x128xf32, #tpu.memory_space<vmem>>) offsets(%dma_start3A_102 : memref<128xi32, #tpu.memory_space<vmem>>) semaphore(%arg11 : memref<!tpu.dma_semaphore, #tpu.memory_space<semaphore_mem>>)
    %dma_wait3A_106 = arith.constant 0 : i32
    %dma_wait3A_107 = arith.constant 0 : i32
    %dma_wait3A_108 = tpu.memref_slice %arg7[%dma_wait3A_106, %dma_wait3A_107] : memref<79x128xi32, #tpu.memory_space<vmem>> -> memref<1x128xi32, #tpu.memory_space<vmem>>
    %dma_wait3A_109 = tpu.memref_squeeze %dma_wait3A_108 : memref<1x128xi32, #tpu.memory_space<vmem>> -> memref<128xi32, #tpu.memory_space<vmem>>
    %dma_wait3A_110 = arith.constant 0 : i32
    %dma_wait3A_111 = arith.constant 0 : i32
    %dma_wait3A_112 = tpu.memref_slice %arg2[%dma_wait3A_110, %dma_wait3A_111] : memref<10000x128xf32, #tpu.memory_space<hbm>> -> memref<10000x128xf32, #tpu.memory_space<hbm>>
    tpu.wait_indirect_dma semaphore(%arg12 : memref<!tpu.dma_semaphore, #tpu.memory_space<semaphore_mem>>) src(%dma_wait3A_112 : memref<10000x128xf32, #tpu.memory_space<hbm>>) dst(%arg10 : memref<128x128xf32, #tpu.memory_space<vmem>>)
    %dma_wait3A_113 = arith.constant 0 : i32
    %dma_wait3A_114 = arith.constant 1 : i32
    %dma_wait3A_115 = arith.constant 0 : i32
    %dma_wait3A_116 = tpu.memref_slice %arg8[%dma_wait3A_114, %dma_wait3A_115] : memref<4x128xi32, #tpu.memory_space<vmem>> -> memref<1x128xi32, #tpu.memory_space<vmem>>
    %dma_wait3A_117 = tpu.memref_squeeze %dma_wait3A_116 : memref<1x128xi32, #tpu.memory_space<vmem>> -> memref<128xi32, #tpu.memory_space<vmem>>
    %dma_wait3A_118 = arith.constant 0 : i32
    %dma_wait3A_119 = tpu.memref_slice %arg4[%add3A, %dma_wait3A_113, %dma_wait3A_118] : memref<32x79x128xi32, #tpu.memory_space<hbm>> -> memref<1x1x128xi32, #tpu.memory_space<hbm>>
    %dma_wait3A_120 = tpu.memref_squeeze %dma_wait3A_119 : memref<1x1x128xi32, #tpu.memory_space<hbm>> -> memref<128xi32, #tpu.memory_space<hbm>>
    %dma_wait3A_121 = arith.constant 0 : i32
    %dma_wait3A_122 = tpu.memref_slice %arg8[%dma_wait3A_114, %dma_wait3A_121] : memref<4x128xi32, #tpu.memory_space<vmem>> -> memref<1x128xi32, #tpu.memory_space<vmem>>
    %dma_wait3A_123 = tpu.memref_squeeze %dma_wait3A_122 : memref<1x128xi32, #tpu.memory_space<vmem>> -> memref<128xi32, #tpu.memory_space<vmem>>
    %dma_wait3A_124 = arith.constant 0 : i32
    %dma_wait3A_125 = tpu.memref_slice %arg4[%add3A, %dma_wait3A_113, %dma_wait3A_124] : memref<32x79x128xi32, #tpu.memory_space<hbm>> -> memref<1x1x128xi32, #tpu.memory_space<hbm>>
    %dma_wait3A_126 = tpu.memref_squeeze %dma_wait3A_125 : memref<1x1x128xi32, #tpu.memory_space<hbm>> -> memref<128xi32, #tpu.memory_space<hbm>>
    tpu.wait_dma2 semaphore(%arg14 : memref<!tpu.dma_semaphore, #tpu.memory_space<semaphore_mem>>) src(%dma_wait3A_126 : memref<128xi32, #tpu.memory_space<hbm>>) dst(%dma_wait3A_123 : memref<128xi32, #tpu.memory_space<vmem>>)
    %run_scoped3A_127 = arith.constant 1 : i32
    "tpu.region"() ({
      %run_scoped3A_155 = tpu.sem_alloc : memref<!tpu.dma_semaphore, #tpu.memory_space<semaphore_mem>>
      %dma_start3A_156 = arith.constant 0 : i32
      %dma_start3A_157 = tpu.memref_slice %arg8[%run_scoped3A_127, %dma_start3A_156] : memref<4x128xi32, #tpu.memory_space<vmem>> -> memref<1x128xi32, #tpu.memory_space<vmem>>
      %dma_start3A_158 = tpu.memref_squeeze %dma_start3A_157 : memref<1x128xi32, #tpu.memory_space<vmem>> -> memref<128xi32, #tpu.memory_space<vmem>>
      %dma_start3A_159 = arith.constant 0 : i32
      %dma_start3A_160 = arith.constant 0 : i32
      %dma_start3A_161 = tpu.memref_slice %arg17[%dma_start3A_159, %dma_start3A_160] : memref<10112x128xf32, #tpu.memory_space<vmem_shared>> -> memref<10112x128xf32, #tpu.memory_space<vmem_shared>>
      tpu.enqueue_indirect_dma source(%arg10 : memref<128x128xf32, #tpu.memory_space<vmem>>) target(%dma_start3A_161 : memref<10112x128xf32, #tpu.memory_space<vmem_shared>>) offsets(%dma_start3A_158 : memref<128xi32, #tpu.memory_space<vmem>>) semaphore(%run_scoped3A_155 : memref<!tpu.dma_semaphore, #tpu.memory_space<semaphore_mem>>) {add = true}
      %dma_wait3A_162 = arith.constant 0 : i32
      %dma_wait3A_163 = tpu.memref_slice %arg8[%run_scoped3A_127, %dma_wait3A_162] : memref<4x128xi32, #tpu.memory_space<vmem>> -> memref<1x128xi32, #tpu.memory_space<vmem>>
      %dma_wait3A_164 = tpu.memref_squeeze %dma_wait3A_163 : memref<1x128xi32, #tpu.memory_space<vmem>> -> memref<128xi32, #tpu.memory_space<vmem>>
      %dma_wait3A_165 = arith.constant 0 : i32
      %dma_wait3A_166 = arith.constant 0 : i32
      %dma_wait3A_167 = tpu.memref_slice %arg17[%dma_wait3A_165, %dma_wait3A_166] : memref<10112x128xf32, #tpu.memory_space<vmem_shared>> -> memref<10112x128xf32, #tpu.memory_space<vmem_shared>>
      tpu.wait_indirect_dma semaphore(%run_scoped3A_155 : memref<!tpu.dma_semaphore, #tpu.memory_space<semaphore_mem>>) src(%arg10 : memref<128x128xf32, #tpu.memory_space<vmem>>) dst(%dma_wait3A_167 : memref<10112x128xf32, #tpu.memory_space<vmem_shared>>)
      tpu.yield
    }) : () -> ()
    %dma_wait3A_128 = arith.constant 0 : i32
    %dma_wait3A_129 = arith.constant 0 : i32
    %dma_wait3A_130 = tpu.memref_slice %arg7[%dma_wait3A_128, %dma_wait3A_129] : memref<79x128xi32, #tpu.memory_space<vmem>> -> memref<1x128xi32, #tpu.memory_space<vmem>>
    %dma_wait3A_131 = tpu.memref_squeeze %dma_wait3A_130 : memref<1x128xi32, #tpu.memory_space<vmem>> -> memref<128xi32, #tpu.memory_space<vmem>>
    %dma_wait3A_132 = arith.constant 0 : i32
    %dma_wait3A_133 = arith.constant 0 : i32
    %dma_wait3A_134 = tpu.memref_slice %arg2[%dma_wait3A_132, %dma_wait3A_133] : memref<10000x128xf32, #tpu.memory_space<hbm>> -> memref<10000x128xf32, #tpu.memory_space<hbm>>
    tpu.wait_indirect_dma semaphore(%arg11 : memref<!tpu.dma_semaphore, #tpu.memory_space<semaphore_mem>>) src(%dma_wait3A_134 : memref<10000x128xf32, #tpu.memory_space<hbm>>) dst(%arg9 : memref<128x128xf32, #tpu.memory_space<vmem>>)
    %dma_wait3A_135 = arith.constant 0 : i32
    %dma_wait3A_136 = arith.constant 2 : i32
    %dma_wait3A_137 = arith.constant 0 : i32
    %dma_wait3A_138 = tpu.memref_slice %arg8[%dma_wait3A_136, %dma_wait3A_137] : memref<4x128xi32, #tpu.memory_space<vmem>> -> memref<1x128xi32, #tpu.memory_space<vmem>>
    %dma_wait3A_139 = tpu.memref_squeeze %dma_wait3A_138 : memref<1x128xi32, #tpu.memory_space<vmem>> -> memref<128xi32, #tpu.memory_space<vmem>>
    %dma_wait3A_140 = arith.constant 0 : i32
    %dma_wait3A_141 = tpu.memref_slice %arg4[%add3A, %dma_wait3A_135, %dma_wait3A_140] : memref<32x79x128xi32, #tpu.memory_space<hbm>> -> memref<1x1x128xi32, #tpu.memory_space<hbm>>
    %dma_wait3A_142 = tpu.memref_squeeze %dma_wait3A_141 : memref<1x1x128xi32, #tpu.memory_space<hbm>> -> memref<128xi32, #tpu.memory_space<hbm>>
    %dma_wait3A_143 = arith.constant 0 : i32
    %dma_wait3A_144 = tpu.memref_slice %arg8[%dma_wait3A_136, %dma_wait3A_143] : memref<4x128xi32, #tpu.memory_space<vmem>> -> memref<1x128xi32, #tpu.memory_space<vmem>>
    %dma_wait3A_145 = tpu.memref_squeeze %dma_wait3A_144 : memref<1x128xi32, #tpu.memory_space<vmem>> -> memref<128xi32, #tpu.memory_space<vmem>>
    %dma_wait3A_146 = arith.constant 0 : i32
    %dma_wait3A_147 = tpu.memref_slice %arg4[%add3A, %dma_wait3A_135, %dma_wait3A_146] : memref<32x79x128xi32, #tpu.memory_space<hbm>> -> memref<1x1x128xi32, #tpu.memory_space<hbm>>
    %dma_wait3A_148 = tpu.memref_squeeze %dma_wait3A_147 : memref<1x1x128xi32, #tpu.memory_space<hbm>> -> memref<128xi32, #tpu.memory_space<hbm>>
    tpu.wait_dma2 semaphore(%arg15 : memref<!tpu.dma_semaphore, #tpu.memory_space<semaphore_mem>>) src(%dma_wait3A_148 : memref<128xi32, #tpu.memory_space<hbm>>) dst(%dma_wait3A_145 : memref<128xi32, #tpu.memory_space<vmem>>)
    %run_scoped3A_149 = arith.constant 2 : i32
    "tpu.region"() ({
      %run_scoped3A_155 = tpu.sem_alloc : memref<!tpu.dma_semaphore, #tpu.memory_space<semaphore_mem>>
      %dma_start3A_156 = arith.constant 0 : i32
      %dma_start3A_157 = tpu.memref_slice %arg8[%run_scoped3A_149, %dma_start3A_156] : memref<4x128xi32, #tpu.memory_space<vmem>> -> memref<1x128xi32, #tpu.memory_space<vmem>>
      %dma_start3A_158 = tpu.memref_squeeze %dma_start3A_157 : memref<1x128xi32, #tpu.memory_space<vmem>> -> memref<128xi32, #tpu.memory_space<vmem>>
      %dma_start3A_159 = arith.constant 0 : i32
      %dma_start3A_160 = arith.constant 0 : i32
      %dma_start3A_161 = tpu.memref_slice %arg17[%dma_start3A_159, %dma_start3A_160] : memref<10112x128xf32, #tpu.memory_space<vmem_shared>> -> memref<10112x128xf32, #tpu.memory_space<vmem_shared>>
      tpu.enqueue_indirect_dma source(%arg9 : memref<128x128xf32, #tpu.memory_space<vmem>>) target(%dma_start3A_161 : memref<10112x128xf32, #tpu.memory_space<vmem_shared>>) offsets(%dma_start3A_158 : memref<128xi32, #tpu.memory_space<vmem>>) semaphore(%run_scoped3A_155 : memref<!tpu.dma_semaphore, #tpu.memory_space<semaphore_mem>>) {add = true}
      %dma_wait3A_162 = arith.constant 0 : i32
      %dma_wait3A_163 = tpu.memref_slice %arg8[%run_scoped3A_149, %dma_wait3A_162] : memref<4x128xi32, #tpu.memory_space<vmem>> -> memref<1x128xi32, #tpu.memory_space<vmem>>
      %dma_wait3A_164 = tpu.memref_squeeze %dma_wait3A_163 : memref<1x128xi32, #tpu.memory_space<vmem>> -> memref<128xi32, #tpu.memory_space<vmem>>
      %dma_wait3A_165 = arith.constant 0 : i32
      %dma_wait3A_166 = arith.constant 0 : i32
      %dma_wait3A_167 = tpu.memref_slice %arg17[%dma_wait3A_165, %dma_wait3A_166] : memref<10112x128xf32, #tpu.memory_space<vmem_shared>> -> memref<10112x128xf32, #tpu.memory_space<vmem_shared>>
      tpu.wait_indirect_dma semaphore(%run_scoped3A_155 : memref<!tpu.dma_semaphore, #tpu.memory_space<semaphore_mem>>) src(%arg9 : memref<128x128xf32, #tpu.memory_space<vmem>>) dst(%dma_wait3A_167 : memref<10112x128xf32, #tpu.memory_space<vmem_shared>>)
      tpu.yield
    }) : () -> ()
    %barrier3A_150 = arith.constant 0 : index
    tpu.barrier barrier_id(%barrier3A_150)
    %mul3A_151 = arith.constant 632 : i32
    %mul3A_152 = arith.muli %arg1, %mul3A_151 : i32
    %mul3A_153 = arith.constant 632 : i32
    %mul3A_154 = arith.muli %arg1, %mul3A_153 : i32
    "tpu.region"() ({
      %run_scoped3A_155 = tpu.sem_alloc : memref<!tpu.dma_semaphore, #tpu.memory_space<semaphore_mem>>
      %dma_start3A_156 = arith.constant 0 : i32
      %dma_start3A_157 = tpu.memref_slice %arg6[%arg0, %mul3A_154, %dma_start3A_156] : memref<2x10112x128xf32, #tpu.memory_space<hbm>> -> memref<1x632x128xf32, #tpu.memory_space<hbm>>
      %dma_start3A_158 = tpu.memref_squeeze %dma_start3A_157 : memref<1x632x128xf32, #tpu.memory_space<hbm>> -> memref<632x128xf32, #tpu.memory_space<hbm>>
      %dma_start3A_159 = arith.constant 0 : i32
      %dma_start3A_160 = tpu.memref_slice %arg17[%mul3A_152, %dma_start3A_159] : memref<10112x128xf32, #tpu.memory_space<vmem_shared>> -> memref<632x128xf32, #tpu.memory_space<vmem_shared>>
      tpu.enqueue_dma source(%dma_start3A_160 : memref<632x128xf32, #tpu.memory_space<vmem_shared>>) target(%dma_start3A_158 : memref<632x128xf32, #tpu.memory_space<hbm>>) target_semaphore(%run_scoped3A_155 : memref<!tpu.dma_semaphore, #tpu.memory_space<semaphore_mem>>)
      %dma_wait3A_161 = arith.constant 0 : i32
      %dma_wait3A_162 = tpu.memref_slice %arg6[%arg0, %mul3A_154, %dma_wait3A_161] : memref<2x10112x128xf32, #tpu.memory_space<hbm>> -> memref<1x632x128xf32, #tpu.memory_space<hbm>>
      %dma_wait3A_163 = tpu.memref_squeeze %dma_wait3A_162 : memref<1x632x128xf32, #tpu.memory_space<hbm>> -> memref<632x128xf32, #tpu.memory_space<hbm>>
      %dma_wait3A_164 = arith.constant 0 : i32
      %dma_wait3A_165 = tpu.memref_slice %arg17[%mul3A_152, %dma_wait3A_164] : memref<10112x128xf32, #tpu.memory_space<vmem_shared>> -> memref<632x128xf32, #tpu.memory_space<vmem_shared>>
      tpu.wait_dma2 semaphore(%run_scoped3A_155 : memref<!tpu.dma_semaphore, #tpu.memory_space<semaphore_mem>>) src(%dma_wait3A_165 : memref<632x128xf32, #tpu.memory_space<vmem_shared>>) dst(%dma_wait3A_163 : memref<632x128xf32, #tpu.memory_space<hbm>>)
      tpu.yield
    }) : () -> ()
    return
  }
}

#map = affine_map<(d0, d1) -> (0, 0, 0)>
module attributes {stable_mosaic.version = 14 : i64} {
  func.func @_deg_body(%arg0: i32, %arg1: i32, %arg2: memref<32x79x128xi32, #tpu.memory_space<hbm>>, %arg3: memref<32x79x128xf32, #tpu.memory_space<hbm>>, %arg4: memref<79x128xi32, #tpu.memory_space<vmem>>, %arg5: memref<79x128xf32, #tpu.memory_space<vmem>>) attributes {dimension_semantics = [#tpu.dimension_semantics<core_parallel>, #tpu.dimension_semantics<subcore_parallel>], iteration_bounds = array<i64: 2, 16>, scalar_prefetch = 0 : i64, scratch_operands = 2 : i64, tpu.core_type = #tpu.core_type<sc_vector_subcore>, window_params = [{transform_indices = #map}, {transform_indices = #map}]} {
    %mul3A = arith.constant 16 : i32
    %mul3A_0 = arith.muli %arg0, %mul3A : i32
    %add3A = arith.addi %mul3A_0, %arg1 : i32
    "tpu.region"() ({
      %run_scoped3A = tpu.sem_alloc : memref<!tpu.dma_semaphore, #tpu.memory_space<semaphore_mem>>
      %dma_start3A = arith.constant 0 : i32
      %dma_start3A_15 = arith.constant 0 : i32
      %dma_start3A_16 = tpu.memref_slice %arg2[%add3A, %dma_start3A, %dma_start3A_15] : memref<32x79x128xi32, #tpu.memory_space<hbm>> -> memref<1x79x128xi32, #tpu.memory_space<hbm>>
      %dma_start3A_17 = tpu.memref_squeeze %dma_start3A_16 : memref<1x79x128xi32, #tpu.memory_space<hbm>> -> memref<79x128xi32, #tpu.memory_space<hbm>>
      %dma_start3A_18 = arith.constant 0 : i32
      %dma_start3A_19 = arith.constant 0 : i32
      %dma_start3A_20 = tpu.memref_slice %arg2[%add3A, %dma_start3A_18, %dma_start3A_19] : memref<32x79x128xi32, #tpu.memory_space<hbm>> -> memref<1x79x128xi32, #tpu.memory_space<hbm>>
      %dma_start3A_21 = tpu.memref_squeeze %dma_start3A_20 : memref<1x79x128xi32, #tpu.memory_space<hbm>> -> memref<79x128xi32, #tpu.memory_space<hbm>>
      tpu.enqueue_dma source(%dma_start3A_21 : memref<79x128xi32, #tpu.memory_space<hbm>>) target(%arg4 : memref<79x128xi32, #tpu.memory_space<vmem>>) target_semaphore(%run_scoped3A : memref<!tpu.dma_semaphore, #tpu.memory_space<semaphore_mem>>)
      %dma_wait3A = arith.constant 0 : i32
      %dma_wait3A_22 = arith.constant 0 : i32
      %dma_wait3A_23 = tpu.memref_slice %arg2[%add3A, %dma_wait3A, %dma_wait3A_22] : memref<32x79x128xi32, #tpu.memory_space<hbm>> -> memref<1x79x128xi32, #tpu.memory_space<hbm>>
      %dma_wait3A_24 = tpu.memref_squeeze %dma_wait3A_23 : memref<1x79x128xi32, #tpu.memory_space<hbm>> -> memref<79x128xi32, #tpu.memory_space<hbm>>
      %dma_wait3A_25 = arith.constant 0 : i32
      %dma_wait3A_26 = arith.constant 0 : i32
      %dma_wait3A_27 = tpu.memref_slice %arg2[%add3A, %dma_wait3A_25, %dma_wait3A_26] : memref<32x79x128xi32, #tpu.memory_space<hbm>> -> memref<1x79x128xi32, #tpu.memory_space<hbm>>
      %dma_wait3A_28 = tpu.memref_squeeze %dma_wait3A_27 : memref<1x79x128xi32, #tpu.memory_space<hbm>> -> memref<79x128xi32, #tpu.memory_space<hbm>>
      tpu.wait_dma2 semaphore(%run_scoped3A : memref<!tpu.dma_semaphore, #tpu.memory_space<semaphore_mem>>) src(%dma_wait3A_28 : memref<79x128xi32, #tpu.memory_space<hbm>>) dst(%arg4 : memref<79x128xi32, #tpu.memory_space<vmem>>)
      tpu.yield
    }) : () -> ()
    %broadcast_in_dim3A = arith.constant 0.000000e+00 : f32
    %broadcast_in_dim3A_1 = vector.broadcast %broadcast_in_dim3A : f32 to vector<16xf32>
    %broadcast_in_dim3A_2 = arith.constant 1.000000e+00 : f32
    %broadcast_in_dim3A_3 = vector.broadcast %broadcast_in_dim3A_2 : f32 to vector<16xf32>
    %scan3A = arith.constant 0 : i32
    %scan3A_4 = arith.constant 0 : i32
    %scan3A_5 = arith.constant 79 : i32
    %scan3A_6 = arith.addi %scan3A_4, %scan3A_5 : i32
    %scan3A_7 = arith.constant 1 : i32
    scf.for %scan3A_15 = %scan3A_4 to %scan3A_6 step %scan3A_7  : i32 {
      %swap3A = arith.index_cast %scan3A_15 : i32 to index
      %swap3A_16 = arith.constant 0 : index
      %swap3A_17 = tpu.vector_load %arg5[%swap3A, %swap3A_16] {strides = array<i32>} : memref<79x128xf32, #tpu.memory_space<vmem>>, vector<16xf32>,
      tpu.vector_store %arg5[%swap3A, %swap3A_16], %broadcast_in_dim3A_1 {strides = array<i32>} : memref<79x128xf32, #tpu.memory_space<vmem>>, vector<16xf32>,
      %swap3A_18 = arith.index_cast %scan3A_15 : i32 to index
      %swap3A_19 = arith.constant 16 : index
      %swap3A_20 = tpu.vector_load %arg5[%swap3A_18, %swap3A_19] {strides = array<i32>} : memref<79x128xf32, #tpu.memory_space<vmem>>, vector<16xf32>,
      tpu.vector_store %arg5[%swap3A_18, %swap3A_19], %broadcast_in_dim3A_1 {strides = array<i32>} : memref<79x128xf32, #tpu.memory_space<vmem>>, vector<16xf32>,
      %swap3A_21 = arith.index_cast %scan3A_15 : i32 to index
      %swap3A_22 = arith.constant 32 : index
      %swap3A_23 = tpu.vector_load %arg5[%swap3A_21, %swap3A_22] {strides = array<i32>} : memref<79x128xf32, #tpu.memory_space<vmem>>, vector<16xf32>,
      tpu.vector_store %arg5[%swap3A_21, %swap3A_22], %broadcast_in_dim3A_1 {strides = array<i32>} : memref<79x128xf32, #tpu.memory_space<vmem>>, vector<16xf32>,
      %swap3A_24 = arith.index_cast %scan3A_15 : i32 to index
      %swap3A_25 = arith.constant 48 : index
      %swap3A_26 = tpu.vector_load %arg5[%swap3A_24, %swap3A_25] {strides = array<i32>} : memref<79x128xf32, #tpu.memory_space<vmem>>, vector<16xf32>,
      tpu.vector_store %arg5[%swap3A_24, %swap3A_25], %broadcast_in_dim3A_1 {strides = array<i32>} : memref<79x128xf32, #tpu.memory_space<vmem>>, vector<16xf32>,
      %swap3A_27 = arith.index_cast %scan3A_15 : i32 to index
      %swap3A_28 = arith.constant 64 : index
      %swap3A_29 = tpu.vector_load %arg5[%swap3A_27, %swap3A_28] {strides = array<i32>} : memref<79x128xf32, #tpu.memory_space<vmem>>, vector<16xf32>,
      tpu.vector_store %arg5[%swap3A_27, %swap3A_28], %broadcast_in_dim3A_1 {strides = array<i32>} : memref<79x128xf32, #tpu.memory_space<vmem>>, vector<16xf32>,
      %swap3A_30 = arith.index_cast %scan3A_15 : i32 to index
      %swap3A_31 = arith.constant 80 : index
      %swap3A_32 = tpu.vector_load %arg5[%swap3A_30, %swap3A_31] {strides = array<i32>} : memref<79x128xf32, #tpu.memory_space<vmem>>, vector<16xf32>,
      tpu.vector_store %arg5[%swap3A_30, %swap3A_31], %broadcast_in_dim3A_1 {strides = array<i32>} : memref<79x128xf32, #tpu.memory_space<vmem>>, vector<16xf32>,
      %swap3A_33 = arith.index_cast %scan3A_15 : i32 to index
      %swap3A_34 = arith.constant 96 : index
      %swap3A_35 = tpu.vector_load %arg5[%swap3A_33, %swap3A_34] {strides = array<i32>} : memref<79x128xf32, #tpu.memory_space<vmem>>, vector<16xf32>,
      tpu.vector_store %arg5[%swap3A_33, %swap3A_34], %broadcast_in_dim3A_1 {strides = array<i32>} : memref<79x128xf32, #tpu.memory_space<vmem>>, vector<16xf32>,
      %swap3A_36 = arith.index_cast %scan3A_15 : i32 to index
      %swap3A_37 = arith.constant 112 : index
      %swap3A_38 = tpu.vector_load %arg5[%swap3A_36, %swap3A_37] {strides = array<i32>} : memref<79x128xf32, #tpu.memory_space<vmem>>, vector<16xf32>,
      tpu.vector_store %arg5[%swap3A_36, %swap3A_37], %broadcast_in_dim3A_1 {strides = array<i32>} : memref<79x128xf32, #tpu.memory_space<vmem>>, vector<16xf32>,
    }
    %scan3A_8 = arith.constant 79 : i32
    %scan3A_9 = arith.constant 0 : i32
    %scan3A_10 = arith.constant 0 : i32
    %scan3A_11 = arith.constant 79 : i32
    %scan3A_12 = arith.addi %scan3A_10, %scan3A_11 : i32
    %scan3A_13 = arith.constant 1 : i32
    scf.for %scan3A_15 = %scan3A_10 to %scan3A_12 step %scan3A_13  : i32 {
      %get3A = arith.index_cast %scan3A_15 : i32 to index
      %get3A_16 = arith.constant 0 : index
      %get3A_17 = tpu.vector_load %arg4[%get3A, %get3A_16] {strides = array<i32>} : memref<79x128xi32, #tpu.memory_space<vmem>>, vector<16xi32>,
      %shift_right_logical3A = arith.constant 7 : i32
      %shift_right_logical3A_18 = vector.broadcast %shift_right_logical3A : i32 to vector<16xi32>
      %shift_right_logical3A_19 = arith.shrui %get3A_17, %shift_right_logical3A_18 : vector<16xi32>
      %and3A = arith.constant 127 : i32
      %and3A_20 = vector.broadcast %and3A : i32 to vector<16xi32>
      %and3A_21 = arith.andi %get3A_17, %and3A_20 : vector<16xi32>
      tpu.vector_store_idx %arg5[%shift_right_logical3A_19, %and3A_21], %broadcast_in_dim3A_3 {add = true} : memref<79x128xf32, #tpu.memory_space<vmem>>[vector<16xi32>, vector<16xi32>], vector<16xf32>,
      %get3A_22 = arith.index_cast %scan3A_15 : i32 to index
      %get3A_23 = arith.constant 16 : index
      %get3A_24 = tpu.vector_load %arg4[%get3A_22, %get3A_23] {strides = array<i32>} : memref<79x128xi32, #tpu.memory_space<vmem>>, vector<16xi32>,
      %shift_right_logical3A_25 = arith.constant 7 : i32
      %shift_right_logical3A_26 = vector.broadcast %shift_right_logical3A_25 : i32 to vector<16xi32>
      %shift_right_logical3A_27 = arith.shrui %get3A_24, %shift_right_logical3A_26 : vector<16xi32>
      %and3A_28 = arith.constant 127 : i32
      %and3A_29 = vector.broadcast %and3A_28 : i32 to vector<16xi32>
      %and3A_30 = arith.andi %get3A_24, %and3A_29 : vector<16xi32>
      tpu.vector_store_idx %arg5[%shift_right_logical3A_27, %and3A_30], %broadcast_in_dim3A_3 {add = true} : memref<79x128xf32, #tpu.memory_space<vmem>>[vector<16xi32>, vector<16xi32>], vector<16xf32>,
      %get3A_31 = arith.index_cast %scan3A_15 : i32 to index
      %get3A_32 = arith.constant 32 : index
      %get3A_33 = tpu.vector_load %arg4[%get3A_31, %get3A_32] {strides = array<i32>} : memref<79x128xi32, #tpu.memory_space<vmem>>, vector<16xi32>,
      %shift_right_logical3A_34 = arith.constant 7 : i32
      %shift_right_logical3A_35 = vector.broadcast %shift_right_logical3A_34 : i32 to vector<16xi32>
      %shift_right_logical3A_36 = arith.shrui %get3A_33, %shift_right_logical3A_35 : vector<16xi32>
      %and3A_37 = arith.constant 127 : i32
      %and3A_38 = vector.broadcast %and3A_37 : i32 to vector<16xi32>
      %and3A_39 = arith.andi %get3A_33, %and3A_38 : vector<16xi32>
      tpu.vector_store_idx %arg5[%shift_right_logical3A_36, %and3A_39], %broadcast_in_dim3A_3 {add = true} : memref<79x128xf32, #tpu.memory_space<vmem>>[vector<16xi32>, vector<16xi32>], vector<16xf32>,
      %get3A_40 = arith.index_cast %scan3A_15 : i32 to index
      %get3A_41 = arith.constant 48 : index
      %get3A_42 = tpu.vector_load %arg4[%get3A_40, %get3A_41] {strides = array<i32>} : memref<79x128xi32, #tpu.memory_space<vmem>>, vector<16xi32>,
      %shift_right_logical3A_43 = arith.constant 7 : i32
      %shift_right_logical3A_44 = vector.broadcast %shift_right_logical3A_43 : i32 to vector<16xi32>
      %shift_right_logical3A_45 = arith.shrui %get3A_42, %shift_right_logical3A_44 : vector<16xi32>
      %and3A_46 = arith.constant 127 : i32
      %and3A_47 = vector.broadcast %and3A_46 : i32 to vector<16xi32>
      %and3A_48 = arith.andi %get3A_42, %and3A_47 : vector<16xi32>
      tpu.vector_store_idx %arg5[%shift_right_logical3A_45, %and3A_48], %broadcast_in_dim3A_3 {add = true} : memref<79x128xf32, #tpu.memory_space<vmem>>[vector<16xi32>, vector<16xi32>], vector<16xf32>,
      %get3A_49 = arith.index_cast %scan3A_15 : i32 to index
      %get3A_50 = arith.constant 64 : index
      %get3A_51 = tpu.vector_load %arg4[%get3A_49, %get3A_50] {strides = array<i32>} : memref<79x128xi32, #tpu.memory_space<vmem>>, vector<16xi32>,
      %shift_right_logical3A_52 = arith.constant 7 : i32
      %shift_right_logical3A_53 = vector.broadcast %shift_right_logical3A_52 : i32 to vector<16xi32>
      %shift_right_logical3A_54 = arith.shrui %get3A_51, %shift_right_logical3A_53 : vector<16xi32>
      %and3A_55 = arith.constant 127 : i32
      %and3A_56 = vector.broadcast %and3A_55 : i32 to vector<16xi32>
      %and3A_57 = arith.andi %get3A_51, %and3A_56 : vector<16xi32>
      tpu.vector_store_idx %arg5[%shift_right_logical3A_54, %and3A_57], %broadcast_in_dim3A_3 {add = true} : memref<79x128xf32, #tpu.memory_space<vmem>>[vector<16xi32>, vector<16xi32>], vector<16xf32>,
      %get3A_58 = arith.index_cast %scan3A_15 : i32 to index
      %get3A_59 = arith.constant 80 : index
      %get3A_60 = tpu.vector_load %arg4[%get3A_58, %get3A_59] {strides = array<i32>} : memref<79x128xi32, #tpu.memory_space<vmem>>, vector<16xi32>,
      %shift_right_logical3A_61 = arith.constant 7 : i32
      %shift_right_logical3A_62 = vector.broadcast %shift_right_logical3A_61 : i32 to vector<16xi32>
      %shift_right_logical3A_63 = arith.shrui %get3A_60, %shift_right_logical3A_62 : vector<16xi32>
      %and3A_64 = arith.constant 127 : i32
      %and3A_65 = vector.broadcast %and3A_64 : i32 to vector<16xi32>
      %and3A_66 = arith.andi %get3A_60, %and3A_65 : vector<16xi32>
      tpu.vector_store_idx %arg5[%shift_right_logical3A_63, %and3A_66], %broadcast_in_dim3A_3 {add = true} : memref<79x128xf32, #tpu.memory_space<vmem>>[vector<16xi32>, vector<16xi32>], vector<16xf32>,
      %get3A_67 = arith.index_cast %scan3A_15 : i32 to index
      %get3A_68 = arith.constant 96 : index
      %get3A_69 = tpu.vector_load %arg4[%get3A_67, %get3A_68] {strides = array<i32>} : memref<79x128xi32, #tpu.memory_space<vmem>>, vector<16xi32>,
      %shift_right_logical3A_70 = arith.constant 7 : i32
      %shift_right_logical3A_71 = vector.broadcast %shift_right_logical3A_70 : i32 to vector<16xi32>
      %shift_right_logical3A_72 = arith.shrui %get3A_69, %shift_right_logical3A_71 : vector<16xi32>
      %and3A_73 = arith.constant 127 : i32
      %and3A_74 = vector.broadcast %and3A_73 : i32 to vector<16xi32>
      %and3A_75 = arith.andi %get3A_69, %and3A_74 : vector<16xi32>
      tpu.vector_store_idx %arg5[%shift_right_logical3A_72, %and3A_75], %broadcast_in_dim3A_3 {add = true} : memref<79x128xf32, #tpu.memory_space<vmem>>[vector<16xi32>, vector<16xi32>], vector<16xf32>,
      %get3A_76 = arith.index_cast %scan3A_15 : i32 to index
      %get3A_77 = arith.constant 112 : index
      %get3A_78 = tpu.vector_load %arg4[%get3A_76, %get3A_77] {strides = array<i32>} : memref<79x128xi32, #tpu.memory_space<vmem>>, vector<16xi32>,
      %shift_right_logical3A_79 = arith.constant 7 : i32
      %shift_right_logical3A_80 = vector.broadcast %shift_right_logical3A_79 : i32 to vector<16xi32>
      %shift_right_logical3A_81 = arith.shrui %get3A_78, %shift_right_logical3A_80 : vector<16xi32>
      %and3A_82 = arith.constant 127 : i32
      %and3A_83 = vector.broadcast %and3A_82 : i32 to vector<16xi32>
      %and3A_84 = arith.andi %get3A_78, %and3A_83 : vector<16xi32>
      tpu.vector_store_idx %arg5[%shift_right_logical3A_81, %and3A_84], %broadcast_in_dim3A_3 {add = true} : memref<79x128xf32, #tpu.memory_space<vmem>>[vector<16xi32>, vector<16xi32>], vector<16xf32>,
    }
    %scan3A_14 = arith.constant 79 : i32
    "tpu.region"() ({
      %run_scoped3A = tpu.sem_alloc : memref<!tpu.dma_semaphore, #tpu.memory_space<semaphore_mem>>
      %dma_start3A = arith.constant 0 : i32
      %dma_start3A_15 = arith.constant 0 : i32
      %dma_start3A_16 = tpu.memref_slice %arg3[%add3A, %dma_start3A, %dma_start3A_15] : memref<32x79x128xf32, #tpu.memory_space<hbm>> -> memref<1x79x128xf32, #tpu.memory_space<hbm>>
      %dma_start3A_17 = tpu.memref_squeeze %dma_start3A_16 : memref<1x79x128xf32, #tpu.memory_space<hbm>> -> memref<79x128xf32, #tpu.memory_space<hbm>>
      %dma_start3A_18 = arith.constant 0 : i32
      %dma_start3A_19 = arith.constant 0 : i32
      %dma_start3A_20 = tpu.memref_slice %arg3[%add3A, %dma_start3A_18, %dma_start3A_19] : memref<32x79x128xf32, #tpu.memory_space<hbm>> -> memref<1x79x128xf32, #tpu.memory_space<hbm>>
      %dma_start3A_21 = tpu.memref_squeeze %dma_start3A_20 : memref<1x79x128xf32, #tpu.memory_space<hbm>> -> memref<79x128xf32, #tpu.memory_space<hbm>>
      tpu.enqueue_dma source(%arg5 : memref<79x128xf32, #tpu.memory_space<vmem>>) target(%dma_start3A_21 : memref<79x128xf32, #tpu.memory_space<hbm>>) target_semaphore(%run_scoped3A : memref<!tpu.dma_semaphore, #tpu.memory_space<semaphore_mem>>)
      %dma_wait3A = arith.constant 0 : i32
      %dma_wait3A_22 = arith.constant 0 : i32
      %dma_wait3A_23 = tpu.memref_slice %arg3[%add3A, %dma_wait3A, %dma_wait3A_22] : memref<32x79x128xf32, #tpu.memory_space<hbm>> -> memref<1x79x128xf32, #tpu.memory_space<hbm>>
      %dma_wait3A_24 = tpu.memref_squeeze %dma_wait3A_23 : memref<1x79x128xf32, #tpu.memory_space<hbm>> -> memref<79x128xf32, #tpu.memory_space<hbm>>
      %dma_wait3A_25 = arith.constant 0 : i32
      %dma_wait3A_26 = arith.constant 0 : i32
      %dma_wait3A_27 = tpu.memref_slice %arg3[%add3A, %dma_wait3A_25, %dma_wait3A_26] : memref<32x79x128xf32, #tpu.memory_space<hbm>> -> memref<1x79x128xf32, #tpu.memory_space<hbm>>
      %dma_wait3A_28 = tpu.memref_squeeze %dma_wait3A_27 : memref<1x79x128xf32, #tpu.memory_space<hbm>> -> memref<79x128xf32, #tpu.memory_space<hbm>>
      tpu.wait_dma2 semaphore(%run_scoped3A : memref<!tpu.dma_semaphore, #tpu.memory_space<semaphore_mem>>) src(%arg5 : memref<79x128xf32, #tpu.memory_space<vmem>>) dst(%dma_wait3A_28 : memref<79x128xf32, #tpu.memory_space<hbm>>)
      tpu.yield
    }) : () -> ()
    return
  }
}

#map = affine_map<(d0, d1) -> (0, 0)>
#map1 = affine_map<(d0, d1) -> (0, 0, 0)>
module attributes {stable_mosaic.version = 14 : i64} {
  func.func @_agg_body(%arg0: i32, %arg1: i32, %arg2: memref<10000x128xf32, #tpu.memory_space<hbm>>, %arg3: memref<32x79x128xi32, #tpu.memory_space<hbm>>, %arg4: memref<32x79x128xi32, #tpu.memory_space<hbm>>, %arg5: memref<10112x128xf32, #tpu.memory_space<hbm>>, %arg6: memref<2x10112x128xf32, #tpu.memory_space<hbm>>, %arg7: memref<79x128xi32, #tpu.memory_space<vmem>>, %arg8: memref<4x128xi32, #tpu.memory_space<vmem>>, %arg9: memref<128x128xf32, #tpu.memory_space<vmem>>, %arg10: memref<128x128xf32, #tpu.memory_space<vmem>>, %arg11: memref<!tpu.dma_semaphore, #tpu.memory_space<semaphore_mem>>, %arg12: memref<!tpu.dma_semaphore, #tpu.memory_space<semaphore_mem>>, %arg13: memref<!tpu.dma_semaphore, #tpu.memory_space<semaphore_mem>>, %arg14: memref<!tpu.dma_semaphore, #tpu.memory_space<semaphore_mem>>, %arg15: memref<!tpu.dma_semaphore, #tpu.memory_space<semaphore_mem>>, %arg16: memref<!tpu.dma_semaphore, #tpu.memory_space<semaphore_mem>>, %arg17: memref<10112x128xf32, #tpu.memory_space<vmem_shared>>) attributes {dimension_semantics = [#tpu.dimension_semantics<core_parallel>, #tpu.dimension_semantics<subcore_parallel>], iteration_bounds = array<i64: 2, 16>, scalar_prefetch = 0 : i64, scratch_operands = 11 : i64, tpu.core_type = #tpu.core_type<sc_vector_subcore>, window_params = [{transform_indices = #map}, {transform_indices = #map1}, {transform_indices = #map1}, {transform_indices = #map}, {transform_indices = #map1}]} {
    %mul3A = arith.constant 16 : i32
    %mul3A_0 = arith.muli %arg0, %mul3A : i32
    %add3A = arith.addi %mul3A_0, %arg1 : i32
    %mul3A_1 = arith.constant 632 : i32
    %mul3A_2 = arith.muli %arg1, %mul3A_1 : i32
    %mul3A_3 = arith.constant 632 : i32
    %mul3A_4 = arith.muli %arg1, %mul3A_3 : i32
    "tpu.region"() ({
      %run_scoped3A_155 = tpu.sem_alloc : memref<!tpu.dma_semaphore, #tpu.memory_space<semaphore_mem>>
      %dma_start3A_156 = arith.constant 0 : i32
      %dma_start3A_157 = tpu.memref_slice %arg17[%mul3A_4, %dma_start3A_156] : memref<10112x128xf32, #tpu.memory_space<vmem_shared>> -> memref<632x128xf32, #tpu.memory_space<vmem_shared>>
      %dma_start3A_158 = arith.constant 0 : i32
      %dma_start3A_159 = tpu.memref_slice %arg5[%mul3A_2, %dma_start3A_158] : memref<10112x128xf32, #tpu.memory_space<hbm>> -> memref<632x128xf32, #tpu.memory_space<hbm>>
      tpu.enqueue_dma source(%dma_start3A_159 : memref<632x128xf32, #tpu.memory_space<hbm>>) target(%dma_start3A_157 : memref<632x128xf32, #tpu.memory_space<vmem_shared>>) target_semaphore(%run_scoped3A_155 : memref<!tpu.dma_semaphore, #tpu.memory_space<semaphore_mem>>)
      %dma_wait3A_160 = arith.constant 0 : i32
      %dma_wait3A_161 = tpu.memref_slice %arg17[%mul3A_4, %dma_wait3A_160] : memref<10112x128xf32, #tpu.memory_space<vmem_shared>> -> memref<632x128xf32, #tpu.memory_space<vmem_shared>>
      %dma_wait3A_162 = arith.constant 0 : i32
      %dma_wait3A_163 = tpu.memref_slice %arg5[%mul3A_2, %dma_wait3A_162] : memref<10112x128xf32, #tpu.memory_space<hbm>> -> memref<632x128xf32, #tpu.memory_space<hbm>>
      tpu.wait_dma2 semaphore(%run_scoped3A_155 : memref<!tpu.dma_semaphore, #tpu.memory_space<semaphore_mem>>) src(%dma_wait3A_163 : memref<632x128xf32, #tpu.memory_space<hbm>>) dst(%dma_wait3A_161 : memref<632x128xf32, #tpu.memory_space<vmem_shared>>)
      tpu.yield
    }) : () -> ()
    "tpu.region"() ({
      %run_scoped3A_155 = tpu.sem_alloc : memref<!tpu.dma_semaphore, #tpu.memory_space<semaphore_mem>>
      %dma_start3A_156 = arith.constant 0 : i32
      %dma_start3A_157 = arith.constant 0 : i32
      %dma_start3A_158 = tpu.memref_slice %arg3[%add3A, %dma_start3A_156, %dma_start3A_157] : memref<32x79x128xi32, #tpu.memory_space<hbm>> -> memref<1x79x128xi32, #tpu.memory_space<hbm>>
      %dma_start3A_159 = tpu.memref_squeeze %dma_start3A_158 : memref<1x79x128xi32, #tpu.memory_space<hbm>> -> memref<79x128xi32, #tpu.memory_space<hbm>>
      %dma_start3A_160 = arith.constant 0 : i32
      %dma_start3A_161 = arith.constant 0 : i32
      %dma_start3A_162 = tpu.memref_slice %arg3[%add3A, %dma_start3A_160, %dma_start3A_161] : memref<32x79x128xi32, #tpu.memory_space<hbm>> -> memref<1x79x128xi32, #tpu.memory_space<hbm>>
      %dma_start3A_163 = tpu.memref_squeeze %dma_start3A_162 : memref<1x79x128xi32, #tpu.memory_space<hbm>> -> memref<79x128xi32, #tpu.memory_space<hbm>>
      tpu.enqueue_dma source(%dma_start3A_163 : memref<79x128xi32, #tpu.memory_space<hbm>>) target(%arg7 : memref<79x128xi32, #tpu.memory_space<vmem>>) target_semaphore(%run_scoped3A_155 : memref<!tpu.dma_semaphore, #tpu.memory_space<semaphore_mem>>)
      %dma_wait3A_164 = arith.constant 0 : i32
      %dma_wait3A_165 = arith.constant 0 : i32
      %dma_wait3A_166 = tpu.memref_slice %arg3[%add3A, %dma_wait3A_164, %dma_wait3A_165] : memref<32x79x128xi32, #tpu.memory_space<hbm>> -> memref<1x79x128xi32, #tpu.memory_space<hbm>>
      %dma_wait3A_167 = tpu.memref_squeeze %dma_wait3A_166 : memref<1x79x128xi32, #tpu.memory_space<hbm>> -> memref<79x128xi32, #tpu.memory_space<hbm>>
      %dma_wait3A_168 = arith.constant 0 : i32
      %dma_wait3A_169 = arith.constant 0 : i32
      %dma_wait3A_170 = tpu.memref_slice %arg3[%add3A, %dma_wait3A_168, %dma_wait3A_169] : memref<32x79x128xi32, #tpu.memory_space<hbm>> -> memref<1x79x128xi32, #tpu.memory_space<hbm>>
      %dma_wait3A_171 = tpu.memref_squeeze %dma_wait3A_170 : memref<1x79x128xi32, #tpu.memory_space<hbm>> -> memref<79x128xi32, #tpu.memory_space<hbm>>
      tpu.wait_dma2 semaphore(%run_scoped3A_155 : memref<!tpu.dma_semaphore, #tpu.memory_space<semaphore_mem>>) src(%dma_wait3A_171 : memref<79x128xi32, #tpu.memory_space<hbm>>) dst(%arg7 : memref<79x128xi32, #tpu.memory_space<vmem>>)
      tpu.yield
    }) : () -> ()
    %barrier3A = arith.constant 0 : index
    tpu.barrier barrier_id(%barrier3A)
    %dma_start3A = arith.constant 0 : i32
    %dma_start3A_5 = arith.constant 0 : i32
    %dma_start3A_6 = arith.constant 0 : i32
    %dma_start3A_7 = tpu.memref_slice %arg8[%dma_start3A_5, %dma_start3A_6] : memref<4x128xi32, #tpu.memory_space<vmem>> -> memref<1x128xi32, #tpu.memory_space<vmem>>
    %dma_start3A_8 = tpu.memref_squeeze %dma_start3A_7 : memref<1x128xi32, #tpu.memory_space<vmem>> -> memref<128xi32, #tpu.memory_space<vmem>>
    %dma_start3A_9 = arith.constant 0 : i32
    %dma_start3A_10 = tpu.memref_slice %arg4[%add3A, %dma_start3A, %dma_start3A_9] : memref<32x79x128xi32, #tpu.memory_space<hbm>> -> memref<1x1x128xi32, #tpu.memory_space<hbm>>
    %dma_start3A_11 = tpu.memref_squeeze %dma_start3A_10 : memref<1x1x128xi32, #tpu.memory_space<hbm>> -> memref<128xi32, #tpu.memory_space<hbm>>
    %dma_start3A_12 = arith.constant 0 : i32
    %dma_start3A_13 = tpu.memref_slice %arg8[%dma_start3A_5, %dma_start3A_12] : memref<4x128xi32, #tpu.memory_space<vmem>> -> memref<1x128xi32, #tpu.memory_space<vmem>>
    %dma_start3A_14 = tpu.memref_squeeze %dma_start3A_13 : memref<1x128xi32, #tpu.memory_space<vmem>> -> memref<128xi32, #tpu.memory_space<vmem>>
    %dma_start3A_15 = arith.constant 0 : i32
    %dma_start3A_16 = tpu.memref_slice %arg4[%add3A, %dma_start3A, %dma_start3A_15] : memref<32x79x128xi32, #tpu.memory_space<hbm>> -> memref<1x1x128xi32, #tpu.memory_space<hbm>>
    %dma_start3A_17 = tpu.memref_squeeze %dma_start3A_16 : memref<1x1x128xi32, #tpu.memory_space<hbm>> -> memref<128xi32, #tpu.memory_space<hbm>>
    tpu.enqueue_dma source(%dma_start3A_17 : memref<128xi32, #tpu.memory_space<hbm>>) target(%dma_start3A_14 : memref<128xi32, #tpu.memory_space<vmem>>) target_semaphore(%arg13 : memref<!tpu.dma_semaphore, #tpu.memory_space<semaphore_mem>>)
    %dma_start3A_18 = arith.constant 1 : i32
    %dma_start3A_19 = arith.constant 1 : i32
    %dma_start3A_20 = arith.constant 0 : i32
    %dma_start3A_21 = tpu.memref_slice %arg8[%dma_start3A_19, %dma_start3A_20] : memref<4x128xi32, #tpu.memory_space<vmem>> -> memref<1x128xi32, #tpu.memory_space<vmem>>
    %dma_start3A_22 = tpu.memref_squeeze %dma_start3A_21 : memref<1x128xi32, #tpu.memory_space<vmem>> -> memref<128xi32, #tpu.memory_space<vmem>>
    %dma_start3A_23 = arith.constant 0 : i32
    %dma_start3A_24 = tpu.memref_slice %arg4[%add3A, %dma_start3A_18, %dma_start3A_23] : memref<32x79x128xi32, #tpu.memory_space<hbm>> -> memref<1x1x128xi32, #tpu.memory_space<hbm>>
    %dma_start3A_25 = tpu.memref_squeeze %dma_start3A_24 : memref<1x1x128xi32, #tpu.memory_space<hbm>> -> memref<128xi32, #tpu.memory_space<hbm>>
    %dma_start3A_26 = arith.constant 0 : i32
    %dma_start3A_27 = tpu.memref_slice %arg8[%dma_start3A_19, %dma_start3A_26] : memref<4x128xi32, #tpu.memory_space<vmem>> -> memref<1x128xi32, #tpu.memory_space<vmem>>
    %dma_start3A_28 = tpu.memref_squeeze %dma_start3A_27 : memref<1x128xi32, #tpu.memory_space<vmem>> -> memref<128xi32, #tpu.memory_space<vmem>>
    %dma_start3A_29 = arith.constant 0 : i32
    %dma_start3A_30 = tpu.memref_slice %arg4[%add3A, %dma_start3A_18, %dma_start3A_29] : memref<32x79x128xi32, #tpu.memory_space<hbm>> -> memref<1x1x128xi32, #tpu.memory_space<hbm>>
    %dma_start3A_31 = tpu.memref_squeeze %dma_start3A_30 : memref<1x1x128xi32, #tpu.memory_space<hbm>> -> memref<128xi32, #tpu.memory_space<hbm>>
    tpu.enqueue_dma source(%dma_start3A_31 : memref<128xi32, #tpu.memory_space<hbm>>) target(%dma_start3A_28 : memref<128xi32, #tpu.memory_space<vmem>>) target_semaphore(%arg14 : memref<!tpu.dma_semaphore, #tpu.memory_space<semaphore_mem>>)
    %dma_start3A_32 = arith.constant 2 : i32
    %dma_start3A_33 = arith.constant 2 : i32
    %dma_start3A_34 = arith.constant 0 : i32
    %dma_start3A_35 = tpu.memref_slice %arg8[%dma_start3A_33, %dma_start3A_34] : memref<4x128xi32, #tpu.memory_space<vmem>> -> memref<1x128xi32, #tpu.memory_space<vmem>>
    %dma_start3A_36 = tpu.memref_squeeze %dma_start3A_35 : memref<1x128xi32, #tpu.memory_space<vmem>> -> memref<128xi32, #tpu.memory_space<vmem>>
    %dma_start3A_37 = arith.constant 0 : i32
    %dma_start3A_38 = tpu.memref_slice %arg4[%add3A, %dma_start3A_32, %dma_start3A_37] : memref<32x79x128xi32, #tpu.memory_space<hbm>> -> memref<1x1x128xi32, #tpu.memory_space<hbm>>
    %dma_start3A_39 = tpu.memref_squeeze %dma_start3A_38 : memref<1x1x128xi32, #tpu.memory_space<hbm>> -> memref<128xi32, #tpu.memory_space<hbm>>
    %dma_start3A_40 = arith.constant 0 : i32
    %dma_start3A_41 = tpu.memref_slice %arg8[%dma_start3A_33, %dma_start3A_40] : memref<4x128xi32, #tpu.memory_space<vmem>> -> memref<1x128xi32, #tpu.memory_space<vmem>>
    %dma_start3A_42 = tpu.memref_squeeze %dma_start3A_41 : memref<1x128xi32, #tpu.memory_space<vmem>> -> memref<128xi32, #tpu.memory_space<vmem>>
    %dma_start3A_43 = arith.constant 0 : i32
    %dma_start3A_44 = tpu.memref_slice %arg4[%add3A, %dma_start3A_32, %dma_start3A_43] : memref<32x79x128xi32, #tpu.memory_space<hbm>> -> memref<1x1x128xi32, #tpu.memory_space<hbm>>
    %dma_start3A_45 = tpu.memref_squeeze %dma_start3A_44 : memref<1x1x128xi32, #tpu.memory_space<hbm>> -> memref<128xi32, #tpu.memory_space<hbm>>
    tpu.enqueue_dma source(%dma_start3A_45 : memref<128xi32, #tpu.memory_space<hbm>>) target(%dma_start3A_42 : memref<128xi32, #tpu.memory_space<vmem>>) target_semaphore(%arg15 : memref<!tpu.dma_semaphore, #tpu.memory_space<semaphore_mem>>)
    %dma_start3A_46 = arith.constant 3 : i32
    %dma_start3A_47 = arith.constant 3 : i32
    %dma_start3A_48 = arith.constant 0 : i32
    %dma_start3A_49 = tpu.memref_slice %arg8[%dma_start3A_47, %dma_start3A_48] : memref<4x128xi32, #tpu.memory_space<vmem>> -> memref<1x128xi32, #tpu.memory_space<vmem>>
    %dma_start3A_50 = tpu.memref_squeeze %dma_start3A_49 : memref<1x128xi32, #tpu.memory_space<vmem>> -> memref<128xi32, #tpu.memory_space<vmem>>
    %dma_start3A_51 = arith.constant 0 : i32
    %dma_start3A_52 = tpu.memref_slice %arg4[%add3A, %dma_start3A_46, %dma_start3A_51] : memref<32x79x128xi32, #tpu.memory_space<hbm>> -> memref<1x1x128xi32, #tpu.memory_space<hbm>>
    %dma_start3A_53 = tpu.memref_squeeze %dma_start3A_52 : memref<1x1x128xi32, #tpu.memory_space<hbm>> -> memref<128xi32, #tpu.memory_space<hbm>>
    %dma_start3A_54 = arith.constant 0 : i32
    %dma_start3A_55 = tpu.memref_slice %arg8[%dma_start3A_47, %dma_start3A_54] : memref<4x128xi32, #tpu.memory_space<vmem>> -> memref<1x128xi32, #tpu.memory_space<vmem>>
    %dma_start3A_56 = tpu.memref_squeeze %dma_start3A_55 : memref<1x128xi32, #tpu.memory_space<vmem>> -> memref<128xi32, #tpu.memory_space<vmem>>
    %dma_start3A_57 = arith.constant 0 : i32
    %dma_start3A_58 = tpu.memref_slice %arg4[%add3A, %dma_start3A_46, %dma_start3A_57] : memref<32x79x128xi32, #tpu.memory_space<hbm>> -> memref<1x1x128xi32, #tpu.memory_space<hbm>>
    %dma_start3A_59 = tpu.memref_squeeze %dma_start3A_58 : memref<1x1x128xi32, #tpu.memory_space<hbm>> -> memref<128xi32, #tpu.memory_space<hbm>>
    tpu.enqueue_dma source(%dma_start3A_59 : memref<128xi32, #tpu.memory_space<hbm>>) target(%dma_start3A_56 : memref<128xi32, #tpu.memory_space<vmem>>) target_semaphore(%arg16 : memref<!tpu.dma_semaphore, #tpu.memory_space<semaphore_mem>>)
    %dma_start3A_60 = arith.constant 0 : i32
    %dma_start3A_61 = arith.constant 0 : i32
    %dma_start3A_62 = tpu.memref_slice %arg7[%dma_start3A_60, %dma_start3A_61] : memref<79x128xi32, #tpu.memory_space<vmem>> -> memref<1x128xi32, #tpu.memory_space<vmem>>
    %dma_start3A_63 = tpu.memref_squeeze %dma_start3A_62 : memref<1x128xi32, #tpu.memory_space<vmem>> -> memref<128xi32, #tpu.memory_space<vmem>>
    %dma_start3A_64 = arith.constant 0 : i32
    %dma_start3A_65 = arith.constant 0 : i32
    %dma_start3A_66 = tpu.memref_slice %arg2[%dma_start3A_64, %dma_start3A_65] : memref<10000x128xf32, #tpu.memory_space<hbm>> -> memref<10000x128xf32, #tpu.memory_space<hbm>>
    tpu.enqueue_indirect_dma source(%dma_start3A_66 : memref<10000x128xf32, #tpu.memory_space<hbm>>) target(%arg9 : memref<128x128xf32, #tpu.memory_space<vmem>>) offsets(%dma_start3A_63 : memref<128xi32, #tpu.memory_space<vmem>>) semaphore(%arg11 : memref<!tpu.dma_semaphore, #tpu.memory_space<semaphore_mem>>)
    %scan3A = arith.constant 0 : i32
    %scan3A_67 = arith.constant 0 : i32
    %scan3A_68 = arith.constant 19 : i32
    %scan3A_69 = arith.addi %scan3A_67, %scan3A_68 : i32
    %scan3A_70 = arith.constant 1 : i32
    scf.for %scan3A_155 = %scan3A_67 to %scan3A_69 step %scan3A_70  : i32 {
      %mul3A_156 = arith.constant 4 : i32
      %mul3A_157 = arith.muli %mul3A_156, %scan3A_155 : i32
      %add3A_158 = arith.constant 0 : i32
      %add3A_159 = arith.addi %mul3A_157, %add3A_158 : i32
      %add3A_160 = arith.constant 1 : i32
      %add3A_161 = arith.addi %add3A_159, %add3A_160 : i32
      %min3A = arith.constant 78 : i32
      %min3A_162 = arith.minsi %add3A_161, %min3A : i32
      %dma_start3A_163 = arith.constant 0 : i32
      %dma_start3A_164 = tpu.memref_slice %arg7[%min3A_162, %dma_start3A_163] : memref<79x128xi32, #tpu.memory_space<vmem>> -> memref<1x128xi32, #tpu.memory_space<vmem>>
      %dma_start3A_165 = tpu.memref_squeeze %dma_start3A_164 : memref<1x128xi32, #tpu.memory_space<vmem>> -> memref<128xi32, #tpu.memory_space<vmem>>
      %dma_start3A_166 = arith.constant 0 : i32
      %dma_start3A_167 = arith.constant 0 : i32
      %dma_start3A_168 = tpu.memref_slice %arg2[%dma_start3A_166, %dma_start3A_167] : memref<10000x128xf32, #tpu.memory_space<hbm>> -> memref<10000x128xf32, #tpu.memory_space<hbm>>
      tpu.enqueue_indirect_dma source(%dma_start3A_168 : memref<10000x128xf32, #tpu.memory_space<hbm>>) target(%arg10 : memref<128x128xf32, #tpu.memory_space<vmem>>) offsets(%dma_start3A_165 : memref<128xi32, #tpu.memory_space<vmem>>) semaphore(%arg12 : memref<!tpu.dma_semaphore, #tpu.memory_space<semaphore_mem>>)
      %dma_wait3A_169 = arith.constant 0 : i32
      %dma_wait3A_170 = arith.constant 0 : i32
      %dma_wait3A_171 = tpu.memref_slice %arg7[%dma_wait3A_169, %dma_wait3A_170] : memref<79x128xi32, #tpu.memory_space<vmem>> -> memref<1x128xi32, #tpu.memory_space<vmem>>
      %dma_wait3A_172 = tpu.memref_squeeze %dma_wait3A_171 : memref<1x128xi32, #tpu.memory_space<vmem>> -> memref<128xi32, #tpu.memory_space<vmem>>
      %dma_wait3A_173 = arith.constant 0 : i32
      %dma_wait3A_174 = arith.constant 0 : i32
      %dma_wait3A_175 = tpu.memref_slice %arg2[%dma_wait3A_173, %dma_wait3A_174] : memref<10000x128xf32, #tpu.memory_space<hbm>> -> memref<10000x128xf32, #tpu.memory_space<hbm>>
      tpu.wait_indirect_dma semaphore(%arg11 : memref<!tpu.dma_semaphore, #tpu.memory_space<semaphore_mem>>) src(%dma_wait3A_175 : memref<10000x128xf32, #tpu.memory_space<hbm>>) dst(%arg9 : memref<128x128xf32, #tpu.memory_space<vmem>>)
      %dma_wait3A_176 = arith.constant 0 : i32
      %dma_wait3A_177 = arith.constant 0 : i32
      %dma_wait3A_178 = arith.constant 0 : i32
      %dma_wait3A_179 = tpu.memref_slice %arg8[%dma_wait3A_177, %dma_wait3A_178] : memref<4x128xi32, #tpu.memory_space<vmem>> -> memref<1x128xi32, #tpu.memory_space<vmem>>
      %dma_wait3A_180 = tpu.memref_squeeze %dma_wait3A_179 : memref<1x128xi32, #tpu.memory_space<vmem>> -> memref<128xi32, #tpu.memory_space<vmem>>
      %dma_wait3A_181 = arith.constant 0 : i32
      %dma_wait3A_182 = tpu.memref_slice %arg4[%add3A, %dma_wait3A_176, %dma_wait3A_181] : memref<32x79x128xi32, #tpu.memory_space<hbm>> -> memref<1x1x128xi32, #tpu.memory_space<hbm>>
      %dma_wait3A_183 = tpu.memref_squeeze %dma_wait3A_182 : memref<1x1x128xi32, #tpu.memory_space<hbm>> -> memref<128xi32, #tpu.memory_space<hbm>>
      %dma_wait3A_184 = arith.constant 0 : i32
      %dma_wait3A_185 = tpu.memref_slice %arg8[%dma_wait3A_177, %dma_wait3A_184] : memref<4x128xi32, #tpu.memory_space<vmem>> -> memref<1x128xi32, #tpu.memory_space<vmem>>
      %dma_wait3A_186 = tpu.memref_squeeze %dma_wait3A_185 : memref<1x128xi32, #tpu.memory_space<vmem>> -> memref<128xi32, #tpu.memory_space<vmem>>
      %dma_wait3A_187 = arith.constant 0 : i32
      %dma_wait3A_188 = tpu.memref_slice %arg4[%add3A, %dma_wait3A_176, %dma_wait3A_187] : memref<32x79x128xi32, #tpu.memory_space<hbm>> -> memref<1x1x128xi32, #tpu.memory_space<hbm>>
      %dma_wait3A_189 = tpu.memref_squeeze %dma_wait3A_188 : memref<1x1x128xi32, #tpu.memory_space<hbm>> -> memref<128xi32, #tpu.memory_space<hbm>>
      tpu.wait_dma2 semaphore(%arg13 : memref<!tpu.dma_semaphore, #tpu.memory_space<semaphore_mem>>) src(%dma_wait3A_189 : memref<128xi32, #tpu.memory_space<hbm>>) dst(%dma_wait3A_186 : memref<128xi32, #tpu.memory_space<vmem>>)
      %run_scoped3A_190 = arith.constant 0 : i32
      "tpu.region"() ({
        %run_scoped3A_318 = tpu.sem_alloc : memref<!tpu.dma_semaphore, #tpu.memory_space<semaphore_mem>>
        %dma_start3A_319 = arith.constant 0 : i32
        %dma_start3A_320 = tpu.memref_slice %arg8[%run_scoped3A_190, %dma_start3A_319] : memref<4x128xi32, #tpu.memory_space<vmem>> -> memref<1x128xi32, #tpu.memory_space<vmem>>
        %dma_start3A_321 = tpu.memref_squeeze %dma_start3A_320 : memref<1x128xi32, #tpu.memory_space<vmem>> -> memref<128xi32, #tpu.memory_space<vmem>>
        %dma_start3A_322 = arith.constant 0 : i32
        %dma_start3A_323 = arith.constant 0 : i32
        %dma_start3A_324 = tpu.memref_slice %arg17[%dma_start3A_322, %dma_start3A_323] : memref<10112x128xf32, #tpu.memory_space<vmem_shared>> -> memref<10112x128xf32, #tpu.memory_space<vmem_shared>>
        tpu.enqueue_indirect_dma source(%arg9 : memref<128x128xf32, #tpu.memory_space<vmem>>) target(%dma_start3A_324 : memref<10112x128xf32, #tpu.memory_space<vmem_shared>>) offsets(%dma_start3A_321 : memref<128xi32, #tpu.memory_space<vmem>>) semaphore(%run_scoped3A_318 : memref<!tpu.dma_semaphore, #tpu.memory_space<semaphore_mem>>) {add = true}
        %dma_wait3A_325 = arith.constant 0 : i32
        %dma_wait3A_326 = tpu.memref_slice %arg8[%run_scoped3A_190, %dma_wait3A_325] : memref<4x128xi32, #tpu.memory_space<vmem>> -> memref<1x128xi32, #tpu.memory_space<vmem>>
        %dma_wait3A_327 = tpu.memref_squeeze %dma_wait3A_326 : memref<1x128xi32, #tpu.memory_space<vmem>> -> memref<128xi32, #tpu.memory_space<vmem>>
        %dma_wait3A_328 = arith.constant 0 : i32
        %dma_wait3A_329 = arith.constant 0 : i32
        %dma_wait3A_330 = tpu.memref_slice %arg17[%dma_wait3A_328, %dma_wait3A_329] : memref<10112x128xf32, #tpu.memory_space<vmem_shared>> -> memref<10112x128xf32, #tpu.memory_space<vmem_shared>>
        tpu.wait_indirect_dma semaphore(%run_scoped3A_318 : memref<!tpu.dma_semaphore, #tpu.memory_space<semaphore_mem>>) src(%arg9 : memref<128x128xf32, #tpu.memory_space<vmem>>) dst(%dma_wait3A_330 : memref<10112x128xf32, #tpu.memory_space<vmem_shared>>)
        tpu.yield
      }) : () -> ()
      %add3A_191 = arith.constant 4 : i32
      %add3A_192 = arith.addi %add3A_159, %add3A_191 : i32
      %lt3A = arith.constant 79 : i32
      %lt3A_193 = arith.cmpi slt, %add3A_192, %lt3A : i32
      %convert_element_type3A = arith.extui %lt3A_193 : i1 to i32
      %cond3A = arith.constant 0 : i32
      %cond3A_194 = arith.cmpi ne, %convert_element_type3A, %cond3A : i32
      scf.if %cond3A_194 {
        %add3A_318 = arith.constant 4 : i32
        %add3A_319 = arith.addi %add3A_159, %add3A_318 : i32
        %dma_start3A_320 = arith.constant 0 : i32
        %dma_start3A_321 = arith.constant 0 : i32
        %dma_start3A_322 = tpu.memref_slice %arg8[%dma_start3A_320, %dma_start3A_321] : memref<4x128xi32, #tpu.memory_space<vmem>> -> memref<1x128xi32, #tpu.memory_space<vmem>>
        %dma_start3A_323 = tpu.memref_squeeze %dma_start3A_322 : memref<1x128xi32, #tpu.memory_space<vmem>> -> memref<128xi32, #tpu.memory_space<vmem>>
        %dma_start3A_324 = arith.constant 0 : i32
        %dma_start3A_325 = tpu.memref_slice %arg4[%add3A, %add3A_319, %dma_start3A_324] : memref<32x79x128xi32, #tpu.memory_space<hbm>> -> memref<1x1x128xi32, #tpu.memory_space<hbm>>
        %dma_start3A_326 = tpu.memref_squeeze %dma_start3A_325 : memref<1x1x128xi32, #tpu.memory_space<hbm>> -> memref<128xi32, #tpu.memory_space<hbm>>
        %dma_start3A_327 = arith.constant 0 : i32
        %dma_start3A_328 = tpu.memref_slice %arg8[%dma_start3A_320, %dma_start3A_327] : memref<4x128xi32, #tpu.memory_space<vmem>> -> memref<1x128xi32, #tpu.memory_space<vmem>>
        %dma_start3A_329 = tpu.memref_squeeze %dma_start3A_328 : memref<1x128xi32, #tpu.memory_space<vmem>> -> memref<128xi32, #tpu.memory_space<vmem>>
        %dma_start3A_330 = arith.constant 0 : i32
        %dma_start3A_331 = tpu.memref_slice %arg4[%add3A, %add3A_319, %dma_start3A_330] : memref<32x79x128xi32, #tpu.memory_space<hbm>> -> memref<1x1x128xi32, #tpu.memory_space<hbm>>
        %dma_start3A_332 = tpu.memref_squeeze %dma_start3A_331 : memref<1x1x128xi32, #tpu.memory_space<hbm>> -> memref<128xi32, #tpu.memory_space<hbm>>
        tpu.enqueue_dma source(%dma_start3A_332 : memref<128xi32, #tpu.memory_space<hbm>>) target(%dma_start3A_329 : memref<128xi32, #tpu.memory_space<vmem>>) target_semaphore(%arg13 : memref<!tpu.dma_semaphore, #tpu.memory_space<semaphore_mem>>)
      } else {
      }
      %add3A_195 = arith.constant 1 : i32
      %add3A_196 = arith.addi %mul3A_157, %add3A_195 : i32
      %add3A_197 = arith.constant 1 : i32
      %add3A_198 = arith.addi %add3A_196, %add3A_197 : i32
      %min3A_199 = arith.constant 78 : i32
      %min3A_200 = arith.minsi %add3A_198, %min3A_199 : i32
      %dma_start3A_201 = arith.constant 0 : i32
      %dma_start3A_202 = tpu.memref_slice %arg7[%min3A_200, %dma_start3A_201] : memref<79x128xi32, #tpu.memory_space<vmem>> -> memref<1x128xi32, #tpu.memory_space<vmem>>
      %dma_start3A_203 = tpu.memref_squeeze %dma_start3A_202 : memref<1x128xi32, #tpu.memory_space<vmem>> -> memref<128xi32, #tpu.memory_space<vmem>>
      %dma_start3A_204 = arith.constant 0 : i32
      %dma_start3A_205 = arith.constant 0 : i32
      %dma_start3A_206 = tpu.memref_slice %arg2[%dma_start3A_204, %dma_start3A_205] : memref<10000x128xf32, #tpu.memory_space<hbm>> -> memref<10000x128xf32, #tpu.memory_space<hbm>>
      tpu.enqueue_indirect_dma source(%dma_start3A_206 : memref<10000x128xf32, #tpu.memory_space<hbm>>) target(%arg9 : memref<128x128xf32, #tpu.memory_space<vmem>>) offsets(%dma_start3A_203 : memref<128xi32, #tpu.memory_space<vmem>>) semaphore(%arg11 : memref<!tpu.dma_semaphore, #tpu.memory_space<semaphore_mem>>)
      %dma_wait3A_207 = arith.constant 0 : i32
      %dma_wait3A_208 = arith.constant 0 : i32
      %dma_wait3A_209 = tpu.memref_slice %arg7[%dma_wait3A_207, %dma_wait3A_208] : memref<79x128xi32, #tpu.memory_space<vmem>> -> memref<1x128xi32, #tpu.memory_space<vmem>>
      %dma_wait3A_210 = tpu.memref_squeeze %dma_wait3A_209 : memref<1x128xi32, #tpu.memory_space<vmem>> -> memref<128xi32, #tpu.memory_space<vmem>>
      %dma_wait3A_211 = arith.constant 0 : i32
      %dma_wait3A_212 = arith.constant 0 : i32
      %dma_wait3A_213 = tpu.memref_slice %arg2[%dma_wait3A_211, %dma_wait3A_212] : memref<10000x128xf32, #tpu.memory_space<hbm>> -> memref<10000x128xf32, #tpu.memory_space<hbm>>
      tpu.wait_indirect_dma semaphore(%arg12 : memref<!tpu.dma_semaphore, #tpu.memory_space<semaphore_mem>>) src(%dma_wait3A_213 : memref<10000x128xf32, #tpu.memory_space<hbm>>) dst(%arg10 : memref<128x128xf32, #tpu.memory_space<vmem>>)
      %dma_wait3A_214 = arith.constant 0 : i32
      %dma_wait3A_215 = arith.constant 1 : i32
      %dma_wait3A_216 = arith.constant 0 : i32
      %dma_wait3A_217 = tpu.memref_slice %arg8[%dma_wait3A_215, %dma_wait3A_216] : memref<4x128xi32, #tpu.memory_space<vmem>> -> memref<1x128xi32, #tpu.memory_space<vmem>>
      %dma_wait3A_218 = tpu.memref_squeeze %dma_wait3A_217 : memref<1x128xi32, #tpu.memory_space<vmem>> -> memref<128xi32, #tpu.memory_space<vmem>>
      %dma_wait3A_219 = arith.constant 0 : i32
      %dma_wait3A_220 = tpu.memref_slice %arg4[%add3A, %dma_wait3A_214, %dma_wait3A_219] : memref<32x79x128xi32, #tpu.memory_space<hbm>> -> memref<1x1x128xi32, #tpu.memory_space<hbm>>
      %dma_wait3A_221 = tpu.memref_squeeze %dma_wait3A_220 : memref<1x1x128xi32, #tpu.memory_space<hbm>> -> memref<128xi32, #tpu.memory_space<hbm>>
      %dma_wait3A_222 = arith.constant 0 : i32
      %dma_wait3A_223 = tpu.memref_slice %arg8[%dma_wait3A_215, %dma_wait3A_222] : memref<4x128xi32, #tpu.memory_space<vmem>> -> memref<1x128xi32, #tpu.memory_space<vmem>>
      %dma_wait3A_224 = tpu.memref_squeeze %dma_wait3A_223 : memref<1x128xi32, #tpu.memory_space<vmem>> -> memref<128xi32, #tpu.memory_space<vmem>>
      %dma_wait3A_225 = arith.constant 0 : i32
      %dma_wait3A_226 = tpu.memref_slice %arg4[%add3A, %dma_wait3A_214, %dma_wait3A_225] : memref<32x79x128xi32, #tpu.memory_space<hbm>> -> memref<1x1x128xi32, #tpu.memory_space<hbm>>
      %dma_wait3A_227 = tpu.memref_squeeze %dma_wait3A_226 : memref<1x1x128xi32, #tpu.memory_space<hbm>> -> memref<128xi32, #tpu.memory_space<hbm>>
      tpu.wait_dma2 semaphore(%arg14 : memref<!tpu.dma_semaphore, #tpu.memory_space<semaphore_mem>>) src(%dma_wait3A_227 : memref<128xi32, #tpu.memory_space<hbm>>) dst(%dma_wait3A_224 : memref<128xi32, #tpu.memory_space<vmem>>)
      %run_scoped3A_228 = arith.constant 1 : i32
      "tpu.region"() ({
        %run_scoped3A_318 = tpu.sem_alloc : memref<!tpu.dma_semaphore, #tpu.memory_space<semaphore_mem>>
        %dma_start3A_319 = arith.constant 0 : i32
        %dma_start3A_320 = tpu.memref_slice %arg8[%run_scoped3A_228, %dma_start3A_319] : memref<4x128xi32, #tpu.memory_space<vmem>> -> memref<1x128xi32, #tpu.memory_space<vmem>>
        %dma_start3A_321 = tpu.memref_squeeze %dma_start3A_320 : memref<1x128xi32, #tpu.memory_space<vmem>> -> memref<128xi32, #tpu.memory_space<vmem>>
        %dma_start3A_322 = arith.constant 0 : i32
        %dma_start3A_323 = arith.constant 0 : i32
        %dma_start3A_324 = tpu.memref_slice %arg17[%dma_start3A_322, %dma_start3A_323] : memref<10112x128xf32, #tpu.memory_space<vmem_shared>> -> memref<10112x128xf32, #tpu.memory_space<vmem_shared>>
        tpu.enqueue_indirect_dma source(%arg10 : memref<128x128xf32, #tpu.memory_space<vmem>>) target(%dma_start3A_324 : memref<10112x128xf32, #tpu.memory_space<vmem_shared>>) offsets(%dma_start3A_321 : memref<128xi32, #tpu.memory_space<vmem>>) semaphore(%run_scoped3A_318 : memref<!tpu.dma_semaphore, #tpu.memory_space<semaphore_mem>>) {add = true}
        %dma_wait3A_325 = arith.constant 0 : i32
        %dma_wait3A_326 = tpu.memref_slice %arg8[%run_scoped3A_228, %dma_wait3A_325] : memref<4x128xi32, #tpu.memory_space<vmem>> -> memref<1x128xi32, #tpu.memory_space<vmem>>
        %dma_wait3A_327 = tpu.memref_squeeze %dma_wait3A_326 : memref<1x128xi32, #tpu.memory_space<vmem>> -> memref<128xi32, #tpu.memory_space<vmem>>
        %dma_wait3A_328 = arith.constant 0 : i32
        %dma_wait3A_329 = arith.constant 0 : i32
        %dma_wait3A_330 = tpu.memref_slice %arg17[%dma_wait3A_328, %dma_wait3A_329] : memref<10112x128xf32, #tpu.memory_space<vmem_shared>> -> memref<10112x128xf32, #tpu.memory_space<vmem_shared>>
        tpu.wait_indirect_dma semaphore(%run_scoped3A_318 : memref<!tpu.dma_semaphore, #tpu.memory_space<semaphore_mem>>) src(%arg10 : memref<128x128xf32, #tpu.memory_space<vmem>>) dst(%dma_wait3A_330 : memref<10112x128xf32, #tpu.memory_space<vmem_shared>>)
        tpu.yield
      }) : () -> ()
      %add3A_229 = arith.constant 4 : i32
      %add3A_230 = arith.addi %add3A_196, %add3A_229 : i32
      %lt3A_231 = arith.constant 79 : i32
      %lt3A_232 = arith.cmpi slt, %add3A_230, %lt3A_231 : i32
      %convert_element_type3A_233 = arith.extui %lt3A_232 : i1 to i32
      %cond3A_234 = arith.constant 0 : i32
      %cond3A_235 = arith.cmpi ne, %convert_element_type3A_233, %cond3A_234 : i32
      scf.if %cond3A_235 {
        %add3A_318 = arith.constant 4 : i32
        %add3A_319 = arith.addi %add3A_196, %add3A_318 : i32
        %dma_start3A_320 = arith.constant 1 : i32
        %dma_start3A_321 = arith.constant 0 : i32
        %dma_start3A_322 = tpu.memref_slice %arg8[%dma_start3A_320, %dma_start3A_321] : memref<4x128xi32, #tpu.memory_space<vmem>> -> memref<1x128xi32, #tpu.memory_space<vmem>>
        %dma_start3A_323 = tpu.memref_squeeze %dma_start3A_322 : memref<1x128xi32, #tpu.memory_space<vmem>> -> memref<128xi32, #tpu.memory_space<vmem>>
        %dma_start3A_324 = arith.constant 0 : i32
        %dma_start3A_325 = tpu.memref_slice %arg4[%add3A, %add3A_319, %dma_start3A_324] : memref<32x79x128xi32, #tpu.memory_space<hbm>> -> memref<1x1x128xi32, #tpu.memory_space<hbm>>
        %dma_start3A_326 = tpu.memref_squeeze %dma_start3A_325 : memref<1x1x128xi32, #tpu.memory_space<hbm>> -> memref<128xi32, #tpu.memory_space<hbm>>
        %dma_start3A_327 = arith.constant 0 : i32
        %dma_start3A_328 = tpu.memref_slice %arg8[%dma_start3A_320, %dma_start3A_327] : memref<4x128xi32, #tpu.memory_space<vmem>> -> memref<1x128xi32, #tpu.memory_space<vmem>>
        %dma_start3A_329 = tpu.memref_squeeze %dma_start3A_328 : memref<1x128xi32, #tpu.memory_space<vmem>> -> memref<128xi32, #tpu.memory_space<vmem>>
        %dma_start3A_330 = arith.constant 0 : i32
        %dma_start3A_331 = tpu.memref_slice %arg4[%add3A, %add3A_319, %dma_start3A_330] : memref<32x79x128xi32, #tpu.memory_space<hbm>> -> memref<1x1x128xi32, #tpu.memory_space<hbm>>
        %dma_start3A_332 = tpu.memref_squeeze %dma_start3A_331 : memref<1x1x128xi32, #tpu.memory_space<hbm>> -> memref<128xi32, #tpu.memory_space<hbm>>
        tpu.enqueue_dma source(%dma_start3A_332 : memref<128xi32, #tpu.memory_space<hbm>>) target(%dma_start3A_329 : memref<128xi32, #tpu.memory_space<vmem>>) target_semaphore(%arg14 : memref<!tpu.dma_semaphore, #tpu.memory_space<semaphore_mem>>)
      } else {
      }
      %add3A_236 = arith.constant 2 : i32
      %add3A_237 = arith.addi %mul3A_157, %add3A_236 : i32
      %add3A_238 = arith.constant 1 : i32
      %add3A_239 = arith.addi %add3A_237, %add3A_238 : i32
      %min3A_240 = arith.constant 78 : i32
      %min3A_241 = arith.minsi %add3A_239, %min3A_240 : i32
      %dma_start3A_242 = arith.constant 0 : i32
      %dma_start3A_243 = tpu.memref_slice %arg7[%min3A_241, %dma_start3A_242] : memref<79x128xi32, #tpu.memory_space<vmem>> -> memref<1x128xi32, #tpu.memory_space<vmem>>
      %dma_start3A_244 = tpu.memref_squeeze %dma_start3A_243 : memref<1x128xi32, #tpu.memory_space<vmem>> -> memref<128xi32, #tpu.memory_space<vmem>>
      %dma_start3A_245 = arith.constant 0 : i32
      %dma_start3A_246 = arith.constant 0 : i32
      %dma_start3A_247 = tpu.memref_slice %arg2[%dma_start3A_245, %dma_start3A_246] : memref<10000x128xf32, #tpu.memory_space<hbm>> -> memref<10000x128xf32, #tpu.memory_space<hbm>>
      tpu.enqueue_indirect_dma source(%dma_start3A_247 : memref<10000x128xf32, #tpu.memory_space<hbm>>) target(%arg10 : memref<128x128xf32, #tpu.memory_space<vmem>>) offsets(%dma_start3A_244 : memref<128xi32, #tpu.memory_space<vmem>>) semaphore(%arg12 : memref<!tpu.dma_semaphore, #tpu.memory_space<semaphore_mem>>)
      %dma_wait3A_248 = arith.constant 0 : i32
      %dma_wait3A_249 = arith.constant 0 : i32
      %dma_wait3A_250 = tpu.memref_slice %arg7[%dma_wait3A_248, %dma_wait3A_249] : memref<79x128xi32, #tpu.memory_space<vmem>> -> memref<1x128xi32, #tpu.memory_space<vmem>>
      %dma_wait3A_251 = tpu.memref_squeeze %dma_wait3A_250 : memref<1x128xi32, #tpu.memory_space<vmem>> -> memref<128xi32, #tpu.memory_space<vmem>>
      %dma_wait3A_252 = arith.constant 0 : i32
      %dma_wait3A_253 = arith.constant 0 : i32
      %dma_wait3A_254 = tpu.memref_slice %arg2[%dma_wait3A_252, %dma_wait3A_253] : memref<10000x128xf32, #tpu.memory_space<hbm>> -> memref<10000x128xf32, #tpu.memory_space<hbm>>
      tpu.wait_indirect_dma semaphore(%arg11 : memref<!tpu.dma_semaphore, #tpu.memory_space<semaphore_mem>>) src(%dma_wait3A_254 : memref<10000x128xf32, #tpu.memory_space<hbm>>) dst(%arg9 : memref<128x128xf32, #tpu.memory_space<vmem>>)
      %dma_wait3A_255 = arith.constant 0 : i32
      %dma_wait3A_256 = arith.constant 2 : i32
      %dma_wait3A_257 = arith.constant 0 : i32
      %dma_wait3A_258 = tpu.memref_slice %arg8[%dma_wait3A_256, %dma_wait3A_257] : memref<4x128xi32, #tpu.memory_space<vmem>> -> memref<1x128xi32, #tpu.memory_space<vmem>>
      %dma_wait3A_259 = tpu.memref_squeeze %dma_wait3A_258 : memref<1x128xi32, #tpu.memory_space<vmem>> -> memref<128xi32, #tpu.memory_space<vmem>>
      %dma_wait3A_260 = arith.constant 0 : i32
      %dma_wait3A_261 = tpu.memref_slice %arg4[%add3A, %dma_wait3A_255, %dma_wait3A_260] : memref<32x79x128xi32, #tpu.memory_space<hbm>> -> memref<1x1x128xi32, #tpu.memory_space<hbm>>
      %dma_wait3A_262 = tpu.memref_squeeze %dma_wait3A_261 : memref<1x1x128xi32, #tpu.memory_space<hbm>> -> memref<128xi32, #tpu.memory_space<hbm>>
      %dma_wait3A_263 = arith.constant 0 : i32
      %dma_wait3A_264 = tpu.memref_slice %arg8[%dma_wait3A_256, %dma_wait3A_263] : memref<4x128xi32, #tpu.memory_space<vmem>> -> memref<1x128xi32, #tpu.memory_space<vmem>>
      %dma_wait3A_265 = tpu.memref_squeeze %dma_wait3A_264 : memref<1x128xi32, #tpu.memory_space<vmem>> -> memref<128xi32, #tpu.memory_space<vmem>>
      %dma_wait3A_266 = arith.constant 0 : i32
      %dma_wait3A_267 = tpu.memref_slice %arg4[%add3A, %dma_wait3A_255, %dma_wait3A_266] : memref<32x79x128xi32, #tpu.memory_space<hbm>> -> memref<1x1x128xi32, #tpu.memory_space<hbm>>
      %dma_wait3A_268 = tpu.memref_squeeze %dma_wait3A_267 : memref<1x1x128xi32, #tpu.memory_space<hbm>> -> memref<128xi32, #tpu.memory_space<hbm>>
      tpu.wait_dma2 semaphore(%arg15 : memref<!tpu.dma_semaphore, #tpu.memory_space<semaphore_mem>>) src(%dma_wait3A_268 : memref<128xi32, #tpu.memory_space<hbm>>) dst(%dma_wait3A_265 : memref<128xi32, #tpu.memory_space<vmem>>)
      %run_scoped3A_269 = arith.constant 2 : i32
      "tpu.region"() ({
        %run_scoped3A_318 = tpu.sem_alloc : memref<!tpu.dma_semaphore, #tpu.memory_space<semaphore_mem>>
        %dma_start3A_319 = arith.constant 0 : i32
        %dma_start3A_320 = tpu.memref_slice %arg8[%run_scoped3A_269, %dma_start3A_319] : memref<4x128xi32, #tpu.memory_space<vmem>> -> memref<1x128xi32, #tpu.memory_space<vmem>>
        %dma_start3A_321 = tpu.memref_squeeze %dma_start3A_320 : memref<1x128xi32, #tpu.memory_space<vmem>> -> memref<128xi32, #tpu.memory_space<vmem>>
        %dma_start3A_322 = arith.constant 0 : i32
        %dma_start3A_323 = arith.constant 0 : i32
        %dma_start3A_324 = tpu.memref_slice %arg17[%dma_start3A_322, %dma_start3A_323] : memref<10112x128xf32, #tpu.memory_space<vmem_shared>> -> memref<10112x128xf32, #tpu.memory_space<vmem_shared>>
        tpu.enqueue_indirect_dma source(%arg9 : memref<128x128xf32, #tpu.memory_space<vmem>>) target(%dma_start3A_324 : memref<10112x128xf32, #tpu.memory_space<vmem_shared>>) offsets(%dma_start3A_321 : memref<128xi32, #tpu.memory_space<vmem>>) semaphore(%run_scoped3A_318 : memref<!tpu.dma_semaphore, #tpu.memory_space<semaphore_mem>>) {add = true}
        %dma_wait3A_325 = arith.constant 0 : i32
        %dma_wait3A_326 = tpu.memref_slice %arg8[%run_scoped3A_269, %dma_wait3A_325] : memref<4x128xi32, #tpu.memory_space<vmem>> -> memref<1x128xi32, #tpu.memory_space<vmem>>
        %dma_wait3A_327 = tpu.memref_squeeze %dma_wait3A_326 : memref<1x128xi32, #tpu.memory_space<vmem>> -> memref<128xi32, #tpu.memory_space<vmem>>
        %dma_wait3A_328 = arith.constant 0 : i32
        %dma_wait3A_329 = arith.constant 0 : i32
        %dma_wait3A_330 = tpu.memref_slice %arg17[%dma_wait3A_328, %dma_wait3A_329] : memref<10112x128xf32, #tpu.memory_space<vmem_shared>> -> memref<10112x128xf32, #tpu.memory_space<vmem_shared>>
        tpu.wait_indirect_dma semaphore(%run_scoped3A_318 : memref<!tpu.dma_semaphore, #tpu.memory_space<semaphore_mem>>) src(%arg9 : memref<128x128xf32, #tpu.memory_space<vmem>>) dst(%dma_wait3A_330 : memref<10112x128xf32, #tpu.memory_space<vmem_shared>>)
        tpu.yield
      }) : () -> ()
      %add3A_270 = arith.constant 4 : i32
      %add3A_271 = arith.addi %add3A_237, %add3A_270 : i32
      %lt3A_272 = arith.constant 79 : i32
      %lt3A_273 = arith.cmpi slt, %add3A_271, %lt3A_272 : i32
      %convert_element_type3A_274 = arith.extui %lt3A_273 : i1 to i32
      %cond3A_275 = arith.constant 0 : i32
      %cond3A_276 = arith.cmpi ne, %convert_element_type3A_274, %cond3A_275 : i32
      scf.if %cond3A_276 {
        %add3A_318 = arith.constant 4 : i32
        %add3A_319 = arith.addi %add3A_237, %add3A_318 : i32
        %dma_start3A_320 = arith.constant 2 : i32
        %dma_start3A_321 = arith.constant 0 : i32
        %dma_start3A_322 = tpu.memref_slice %arg8[%dma_start3A_320, %dma_start3A_321] : memref<4x128xi32, #tpu.memory_space<vmem>> -> memref<1x128xi32, #tpu.memory_space<vmem>>
        %dma_start3A_323 = tpu.memref_squeeze %dma_start3A_322 : memref<1x128xi32, #tpu.memory_space<vmem>> -> memref<128xi32, #tpu.memory_space<vmem>>
        %dma_start3A_324 = arith.constant 0 : i32
        %dma_start3A_325 = tpu.memref_slice %arg4[%add3A, %add3A_319, %dma_start3A_324] : memref<32x79x128xi32, #tpu.memory_space<hbm>> -> memref<1x1x128xi32, #tpu.memory_space<hbm>>
        %dma_start3A_326 = tpu.memref_squeeze %dma_start3A_325 : memref<1x1x128xi32, #tpu.memory_space<hbm>> -> memref<128xi32, #tpu.memory_space<hbm>>
        %dma_start3A_327 = arith.constant 0 : i32
        %dma_start3A_328 = tpu.memref_slice %arg8[%dma_start3A_320, %dma_start3A_327] : memref<4x128xi32, #tpu.memory_space<vmem>> -> memref<1x128xi32, #tpu.memory_space<vmem>>
        %dma_start3A_329 = tpu.memref_squeeze %dma_start3A_328 : memref<1x128xi32, #tpu.memory_space<vmem>> -> memref<128xi32, #tpu.memory_space<vmem>>
        %dma_start3A_330 = arith.constant 0 : i32
        %dma_start3A_331 = tpu.memref_slice %arg4[%add3A, %add3A_319, %dma_start3A_330] : memref<32x79x128xi32, #tpu.memory_space<hbm>> -> memref<1x1x128xi32, #tpu.memory_space<hbm>>
        %dma_start3A_332 = tpu.memref_squeeze %dma_start3A_331 : memref<1x1x128xi32, #tpu.memory_space<hbm>> -> memref<128xi32, #tpu.memory_space<hbm>>
        tpu.enqueue_dma source(%dma_start3A_332 : memref<128xi32, #tpu.memory_space<hbm>>) target(%dma_start3A_329 : memref<128xi32, #tpu.memory_space<vmem>>) target_semaphore(%arg15 : memref<!tpu.dma_semaphore, #tpu.memory_space<semaphore_mem>>)
      } else {
      }
      %add3A_277 = arith.constant 3 : i32
      %add3A_278 = arith.addi %mul3A_157, %add3A_277 : i32
      %add3A_279 = arith.constant 1 : i32
      %add3A_280 = arith.addi %add3A_278, %add3A_279 : i32
      %min3A_281 = arith.constant 78 : i32
      %min3A_282 = arith.minsi %add3A_280, %min3A_281 : i32
      %dma_start3A_283 = arith.constant 0 : i32
      %dma_start3A_284 = tpu.memref_slice %arg7[%min3A_282, %dma_start3A_283] : memref<79x128xi32, #tpu.memory_space<vmem>> -> memref<1x128xi32, #tpu.memory_space<vmem>>
      %dma_start3A_285 = tpu.memref_squeeze %dma_start3A_284 : memref<1x128xi32, #tpu.memory_space<vmem>> -> memref<128xi32, #tpu.memory_space<vmem>>
      %dma_start3A_286 = arith.constant 0 : i32
      %dma_start3A_287 = arith.constant 0 : i32
      %dma_start3A_288 = tpu.memref_slice %arg2[%dma_start3A_286, %dma_start3A_287] : memref<10000x128xf32, #tpu.memory_space<hbm>> -> memref<10000x128xf32, #tpu.memory_space<hbm>>
      tpu.enqueue_indirect_dma source(%dma_start3A_288 : memref<10000x128xf32, #tpu.memory_space<hbm>>) target(%arg9 : memref<128x128xf32, #tpu.memory_space<vmem>>) offsets(%dma_start3A_285 : memref<128xi32, #tpu.memory_space<vmem>>) semaphore(%arg11 : memref<!tpu.dma_semaphore, #tpu.memory_space<semaphore_mem>>)
      %dma_wait3A_289 = arith.constant 0 : i32
      %dma_wait3A_290 = arith.constant 0 : i32
      %dma_wait3A_291 = tpu.memref_slice %arg7[%dma_wait3A_289, %dma_wait3A_290] : memref<79x128xi32, #tpu.memory_space<vmem>> -> memref<1x128xi32, #tpu.memory_space<vmem>>
      %dma_wait3A_292 = tpu.memref_squeeze %dma_wait3A_291 : memref<1x128xi32, #tpu.memory_space<vmem>> -> memref<128xi32, #tpu.memory_space<vmem>>
      %dma_wait3A_293 = arith.constant 0 : i32
      %dma_wait3A_294 = arith.constant 0 : i32
      %dma_wait3A_295 = tpu.memref_slice %arg2[%dma_wait3A_293, %dma_wait3A_294] : memref<10000x128xf32, #tpu.memory_space<hbm>> -> memref<10000x128xf32, #tpu.memory_space<hbm>>
      tpu.wait_indirect_dma semaphore(%arg12 : memref<!tpu.dma_semaphore, #tpu.memory_space<semaphore_mem>>) src(%dma_wait3A_295 : memref<10000x128xf32, #tpu.memory_space<hbm>>) dst(%arg10 : memref<128x128xf32, #tpu.memory_space<vmem>>)
      %dma_wait3A_296 = arith.constant 0 : i32
      %dma_wait3A_297 = arith.constant 3 : i32
      %dma_wait3A_298 = arith.constant 0 : i32
      %dma_wait3A_299 = tpu.memref_slice %arg8[%dma_wait3A_297, %dma_wait3A_298] : memref<4x128xi32, #tpu.memory_space<vmem>> -> memref<1x128xi32, #tpu.memory_space<vmem>>
      %dma_wait3A_300 = tpu.memref_squeeze %dma_wait3A_299 : memref<1x128xi32, #tpu.memory_space<vmem>> -> memref<128xi32, #tpu.memory_space<vmem>>
      %dma_wait3A_301 = arith.constant 0 : i32
      %dma_wait3A_302 = tpu.memref_slice %arg4[%add3A, %dma_wait3A_296, %dma_wait3A_301] : memref<32x79x128xi32, #tpu.memory_space<hbm>> -> memref<1x1x128xi32, #tpu.memory_space<hbm>>
      %dma_wait3A_303 = tpu.memref_squeeze %dma_wait3A_302 : memref<1x1x128xi32, #tpu.memory_space<hbm>> -> memref<128xi32, #tpu.memory_space<hbm>>
      %dma_wait3A_304 = arith.constant 0 : i32
      %dma_wait3A_305 = tpu.memref_slice %arg8[%dma_wait3A_297, %dma_wait3A_304] : memref<4x128xi32, #tpu.memory_space<vmem>> -> memref<1x128xi32, #tpu.memory_space<vmem>>
      %dma_wait3A_306 = tpu.memref_squeeze %dma_wait3A_305 : memref<1x128xi32, #tpu.memory_space<vmem>> -> memref<128xi32, #tpu.memory_space<vmem>>
      %dma_wait3A_307 = arith.constant 0 : i32
      %dma_wait3A_308 = tpu.memref_slice %arg4[%add3A, %dma_wait3A_296, %dma_wait3A_307] : memref<32x79x128xi32, #tpu.memory_space<hbm>> -> memref<1x1x128xi32, #tpu.memory_space<hbm>>
      %dma_wait3A_309 = tpu.memref_squeeze %dma_wait3A_308 : memref<1x1x128xi32, #tpu.memory_space<hbm>> -> memref<128xi32, #tpu.memory_space<hbm>>
      tpu.wait_dma2 semaphore(%arg16 : memref<!tpu.dma_semaphore, #tpu.memory_space<semaphore_mem>>) src(%dma_wait3A_309 : memref<128xi32, #tpu.memory_space<hbm>>) dst(%dma_wait3A_306 : memref<128xi32, #tpu.memory_space<vmem>>)
      %run_scoped3A_310 = arith.constant 3 : i32
      "tpu.region"() ({
        %run_scoped3A_318 = tpu.sem_alloc : memref<!tpu.dma_semaphore, #tpu.memory_space<semaphore_mem>>
        %dma_start3A_319 = arith.constant 0 : i32
        %dma_start3A_320 = tpu.memref_slice %arg8[%run_scoped3A_310, %dma_start3A_319] : memref<4x128xi32, #tpu.memory_space<vmem>> -> memref<1x128xi32, #tpu.memory_space<vmem>>
        %dma_start3A_321 = tpu.memref_squeeze %dma_start3A_320 : memref<1x128xi32, #tpu.memory_space<vmem>> -> memref<128xi32, #tpu.memory_space<vmem>>
        %dma_start3A_322 = arith.constant 0 : i32
        %dma_start3A_323 = arith.constant 0 : i32
        %dma_start3A_324 = tpu.memref_slice %arg17[%dma_start3A_322, %dma_start3A_323] : memref<10112x128xf32, #tpu.memory_space<vmem_shared>> -> memref<10112x128xf32, #tpu.memory_space<vmem_shared>>
        tpu.enqueue_indirect_dma source(%arg10 : memref<128x128xf32, #tpu.memory_space<vmem>>) target(%dma_start3A_324 : memref<10112x128xf32, #tpu.memory_space<vmem_shared>>) offsets(%dma_start3A_321 : memref<128xi32, #tpu.memory_space<vmem>>) semaphore(%run_scoped3A_318 : memref<!tpu.dma_semaphore, #tpu.memory_space<semaphore_mem>>) {add = true}
        %dma_wait3A_325 = arith.constant 0 : i32
        %dma_wait3A_326 = tpu.memref_slice %arg8[%run_scoped3A_310, %dma_wait3A_325] : memref<4x128xi32, #tpu.memory_space<vmem>> -> memref<1x128xi32, #tpu.memory_space<vmem>>
        %dma_wait3A_327 = tpu.memref_squeeze %dma_wait3A_326 : memref<1x128xi32, #tpu.memory_space<vmem>> -> memref<128xi32, #tpu.memory_space<vmem>>
        %dma_wait3A_328 = arith.constant 0 : i32
        %dma_wait3A_329 = arith.constant 0 : i32
        %dma_wait3A_330 = tpu.memref_slice %arg17[%dma_wait3A_328, %dma_wait3A_329] : memref<10112x128xf32, #tpu.memory_space<vmem_shared>> -> memref<10112x128xf32, #tpu.memory_space<vmem_shared>>
        tpu.wait_indirect_dma semaphore(%run_scoped3A_318 : memref<!tpu.dma_semaphore, #tpu.memory_space<semaphore_mem>>) src(%arg10 : memref<128x128xf32, #tpu.memory_space<vmem>>) dst(%dma_wait3A_330 : memref<10112x128xf32, #tpu.memory_space<vmem_shared>>)
        tpu.yield
      }) : () -> ()
      %add3A_311 = arith.constant 4 : i32
      %add3A_312 = arith.addi %add3A_278, %add3A_311 : i32
      %lt3A_313 = arith.constant 79 : i32
      %lt3A_314 = arith.cmpi slt, %add3A_312, %lt3A_313 : i32
      %convert_element_type3A_315 = arith.extui %lt3A_314 : i1 to i32
      %cond3A_316 = arith.constant 0 : i32
      %cond3A_317 = arith.cmpi ne, %convert_element_type3A_315, %cond3A_316 : i32
      scf.if %cond3A_317 {
        %add3A_318 = arith.constant 4 : i32
        %add3A_319 = arith.addi %add3A_278, %add3A_318 : i32
        %dma_start3A_320 = arith.constant 3 : i32
        %dma_start3A_321 = arith.constant 0 : i32
        %dma_start3A_322 = tpu.memref_slice %arg8[%dma_start3A_320, %dma_start3A_321] : memref<4x128xi32, #tpu.memory_space<vmem>> -> memref<1x128xi32, #tpu.memory_space<vmem>>
        %dma_start3A_323 = tpu.memref_squeeze %dma_start3A_322 : memref<1x128xi32, #tpu.memory_space<vmem>> -> memref<128xi32, #tpu.memory_space<vmem>>
        %dma_start3A_324 = arith.constant 0 : i32
        %dma_start3A_325 = tpu.memref_slice %arg4[%add3A, %add3A_319, %dma_start3A_324] : memref<32x79x128xi32, #tpu.memory_space<hbm>> -> memref<1x1x128xi32, #tpu.memory_space<hbm>>
        %dma_start3A_326 = tpu.memref_squeeze %dma_start3A_325 : memref<1x1x128xi32, #tpu.memory_space<hbm>> -> memref<128xi32, #tpu.memory_space<hbm>>
        %dma_start3A_327 = arith.constant 0 : i32
        %dma_start3A_328 = tpu.memref_slice %arg8[%dma_start3A_320, %dma_start3A_327] : memref<4x128xi32, #tpu.memory_space<vmem>> -> memref<1x128xi32, #tpu.memory_space<vmem>>
        %dma_start3A_329 = tpu.memref_squeeze %dma_start3A_328 : memref<1x128xi32, #tpu.memory_space<vmem>> -> memref<128xi32, #tpu.memory_space<vmem>>
        %dma_start3A_330 = arith.constant 0 : i32
        %dma_start3A_331 = tpu.memref_slice %arg4[%add3A, %add3A_319, %dma_start3A_330] : memref<32x79x128xi32, #tpu.memory_space<hbm>> -> memref<1x1x128xi32, #tpu.memory_space<hbm>>
        %dma_start3A_332 = tpu.memref_squeeze %dma_start3A_331 : memref<1x1x128xi32, #tpu.memory_space<hbm>> -> memref<128xi32, #tpu.memory_space<hbm>>
        tpu.enqueue_dma source(%dma_start3A_332 : memref<128xi32, #tpu.memory_space<hbm>>) target(%dma_start3A_329 : memref<128xi32, #tpu.memory_space<vmem>>) target_semaphore(%arg16 : memref<!tpu.dma_semaphore, #tpu.memory_space<semaphore_mem>>)
      } else {
      }
    }
    %scan3A_71 = arith.constant 19 : i32
    %dma_start3A_72 = arith.constant 77 : i32
    %dma_start3A_73 = arith.constant 0 : i32
    %dma_start3A_74 = tpu.memref_slice %arg7[%dma_start3A_72, %dma_start3A_73] : memref<79x128xi32, #tpu.memory_space<vmem>> -> memref<1x128xi32, #tpu.memory_space<vmem>>
    %dma_start3A_75 = tpu.memref_squeeze %dma_start3A_74 : memref<1x128xi32, #tpu.memory_space<vmem>> -> memref<128xi32, #tpu.memory_space<vmem>>
    %dma_start3A_76 = arith.constant 0 : i32
    %dma_start3A_77 = arith.constant 0 : i32
    %dma_start3A_78 = tpu.memref_slice %arg2[%dma_start3A_76, %dma_start3A_77] : memref<10000x128xf32, #tpu.memory_space<hbm>> -> memref<10000x128xf32, #tpu.memory_space<hbm>>
    tpu.enqueue_indirect_dma source(%dma_start3A_78 : memref<10000x128xf32, #tpu.memory_space<hbm>>) target(%arg10 : memref<128x128xf32, #tpu.memory_space<vmem>>) offsets(%dma_start3A_75 : memref<128xi32, #tpu.memory_space<vmem>>) semaphore(%arg12 : memref<!tpu.dma_semaphore, #tpu.memory_space<semaphore_mem>>)
    %dma_wait3A = arith.constant 0 : i32
    %dma_wait3A_79 = arith.constant 0 : i32
    %dma_wait3A_80 = tpu.memref_slice %arg7[%dma_wait3A, %dma_wait3A_79] : memref<79x128xi32, #tpu.memory_space<vmem>> -> memref<1x128xi32, #tpu.memory_space<vmem>>
    %dma_wait3A_81 = tpu.memref_squeeze %dma_wait3A_80 : memref<1x128xi32, #tpu.memory_space<vmem>> -> memref<128xi32, #tpu.memory_space<vmem>>
    %dma_wait3A_82 = arith.constant 0 : i32
    %dma_wait3A_83 = arith.constant 0 : i32
    %dma_wait3A_84 = tpu.memref_slice %arg2[%dma_wait3A_82, %dma_wait3A_83] : memref<10000x128xf32, #tpu.memory_space<hbm>> -> memref<10000x128xf32, #tpu.memory_space<hbm>>
    tpu.wait_indirect_dma semaphore(%arg11 : memref<!tpu.dma_semaphore, #tpu.memory_space<semaphore_mem>>) src(%dma_wait3A_84 : memref<10000x128xf32, #tpu.memory_space<hbm>>) dst(%arg9 : memref<128x128xf32, #tpu.memory_space<vmem>>)
    %dma_wait3A_85 = arith.constant 0 : i32
    %dma_wait3A_86 = arith.constant 0 : i32
    %dma_wait3A_87 = arith.constant 0 : i32
    %dma_wait3A_88 = tpu.memref_slice %arg8[%dma_wait3A_86, %dma_wait3A_87] : memref<4x128xi32, #tpu.memory_space<vmem>> -> memref<1x128xi32, #tpu.memory_space<vmem>>
    %dma_wait3A_89 = tpu.memref_squeeze %dma_wait3A_88 : memref<1x128xi32, #tpu.memory_space<vmem>> -> memref<128xi32, #tpu.memory_space<vmem>>
    %dma_wait3A_90 = arith.constant 0 : i32
    %dma_wait3A_91 = tpu.memref_slice %arg4[%add3A, %dma_wait3A_85, %dma_wait3A_90] : memref<32x79x128xi32, #tpu.memory_space<hbm>> -> memref<1x1x128xi32, #tpu.memory_space<hbm>>
    %dma_wait3A_92 = tpu.memref_squeeze %dma_wait3A_91 : memref<1x1x128xi32, #tpu.memory_space<hbm>> -> memref<128xi32, #tpu.memory_space<hbm>>
    %dma_wait3A_93 = arith.constant 0 : i32
    %dma_wait3A_94 = tpu.memref_slice %arg8[%dma_wait3A_86, %dma_wait3A_93] : memref<4x128xi32, #tpu.memory_space<vmem>> -> memref<1x128xi32, #tpu.memory_space<vmem>>
    %dma_wait3A_95 = tpu.memref_squeeze %dma_wait3A_94 : memref<1x128xi32, #tpu.memory_space<vmem>> -> memref<128xi32, #tpu.memory_space<vmem>>
    %dma_wait3A_96 = arith.constant 0 : i32
    %dma_wait3A_97 = tpu.memref_slice %arg4[%add3A, %dma_wait3A_85, %dma_wait3A_96] : memref<32x79x128xi32, #tpu.memory_space<hbm>> -> memref<1x1x128xi32, #tpu.memory_space<hbm>>
    %dma_wait3A_98 = tpu.memref_squeeze %dma_wait3A_97 : memref<1x1x128xi32, #tpu.memory_space<hbm>> -> memref<128xi32, #tpu.memory_space<hbm>>
    tpu.wait_dma2 semaphore(%arg13 : memref<!tpu.dma_semaphore, #tpu.memory_space<semaphore_mem>>) src(%dma_wait3A_98 : memref<128xi32, #tpu.memory_space<hbm>>) dst(%dma_wait3A_95 : memref<128xi32, #tpu.memory_space<vmem>>)
    %run_scoped3A = arith.constant 0 : i32
    "tpu.region"() ({
      %run_scoped3A_155 = tpu.sem_alloc : memref<!tpu.dma_semaphore, #tpu.memory_space<semaphore_mem>>
      %dma_start3A_156 = arith.constant 0 : i32
      %dma_start3A_157 = tpu.memref_slice %arg8[%run_scoped3A, %dma_start3A_156] : memref<4x128xi32, #tpu.memory_space<vmem>> -> memref<1x128xi32, #tpu.memory_space<vmem>>
      %dma_start3A_158 = tpu.memref_squeeze %dma_start3A_157 : memref<1x128xi32, #tpu.memory_space<vmem>> -> memref<128xi32, #tpu.memory_space<vmem>>
      %dma_start3A_159 = arith.constant 0 : i32
      %dma_start3A_160 = arith.constant 0 : i32
      %dma_start3A_161 = tpu.memref_slice %arg17[%dma_start3A_159, %dma_start3A_160] : memref<10112x128xf32, #tpu.memory_space<vmem_shared>> -> memref<10112x128xf32, #tpu.memory_space<vmem_shared>>
      tpu.enqueue_indirect_dma source(%arg9 : memref<128x128xf32, #tpu.memory_space<vmem>>) target(%dma_start3A_161 : memref<10112x128xf32, #tpu.memory_space<vmem_shared>>) offsets(%dma_start3A_158 : memref<128xi32, #tpu.memory_space<vmem>>) semaphore(%run_scoped3A_155 : memref<!tpu.dma_semaphore, #tpu.memory_space<semaphore_mem>>) {add = true}
      %dma_wait3A_162 = arith.constant 0 : i32
      %dma_wait3A_163 = tpu.memref_slice %arg8[%run_scoped3A, %dma_wait3A_162] : memref<4x128xi32, #tpu.memory_space<vmem>> -> memref<1x128xi32, #tpu.memory_space<vmem>>
      %dma_wait3A_164 = tpu.memref_squeeze %dma_wait3A_163 : memref<1x128xi32, #tpu.memory_space<vmem>> -> memref<128xi32, #tpu.memory_space<vmem>>
      %dma_wait3A_165 = arith.constant 0 : i32
      %dma_wait3A_166 = arith.constant 0 : i32
      %dma_wait3A_167 = tpu.memref_slice %arg17[%dma_wait3A_165, %dma_wait3A_166] : memref<10112x128xf32, #tpu.memory_space<vmem_shared>> -> memref<10112x128xf32, #tpu.memory_space<vmem_shared>>
      tpu.wait_indirect_dma semaphore(%run_scoped3A_155 : memref<!tpu.dma_semaphore, #tpu.memory_space<semaphore_mem>>) src(%arg9 : memref<128x128xf32, #tpu.memory_space<vmem>>) dst(%dma_wait3A_167 : memref<10112x128xf32, #tpu.memory_space<vmem_shared>>)
      tpu.yield
    }) : () -> ()
    %dma_start3A_99 = arith.constant 78 : i32
    %dma_start3A_100 = arith.constant 0 : i32
    %dma_start3A_101 = tpu.memref_slice %arg7[%dma_start3A_99, %dma_start3A_100] : memref<79x128xi32, #tpu.memory_space<vmem>> -> memref<1x128xi32, #tpu.memory_space<vmem>>
    %dma_start3A_102 = tpu.memref_squeeze %dma_start3A_101 : memref<1x128xi32, #tpu.memory_space<vmem>> -> memref<128xi32, #tpu.memory_space<vmem>>
    %dma_start3A_103 = arith.constant 0 : i32
    %dma_start3A_104 = arith.constant 0 : i32
    %dma_start3A_105 = tpu.memref_slice %arg2[%dma_start3A_103, %dma_start3A_104] : memref<10000x128xf32, #tpu.memory_space<hbm>> -> memref<10000x128xf32, #tpu.memory_space<hbm>>
    tpu.enqueue_indirect_dma source(%dma_start3A_105 : memref<10000x128xf32, #tpu.memory_space<hbm>>) target(%arg9 : memref<128x128xf32, #tpu.memory_space<vmem>>) offsets(%dma_start3A_102 : memref<128xi32, #tpu.memory_space<vmem>>) semaphore(%arg11 : memref<!tpu.dma_semaphore, #tpu.memory_space<semaphore_mem>>)
    %dma_wait3A_106 = arith.constant 0 : i32
    %dma_wait3A_107 = arith.constant 0 : i32
    %dma_wait3A_108 = tpu.memref_slice %arg7[%dma_wait3A_106, %dma_wait3A_107] : memref<79x128xi32, #tpu.memory_space<vmem>> -> memref<1x128xi32, #tpu.memory_space<vmem>>
    %dma_wait3A_109 = tpu.memref_squeeze %dma_wait3A_108 : memref<1x128xi32, #tpu.memory_space<vmem>> -> memref<128xi32, #tpu.memory_space<vmem>>
    %dma_wait3A_110 = arith.constant 0 : i32
    %dma_wait3A_111 = arith.constant 0 : i32
    %dma_wait3A_112 = tpu.memref_slice %arg2[%dma_wait3A_110, %dma_wait3A_111] : memref<10000x128xf32, #tpu.memory_space<hbm>> -> memref<10000x128xf32, #tpu.memory_space<hbm>>
    tpu.wait_indirect_dma semaphore(%arg12 : memref<!tpu.dma_semaphore, #tpu.memory_space<semaphore_mem>>) src(%dma_wait3A_112 : memref<10000x128xf32, #tpu.memory_space<hbm>>) dst(%arg10 : memref<128x128xf32, #tpu.memory_space<vmem>>)
    %dma_wait3A_113 = arith.constant 0 : i32
    %dma_wait3A_114 = arith.constant 1 : i32
    %dma_wait3A_115 = arith.constant 0 : i32
    %dma_wait3A_116 = tpu.memref_slice %arg8[%dma_wait3A_114, %dma_wait3A_115] : memref<4x128xi32, #tpu.memory_space<vmem>> -> memref<1x128xi32, #tpu.memory_space<vmem>>
    %dma_wait3A_117 = tpu.memref_squeeze %dma_wait3A_116 : memref<1x128xi32, #tpu.memory_space<vmem>> -> memref<128xi32, #tpu.memory_space<vmem>>
    %dma_wait3A_118 = arith.constant 0 : i32
    %dma_wait3A_119 = tpu.memref_slice %arg4[%add3A, %dma_wait3A_113, %dma_wait3A_118] : memref<32x79x128xi32, #tpu.memory_space<hbm>> -> memref<1x1x128xi32, #tpu.memory_space<hbm>>
    %dma_wait3A_120 = tpu.memref_squeeze %dma_wait3A_119 : memref<1x1x128xi32, #tpu.memory_space<hbm>> -> memref<128xi32, #tpu.memory_space<hbm>>
    %dma_wait3A_121 = arith.constant 0 : i32
    %dma_wait3A_122 = tpu.memref_slice %arg8[%dma_wait3A_114, %dma_wait3A_121] : memref<4x128xi32, #tpu.memory_space<vmem>> -> memref<1x128xi32, #tpu.memory_space<vmem>>
    %dma_wait3A_123 = tpu.memref_squeeze %dma_wait3A_122 : memref<1x128xi32, #tpu.memory_space<vmem>> -> memref<128xi32, #tpu.memory_space<vmem>>
    %dma_wait3A_124 = arith.constant 0 : i32
    %dma_wait3A_125 = tpu.memref_slice %arg4[%add3A, %dma_wait3A_113, %dma_wait3A_124] : memref<32x79x128xi32, #tpu.memory_space<hbm>> -> memref<1x1x128xi32, #tpu.memory_space<hbm>>
    %dma_wait3A_126 = tpu.memref_squeeze %dma_wait3A_125 : memref<1x1x128xi32, #tpu.memory_space<hbm>> -> memref<128xi32, #tpu.memory_space<hbm>>
    tpu.wait_dma2 semaphore(%arg14 : memref<!tpu.dma_semaphore, #tpu.memory_space<semaphore_mem>>) src(%dma_wait3A_126 : memref<128xi32, #tpu.memory_space<hbm>>) dst(%dma_wait3A_123 : memref<128xi32, #tpu.memory_space<vmem>>)
    %run_scoped3A_127 = arith.constant 1 : i32
    "tpu.region"() ({
      %run_scoped3A_155 = tpu.sem_alloc : memref<!tpu.dma_semaphore, #tpu.memory_space<semaphore_mem>>
      %dma_start3A_156 = arith.constant 0 : i32
      %dma_start3A_157 = tpu.memref_slice %arg8[%run_scoped3A_127, %dma_start3A_156] : memref<4x128xi32, #tpu.memory_space<vmem>> -> memref<1x128xi32, #tpu.memory_space<vmem>>
      %dma_start3A_158 = tpu.memref_squeeze %dma_start3A_157 : memref<1x128xi32, #tpu.memory_space<vmem>> -> memref<128xi32, #tpu.memory_space<vmem>>
      %dma_start3A_159 = arith.constant 0 : i32
      %dma_start3A_160 = arith.constant 0 : i32
      %dma_start3A_161 = tpu.memref_slice %arg17[%dma_start3A_159, %dma_start3A_160] : memref<10112x128xf32, #tpu.memory_space<vmem_shared>> -> memref<10112x128xf32, #tpu.memory_space<vmem_shared>>
      tpu.enqueue_indirect_dma source(%arg10 : memref<128x128xf32, #tpu.memory_space<vmem>>) target(%dma_start3A_161 : memref<10112x128xf32, #tpu.memory_space<vmem_shared>>) offsets(%dma_start3A_158 : memref<128xi32, #tpu.memory_space<vmem>>) semaphore(%run_scoped3A_155 : memref<!tpu.dma_semaphore, #tpu.memory_space<semaphore_mem>>) {add = true}
      %dma_wait3A_162 = arith.constant 0 : i32
      %dma_wait3A_163 = tpu.memref_slice %arg8[%run_scoped3A_127, %dma_wait3A_162] : memref<4x128xi32, #tpu.memory_space<vmem>> -> memref<1x128xi32, #tpu.memory_space<vmem>>
      %dma_wait3A_164 = tpu.memref_squeeze %dma_wait3A_163 : memref<1x128xi32, #tpu.memory_space<vmem>> -> memref<128xi32, #tpu.memory_space<vmem>>
      %dma_wait3A_165 = arith.constant 0 : i32
      %dma_wait3A_166 = arith.constant 0 : i32
      %dma_wait3A_167 = tpu.memref_slice %arg17[%dma_wait3A_165, %dma_wait3A_166] : memref<10112x128xf32, #tpu.memory_space<vmem_shared>> -> memref<10112x128xf32, #tpu.memory_space<vmem_shared>>
      tpu.wait_indirect_dma semaphore(%run_scoped3A_155 : memref<!tpu.dma_semaphore, #tpu.memory_space<semaphore_mem>>) src(%arg10 : memref<128x128xf32, #tpu.memory_space<vmem>>) dst(%dma_wait3A_167 : memref<10112x128xf32, #tpu.memory_space<vmem_shared>>)
      tpu.yield
    }) : () -> ()
    %dma_wait3A_128 = arith.constant 0 : i32
    %dma_wait3A_129 = arith.constant 0 : i32
    %dma_wait3A_130 = tpu.memref_slice %arg7[%dma_wait3A_128, %dma_wait3A_129] : memref<79x128xi32, #tpu.memory_space<vmem>> -> memref<1x128xi32, #tpu.memory_space<vmem>>
    %dma_wait3A_131 = tpu.memref_squeeze %dma_wait3A_130 : memref<1x128xi32, #tpu.memory_space<vmem>> -> memref<128xi32, #tpu.memory_space<vmem>>
    %dma_wait3A_132 = arith.constant 0 : i32
    %dma_wait3A_133 = arith.constant 0 : i32
    %dma_wait3A_134 = tpu.memref_slice %arg2[%dma_wait3A_132, %dma_wait3A_133] : memref<10000x128xf32, #tpu.memory_space<hbm>> -> memref<10000x128xf32, #tpu.memory_space<hbm>>
    tpu.wait_indirect_dma semaphore(%arg11 : memref<!tpu.dma_semaphore, #tpu.memory_space<semaphore_mem>>) src(%dma_wait3A_134 : memref<10000x128xf32, #tpu.memory_space<hbm>>) dst(%arg9 : memref<128x128xf32, #tpu.memory_space<vmem>>)
    %dma_wait3A_135 = arith.constant 0 : i32
    %dma_wait3A_136 = arith.constant 2 : i32
    %dma_wait3A_137 = arith.constant 0 : i32
    %dma_wait3A_138 = tpu.memref_slice %arg8[%dma_wait3A_136, %dma_wait3A_137] : memref<4x128xi32, #tpu.memory_space<vmem>> -> memref<1x128xi32, #tpu.memory_space<vmem>>
    %dma_wait3A_139 = tpu.memref_squeeze %dma_wait3A_138 : memref<1x128xi32, #tpu.memory_space<vmem>> -> memref<128xi32, #tpu.memory_space<vmem>>
    %dma_wait3A_140 = arith.constant 0 : i32
    %dma_wait3A_141 = tpu.memref_slice %arg4[%add3A, %dma_wait3A_135, %dma_wait3A_140] : memref<32x79x128xi32, #tpu.memory_space<hbm>> -> memref<1x1x128xi32, #tpu.memory_space<hbm>>
    %dma_wait3A_142 = tpu.memref_squeeze %dma_wait3A_141 : memref<1x1x128xi32, #tpu.memory_space<hbm>> -> memref<128xi32, #tpu.memory_space<hbm>>
    %dma_wait3A_143 = arith.constant 0 : i32
    %dma_wait3A_144 = tpu.memref_slice %arg8[%dma_wait3A_136, %dma_wait3A_143] : memref<4x128xi32, #tpu.memory_space<vmem>> -> memref<1x128xi32, #tpu.memory_space<vmem>>
    %dma_wait3A_145 = tpu.memref_squeeze %dma_wait3A_144 : memref<1x128xi32, #tpu.memory_space<vmem>> -> memref<128xi32, #tpu.memory_space<vmem>>
    %dma_wait3A_146 = arith.constant 0 : i32
    %dma_wait3A_147 = tpu.memref_slice %arg4[%add3A, %dma_wait3A_135, %dma_wait3A_146] : memref<32x79x128xi32, #tpu.memory_space<hbm>> -> memref<1x1x128xi32, #tpu.memory_space<hbm>>
    %dma_wait3A_148 = tpu.memref_squeeze %dma_wait3A_147 : memref<1x1x128xi32, #tpu.memory_space<hbm>> -> memref<128xi32, #tpu.memory_space<hbm>>
    tpu.wait_dma2 semaphore(%arg15 : memref<!tpu.dma_semaphore, #tpu.memory_space<semaphore_mem>>) src(%dma_wait3A_148 : memref<128xi32, #tpu.memory_space<hbm>>) dst(%dma_wait3A_145 : memref<128xi32, #tpu.memory_space<vmem>>)
    %run_scoped3A_149 = arith.constant 2 : i32
    "tpu.region"() ({
      %run_scoped3A_155 = tpu.sem_alloc : memref<!tpu.dma_semaphore, #tpu.memory_space<semaphore_mem>>
      %dma_start3A_156 = arith.constant 0 : i32
      %dma_start3A_157 = tpu.memref_slice %arg8[%run_scoped3A_149, %dma_start3A_156] : memref<4x128xi32, #tpu.memory_space<vmem>> -> memref<1x128xi32, #tpu.memory_space<vmem>>
      %dma_start3A_158 = tpu.memref_squeeze %dma_start3A_157 : memref<1x128xi32, #tpu.memory_space<vmem>> -> memref<128xi32, #tpu.memory_space<vmem>>
      %dma_start3A_159 = arith.constant 0 : i32
      %dma_start3A_160 = arith.constant 0 : i32
      %dma_start3A_161 = tpu.memref_slice %arg17[%dma_start3A_159, %dma_start3A_160] : memref<10112x128xf32, #tpu.memory_space<vmem_shared>> -> memref<10112x128xf32, #tpu.memory_space<vmem_shared>>
      tpu.enqueue_indirect_dma source(%arg9 : memref<128x128xf32, #tpu.memory_space<vmem>>) target(%dma_start3A_161 : memref<10112x128xf32, #tpu.memory_space<vmem_shared>>) offsets(%dma_start3A_158 : memref<128xi32, #tpu.memory_space<vmem>>) semaphore(%run_scoped3A_155 : memref<!tpu.dma_semaphore, #tpu.memory_space<semaphore_mem>>) {add = true}
      %dma_wait3A_162 = arith.constant 0 : i32
      %dma_wait3A_163 = tpu.memref_slice %arg8[%run_scoped3A_149, %dma_wait3A_162] : memref<4x128xi32, #tpu.memory_space<vmem>> -> memref<1x128xi32, #tpu.memory_space<vmem>>
      %dma_wait3A_164 = tpu.memref_squeeze %dma_wait3A_163 : memref<1x128xi32, #tpu.memory_space<vmem>> -> memref<128xi32, #tpu.memory_space<vmem>>
      %dma_wait3A_165 = arith.constant 0 : i32
      %dma_wait3A_166 = arith.constant 0 : i32
      %dma_wait3A_167 = tpu.memref_slice %arg17[%dma_wait3A_165, %dma_wait3A_166] : memref<10112x128xf32, #tpu.memory_space<vmem_shared>> -> memref<10112x128xf32, #tpu.memory_space<vmem_shared>>
      tpu.wait_indirect_dma semaphore(%run_scoped3A_155 : memref<!tpu.dma_semaphore, #tpu.memory_space<semaphore_mem>>) src(%arg9 : memref<128x128xf32, #tpu.memory_space<vmem>>) dst(%dma_wait3A_167 : memref<10112x128xf32, #tpu.memory_space<vmem_shared>>)
      tpu.yield
    }) : () -> ()
    %barrier3A_150 = arith.constant 0 : index
    tpu.barrier barrier_id(%barrier3A_150)
    %mul3A_151 = arith.constant 632 : i32
    %mul3A_152 = arith.muli %arg1, %mul3A_151 : i32
    %mul3A_153 = arith.constant 632 : i32
    %mul3A_154 = arith.muli %arg1, %mul3A_153 : i32
    "tpu.region"() ({
      %run_scoped3A_155 = tpu.sem_alloc : memref<!tpu.dma_semaphore, #tpu.memory_space<semaphore_mem>>
      %dma_start3A_156 = arith.constant 0 : i32
      %dma_start3A_157 = tpu.memref_slice %arg6[%arg0, %mul3A_154, %dma_start3A_156] : memref<2x10112x128xf32, #tpu.memory_space<hbm>> -> memref<1x632x128xf32, #tpu.memory_space<hbm>>
      %dma_start3A_158 = tpu.memref_squeeze %dma_start3A_157 : memref<1x632x128xf32, #tpu.memory_space<hbm>> -> memref<632x128xf32, #tpu.memory_space<hbm>>
      %dma_start3A_159 = arith.constant 0 : i32
      %dma_start3A_160 = tpu.memref_slice %arg17[%mul3A_152, %dma_start3A_159] : memref<10112x128xf32, #tpu.memory_space<vmem_shared>> -> memref<632x128xf32, #tpu.memory_space<vmem_shared>>
      tpu.enqueue_dma source(%dma_start3A_160 : memref<632x128xf32, #tpu.memory_space<vmem_shared>>) target(%dma_start3A_158 : memref<632x128xf32, #tpu.memory_space<hbm>>) target_semaphore(%run_scoped3A_155 : memref<!tpu.dma_semaphore, #tpu.memory_space<semaphore_mem>>)
      %dma_wait3A_161 = arith.constant 0 : i32
      %dma_wait3A_162 = tpu.memref_slice %arg6[%arg0, %mul3A_154, %dma_wait3A_161] : memref<2x10112x128xf32, #tpu.memory_space<hbm>> -> memref<1x632x128xf32, #tpu.memory_space<hbm>>
      %dma_wait3A_163 = tpu.memref_squeeze %dma_wait3A_162 : memref<1x632x128xf32, #tpu.memory_space<hbm>> -> memref<632x128xf32, #tpu.memory_space<hbm>>
      %dma_wait3A_164 = arith.constant 0 : i32
      %dma_wait3A_165 = tpu.memref_slice %arg17[%mul3A_152, %dma_wait3A_164] : memref<10112x128xf32, #tpu.memory_space<vmem_shared>> -> memref<632x128xf32, #tpu.memory_space<vmem_shared>>
      tpu.wait_dma2 semaphore(%run_scoped3A_155 : memref<!tpu.dma_semaphore, #tpu.memory_space<semaphore_mem>>) src(%dma_wait3A_165 : memref<632x128xf32, #tpu.memory_space<vmem_shared>>) dst(%dma_wait3A_163 : memref<632x128xf32, #tpu.memory_space<hbm>>)
      tpu.yield
    }) : () -> ()
    return
  }
}

#map = affine_map<(d0, d1) -> (0, 0)>
#map1 = affine_map<(d0, d1) -> (0, 0, 0)>
module attributes {stable_mosaic.version = 14 : i64} {
  func.func @_agg_body(%arg0: i32, %arg1: i32, %arg2: memref<10000x128xf32, #tpu.memory_space<hbm>>, %arg3: memref<32x79x128xi32, #tpu.memory_space<hbm>>, %arg4: memref<32x79x128xi32, #tpu.memory_space<hbm>>, %arg5: memref<10112x128xf32, #tpu.memory_space<hbm>>, %arg6: memref<2x10112x128xf32, #tpu.memory_space<hbm>>, %arg7: memref<79x128xi32, #tpu.memory_space<vmem>>, %arg8: memref<4x128xi32, #tpu.memory_space<vmem>>, %arg9: memref<128x128xf32, #tpu.memory_space<vmem>>, %arg10: memref<128x128xf32, #tpu.memory_space<vmem>>, %arg11: memref<!tpu.dma_semaphore, #tpu.memory_space<semaphore_mem>>, %arg12: memref<!tpu.dma_semaphore, #tpu.memory_space<semaphore_mem>>, %arg13: memref<!tpu.dma_semaphore, #tpu.memory_space<semaphore_mem>>, %arg14: memref<!tpu.dma_semaphore, #tpu.memory_space<semaphore_mem>>, %arg15: memref<!tpu.dma_semaphore, #tpu.memory_space<semaphore_mem>>, %arg16: memref<!tpu.dma_semaphore, #tpu.memory_space<semaphore_mem>>, %arg17: memref<10112x128xf32, #tpu.memory_space<vmem_shared>>) attributes {dimension_semantics = [#tpu.dimension_semantics<core_parallel>, #tpu.dimension_semantics<subcore_parallel>], iteration_bounds = array<i64: 2, 16>, scalar_prefetch = 0 : i64, scratch_operands = 11 : i64, tpu.core_type = #tpu.core_type<sc_vector_subcore>, window_params = [{transform_indices = #map}, {transform_indices = #map1}, {transform_indices = #map1}, {transform_indices = #map}, {transform_indices = #map1}]} {
    %mul3A = arith.constant 16 : i32
    %mul3A_0 = arith.muli %arg0, %mul3A : i32
    %add3A = arith.addi %mul3A_0, %arg1 : i32
    %mul3A_1 = arith.constant 632 : i32
    %mul3A_2 = arith.muli %arg1, %mul3A_1 : i32
    %mul3A_3 = arith.constant 632 : i32
    %mul3A_4 = arith.muli %arg1, %mul3A_3 : i32
    "tpu.region"() ({
      %run_scoped3A_155 = tpu.sem_alloc : memref<!tpu.dma_semaphore, #tpu.memory_space<semaphore_mem>>
      %dma_start3A_156 = arith.constant 0 : i32
      %dma_start3A_157 = tpu.memref_slice %arg17[%mul3A_4, %dma_start3A_156] : memref<10112x128xf32, #tpu.memory_space<vmem_shared>> -> memref<632x128xf32, #tpu.memory_space<vmem_shared>>
      %dma_start3A_158 = arith.constant 0 : i32
      %dma_start3A_159 = tpu.memref_slice %arg5[%mul3A_2, %dma_start3A_158] : memref<10112x128xf32, #tpu.memory_space<hbm>> -> memref<632x128xf32, #tpu.memory_space<hbm>>
      tpu.enqueue_dma source(%dma_start3A_159 : memref<632x128xf32, #tpu.memory_space<hbm>>) target(%dma_start3A_157 : memref<632x128xf32, #tpu.memory_space<vmem_shared>>) target_semaphore(%run_scoped3A_155 : memref<!tpu.dma_semaphore, #tpu.memory_space<semaphore_mem>>)
      %dma_wait3A_160 = arith.constant 0 : i32
      %dma_wait3A_161 = tpu.memref_slice %arg17[%mul3A_4, %dma_wait3A_160] : memref<10112x128xf32, #tpu.memory_space<vmem_shared>> -> memref<632x128xf32, #tpu.memory_space<vmem_shared>>
      %dma_wait3A_162 = arith.constant 0 : i32
      %dma_wait3A_163 = tpu.memref_slice %arg5[%mul3A_2, %dma_wait3A_162] : memref<10112x128xf32, #tpu.memory_space<hbm>> -> memref<632x128xf32, #tpu.memory_space<hbm>>
      tpu.wait_dma2 semaphore(%run_scoped3A_155 : memref<!tpu.dma_semaphore, #tpu.memory_space<semaphore_mem>>) src(%dma_wait3A_163 : memref<632x128xf32, #tpu.memory_space<hbm>>) dst(%dma_wait3A_161 : memref<632x128xf32, #tpu.memory_space<vmem_shared>>)
      tpu.yield
    }) : () -> ()
    "tpu.region"() ({
      %run_scoped3A_155 = tpu.sem_alloc : memref<!tpu.dma_semaphore, #tpu.memory_space<semaphore_mem>>
      %dma_start3A_156 = arith.constant 0 : i32
      %dma_start3A_157 = arith.constant 0 : i32
      %dma_start3A_158 = tpu.memref_slice %arg3[%add3A, %dma_start3A_156, %dma_start3A_157] : memref<32x79x128xi32, #tpu.memory_space<hbm>> -> memref<1x79x128xi32, #tpu.memory_space<hbm>>
      %dma_start3A_159 = tpu.memref_squeeze %dma_start3A_158 : memref<1x79x128xi32, #tpu.memory_space<hbm>> -> memref<79x128xi32, #tpu.memory_space<hbm>>
      %dma_start3A_160 = arith.constant 0 : i32
      %dma_start3A_161 = arith.constant 0 : i32
      %dma_start3A_162 = tpu.memref_slice %arg3[%add3A, %dma_start3A_160, %dma_start3A_161] : memref<32x79x128xi32, #tpu.memory_space<hbm>> -> memref<1x79x128xi32, #tpu.memory_space<hbm>>
      %dma_start3A_163 = tpu.memref_squeeze %dma_start3A_162 : memref<1x79x128xi32, #tpu.memory_space<hbm>> -> memref<79x128xi32, #tpu.memory_space<hbm>>
      tpu.enqueue_dma source(%dma_start3A_163 : memref<79x128xi32, #tpu.memory_space<hbm>>) target(%arg7 : memref<79x128xi32, #tpu.memory_space<vmem>>) target_semaphore(%run_scoped3A_155 : memref<!tpu.dma_semaphore, #tpu.memory_space<semaphore_mem>>)
      %dma_wait3A_164 = arith.constant 0 : i32
      %dma_wait3A_165 = arith.constant 0 : i32
      %dma_wait3A_166 = tpu.memref_slice %arg3[%add3A, %dma_wait3A_164, %dma_wait3A_165] : memref<32x79x128xi32, #tpu.memory_space<hbm>> -> memref<1x79x128xi32, #tpu.memory_space<hbm>>
      %dma_wait3A_167 = tpu.memref_squeeze %dma_wait3A_166 : memref<1x79x128xi32, #tpu.memory_space<hbm>> -> memref<79x128xi32, #tpu.memory_space<hbm>>
      %dma_wait3A_168 = arith.constant 0 : i32
      %dma_wait3A_169 = arith.constant 0 : i32
      %dma_wait3A_170 = tpu.memref_slice %arg3[%add3A, %dma_wait3A_168, %dma_wait3A_169] : memref<32x79x128xi32, #tpu.memory_space<hbm>> -> memref<1x79x128xi32, #tpu.memory_space<hbm>>
      %dma_wait3A_171 = tpu.memref_squeeze %dma_wait3A_170 : memref<1x79x128xi32, #tpu.memory_space<hbm>> -> memref<79x128xi32, #tpu.memory_space<hbm>>
      tpu.wait_dma2 semaphore(%run_scoped3A_155 : memref<!tpu.dma_semaphore, #tpu.memory_space<semaphore_mem>>) src(%dma_wait3A_171 : memref<79x128xi32, #tpu.memory_space<hbm>>) dst(%arg7 : memref<79x128xi32, #tpu.memory_space<vmem>>)
      tpu.yield
    }) : () -> ()
    %barrier3A = arith.constant 0 : index
    tpu.barrier barrier_id(%barrier3A)
    %dma_start3A = arith.constant 0 : i32
    %dma_start3A_5 = arith.constant 0 : i32
    %dma_start3A_6 = arith.constant 0 : i32
    %dma_start3A_7 = tpu.memref_slice %arg8[%dma_start3A_5, %dma_start3A_6] : memref<4x128xi32, #tpu.memory_space<vmem>> -> memref<1x128xi32, #tpu.memory_space<vmem>>
    %dma_start3A_8 = tpu.memref_squeeze %dma_start3A_7 : memref<1x128xi32, #tpu.memory_space<vmem>> -> memref<128xi32, #tpu.memory_space<vmem>>
    %dma_start3A_9 = arith.constant 0 : i32
    %dma_start3A_10 = tpu.memref_slice %arg4[%add3A, %dma_start3A, %dma_start3A_9] : memref<32x79x128xi32, #tpu.memory_space<hbm>> -> memref<1x1x128xi32, #tpu.memory_space<hbm>>
    %dma_start3A_11 = tpu.memref_squeeze %dma_start3A_10 : memref<1x1x128xi32, #tpu.memory_space<hbm>> -> memref<128xi32, #tpu.memory_space<hbm>>
    %dma_start3A_12 = arith.constant 0 : i32
    %dma_start3A_13 = tpu.memref_slice %arg8[%dma_start3A_5, %dma_start3A_12] : memref<4x128xi32, #tpu.memory_space<vmem>> -> memref<1x128xi32, #tpu.memory_space<vmem>>
    %dma_start3A_14 = tpu.memref_squeeze %dma_start3A_13 : memref<1x128xi32, #tpu.memory_space<vmem>> -> memref<128xi32, #tpu.memory_space<vmem>>
    %dma_start3A_15 = arith.constant 0 : i32
    %dma_start3A_16 = tpu.memref_slice %arg4[%add3A, %dma_start3A, %dma_start3A_15] : memref<32x79x128xi32, #tpu.memory_space<hbm>> -> memref<1x1x128xi32, #tpu.memory_space<hbm>>
    %dma_start3A_17 = tpu.memref_squeeze %dma_start3A_16 : memref<1x1x128xi32, #tpu.memory_space<hbm>> -> memref<128xi32, #tpu.memory_space<hbm>>
    tpu.enqueue_dma source(%dma_start3A_17 : memref<128xi32, #tpu.memory_space<hbm>>) target(%dma_start3A_14 : memref<128xi32, #tpu.memory_space<vmem>>) target_semaphore(%arg13 : memref<!tpu.dma_semaphore, #tpu.memory_space<semaphore_mem>>)
    %dma_start3A_18 = arith.constant 1 : i32
    %dma_start3A_19 = arith.constant 1 : i32
    %dma_start3A_20 = arith.constant 0 : i32
    %dma_start3A_21 = tpu.memref_slice %arg8[%dma_start3A_19, %dma_start3A_20] : memref<4x128xi32, #tpu.memory_space<vmem>> -> memref<1x128xi32, #tpu.memory_space<vmem>>
    %dma_start3A_22 = tpu.memref_squeeze %dma_start3A_21 : memref<1x128xi32, #tpu.memory_space<vmem>> -> memref<128xi32, #tpu.memory_space<vmem>>
    %dma_start3A_23 = arith.constant 0 : i32
    %dma_start3A_24 = tpu.memref_slice %arg4[%add3A, %dma_start3A_18, %dma_start3A_23] : memref<32x79x128xi32, #tpu.memory_space<hbm>> -> memref<1x1x128xi32, #tpu.memory_space<hbm>>
    %dma_start3A_25 = tpu.memref_squeeze %dma_start3A_24 : memref<1x1x128xi32, #tpu.memory_space<hbm>> -> memref<128xi32, #tpu.memory_space<hbm>>
    %dma_start3A_26 = arith.constant 0 : i32
    %dma_start3A_27 = tpu.memref_slice %arg8[%dma_start3A_19, %dma_start3A_26] : memref<4x128xi32, #tpu.memory_space<vmem>> -> memref<1x128xi32, #tpu.memory_space<vmem>>
    %dma_start3A_28 = tpu.memref_squeeze %dma_start3A_27 : memref<1x128xi32, #tpu.memory_space<vmem>> -> memref<128xi32, #tpu.memory_space<vmem>>
    %dma_start3A_29 = arith.constant 0 : i32
    %dma_start3A_30 = tpu.memref_slice %arg4[%add3A, %dma_start3A_18, %dma_start3A_29] : memref<32x79x128xi32, #tpu.memory_space<hbm>> -> memref<1x1x128xi32, #tpu.memory_space<hbm>>
    %dma_start3A_31 = tpu.memref_squeeze %dma_start3A_30 : memref<1x1x128xi32, #tpu.memory_space<hbm>> -> memref<128xi32, #tpu.memory_space<hbm>>
    tpu.enqueue_dma source(%dma_start3A_31 : memref<128xi32, #tpu.memory_space<hbm>>) target(%dma_start3A_28 : memref<128xi32, #tpu.memory_space<vmem>>) target_semaphore(%arg14 : memref<!tpu.dma_semaphore, #tpu.memory_space<semaphore_mem>>)
    %dma_start3A_32 = arith.constant 2 : i32
    %dma_start3A_33 = arith.constant 2 : i32
    %dma_start3A_34 = arith.constant 0 : i32
    %dma_start3A_35 = tpu.memref_slice %arg8[%dma_start3A_33, %dma_start3A_34] : memref<4x128xi32, #tpu.memory_space<vmem>> -> memref<1x128xi32, #tpu.memory_space<vmem>>
    %dma_start3A_36 = tpu.memref_squeeze %dma_start3A_35 : memref<1x128xi32, #tpu.memory_space<vmem>> -> memref<128xi32, #tpu.memory_space<vmem>>
    %dma_start3A_37 = arith.constant 0 : i32
    %dma_start3A_38 = tpu.memref_slice %arg4[%add3A, %dma_start3A_32, %dma_start3A_37] : memref<32x79x128xi32, #tpu.memory_space<hbm>> -> memref<1x1x128xi32, #tpu.memory_space<hbm>>
    %dma_start3A_39 = tpu.memref_squeeze %dma_start3A_38 : memref<1x1x128xi32, #tpu.memory_space<hbm>> -> memref<128xi32, #tpu.memory_space<hbm>>
    %dma_start3A_40 = arith.constant 0 : i32
    %dma_start3A_41 = tpu.memref_slice %arg8[%dma_start3A_33, %dma_start3A_40] : memref<4x128xi32, #tpu.memory_space<vmem>> -> memref<1x128xi32, #tpu.memory_space<vmem>>
    %dma_start3A_42 = tpu.memref_squeeze %dma_start3A_41 : memref<1x128xi32, #tpu.memory_space<vmem>> -> memref<128xi32, #tpu.memory_space<vmem>>
    %dma_start3A_43 = arith.constant 0 : i32
    %dma_start3A_44 = tpu.memref_slice %arg4[%add3A, %dma_start3A_32, %dma_start3A_43] : memref<32x79x128xi32, #tpu.memory_space<hbm>> -> memref<1x1x128xi32, #tpu.memory_space<hbm>>
    %dma_start3A_45 = tpu.memref_squeeze %dma_start3A_44 : memref<1x1x128xi32, #tpu.memory_space<hbm>> -> memref<128xi32, #tpu.memory_space<hbm>>
    tpu.enqueue_dma source(%dma_start3A_45 : memref<128xi32, #tpu.memory_space<hbm>>) target(%dma_start3A_42 : memref<128xi32, #tpu.memory_space<vmem>>) target_semaphore(%arg15 : memref<!tpu.dma_semaphore, #tpu.memory_space<semaphore_mem>>)
    %dma_start3A_46 = arith.constant 3 : i32
    %dma_start3A_47 = arith.constant 3 : i32
    %dma_start3A_48 = arith.constant 0 : i32
    %dma_start3A_49 = tpu.memref_slice %arg8[%dma_start3A_47, %dma_start3A_48] : memref<4x128xi32, #tpu.memory_space<vmem>> -> memref<1x128xi32, #tpu.memory_space<vmem>>
    %dma_start3A_50 = tpu.memref_squeeze %dma_start3A_49 : memref<1x128xi32, #tpu.memory_space<vmem>> -> memref<128xi32, #tpu.memory_space<vmem>>
    %dma_start3A_51 = arith.constant 0 : i32
    %dma_start3A_52 = tpu.memref_slice %arg4[%add3A, %dma_start3A_46, %dma_start3A_51] : memref<32x79x128xi32, #tpu.memory_space<hbm>> -> memref<1x1x128xi32, #tpu.memory_space<hbm>>
    %dma_start3A_53 = tpu.memref_squeeze %dma_start3A_52 : memref<1x1x128xi32, #tpu.memory_space<hbm>> -> memref<128xi32, #tpu.memory_space<hbm>>
    %dma_start3A_54 = arith.constant 0 : i32
    %dma_start3A_55 = tpu.memref_slice %arg8[%dma_start3A_47, %dma_start3A_54] : memref<4x128xi32, #tpu.memory_space<vmem>> -> memref<1x128xi32, #tpu.memory_space<vmem>>
    %dma_start3A_56 = tpu.memref_squeeze %dma_start3A_55 : memref<1x128xi32, #tpu.memory_space<vmem>> -> memref<128xi32, #tpu.memory_space<vmem>>
    %dma_start3A_57 = arith.constant 0 : i32
    %dma_start3A_58 = tpu.memref_slice %arg4[%add3A, %dma_start3A_46, %dma_start3A_57] : memref<32x79x128xi32, #tpu.memory_space<hbm>> -> memref<1x1x128xi32, #tpu.memory_space<hbm>>
    %dma_start3A_59 = tpu.memref_squeeze %dma_start3A_58 : memref<1x1x128xi32, #tpu.memory_space<hbm>> -> memref<128xi32, #tpu.memory_space<hbm>>
    tpu.enqueue_dma source(%dma_start3A_59 : memref<128xi32, #tpu.memory_space<hbm>>) target(%dma_start3A_56 : memref<128xi32, #tpu.memory_space<vmem>>) target_semaphore(%arg16 : memref<!tpu.dma_semaphore, #tpu.memory_space<semaphore_mem>>)
    %dma_start3A_60 = arith.constant 0 : i32
    %dma_start3A_61 = arith.constant 0 : i32
    %dma_start3A_62 = tpu.memref_slice %arg7[%dma_start3A_60, %dma_start3A_61] : memref<79x128xi32, #tpu.memory_space<vmem>> -> memref<1x128xi32, #tpu.memory_space<vmem>>
    %dma_start3A_63 = tpu.memref_squeeze %dma_start3A_62 : memref<1x128xi32, #tpu.memory_space<vmem>> -> memref<128xi32, #tpu.memory_space<vmem>>
    %dma_start3A_64 = arith.constant 0 : i32
    %dma_start3A_65 = arith.constant 0 : i32
    %dma_start3A_66 = tpu.memref_slice %arg2[%dma_start3A_64, %dma_start3A_65] : memref<10000x128xf32, #tpu.memory_space<hbm>> -> memref<10000x128xf32, #tpu.memory_space<hbm>>
    tpu.enqueue_indirect_dma source(%dma_start3A_66 : memref<10000x128xf32, #tpu.memory_space<hbm>>) target(%arg9 : memref<128x128xf32, #tpu.memory_space<vmem>>) offsets(%dma_start3A_63 : memref<128xi32, #tpu.memory_space<vmem>>) semaphore(%arg11 : memref<!tpu.dma_semaphore, #tpu.memory_space<semaphore_mem>>)
    %scan3A = arith.constant 0 : i32
    %scan3A_67 = arith.constant 0 : i32
    %scan3A_68 = arith.constant 19 : i32
    %scan3A_69 = arith.addi %scan3A_67, %scan3A_68 : i32
    %scan3A_70 = arith.constant 1 : i32
    scf.for %scan3A_155 = %scan3A_67 to %scan3A_69 step %scan3A_70  : i32 {
      %mul3A_156 = arith.constant 4 : i32
      %mul3A_157 = arith.muli %mul3A_156, %scan3A_155 : i32
      %add3A_158 = arith.constant 0 : i32
      %add3A_159 = arith.addi %mul3A_157, %add3A_158 : i32
      %add3A_160 = arith.constant 1 : i32
      %add3A_161 = arith.addi %add3A_159, %add3A_160 : i32
      %min3A = arith.constant 78 : i32
      %min3A_162 = arith.minsi %add3A_161, %min3A : i32
      %dma_start3A_163 = arith.constant 0 : i32
      %dma_start3A_164 = tpu.memref_slice %arg7[%min3A_162, %dma_start3A_163] : memref<79x128xi32, #tpu.memory_space<vmem>> -> memref<1x128xi32, #tpu.memory_space<vmem>>
      %dma_start3A_165 = tpu.memref_squeeze %dma_start3A_164 : memref<1x128xi32, #tpu.memory_space<vmem>> -> memref<128xi32, #tpu.memory_space<vmem>>
      %dma_start3A_166 = arith.constant 0 : i32
      %dma_start3A_167 = arith.constant 0 : i32
      %dma_start3A_168 = tpu.memref_slice %arg2[%dma_start3A_166, %dma_start3A_167] : memref<10000x128xf32, #tpu.memory_space<hbm>> -> memref<10000x128xf32, #tpu.memory_space<hbm>>
      tpu.enqueue_indirect_dma source(%dma_start3A_168 : memref<10000x128xf32, #tpu.memory_space<hbm>>) target(%arg10 : memref<128x128xf32, #tpu.memory_space<vmem>>) offsets(%dma_start3A_165 : memref<128xi32, #tpu.memory_space<vmem>>) semaphore(%arg12 : memref<!tpu.dma_semaphore, #tpu.memory_space<semaphore_mem>>)
      %dma_wait3A_169 = arith.constant 0 : i32
      %dma_wait3A_170 = arith.constant 0 : i32
      %dma_wait3A_171 = tpu.memref_slice %arg7[%dma_wait3A_169, %dma_wait3A_170] : memref<79x128xi32, #tpu.memory_space<vmem>> -> memref<1x128xi32, #tpu.memory_space<vmem>>
      %dma_wait3A_172 = tpu.memref_squeeze %dma_wait3A_171 : memref<1x128xi32, #tpu.memory_space<vmem>> -> memref<128xi32, #tpu.memory_space<vmem>>
      %dma_wait3A_173 = arith.constant 0 : i32
      %dma_wait3A_174 = arith.constant 0 : i32
      %dma_wait3A_175 = tpu.memref_slice %arg2[%dma_wait3A_173, %dma_wait3A_174] : memref<10000x128xf32, #tpu.memory_space<hbm>> -> memref<10000x128xf32, #tpu.memory_space<hbm>>
      tpu.wait_indirect_dma semaphore(%arg11 : memref<!tpu.dma_semaphore, #tpu.memory_space<semaphore_mem>>) src(%dma_wait3A_175 : memref<10000x128xf32, #tpu.memory_space<hbm>>) dst(%arg9 : memref<128x128xf32, #tpu.memory_space<vmem>>)
      %dma_wait3A_176 = arith.constant 0 : i32
      %dma_wait3A_177 = arith.constant 0 : i32
      %dma_wait3A_178 = arith.constant 0 : i32
      %dma_wait3A_179 = tpu.memref_slice %arg8[%dma_wait3A_177, %dma_wait3A_178] : memref<4x128xi32, #tpu.memory_space<vmem>> -> memref<1x128xi32, #tpu.memory_space<vmem>>
      %dma_wait3A_180 = tpu.memref_squeeze %dma_wait3A_179 : memref<1x128xi32, #tpu.memory_space<vmem>> -> memref<128xi32, #tpu.memory_space<vmem>>
      %dma_wait3A_181 = arith.constant 0 : i32
      %dma_wait3A_182 = tpu.memref_slice %arg4[%add3A, %dma_wait3A_176, %dma_wait3A_181] : memref<32x79x128xi32, #tpu.memory_space<hbm>> -> memref<1x1x128xi32, #tpu.memory_space<hbm>>
      %dma_wait3A_183 = tpu.memref_squeeze %dma_wait3A_182 : memref<1x1x128xi32, #tpu.memory_space<hbm>> -> memref<128xi32, #tpu.memory_space<hbm>>
      %dma_wait3A_184 = arith.constant 0 : i32
      %dma_wait3A_185 = tpu.memref_slice %arg8[%dma_wait3A_177, %dma_wait3A_184] : memref<4x128xi32, #tpu.memory_space<vmem>> -> memref<1x128xi32, #tpu.memory_space<vmem>>
      %dma_wait3A_186 = tpu.memref_squeeze %dma_wait3A_185 : memref<1x128xi32, #tpu.memory_space<vmem>> -> memref<128xi32, #tpu.memory_space<vmem>>
      %dma_wait3A_187 = arith.constant 0 : i32
      %dma_wait3A_188 = tpu.memref_slice %arg4[%add3A, %dma_wait3A_176, %dma_wait3A_187] : memref<32x79x128xi32, #tpu.memory_space<hbm>> -> memref<1x1x128xi32, #tpu.memory_space<hbm>>
      %dma_wait3A_189 = tpu.memref_squeeze %dma_wait3A_188 : memref<1x1x128xi32, #tpu.memory_space<hbm>> -> memref<128xi32, #tpu.memory_space<hbm>>
      tpu.wait_dma2 semaphore(%arg13 : memref<!tpu.dma_semaphore, #tpu.memory_space<semaphore_mem>>) src(%dma_wait3A_189 : memref<128xi32, #tpu.memory_space<hbm>>) dst(%dma_wait3A_186 : memref<128xi32, #tpu.memory_space<vmem>>)
      %run_scoped3A_190 = arith.constant 0 : i32
      "tpu.region"() ({
        %run_scoped3A_318 = tpu.sem_alloc : memref<!tpu.dma_semaphore, #tpu.memory_space<semaphore_mem>>
        %dma_start3A_319 = arith.constant 0 : i32
        %dma_start3A_320 = tpu.memref_slice %arg8[%run_scoped3A_190, %dma_start3A_319] : memref<4x128xi32, #tpu.memory_space<vmem>> -> memref<1x128xi32, #tpu.memory_space<vmem>>
        %dma_start3A_321 = tpu.memref_squeeze %dma_start3A_320 : memref<1x128xi32, #tpu.memory_space<vmem>> -> memref<128xi32, #tpu.memory_space<vmem>>
        %dma_start3A_322 = arith.constant 0 : i32
        %dma_start3A_323 = arith.constant 0 : i32
        %dma_start3A_324 = tpu.memref_slice %arg17[%dma_start3A_322, %dma_start3A_323] : memref<10112x128xf32, #tpu.memory_space<vmem_shared>> -> memref<10112x128xf32, #tpu.memory_space<vmem_shared>>
        tpu.enqueue_indirect_dma source(%arg9 : memref<128x128xf32, #tpu.memory_space<vmem>>) target(%dma_start3A_324 : memref<10112x128xf32, #tpu.memory_space<vmem_shared>>) offsets(%dma_start3A_321 : memref<128xi32, #tpu.memory_space<vmem>>) semaphore(%run_scoped3A_318 : memref<!tpu.dma_semaphore, #tpu.memory_space<semaphore_mem>>) {add = true}
        %dma_wait3A_325 = arith.constant 0 : i32
        %dma_wait3A_326 = tpu.memref_slice %arg8[%run_scoped3A_190, %dma_wait3A_325] : memref<4x128xi32, #tpu.memory_space<vmem>> -> memref<1x128xi32, #tpu.memory_space<vmem>>
        %dma_wait3A_327 = tpu.memref_squeeze %dma_wait3A_326 : memref<1x128xi32, #tpu.memory_space<vmem>> -> memref<128xi32, #tpu.memory_space<vmem>>
        %dma_wait3A_328 = arith.constant 0 : i32
        %dma_wait3A_329 = arith.constant 0 : i32
        %dma_wait3A_330 = tpu.memref_slice %arg17[%dma_wait3A_328, %dma_wait3A_329] : memref<10112x128xf32, #tpu.memory_space<vmem_shared>> -> memref<10112x128xf32, #tpu.memory_space<vmem_shared>>
        tpu.wait_indirect_dma semaphore(%run_scoped3A_318 : memref<!tpu.dma_semaphore, #tpu.memory_space<semaphore_mem>>) src(%arg9 : memref<128x128xf32, #tpu.memory_space<vmem>>) dst(%dma_wait3A_330 : memref<10112x128xf32, #tpu.memory_space<vmem_shared>>)
        tpu.yield
      }) : () -> ()
      %add3A_191 = arith.constant 4 : i32
      %add3A_192 = arith.addi %add3A_159, %add3A_191 : i32
      %lt3A = arith.constant 79 : i32
      %lt3A_193 = arith.cmpi slt, %add3A_192, %lt3A : i32
      %convert_element_type3A = arith.extui %lt3A_193 : i1 to i32
      %cond3A = arith.constant 0 : i32
      %cond3A_194 = arith.cmpi ne, %convert_element_type3A, %cond3A : i32
      scf.if %cond3A_194 {
        %add3A_318 = arith.constant 4 : i32
        %add3A_319 = arith.addi %add3A_159, %add3A_318 : i32
        %dma_start3A_320 = arith.constant 0 : i32
        %dma_start3A_321 = arith.constant 0 : i32
        %dma_start3A_322 = tpu.memref_slice %arg8[%dma_start3A_320, %dma_start3A_321] : memref<4x128xi32, #tpu.memory_space<vmem>> -> memref<1x128xi32, #tpu.memory_space<vmem>>
        %dma_start3A_323 = tpu.memref_squeeze %dma_start3A_322 : memref<1x128xi32, #tpu.memory_space<vmem>> -> memref<128xi32, #tpu.memory_space<vmem>>
        %dma_start3A_324 = arith.constant 0 : i32
        %dma_start3A_325 = tpu.memref_slice %arg4[%add3A, %add3A_319, %dma_start3A_324] : memref<32x79x128xi32, #tpu.memory_space<hbm>> -> memref<1x1x128xi32, #tpu.memory_space<hbm>>
        %dma_start3A_326 = tpu.memref_squeeze %dma_start3A_325 : memref<1x1x128xi32, #tpu.memory_space<hbm>> -> memref<128xi32, #tpu.memory_space<hbm>>
        %dma_start3A_327 = arith.constant 0 : i32
        %dma_start3A_328 = tpu.memref_slice %arg8[%dma_start3A_320, %dma_start3A_327] : memref<4x128xi32, #tpu.memory_space<vmem>> -> memref<1x128xi32, #tpu.memory_space<vmem>>
        %dma_start3A_329 = tpu.memref_squeeze %dma_start3A_328 : memref<1x128xi32, #tpu.memory_space<vmem>> -> memref<128xi32, #tpu.memory_space<vmem>>
        %dma_start3A_330 = arith.constant 0 : i32
        %dma_start3A_331 = tpu.memref_slice %arg4[%add3A, %add3A_319, %dma_start3A_330] : memref<32x79x128xi32, #tpu.memory_space<hbm>> -> memref<1x1x128xi32, #tpu.memory_space<hbm>>
        %dma_start3A_332 = tpu.memref_squeeze %dma_start3A_331 : memref<1x1x128xi32, #tpu.memory_space<hbm>> -> memref<128xi32, #tpu.memory_space<hbm>>
        tpu.enqueue_dma source(%dma_start3A_332 : memref<128xi32, #tpu.memory_space<hbm>>) target(%dma_start3A_329 : memref<128xi32, #tpu.memory_space<vmem>>) target_semaphore(%arg13 : memref<!tpu.dma_semaphore, #tpu.memory_space<semaphore_mem>>)
      } else {
      }
      %add3A_195 = arith.constant 1 : i32
      %add3A_196 = arith.addi %mul3A_157, %add3A_195 : i32
      %add3A_197 = arith.constant 1 : i32
      %add3A_198 = arith.addi %add3A_196, %add3A_197 : i32
      %min3A_199 = arith.constant 78 : i32
      %min3A_200 = arith.minsi %add3A_198, %min3A_199 : i32
      %dma_start3A_201 = arith.constant 0 : i32
      %dma_start3A_202 = tpu.memref_slice %arg7[%min3A_200, %dma_start3A_201] : memref<79x128xi32, #tpu.memory_space<vmem>> -> memref<1x128xi32, #tpu.memory_space<vmem>>
      %dma_start3A_203 = tpu.memref_squeeze %dma_start3A_202 : memref<1x128xi32, #tpu.memory_space<vmem>> -> memref<128xi32, #tpu.memory_space<vmem>>
      %dma_start3A_204 = arith.constant 0 : i32
      %dma_start3A_205 = arith.constant 0 : i32
      %dma_start3A_206 = tpu.memref_slice %arg2[%dma_start3A_204, %dma_start3A_205] : memref<10000x128xf32, #tpu.memory_space<hbm>> -> memref<10000x128xf32, #tpu.memory_space<hbm>>
      tpu.enqueue_indirect_dma source(%dma_start3A_206 : memref<10000x128xf32, #tpu.memory_space<hbm>>) target(%arg9 : memref<128x128xf32, #tpu.memory_space<vmem>>) offsets(%dma_start3A_203 : memref<128xi32, #tpu.memory_space<vmem>>) semaphore(%arg11 : memref<!tpu.dma_semaphore, #tpu.memory_space<semaphore_mem>>)
      %dma_wait3A_207 = arith.constant 0 : i32
      %dma_wait3A_208 = arith.constant 0 : i32
      %dma_wait3A_209 = tpu.memref_slice %arg7[%dma_wait3A_207, %dma_wait3A_208] : memref<79x128xi32, #tpu.memory_space<vmem>> -> memref<1x128xi32, #tpu.memory_space<vmem>>
      %dma_wait3A_210 = tpu.memref_squeeze %dma_wait3A_209 : memref<1x128xi32, #tpu.memory_space<vmem>> -> memref<128xi32, #tpu.memory_space<vmem>>
      %dma_wait3A_211 = arith.constant 0 : i32
      %dma_wait3A_212 = arith.constant 0 : i32
      %dma_wait3A_213 = tpu.memref_slice %arg2[%dma_wait3A_211, %dma_wait3A_212] : memref<10000x128xf32, #tpu.memory_space<hbm>> -> memref<10000x128xf32, #tpu.memory_space<hbm>>
      tpu.wait_indirect_dma semaphore(%arg12 : memref<!tpu.dma_semaphore, #tpu.memory_space<semaphore_mem>>) src(%dma_wait3A_213 : memref<10000x128xf32, #tpu.memory_space<hbm>>) dst(%arg10 : memref<128x128xf32, #tpu.memory_space<vmem>>)
      %dma_wait3A_214 = arith.constant 0 : i32
      %dma_wait3A_215 = arith.constant 1 : i32
      %dma_wait3A_216 = arith.constant 0 : i32
      %dma_wait3A_217 = tpu.memref_slice %arg8[%dma_wait3A_215, %dma_wait3A_216] : memref<4x128xi32, #tpu.memory_space<vmem>> -> memref<1x128xi32, #tpu.memory_space<vmem>>
      %dma_wait3A_218 = tpu.memref_squeeze %dma_wait3A_217 : memref<1x128xi32, #tpu.memory_space<vmem>> -> memref<128xi32, #tpu.memory_space<vmem>>
      %dma_wait3A_219 = arith.constant 0 : i32
      %dma_wait3A_220 = tpu.memref_slice %arg4[%add3A, %dma_wait3A_214, %dma_wait3A_219] : memref<32x79x128xi32, #tpu.memory_space<hbm>> -> memref<1x1x128xi32, #tpu.memory_space<hbm>>
      %dma_wait3A_221 = tpu.memref_squeeze %dma_wait3A_220 : memref<1x1x128xi32, #tpu.memory_space<hbm>> -> memref<128xi32, #tpu.memory_space<hbm>>
      %dma_wait3A_222 = arith.constant 0 : i32
      %dma_wait3A_223 = tpu.memref_slice %arg8[%dma_wait3A_215, %dma_wait3A_222] : memref<4x128xi32, #tpu.memory_space<vmem>> -> memref<1x128xi32, #tpu.memory_space<vmem>>
      %dma_wait3A_224 = tpu.memref_squeeze %dma_wait3A_223 : memref<1x128xi32, #tpu.memory_space<vmem>> -> memref<128xi32, #tpu.memory_space<vmem>>
      %dma_wait3A_225 = arith.constant 0 : i32
      %dma_wait3A_226 = tpu.memref_slice %arg4[%add3A, %dma_wait3A_214, %dma_wait3A_225] : memref<32x79x128xi32, #tpu.memory_space<hbm>> -> memref<1x1x128xi32, #tpu.memory_space<hbm>>
      %dma_wait3A_227 = tpu.memref_squeeze %dma_wait3A_226 : memref<1x1x128xi32, #tpu.memory_space<hbm>> -> memref<128xi32, #tpu.memory_space<hbm>>
      tpu.wait_dma2 semaphore(%arg14 : memref<!tpu.dma_semaphore, #tpu.memory_space<semaphore_mem>>) src(%dma_wait3A_227 : memref<128xi32, #tpu.memory_space<hbm>>) dst(%dma_wait3A_224 : memref<128xi32, #tpu.memory_space<vmem>>)
      %run_scoped3A_228 = arith.constant 1 : i32
      "tpu.region"() ({
        %run_scoped3A_318 = tpu.sem_alloc : memref<!tpu.dma_semaphore, #tpu.memory_space<semaphore_mem>>
        %dma_start3A_319 = arith.constant 0 : i32
        %dma_start3A_320 = tpu.memref_slice %arg8[%run_scoped3A_228, %dma_start3A_319] : memref<4x128xi32, #tpu.memory_space<vmem>> -> memref<1x128xi32, #tpu.memory_space<vmem>>
        %dma_start3A_321 = tpu.memref_squeeze %dma_start3A_320 : memref<1x128xi32, #tpu.memory_space<vmem>> -> memref<128xi32, #tpu.memory_space<vmem>>
        %dma_start3A_322 = arith.constant 0 : i32
        %dma_start3A_323 = arith.constant 0 : i32
        %dma_start3A_324 = tpu.memref_slice %arg17[%dma_start3A_322, %dma_start3A_323] : memref<10112x128xf32, #tpu.memory_space<vmem_shared>> -> memref<10112x128xf32, #tpu.memory_space<vmem_shared>>
        tpu.enqueue_indirect_dma source(%arg10 : memref<128x128xf32, #tpu.memory_space<vmem>>) target(%dma_start3A_324 : memref<10112x128xf32, #tpu.memory_space<vmem_shared>>) offsets(%dma_start3A_321 : memref<128xi32, #tpu.memory_space<vmem>>) semaphore(%run_scoped3A_318 : memref<!tpu.dma_semaphore, #tpu.memory_space<semaphore_mem>>) {add = true}
        %dma_wait3A_325 = arith.constant 0 : i32
        %dma_wait3A_326 = tpu.memref_slice %arg8[%run_scoped3A_228, %dma_wait3A_325] : memref<4x128xi32, #tpu.memory_space<vmem>> -> memref<1x128xi32, #tpu.memory_space<vmem>>
        %dma_wait3A_327 = tpu.memref_squeeze %dma_wait3A_326 : memref<1x128xi32, #tpu.memory_space<vmem>> -> memref<128xi32, #tpu.memory_space<vmem>>
        %dma_wait3A_328 = arith.constant 0 : i32
        %dma_wait3A_329 = arith.constant 0 : i32
        %dma_wait3A_330 = tpu.memref_slice %arg17[%dma_wait3A_328, %dma_wait3A_329] : memref<10112x128xf32, #tpu.memory_space<vmem_shared>> -> memref<10112x128xf32, #tpu.memory_space<vmem_shared>>
        tpu.wait_indirect_dma semaphore(%run_scoped3A_318 : memref<!tpu.dma_semaphore, #tpu.memory_space<semaphore_mem>>) src(%arg10 : memref<128x128xf32, #tpu.memory_space<vmem>>) dst(%dma_wait3A_330 : memref<10112x128xf32, #tpu.memory_space<vmem_shared>>)
        tpu.yield
      }) : () -> ()
      %add3A_229 = arith.constant 4 : i32
      %add3A_230 = arith.addi %add3A_196, %add3A_229 : i32
      %lt3A_231 = arith.constant 79 : i32
      %lt3A_232 = arith.cmpi slt, %add3A_230, %lt3A_231 : i32
      %convert_element_type3A_233 = arith.extui %lt3A_232 : i1 to i32
      %cond3A_234 = arith.constant 0 : i32
      %cond3A_235 = arith.cmpi ne, %convert_element_type3A_233, %cond3A_234 : i32
      scf.if %cond3A_235 {
        %add3A_318 = arith.constant 4 : i32
        %add3A_319 = arith.addi %add3A_196, %add3A_318 : i32
        %dma_start3A_320 = arith.constant 1 : i32
        %dma_start3A_321 = arith.constant 0 : i32
        %dma_start3A_322 = tpu.memref_slice %arg8[%dma_start3A_320, %dma_start3A_321] : memref<4x128xi32, #tpu.memory_space<vmem>> -> memref<1x128xi32, #tpu.memory_space<vmem>>
        %dma_start3A_323 = tpu.memref_squeeze %dma_start3A_322 : memref<1x128xi32, #tpu.memory_space<vmem>> -> memref<128xi32, #tpu.memory_space<vmem>>
        %dma_start3A_324 = arith.constant 0 : i32
        %dma_start3A_325 = tpu.memref_slice %arg4[%add3A, %add3A_319, %dma_start3A_324] : memref<32x79x128xi32, #tpu.memory_space<hbm>> -> memref<1x1x128xi32, #tpu.memory_space<hbm>>
        %dma_start3A_326 = tpu.memref_squeeze %dma_start3A_325 : memref<1x1x128xi32, #tpu.memory_space<hbm>> -> memref<128xi32, #tpu.memory_space<hbm>>
        %dma_start3A_327 = arith.constant 0 : i32
        %dma_start3A_328 = tpu.memref_slice %arg8[%dma_start3A_320, %dma_start3A_327] : memref<4x128xi32, #tpu.memory_space<vmem>> -> memref<1x128xi32, #tpu.memory_space<vmem>>
        %dma_start3A_329 = tpu.memref_squeeze %dma_start3A_328 : memref<1x128xi32, #tpu.memory_space<vmem>> -> memref<128xi32, #tpu.memory_space<vmem>>
        %dma_start3A_330 = arith.constant 0 : i32
        %dma_start3A_331 = tpu.memref_slice %arg4[%add3A, %add3A_319, %dma_start3A_330] : memref<32x79x128xi32, #tpu.memory_space<hbm>> -> memref<1x1x128xi32, #tpu.memory_space<hbm>>
        %dma_start3A_332 = tpu.memref_squeeze %dma_start3A_331 : memref<1x1x128xi32, #tpu.memory_space<hbm>> -> memref<128xi32, #tpu.memory_space<hbm>>
        tpu.enqueue_dma source(%dma_start3A_332 : memref<128xi32, #tpu.memory_space<hbm>>) target(%dma_start3A_329 : memref<128xi32, #tpu.memory_space<vmem>>) target_semaphore(%arg14 : memref<!tpu.dma_semaphore, #tpu.memory_space<semaphore_mem>>)
      } else {
      }
      %add3A_236 = arith.constant 2 : i32
      %add3A_237 = arith.addi %mul3A_157, %add3A_236 : i32
      %add3A_238 = arith.constant 1 : i32
      %add3A_239 = arith.addi %add3A_237, %add3A_238 : i32
      %min3A_240 = arith.constant 78 : i32
      %min3A_241 = arith.minsi %add3A_239, %min3A_240 : i32
      %dma_start3A_242 = arith.constant 0 : i32
      %dma_start3A_243 = tpu.memref_slice %arg7[%min3A_241, %dma_start3A_242] : memref<79x128xi32, #tpu.memory_space<vmem>> -> memref<1x128xi32, #tpu.memory_space<vmem>>
      %dma_start3A_244 = tpu.memref_squeeze %dma_start3A_243 : memref<1x128xi32, #tpu.memory_space<vmem>> -> memref<128xi32, #tpu.memory_space<vmem>>
      %dma_start3A_245 = arith.constant 0 : i32
      %dma_start3A_246 = arith.constant 0 : i32
      %dma_start3A_247 = tpu.memref_slice %arg2[%dma_start3A_245, %dma_start3A_246] : memref<10000x128xf32, #tpu.memory_space<hbm>> -> memref<10000x128xf32, #tpu.memory_space<hbm>>
      tpu.enqueue_indirect_dma source(%dma_start3A_247 : memref<10000x128xf32, #tpu.memory_space<hbm>>) target(%arg10 : memref<128x128xf32, #tpu.memory_space<vmem>>) offsets(%dma_start3A_244 : memref<128xi32, #tpu.memory_space<vmem>>) semaphore(%arg12 : memref<!tpu.dma_semaphore, #tpu.memory_space<semaphore_mem>>)
      %dma_wait3A_248 = arith.constant 0 : i32
      %dma_wait3A_249 = arith.constant 0 : i32
      %dma_wait3A_250 = tpu.memref_slice %arg7[%dma_wait3A_248, %dma_wait3A_249] : memref<79x128xi32, #tpu.memory_space<vmem>> -> memref<1x128xi32, #tpu.memory_space<vmem>>
      %dma_wait3A_251 = tpu.memref_squeeze %dma_wait3A_250 : memref<1x128xi32, #tpu.memory_space<vmem>> -> memref<128xi32, #tpu.memory_space<vmem>>
      %dma_wait3A_252 = arith.constant 0 : i32
      %dma_wait3A_253 = arith.constant 0 : i32
      %dma_wait3A_254 = tpu.memref_slice %arg2[%dma_wait3A_252, %dma_wait3A_253] : memref<10000x128xf32, #tpu.memory_space<hbm>> -> memref<10000x128xf32, #tpu.memory_space<hbm>>
      tpu.wait_indirect_dma semaphore(%arg11 : memref<!tpu.dma_semaphore, #tpu.memory_space<semaphore_mem>>) src(%dma_wait3A_254 : memref<10000x128xf32, #tpu.memory_space<hbm>>) dst(%arg9 : memref<128x128xf32, #tpu.memory_space<vmem>>)
      %dma_wait3A_255 = arith.constant 0 : i32
      %dma_wait3A_256 = arith.constant 2 : i32
      %dma_wait3A_257 = arith.constant 0 : i32
      %dma_wait3A_258 = tpu.memref_slice %arg8[%dma_wait3A_256, %dma_wait3A_257] : memref<4x128xi32, #tpu.memory_space<vmem>> -> memref<1x128xi32, #tpu.memory_space<vmem>>
      %dma_wait3A_259 = tpu.memref_squeeze %dma_wait3A_258 : memref<1x128xi32, #tpu.memory_space<vmem>> -> memref<128xi32, #tpu.memory_space<vmem>>
      %dma_wait3A_260 = arith.constant 0 : i32
      %dma_wait3A_261 = tpu.memref_slice %arg4[%add3A, %dma_wait3A_255, %dma_wait3A_260] : memref<32x79x128xi32, #tpu.memory_space<hbm>> -> memref<1x1x128xi32, #tpu.memory_space<hbm>>
      %dma_wait3A_262 = tpu.memref_squeeze %dma_wait3A_261 : memref<1x1x128xi32, #tpu.memory_space<hbm>> -> memref<128xi32, #tpu.memory_space<hbm>>
      %dma_wait3A_263 = arith.constant 0 : i32
      %dma_wait3A_264 = tpu.memref_slice %arg8[%dma_wait3A_256, %dma_wait3A_263] : memref<4x128xi32, #tpu.memory_space<vmem>> -> memref<1x128xi32, #tpu.memory_space<vmem>>
      %dma_wait3A_265 = tpu.memref_squeeze %dma_wait3A_264 : memref<1x128xi32, #tpu.memory_space<vmem>> -> memref<128xi32, #tpu.memory_space<vmem>>
      %dma_wait3A_266 = arith.constant 0 : i32
      %dma_wait3A_267 = tpu.memref_slice %arg4[%add3A, %dma_wait3A_255, %dma_wait3A_266] : memref<32x79x128xi32, #tpu.memory_space<hbm>> -> memref<1x1x128xi32, #tpu.memory_space<hbm>>
      %dma_wait3A_268 = tpu.memref_squeeze %dma_wait3A_267 : memref<1x1x128xi32, #tpu.memory_space<hbm>> -> memref<128xi32, #tpu.memory_space<hbm>>
      tpu.wait_dma2 semaphore(%arg15 : memref<!tpu.dma_semaphore, #tpu.memory_space<semaphore_mem>>) src(%dma_wait3A_268 : memref<128xi32, #tpu.memory_space<hbm>>) dst(%dma_wait3A_265 : memref<128xi32, #tpu.memory_space<vmem>>)
      %run_scoped3A_269 = arith.constant 2 : i32
      "tpu.region"() ({
        %run_scoped3A_318 = tpu.sem_alloc : memref<!tpu.dma_semaphore, #tpu.memory_space<semaphore_mem>>
        %dma_start3A_319 = arith.constant 0 : i32
        %dma_start3A_320 = tpu.memref_slice %arg8[%run_scoped3A_269, %dma_start3A_319] : memref<4x128xi32, #tpu.memory_space<vmem>> -> memref<1x128xi32, #tpu.memory_space<vmem>>
        %dma_start3A_321 = tpu.memref_squeeze %dma_start3A_320 : memref<1x128xi32, #tpu.memory_space<vmem>> -> memref<128xi32, #tpu.memory_space<vmem>>
        %dma_start3A_322 = arith.constant 0 : i32
        %dma_start3A_323 = arith.constant 0 : i32
        %dma_start3A_324 = tpu.memref_slice %arg17[%dma_start3A_322, %dma_start3A_323] : memref<10112x128xf32, #tpu.memory_space<vmem_shared>> -> memref<10112x128xf32, #tpu.memory_space<vmem_shared>>
        tpu.enqueue_indirect_dma source(%arg9 : memref<128x128xf32, #tpu.memory_space<vmem>>) target(%dma_start3A_324 : memref<10112x128xf32, #tpu.memory_space<vmem_shared>>) offsets(%dma_start3A_321 : memref<128xi32, #tpu.memory_space<vmem>>) semaphore(%run_scoped3A_318 : memref<!tpu.dma_semaphore, #tpu.memory_space<semaphore_mem>>) {add = true}
        %dma_wait3A_325 = arith.constant 0 : i32
        %dma_wait3A_326 = tpu.memref_slice %arg8[%run_scoped3A_269, %dma_wait3A_325] : memref<4x128xi32, #tpu.memory_space<vmem>> -> memref<1x128xi32, #tpu.memory_space<vmem>>
        %dma_wait3A_327 = tpu.memref_squeeze %dma_wait3A_326 : memref<1x128xi32, #tpu.memory_space<vmem>> -> memref<128xi32, #tpu.memory_space<vmem>>
        %dma_wait3A_328 = arith.constant 0 : i32
        %dma_wait3A_329 = arith.constant 0 : i32
        %dma_wait3A_330 = tpu.memref_slice %arg17[%dma_wait3A_328, %dma_wait3A_329] : memref<10112x128xf32, #tpu.memory_space<vmem_shared>> -> memref<10112x128xf32, #tpu.memory_space<vmem_shared>>
        tpu.wait_indirect_dma semaphore(%run_scoped3A_318 : memref<!tpu.dma_semaphore, #tpu.memory_space<semaphore_mem>>) src(%arg9 : memref<128x128xf32, #tpu.memory_space<vmem>>) dst(%dma_wait3A_330 : memref<10112x128xf32, #tpu.memory_space<vmem_shared>>)
        tpu.yield
      }) : () -> ()
      %add3A_270 = arith.constant 4 : i32
      %add3A_271 = arith.addi %add3A_237, %add3A_270 : i32
      %lt3A_272 = arith.constant 79 : i32
      %lt3A_273 = arith.cmpi slt, %add3A_271, %lt3A_272 : i32
      %convert_element_type3A_274 = arith.extui %lt3A_273 : i1 to i32
      %cond3A_275 = arith.constant 0 : i32
      %cond3A_276 = arith.cmpi ne, %convert_element_type3A_274, %cond3A_275 : i32
      scf.if %cond3A_276 {
        %add3A_318 = arith.constant 4 : i32
        %add3A_319 = arith.addi %add3A_237, %add3A_318 : i32
        %dma_start3A_320 = arith.constant 2 : i32
        %dma_start3A_321 = arith.constant 0 : i32
        %dma_start3A_322 = tpu.memref_slice %arg8[%dma_start3A_320, %dma_start3A_321] : memref<4x128xi32, #tpu.memory_space<vmem>> -> memref<1x128xi32, #tpu.memory_space<vmem>>
        %dma_start3A_323 = tpu.memref_squeeze %dma_start3A_322 : memref<1x128xi32, #tpu.memory_space<vmem>> -> memref<128xi32, #tpu.memory_space<vmem>>
        %dma_start3A_324 = arith.constant 0 : i32
        %dma_start3A_325 = tpu.memref_slice %arg4[%add3A, %add3A_319, %dma_start3A_324] : memref<32x79x128xi32, #tpu.memory_space<hbm>> -> memref<1x1x128xi32, #tpu.memory_space<hbm>>
        %dma_start3A_326 = tpu.memref_squeeze %dma_start3A_325 : memref<1x1x128xi32, #tpu.memory_space<hbm>> -> memref<128xi32, #tpu.memory_space<hbm>>
        %dma_start3A_327 = arith.constant 0 : i32
        %dma_start3A_328 = tpu.memref_slice %arg8[%dma_start3A_320, %dma_start3A_327] : memref<4x128xi32, #tpu.memory_space<vmem>> -> memref<1x128xi32, #tpu.memory_space<vmem>>
        %dma_start3A_329 = tpu.memref_squeeze %dma_start3A_328 : memref<1x128xi32, #tpu.memory_space<vmem>> -> memref<128xi32, #tpu.memory_space<vmem>>
        %dma_start3A_330 = arith.constant 0 : i32
        %dma_start3A_331 = tpu.memref_slice %arg4[%add3A, %add3A_319, %dma_start3A_330] : memref<32x79x128xi32, #tpu.memory_space<hbm>> -> memref<1x1x128xi32, #tpu.memory_space<hbm>>
        %dma_start3A_332 = tpu.memref_squeeze %dma_start3A_331 : memref<1x1x128xi32, #tpu.memory_space<hbm>> -> memref<128xi32, #tpu.memory_space<hbm>>
        tpu.enqueue_dma source(%dma_start3A_332 : memref<128xi32, #tpu.memory_space<hbm>>) target(%dma_start3A_329 : memref<128xi32, #tpu.memory_space<vmem>>) target_semaphore(%arg15 : memref<!tpu.dma_semaphore, #tpu.memory_space<semaphore_mem>>)
      } else {
      }
      %add3A_277 = arith.constant 3 : i32
      %add3A_278 = arith.addi %mul3A_157, %add3A_277 : i32
      %add3A_279 = arith.constant 1 : i32
      %add3A_280 = arith.addi %add3A_278, %add3A_279 : i32
      %min3A_281 = arith.constant 78 : i32
      %min3A_282 = arith.minsi %add3A_280, %min3A_281 : i32
      %dma_start3A_283 = arith.constant 0 : i32
      %dma_start3A_284 = tpu.memref_slice %arg7[%min3A_282, %dma_start3A_283] : memref<79x128xi32, #tpu.memory_space<vmem>> -> memref<1x128xi32, #tpu.memory_space<vmem>>
      %dma_start3A_285 = tpu.memref_squeeze %dma_start3A_284 : memref<1x128xi32, #tpu.memory_space<vmem>> -> memref<128xi32, #tpu.memory_space<vmem>>
      %dma_start3A_286 = arith.constant 0 : i32
      %dma_start3A_287 = arith.constant 0 : i32
      %dma_start3A_288 = tpu.memref_slice %arg2[%dma_start3A_286, %dma_start3A_287] : memref<10000x128xf32, #tpu.memory_space<hbm>> -> memref<10000x128xf32, #tpu.memory_space<hbm>>
      tpu.enqueue_indirect_dma source(%dma_start3A_288 : memref<10000x128xf32, #tpu.memory_space<hbm>>) target(%arg9 : memref<128x128xf32, #tpu.memory_space<vmem>>) offsets(%dma_start3A_285 : memref<128xi32, #tpu.memory_space<vmem>>) semaphore(%arg11 : memref<!tpu.dma_semaphore, #tpu.memory_space<semaphore_mem>>)
      %dma_wait3A_289 = arith.constant 0 : i32
      %dma_wait3A_290 = arith.constant 0 : i32
      %dma_wait3A_291 = tpu.memref_slice %arg7[%dma_wait3A_289, %dma_wait3A_290] : memref<79x128xi32, #tpu.memory_space<vmem>> -> memref<1x128xi32, #tpu.memory_space<vmem>>
      %dma_wait3A_292 = tpu.memref_squeeze %dma_wait3A_291 : memref<1x128xi32, #tpu.memory_space<vmem>> -> memref<128xi32, #tpu.memory_space<vmem>>
      %dma_wait3A_293 = arith.constant 0 : i32
      %dma_wait3A_294 = arith.constant 0 : i32
      %dma_wait3A_295 = tpu.memref_slice %arg2[%dma_wait3A_293, %dma_wait3A_294] : memref<10000x128xf32, #tpu.memory_space<hbm>> -> memref<10000x128xf32, #tpu.memory_space<hbm>>
      tpu.wait_indirect_dma semaphore(%arg12 : memref<!tpu.dma_semaphore, #tpu.memory_space<semaphore_mem>>) src(%dma_wait3A_295 : memref<10000x128xf32, #tpu.memory_space<hbm>>) dst(%arg10 : memref<128x128xf32, #tpu.memory_space<vmem>>)
      %dma_wait3A_296 = arith.constant 0 : i32
      %dma_wait3A_297 = arith.constant 3 : i32
      %dma_wait3A_298 = arith.constant 0 : i32
      %dma_wait3A_299 = tpu.memref_slice %arg8[%dma_wait3A_297, %dma_wait3A_298] : memref<4x128xi32, #tpu.memory_space<vmem>> -> memref<1x128xi32, #tpu.memory_space<vmem>>
      %dma_wait3A_300 = tpu.memref_squeeze %dma_wait3A_299 : memref<1x128xi32, #tpu.memory_space<vmem>> -> memref<128xi32, #tpu.memory_space<vmem>>
      %dma_wait3A_301 = arith.constant 0 : i32
      %dma_wait3A_302 = tpu.memref_slice %arg4[%add3A, %dma_wait3A_296, %dma_wait3A_301] : memref<32x79x128xi32, #tpu.memory_space<hbm>> -> memref<1x1x128xi32, #tpu.memory_space<hbm>>
      %dma_wait3A_303 = tpu.memref_squeeze %dma_wait3A_302 : memref<1x1x128xi32, #tpu.memory_space<hbm>> -> memref<128xi32, #tpu.memory_space<hbm>>
      %dma_wait3A_304 = arith.constant 0 : i32
      %dma_wait3A_305 = tpu.memref_slice %arg8[%dma_wait3A_297, %dma_wait3A_304] : memref<4x128xi32, #tpu.memory_space<vmem>> -> memref<1x128xi32, #tpu.memory_space<vmem>>
      %dma_wait3A_306 = tpu.memref_squeeze %dma_wait3A_305 : memref<1x128xi32, #tpu.memory_space<vmem>> -> memref<128xi32, #tpu.memory_space<vmem>>
      %dma_wait3A_307 = arith.constant 0 : i32
      %dma_wait3A_308 = tpu.memref_slice %arg4[%add3A, %dma_wait3A_296, %dma_wait3A_307] : memref<32x79x128xi32, #tpu.memory_space<hbm>> -> memref<1x1x128xi32, #tpu.memory_space<hbm>>
      %dma_wait3A_309 = tpu.memref_squeeze %dma_wait3A_308 : memref<1x1x128xi32, #tpu.memory_space<hbm>> -> memref<128xi32, #tpu.memory_space<hbm>>
      tpu.wait_dma2 semaphore(%arg16 : memref<!tpu.dma_semaphore, #tpu.memory_space<semaphore_mem>>) src(%dma_wait3A_309 : memref<128xi32, #tpu.memory_space<hbm>>) dst(%dma_wait3A_306 : memref<128xi32, #tpu.memory_space<vmem>>)
      %run_scoped3A_310 = arith.constant 3 : i32
      "tpu.region"() ({
        %run_scoped3A_318 = tpu.sem_alloc : memref<!tpu.dma_semaphore, #tpu.memory_space<semaphore_mem>>
        %dma_start3A_319 = arith.constant 0 : i32
        %dma_start3A_320 = tpu.memref_slice %arg8[%run_scoped3A_310, %dma_start3A_319] : memref<4x128xi32, #tpu.memory_space<vmem>> -> memref<1x128xi32, #tpu.memory_space<vmem>>
        %dma_start3A_321 = tpu.memref_squeeze %dma_start3A_320 : memref<1x128xi32, #tpu.memory_space<vmem>> -> memref<128xi32, #tpu.memory_space<vmem>>
        %dma_start3A_322 = arith.constant 0 : i32
        %dma_start3A_323 = arith.constant 0 : i32
        %dma_start3A_324 = tpu.memref_slice %arg17[%dma_start3A_322, %dma_start3A_323] : memref<10112x128xf32, #tpu.memory_space<vmem_shared>> -> memref<10112x128xf32, #tpu.memory_space<vmem_shared>>
        tpu.enqueue_indirect_dma source(%arg10 : memref<128x128xf32, #tpu.memory_space<vmem>>) target(%dma_start3A_324 : memref<10112x128xf32, #tpu.memory_space<vmem_shared>>) offsets(%dma_start3A_321 : memref<128xi32, #tpu.memory_space<vmem>>) semaphore(%run_scoped3A_318 : memref<!tpu.dma_semaphore, #tpu.memory_space<semaphore_mem>>) {add = true}
        %dma_wait3A_325 = arith.constant 0 : i32
        %dma_wait3A_326 = tpu.memref_slice %arg8[%run_scoped3A_310, %dma_wait3A_325] : memref<4x128xi32, #tpu.memory_space<vmem>> -> memref<1x128xi32, #tpu.memory_space<vmem>>
        %dma_wait3A_327 = tpu.memref_squeeze %dma_wait3A_326 : memref<1x128xi32, #tpu.memory_space<vmem>> -> memref<128xi32, #tpu.memory_space<vmem>>
        %dma_wait3A_328 = arith.constant 0 : i32
        %dma_wait3A_329 = arith.constant 0 : i32
        %dma_wait3A_330 = tpu.memref_slice %arg17[%dma_wait3A_328, %dma_wait3A_329] : memref<10112x128xf32, #tpu.memory_space<vmem_shared>> -> memref<10112x128xf32, #tpu.memory_space<vmem_shared>>
        tpu.wait_indirect_dma semaphore(%run_scoped3A_318 : memref<!tpu.dma_semaphore, #tpu.memory_space<semaphore_mem>>) src(%arg10 : memref<128x128xf32, #tpu.memory_space<vmem>>) dst(%dma_wait3A_330 : memref<10112x128xf32, #tpu.memory_space<vmem_shared>>)
        tpu.yield
      }) : () -> ()
      %add3A_311 = arith.constant 4 : i32
      %add3A_312 = arith.addi %add3A_278, %add3A_311 : i32
      %lt3A_313 = arith.constant 79 : i32
      %lt3A_314 = arith.cmpi slt, %add3A_312, %lt3A_313 : i32
      %convert_element_type3A_315 = arith.extui %lt3A_314 : i1 to i32
      %cond3A_316 = arith.constant 0 : i32
      %cond3A_317 = arith.cmpi ne, %convert_element_type3A_315, %cond3A_316 : i32
      scf.if %cond3A_317 {
        %add3A_318 = arith.constant 4 : i32
        %add3A_319 = arith.addi %add3A_278, %add3A_318 : i32
        %dma_start3A_320 = arith.constant 3 : i32
        %dma_start3A_321 = arith.constant 0 : i32
        %dma_start3A_322 = tpu.memref_slice %arg8[%dma_start3A_320, %dma_start3A_321] : memref<4x128xi32, #tpu.memory_space<vmem>> -> memref<1x128xi32, #tpu.memory_space<vmem>>
        %dma_start3A_323 = tpu.memref_squeeze %dma_start3A_322 : memref<1x128xi32, #tpu.memory_space<vmem>> -> memref<128xi32, #tpu.memory_space<vmem>>
        %dma_start3A_324 = arith.constant 0 : i32
        %dma_start3A_325 = tpu.memref_slice %arg4[%add3A, %add3A_319, %dma_start3A_324] : memref<32x79x128xi32, #tpu.memory_space<hbm>> -> memref<1x1x128xi32, #tpu.memory_space<hbm>>
        %dma_start3A_326 = tpu.memref_squeeze %dma_start3A_325 : memref<1x1x128xi32, #tpu.memory_space<hbm>> -> memref<128xi32, #tpu.memory_space<hbm>>
        %dma_start3A_327 = arith.constant 0 : i32
        %dma_start3A_328 = tpu.memref_slice %arg8[%dma_start3A_320, %dma_start3A_327] : memref<4x128xi32, #tpu.memory_space<vmem>> -> memref<1x128xi32, #tpu.memory_space<vmem>>
        %dma_start3A_329 = tpu.memref_squeeze %dma_start3A_328 : memref<1x128xi32, #tpu.memory_space<vmem>> -> memref<128xi32, #tpu.memory_space<vmem>>
        %dma_start3A_330 = arith.constant 0 : i32
        %dma_start3A_331 = tpu.memref_slice %arg4[%add3A, %add3A_319, %dma_start3A_330] : memref<32x79x128xi32, #tpu.memory_space<hbm>> -> memref<1x1x128xi32, #tpu.memory_space<hbm>>
        %dma_start3A_332 = tpu.memref_squeeze %dma_start3A_331 : memref<1x1x128xi32, #tpu.memory_space<hbm>> -> memref<128xi32, #tpu.memory_space<hbm>>
        tpu.enqueue_dma source(%dma_start3A_332 : memref<128xi32, #tpu.memory_space<hbm>>) target(%dma_start3A_329 : memref<128xi32, #tpu.memory_space<vmem>>) target_semaphore(%arg16 : memref<!tpu.dma_semaphore, #tpu.memory_space<semaphore_mem>>)
      } else {
      }
    }
    %scan3A_71 = arith.constant 19 : i32
    %dma_start3A_72 = arith.constant 77 : i32
    %dma_start3A_73 = arith.constant 0 : i32
    %dma_start3A_74 = tpu.memref_slice %arg7[%dma_start3A_72, %dma_start3A_73] : memref<79x128xi32, #tpu.memory_space<vmem>> -> memref<1x128xi32, #tpu.memory_space<vmem>>
    %dma_start3A_75 = tpu.memref_squeeze %dma_start3A_74 : memref<1x128xi32, #tpu.memory_space<vmem>> -> memref<128xi32, #tpu.memory_space<vmem>>
    %dma_start3A_76 = arith.constant 0 : i32
    %dma_start3A_77 = arith.constant 0 : i32
    %dma_start3A_78 = tpu.memref_slice %arg2[%dma_start3A_76, %dma_start3A_77] : memref<10000x128xf32, #tpu.memory_space<hbm>> -> memref<10000x128xf32, #tpu.memory_space<hbm>>
    tpu.enqueue_indirect_dma source(%dma_start3A_78 : memref<10000x128xf32, #tpu.memory_space<hbm>>) target(%arg10 : memref<128x128xf32, #tpu.memory_space<vmem>>) offsets(%dma_start3A_75 : memref<128xi32, #tpu.memory_space<vmem>>) semaphore(%arg12 : memref<!tpu.dma_semaphore, #tpu.memory_space<semaphore_mem>>)
    %dma_wait3A = arith.constant 0 : i32
    %dma_wait3A_79 = arith.constant 0 : i32
    %dma_wait3A_80 = tpu.memref_slice %arg7[%dma_wait3A, %dma_wait3A_79] : memref<79x128xi32, #tpu.memory_space<vmem>> -> memref<1x128xi32, #tpu.memory_space<vmem>>
    %dma_wait3A_81 = tpu.memref_squeeze %dma_wait3A_80 : memref<1x128xi32, #tpu.memory_space<vmem>> -> memref<128xi32, #tpu.memory_space<vmem>>
    %dma_wait3A_82 = arith.constant 0 : i32
    %dma_wait3A_83 = arith.constant 0 : i32
    %dma_wait3A_84 = tpu.memref_slice %arg2[%dma_wait3A_82, %dma_wait3A_83] : memref<10000x128xf32, #tpu.memory_space<hbm>> -> memref<10000x128xf32, #tpu.memory_space<hbm>>
    tpu.wait_indirect_dma semaphore(%arg11 : memref<!tpu.dma_semaphore, #tpu.memory_space<semaphore_mem>>) src(%dma_wait3A_84 : memref<10000x128xf32, #tpu.memory_space<hbm>>) dst(%arg9 : memref<128x128xf32, #tpu.memory_space<vmem>>)
    %dma_wait3A_85 = arith.constant 0 : i32
    %dma_wait3A_86 = arith.constant 0 : i32
    %dma_wait3A_87 = arith.constant 0 : i32
    %dma_wait3A_88 = tpu.memref_slice %arg8[%dma_wait3A_86, %dma_wait3A_87] : memref<4x128xi32, #tpu.memory_space<vmem>> -> memref<1x128xi32, #tpu.memory_space<vmem>>
    %dma_wait3A_89 = tpu.memref_squeeze %dma_wait3A_88 : memref<1x128xi32, #tpu.memory_space<vmem>> -> memref<128xi32, #tpu.memory_space<vmem>>
    %dma_wait3A_90 = arith.constant 0 : i32
    %dma_wait3A_91 = tpu.memref_slice %arg4[%add3A, %dma_wait3A_85, %dma_wait3A_90] : memref<32x79x128xi32, #tpu.memory_space<hbm>> -> memref<1x1x128xi32, #tpu.memory_space<hbm>>
    %dma_wait3A_92 = tpu.memref_squeeze %dma_wait3A_91 : memref<1x1x128xi32, #tpu.memory_space<hbm>> -> memref<128xi32, #tpu.memory_space<hbm>>
    %dma_wait3A_93 = arith.constant 0 : i32
    %dma_wait3A_94 = tpu.memref_slice %arg8[%dma_wait3A_86, %dma_wait3A_93] : memref<4x128xi32, #tpu.memory_space<vmem>> -> memref<1x128xi32, #tpu.memory_space<vmem>>
    %dma_wait3A_95 = tpu.memref_squeeze %dma_wait3A_94 : memref<1x128xi32, #tpu.memory_space<vmem>> -> memref<128xi32, #tpu.memory_space<vmem>>
    %dma_wait3A_96 = arith.constant 0 : i32
    %dma_wait3A_97 = tpu.memref_slice %arg4[%add3A, %dma_wait3A_85, %dma_wait3A_96] : memref<32x79x128xi32, #tpu.memory_space<hbm>> -> memref<1x1x128xi32, #tpu.memory_space<hbm>>
    %dma_wait3A_98 = tpu.memref_squeeze %dma_wait3A_97 : memref<1x1x128xi32, #tpu.memory_space<hbm>> -> memref<128xi32, #tpu.memory_space<hbm>>
    tpu.wait_dma2 semaphore(%arg13 : memref<!tpu.dma_semaphore, #tpu.memory_space<semaphore_mem>>) src(%dma_wait3A_98 : memref<128xi32, #tpu.memory_space<hbm>>) dst(%dma_wait3A_95 : memref<128xi32, #tpu.memory_space<vmem>>)
    %run_scoped3A = arith.constant 0 : i32
    "tpu.region"() ({
      %run_scoped3A_155 = tpu.sem_alloc : memref<!tpu.dma_semaphore, #tpu.memory_space<semaphore_mem>>
      %dma_start3A_156 = arith.constant 0 : i32
      %dma_start3A_157 = tpu.memref_slice %arg8[%run_scoped3A, %dma_start3A_156] : memref<4x128xi32, #tpu.memory_space<vmem>> -> memref<1x128xi32, #tpu.memory_space<vmem>>
      %dma_start3A_158 = tpu.memref_squeeze %dma_start3A_157 : memref<1x128xi32, #tpu.memory_space<vmem>> -> memref<128xi32, #tpu.memory_space<vmem>>
      %dma_start3A_159 = arith.constant 0 : i32
      %dma_start3A_160 = arith.constant 0 : i32
      %dma_start3A_161 = tpu.memref_slice %arg17[%dma_start3A_159, %dma_start3A_160] : memref<10112x128xf32, #tpu.memory_space<vmem_shared>> -> memref<10112x128xf32, #tpu.memory_space<vmem_shared>>
      tpu.enqueue_indirect_dma source(%arg9 : memref<128x128xf32, #tpu.memory_space<vmem>>) target(%dma_start3A_161 : memref<10112x128xf32, #tpu.memory_space<vmem_shared>>) offsets(%dma_start3A_158 : memref<128xi32, #tpu.memory_space<vmem>>) semaphore(%run_scoped3A_155 : memref<!tpu.dma_semaphore, #tpu.memory_space<semaphore_mem>>) {add = true}
      %dma_wait3A_162 = arith.constant 0 : i32
      %dma_wait3A_163 = tpu.memref_slice %arg8[%run_scoped3A, %dma_wait3A_162] : memref<4x128xi32, #tpu.memory_space<vmem>> -> memref<1x128xi32, #tpu.memory_space<vmem>>
      %dma_wait3A_164 = tpu.memref_squeeze %dma_wait3A_163 : memref<1x128xi32, #tpu.memory_space<vmem>> -> memref<128xi32, #tpu.memory_space<vmem>>
      %dma_wait3A_165 = arith.constant 0 : i32
      %dma_wait3A_166 = arith.constant 0 : i32
      %dma_wait3A_167 = tpu.memref_slice %arg17[%dma_wait3A_165, %dma_wait3A_166] : memref<10112x128xf32, #tpu.memory_space<vmem_shared>> -> memref<10112x128xf32, #tpu.memory_space<vmem_shared>>
      tpu.wait_indirect_dma semaphore(%run_scoped3A_155 : memref<!tpu.dma_semaphore, #tpu.memory_space<semaphore_mem>>) src(%arg9 : memref<128x128xf32, #tpu.memory_space<vmem>>) dst(%dma_wait3A_167 : memref<10112x128xf32, #tpu.memory_space<vmem_shared>>)
      tpu.yield
    }) : () -> ()
    %dma_start3A_99 = arith.constant 78 : i32
    %dma_start3A_100 = arith.constant 0 : i32
    %dma_start3A_101 = tpu.memref_slice %arg7[%dma_start3A_99, %dma_start3A_100] : memref<79x128xi32, #tpu.memory_space<vmem>> -> memref<1x128xi32, #tpu.memory_space<vmem>>
    %dma_start3A_102 = tpu.memref_squeeze %dma_start3A_101 : memref<1x128xi32, #tpu.memory_space<vmem>> -> memref<128xi32, #tpu.memory_space<vmem>>
    %dma_start3A_103 = arith.constant 0 : i32
    %dma_start3A_104 = arith.constant 0 : i32
    %dma_start3A_105 = tpu.memref_slice %arg2[%dma_start3A_103, %dma_start3A_104] : memref<10000x128xf32, #tpu.memory_space<hbm>> -> memref<10000x128xf32, #tpu.memory_space<hbm>>
    tpu.enqueue_indirect_dma source(%dma_start3A_105 : memref<10000x128xf32, #tpu.memory_space<hbm>>) target(%arg9 : memref<128x128xf32, #tpu.memory_space<vmem>>) offsets(%dma_start3A_102 : memref<128xi32, #tpu.memory_space<vmem>>) semaphore(%arg11 : memref<!tpu.dma_semaphore, #tpu.memory_space<semaphore_mem>>)
    %dma_wait3A_106 = arith.constant 0 : i32
    %dma_wait3A_107 = arith.constant 0 : i32
    %dma_wait3A_108 = tpu.memref_slice %arg7[%dma_wait3A_106, %dma_wait3A_107] : memref<79x128xi32, #tpu.memory_space<vmem>> -> memref<1x128xi32, #tpu.memory_space<vmem>>
    %dma_wait3A_109 = tpu.memref_squeeze %dma_wait3A_108 : memref<1x128xi32, #tpu.memory_space<vmem>> -> memref<128xi32, #tpu.memory_space<vmem>>
    %dma_wait3A_110 = arith.constant 0 : i32
    %dma_wait3A_111 = arith.constant 0 : i32
    %dma_wait3A_112 = tpu.memref_slice %arg2[%dma_wait3A_110, %dma_wait3A_111] : memref<10000x128xf32, #tpu.memory_space<hbm>> -> memref<10000x128xf32, #tpu.memory_space<hbm>>
    tpu.wait_indirect_dma semaphore(%arg12 : memref<!tpu.dma_semaphore, #tpu.memory_space<semaphore_mem>>) src(%dma_wait3A_112 : memref<10000x128xf32, #tpu.memory_space<hbm>>) dst(%arg10 : memref<128x128xf32, #tpu.memory_space<vmem>>)
    %dma_wait3A_113 = arith.constant 0 : i32
    %dma_wait3A_114 = arith.constant 1 : i32
    %dma_wait3A_115 = arith.constant 0 : i32
    %dma_wait3A_116 = tpu.memref_slice %arg8[%dma_wait3A_114, %dma_wait3A_115] : memref<4x128xi32, #tpu.memory_space<vmem>> -> memref<1x128xi32, #tpu.memory_space<vmem>>
    %dma_wait3A_117 = tpu.memref_squeeze %dma_wait3A_116 : memref<1x128xi32, #tpu.memory_space<vmem>> -> memref<128xi32, #tpu.memory_space<vmem>>
    %dma_wait3A_118 = arith.constant 0 : i32
    %dma_wait3A_119 = tpu.memref_slice %arg4[%add3A, %dma_wait3A_113, %dma_wait3A_118] : memref<32x79x128xi32, #tpu.memory_space<hbm>> -> memref<1x1x128xi32, #tpu.memory_space<hbm>>
    %dma_wait3A_120 = tpu.memref_squeeze %dma_wait3A_119 : memref<1x1x128xi32, #tpu.memory_space<hbm>> -> memref<128xi32, #tpu.memory_space<hbm>>
    %dma_wait3A_121 = arith.constant 0 : i32
    %dma_wait3A_122 = tpu.memref_slice %arg8[%dma_wait3A_114, %dma_wait3A_121] : memref<4x128xi32, #tpu.memory_space<vmem>> -> memref<1x128xi32, #tpu.memory_space<vmem>>
    %dma_wait3A_123 = tpu.memref_squeeze %dma_wait3A_122 : memref<1x128xi32, #tpu.memory_space<vmem>> -> memref<128xi32, #tpu.memory_space<vmem>>
    %dma_wait3A_124 = arith.constant 0 : i32
    %dma_wait3A_125 = tpu.memref_slice %arg4[%add3A, %dma_wait3A_113, %dma_wait3A_124] : memref<32x79x128xi32, #tpu.memory_space<hbm>> -> memref<1x1x128xi32, #tpu.memory_space<hbm>>
    %dma_wait3A_126 = tpu.memref_squeeze %dma_wait3A_125 : memref<1x1x128xi32, #tpu.memory_space<hbm>> -> memref<128xi32, #tpu.memory_space<hbm>>
    tpu.wait_dma2 semaphore(%arg14 : memref<!tpu.dma_semaphore, #tpu.memory_space<semaphore_mem>>) src(%dma_wait3A_126 : memref<128xi32, #tpu.memory_space<hbm>>) dst(%dma_wait3A_123 : memref<128xi32, #tpu.memory_space<vmem>>)
    %run_scoped3A_127 = arith.constant 1 : i32
    "tpu.region"() ({
      %run_scoped3A_155 = tpu.sem_alloc : memref<!tpu.dma_semaphore, #tpu.memory_space<semaphore_mem>>
      %dma_start3A_156 = arith.constant 0 : i32
      %dma_start3A_157 = tpu.memref_slice %arg8[%run_scoped3A_127, %dma_start3A_156] : memref<4x128xi32, #tpu.memory_space<vmem>> -> memref<1x128xi32, #tpu.memory_space<vmem>>
      %dma_start3A_158 = tpu.memref_squeeze %dma_start3A_157 : memref<1x128xi32, #tpu.memory_space<vmem>> -> memref<128xi32, #tpu.memory_space<vmem>>
      %dma_start3A_159 = arith.constant 0 : i32
      %dma_start3A_160 = arith.constant 0 : i32
      %dma_start3A_161 = tpu.memref_slice %arg17[%dma_start3A_159, %dma_start3A_160] : memref<10112x128xf32, #tpu.memory_space<vmem_shared>> -> memref<10112x128xf32, #tpu.memory_space<vmem_shared>>
      tpu.enqueue_indirect_dma source(%arg10 : memref<128x128xf32, #tpu.memory_space<vmem>>) target(%dma_start3A_161 : memref<10112x128xf32, #tpu.memory_space<vmem_shared>>) offsets(%dma_start3A_158 : memref<128xi32, #tpu.memory_space<vmem>>) semaphore(%run_scoped3A_155 : memref<!tpu.dma_semaphore, #tpu.memory_space<semaphore_mem>>) {add = true}
      %dma_wait3A_162 = arith.constant 0 : i32
      %dma_wait3A_163 = tpu.memref_slice %arg8[%run_scoped3A_127, %dma_wait3A_162] : memref<4x128xi32, #tpu.memory_space<vmem>> -> memref<1x128xi32, #tpu.memory_space<vmem>>
      %dma_wait3A_164 = tpu.memref_squeeze %dma_wait3A_163 : memref<1x128xi32, #tpu.memory_space<vmem>> -> memref<128xi32, #tpu.memory_space<vmem>>
      %dma_wait3A_165 = arith.constant 0 : i32
      %dma_wait3A_166 = arith.constant 0 : i32
      %dma_wait3A_167 = tpu.memref_slice %arg17[%dma_wait3A_165, %dma_wait3A_166] : memref<10112x128xf32, #tpu.memory_space<vmem_shared>> -> memref<10112x128xf32, #tpu.memory_space<vmem_shared>>
      tpu.wait_indirect_dma semaphore(%run_scoped3A_155 : memref<!tpu.dma_semaphore, #tpu.memory_space<semaphore_mem>>) src(%arg10 : memref<128x128xf32, #tpu.memory_space<vmem>>) dst(%dma_wait3A_167 : memref<10112x128xf32, #tpu.memory_space<vmem_shared>>)
      tpu.yield
    }) : () -> ()
    %dma_wait3A_128 = arith.constant 0 : i32
    %dma_wait3A_129 = arith.constant 0 : i32
    %dma_wait3A_130 = tpu.memref_slice %arg7[%dma_wait3A_128, %dma_wait3A_129] : memref<79x128xi32, #tpu.memory_space<vmem>> -> memref<1x128xi32, #tpu.memory_space<vmem>>
    %dma_wait3A_131 = tpu.memref_squeeze %dma_wait3A_130 : memref<1x128xi32, #tpu.memory_space<vmem>> -> memref<128xi32, #tpu.memory_space<vmem>>
    %dma_wait3A_132 = arith.constant 0 : i32
    %dma_wait3A_133 = arith.constant 0 : i32
    %dma_wait3A_134 = tpu.memref_slice %arg2[%dma_wait3A_132, %dma_wait3A_133] : memref<10000x128xf32, #tpu.memory_space<hbm>> -> memref<10000x128xf32, #tpu.memory_space<hbm>>
    tpu.wait_indirect_dma semaphore(%arg11 : memref<!tpu.dma_semaphore, #tpu.memory_space<semaphore_mem>>) src(%dma_wait3A_134 : memref<10000x128xf32, #tpu.memory_space<hbm>>) dst(%arg9 : memref<128x128xf32, #tpu.memory_space<vmem>>)
    %dma_wait3A_135 = arith.constant 0 : i32
    %dma_wait3A_136 = arith.constant 2 : i32
    %dma_wait3A_137 = arith.constant 0 : i32
    %dma_wait3A_138 = tpu.memref_slice %arg8[%dma_wait3A_136, %dma_wait3A_137] : memref<4x128xi32, #tpu.memory_space<vmem>> -> memref<1x128xi32, #tpu.memory_space<vmem>>
    %dma_wait3A_139 = tpu.memref_squeeze %dma_wait3A_138 : memref<1x128xi32, #tpu.memory_space<vmem>> -> memref<128xi32, #tpu.memory_space<vmem>>
    %dma_wait3A_140 = arith.constant 0 : i32
    %dma_wait3A_141 = tpu.memref_slice %arg4[%add3A, %dma_wait3A_135, %dma_wait3A_140] : memref<32x79x128xi32, #tpu.memory_space<hbm>> -> memref<1x1x128xi32, #tpu.memory_space<hbm>>
    %dma_wait3A_142 = tpu.memref_squeeze %dma_wait3A_141 : memref<1x1x128xi32, #tpu.memory_space<hbm>> -> memref<128xi32, #tpu.memory_space<hbm>>
    %dma_wait3A_143 = arith.constant 0 : i32
    %dma_wait3A_144 = tpu.memref_slice %arg8[%dma_wait3A_136, %dma_wait3A_143] : memref<4x128xi32, #tpu.memory_space<vmem>> -> memref<1x128xi32, #tpu.memory_space<vmem>>
    %dma_wait3A_145 = tpu.memref_squeeze %dma_wait3A_144 : memref<1x128xi32, #tpu.memory_space<vmem>> -> memref<128xi32, #tpu.memory_space<vmem>>
    %dma_wait3A_146 = arith.constant 0 : i32
    %dma_wait3A_147 = tpu.memref_slice %arg4[%add3A, %dma_wait3A_135, %dma_wait3A_146] : memref<32x79x128xi32, #tpu.memory_space<hbm>> -> memref<1x1x128xi32, #tpu.memory_space<hbm>>
    %dma_wait3A_148 = tpu.memref_squeeze %dma_wait3A_147 : memref<1x1x128xi32, #tpu.memory_space<hbm>> -> memref<128xi32, #tpu.memory_space<hbm>>
    tpu.wait_dma2 semaphore(%arg15 : memref<!tpu.dma_semaphore, #tpu.memory_space<semaphore_mem>>) src(%dma_wait3A_148 : memref<128xi32, #tpu.memory_space<hbm>>) dst(%dma_wait3A_145 : memref<128xi32, #tpu.memory_space<vmem>>)
    %run_scoped3A_149 = arith.constant 2 : i32
    "tpu.region"() ({
      %run_scoped3A_155 = tpu.sem_alloc : memref<!tpu.dma_semaphore, #tpu.memory_space<semaphore_mem>>
      %dma_start3A_156 = arith.constant 0 : i32
      %dma_start3A_157 = tpu.memref_slice %arg8[%run_scoped3A_149, %dma_start3A_156] : memref<4x128xi32, #tpu.memory_space<vmem>> -> memref<1x128xi32, #tpu.memory_space<vmem>>
      %dma_start3A_158 = tpu.memref_squeeze %dma_start3A_157 : memref<1x128xi32, #tpu.memory_space<vmem>> -> memref<128xi32, #tpu.memory_space<vmem>>
      %dma_start3A_159 = arith.constant 0 : i32
      %dma_start3A_160 = arith.constant 0 : i32
      %dma_start3A_161 = tpu.memref_slice %arg17[%dma_start3A_159, %dma_start3A_160] : memref<10112x128xf32, #tpu.memory_space<vmem_shared>> -> memref<10112x128xf32, #tpu.memory_space<vmem_shared>>
      tpu.enqueue_indirect_dma source(%arg9 : memref<128x128xf32, #tpu.memory_space<vmem>>) target(%dma_start3A_161 : memref<10112x128xf32, #tpu.memory_space<vmem_shared>>) offsets(%dma_start3A_158 : memref<128xi32, #tpu.memory_space<vmem>>) semaphore(%run_scoped3A_155 : memref<!tpu.dma_semaphore, #tpu.memory_space<semaphore_mem>>) {add = true}
      %dma_wait3A_162 = arith.constant 0 : i32
      %dma_wait3A_163 = tpu.memref_slice %arg8[%run_scoped3A_149, %dma_wait3A_162] : memref<4x128xi32, #tpu.memory_space<vmem>> -> memref<1x128xi32, #tpu.memory_space<vmem>>
      %dma_wait3A_164 = tpu.memref_squeeze %dma_wait3A_163 : memref<1x128xi32, #tpu.memory_space<vmem>> -> memref<128xi32, #tpu.memory_space<vmem>>
      %dma_wait3A_165 = arith.constant 0 : i32
      %dma_wait3A_166 = arith.constant 0 : i32
      %dma_wait3A_167 = tpu.memref_slice %arg17[%dma_wait3A_165, %dma_wait3A_166] : memref<10112x128xf32, #tpu.memory_space<vmem_shared>> -> memref<10112x128xf32, #tpu.memory_space<vmem_shared>>
      tpu.wait_indirect_dma semaphore(%run_scoped3A_155 : memref<!tpu.dma_semaphore, #tpu.memory_space<semaphore_mem>>) src(%arg9 : memref<128x128xf32, #tpu.memory_space<vmem>>) dst(%dma_wait3A_167 : memref<10112x128xf32, #tpu.memory_space<vmem_shared>>)
      tpu.yield
    }) : () -> ()
    %barrier3A_150 = arith.constant 0 : index
    tpu.barrier barrier_id(%barrier3A_150)
    %mul3A_151 = arith.constant 632 : i32
    %mul3A_152 = arith.muli %arg1, %mul3A_151 : i32
    %mul3A_153 = arith.constant 632 : i32
    %mul3A_154 = arith.muli %arg1, %mul3A_153 : i32
    "tpu.region"() ({
      %run_scoped3A_155 = tpu.sem_alloc : memref<!tpu.dma_semaphore, #tpu.memory_space<semaphore_mem>>
      %dma_start3A_156 = arith.constant 0 : i32
      %dma_start3A_157 = tpu.memref_slice %arg6[%arg0, %mul3A_154, %dma_start3A_156] : memref<2x10112x128xf32, #tpu.memory_space<hbm>> -> memref<1x632x128xf32, #tpu.memory_space<hbm>>
      %dma_start3A_158 = tpu.memref_squeeze %dma_start3A_157 : memref<1x632x128xf32, #tpu.memory_space<hbm>> -> memref<632x128xf32, #tpu.memory_space<hbm>>
      %dma_start3A_159 = arith.constant 0 : i32
      %dma_start3A_160 = tpu.memref_slice %arg17[%mul3A_152, %dma_start3A_159] : memref<10112x128xf32, #tpu.memory_space<vmem_shared>> -> memref<632x128xf32, #tpu.memory_space<vmem_shared>>
      tpu.enqueue_dma source(%dma_start3A_160 : memref<632x128xf32, #tpu.memory_space<vmem_shared>>) target(%dma_start3A_158 : memref<632x128xf32, #tpu.memory_space<hbm>>) target_semaphore(%run_scoped3A_155 : memref<!tpu.dma_semaphore, #tpu.memory_space<semaphore_mem>>)
      %dma_wait3A_161 = arith.constant 0 : i32
      %dma_wait3A_162 = tpu.memref_slice %arg6[%arg0, %mul3A_154, %dma_wait3A_161] : memref<2x10112x128xf32, #tpu.memory_space<hbm>> -> memref<1x632x128xf32, #tpu.memory_space<hbm>>
      %dma_wait3A_163 = tpu.memref_squeeze %dma_wait3A_162 : memref<1x632x128xf32, #tpu.memory_space<hbm>> -> memref<632x128xf32, #tpu.memory_space<hbm>>
      %dma_wait3A_164 = arith.constant 0 : i32
      %dma_wait3A_165 = tpu.memref_slice %arg17[%mul3A_152, %dma_wait3A_164] : memref<10112x128xf32, #tpu.memory_space<vmem_shared>> -> memref<632x128xf32, #tpu.memory_space<vmem_shared>>
      tpu.wait_dma2 semaphore(%run_scoped3A_155 : memref<!tpu.dma_semaphore, #tpu.memory_space<semaphore_mem>>) src(%dma_wait3A_165 : memref<632x128xf32, #tpu.memory_space<vmem_shared>>) dst(%dma_wait3A_163 : memref<632x128xf32, #tpu.memory_space<hbm>>)
      tpu.yield
    }) : () -> ()
    return
  }
}

module attributes {stable_mosaic.version = 14 : i64} {
  func.func @_inpre_body(%arg0: i32, %arg1: memref<1000x128xf32, #tpu.memory_space<vmem>>, %arg2: memref<128x128xf32, #tpu.memory_space<vmem>>, %arg3: memref<1x128xf32, #tpu.memory_space<vmem>>, %arg4: memref<1x128xf32, #tpu.memory_space<vmem>>, %arg5: memref<1x128xf32, #tpu.memory_space<vmem>>, %arg6: memref<128x128xf32, #tpu.memory_space<vmem>>, %arg7: memref<1000x32xf32, #tpu.memory_space<vmem>>, %arg8: memref<1000x128xf32, #tpu.memory_space<vmem>>, %arg9: memref<1000x128xf32, #tpu.memory_space<vmem>>) attributes {dimension_semantics = [#tpu.dimension_semantics<arbitrary>], iteration_bounds = array<i64: 10>, scalar_prefetch = 0 : i64, scratch_operands = 0 : i64, tpu.core_type = #tpu.core_type<tc>, window_params = [{transform_indices = @transform_0, window_bounds = array<i64: 1000, 128>}, {pipeline_mode = #tpu.pipeline_mode<synchronous>, transform_indices = @transform_1, window_bounds = array<i64: 128, 128>}, {pipeline_mode = #tpu.pipeline_mode<synchronous>, transform_indices = @transform_2, window_bounds = array<i64: 1, 128>}, {pipeline_mode = #tpu.pipeline_mode<synchronous>, transform_indices = @transform_3, window_bounds = array<i64: 1, 128>}, {pipeline_mode = #tpu.pipeline_mode<synchronous>, transform_indices = @transform_4, window_bounds = array<i64: 1, 128>}, {pipeline_mode = #tpu.pipeline_mode<synchronous>, transform_indices = @transform_5, window_bounds = array<i64: 128, 128>}, {transform_indices = @transform_6, window_bounds = array<i64: 1000, 32>}, {transform_indices = @transform_7, window_bounds = array<i64: 1000, 128>}, {transform_indices = @transform_8, window_bounds = array<i64: 1000, 128>}]} {
    %get3A = arith.constant 0 : index
    %get3A_0 = arith.constant 0 : index
    %get3A_1 = vector.load %arg1[%get3A, %get3A_0] : memref<1000x128xf32, #tpu.memory_space<vmem>>, vector<1000x128xf32>
    %ne3A = arith.cmpf one, %get3A_1, %get3A_1 : vector<1000x128xf32>
    %jit3A = arith.constant 0.000000e+00 : f32
    %broadcast_in_dim3A = vector.broadcast %jit3A : f32 to vector<1000x128xf32>
    %select_n3A = arith.select %ne3A, %broadcast_in_dim3A, %get3A_1 : vector<1000x128xi1>, vector<1000x128xf32>
    %get3A_2 = arith.constant 0 : index
    %get3A_3 = arith.constant 0 : index
    %get3A_4 = vector.load %arg2[%get3A_2, %get3A_3] : memref<128x128xf32, #tpu.memory_space<vmem>>, vector<128x128xf32>
    %dot_general3A = arith.constant dense<0.000000e+00> : vector<1000x128xf32>
    %dot_general3A_5 = tpu.matmul %select_n3A, %get3A_4, %dot_general3A {dimension_numbers = #tpu.dot_dimension_numbers<[1], [0], [0], [1], [0, 0, 1, 1], [], []>, transpose_lhs_hint = false} : vector<1000x128xf32>, vector<128x128xf32>, vector<1000x128xf32> -> vector<1000x128xf32>
    %get3A_6 = arith.constant 0 : index
    %get3A_7 = arith.constant 0 : index
    %get3A_8 = vector.load %arg3[%get3A_6, %get3A_7] : memref<1x128xf32, #tpu.memory_space<vmem>>, vector<1x128xf32>
    %add3A = vector.broadcast %get3A_8 : vector<1x128xf32> to vector<1000x128xf32>
    %add3A_9 = arith.addf %dot_general3A_5, %add3A : vector<1000x128xf32>
    %get3A_10 = arith.constant 0 : index
    %get3A_11 = arith.constant 0 : index
    %get3A_12 = vector.load %arg4[%get3A_10, %get3A_11] : memref<1x128xf32, #tpu.memory_space<vmem>>, vector<1x128xf32>
    %get3A_13 = arith.constant 0 : index
    %get3A_14 = arith.constant 0 : index
    %get3A_15 = vector.load %arg5[%get3A_13, %get3A_14] : memref<1x128xf32, #tpu.memory_space<vmem>>, vector<1x128xf32>
    %reduce_sum3A = arith.constant dense<0.000000e+00> : vector<1000xf32>
    %reduce_sum3A_16 = vector.multi_reduction <add>, %add3A_9, %reduce_sum3A [1] : vector<1000x128xf32> to vector<1000xf32>
    %broadcast_in_dim3A_17 = vector.shape_cast %reduce_sum3A_16 : vector<1000xf32> to vector<1000x1xf32>
    %div3A = arith.constant 1.280000e+02 : f32
    %div3A_18 = vector.broadcast %div3A : f32 to vector<1000x1xf32>
    %div3A_19 = arith.divf %broadcast_in_dim3A_17, %div3A_18 : vector<1000x1xf32>
    %jit3A_20 = arith.constant 0 : i32
    %reduce_sum3A_21 = arith.constant dense<0.000000e+00> : vector<1000xf32>
    %reduce_sum3A_22 = vector.multi_reduction <add>, %add3A_9, %reduce_sum3A_21 [1] : vector<1000x128xf32> to vector<1000xf32>
    %broadcast_in_dim3A_23 = vector.shape_cast %reduce_sum3A_22 : vector<1000xf32> to vector<1000x1xf32>
    %div3A_24 = arith.constant 1.280000e+02 : f32
    %div3A_25 = vector.broadcast %div3A_24 : f32 to vector<1000x1xf32>
    %div3A_26 = arith.divf %broadcast_in_dim3A_23, %div3A_25 : vector<1000x1xf32>
    %sub3A = vector.broadcast %div3A_26 : vector<1000x1xf32> to vector<1000x128xf32>
    %sub3A_27 = arith.subf %add3A_9, %sub3A : vector<1000x128xf32>
    %square3A = arith.mulf %sub3A_27, %sub3A_27 : vector<1000x128xf32>
    %convert_element_type3A = arith.sitofp %jit3A_20 : i32 to f32
    %sub3A_28 = arith.constant 1.280000e+02 : f32
    %sub3A_29 = arith.subf %sub3A_28, %convert_element_type3A : f32
    %reduce_sum3A_30 = arith.constant dense<0.000000e+00> : vector<1000xf32>
    %reduce_sum3A_31 = vector.multi_reduction <add>, %square3A, %reduce_sum3A_30 [1] : vector<1000x128xf32> to vector<1000xf32>
    %broadcast_in_dim3A_32 = vector.shape_cast %reduce_sum3A_31 : vector<1000xf32> to vector<1000x1xf32>
    %div3A_33 = vector.broadcast %sub3A_29 : f32 to vector<1000x1xf32>
    %div3A_34 = arith.divf %broadcast_in_dim3A_32, %div3A_33 : vector<1000x1xf32>
    %gt3A = arith.constant 0.000000e+00 : f32
    %gt3A_35 = arith.cmpf ogt, %sub3A_29, %gt3A : f32
    %jit3A_36 = arith.constant 0x7FC00000 : f32
    %broadcast_in_dim3A_37 = vector.broadcast %jit3A_36 : f32 to vector<1000x1xf32>
    %select_n3A_38 = arith.select %gt3A_35, %div3A_34, %broadcast_in_dim3A_37 : vector<1000x1xf32>
    %sub3A_39 = vector.broadcast %div3A_19 : vector<1000x1xf32> to vector<1000x128xf32>
    %sub3A_40 = arith.subf %add3A_9, %sub3A_39 : vector<1000x128xf32>
    %add3A_41 = arith.constant 9.99999974E-6 : f32
    %add3A_42 = vector.broadcast %add3A_41 : f32 to vector<1000x1xf32>
    %add3A_43 = arith.addf %select_n3A_38, %add3A_42 : vector<1000x1xf32>
    %sqrt3A = math.sqrt %add3A_43 : vector<1000x1xf32>
    %div3A_44 = vector.broadcast %sqrt3A : vector<1000x1xf32> to vector<1000x128xf32>
    %div3A_45 = arith.divf %sub3A_40, %div3A_44 : vector<1000x128xf32>
    %mul3A = vector.broadcast %get3A_12 : vector<1x128xf32> to vector<1000x128xf32>
    %mul3A_46 = arith.mulf %div3A_45, %mul3A : vector<1000x128xf32>
    %add3A_47 = vector.broadcast %get3A_15 : vector<1x128xf32> to vector<1000x128xf32>
    %add3A_48 = arith.addf %mul3A_46, %add3A_47 : vector<1000x128xf32>
    %mul3A_49 = arith.constant 5.000000e-01 : f32
    %mul3A_50 = vector.broadcast %mul3A_49 : f32 to vector<1000x128xf32>
    %mul3A_51 = arith.mulf %mul3A_50, %add3A_48 : vector<1000x128xf32>
    %mul3A_52 = arith.constant 0.707106769 : f32
    %mul3A_53 = vector.broadcast %mul3A_52 : f32 to vector<1000x128xf32>
    %mul3A_54 = arith.mulf %add3A_48, %mul3A_53 : vector<1000x128xf32>
    %erf3A = math.erf %mul3A_54 : vector<1000x128xf32>
    %add3A_55 = arith.constant 1.000000e+00 : f32
    %add3A_56 = vector.broadcast %add3A_55 : f32 to vector<1000x128xf32>
    %add3A_57 = arith.addf %add3A_56, %erf3A : vector<1000x128xf32>
    %mul3A_58 = arith.mulf %mul3A_51, %add3A_57 : vector<1000x128xf32>
    %swap3A = arith.constant 0 : index
    %swap3A_59 = arith.constant 0 : index
    %swap3A_60 = vector.load %arg8[%swap3A, %swap3A_59] : memref<1000x128xf32, #tpu.memory_space<vmem>>, vector<1000x128xf32>
    tpu.vector_store %arg8[%swap3A, %swap3A_59], %mul3A_58 {strides = array<i32>} : memref<1000x128xf32, #tpu.memory_space<vmem>>, vector<1000x128xf32>,
    %get3A_61 = arith.constant 0 : index
    %get3A_62 = arith.constant 0 : index
    %get3A_63 = vector.load %arg6[%get3A_61, %get3A_62] : memref<128x128xf32, #tpu.memory_space<vmem>>, vector<128x128xf32>
    %dot_general3A_64 = arith.constant dense<0.000000e+00> : vector<1000x128xf32>
    %dot_general3A_65 = tpu.matmul %mul3A_58, %get3A_63, %dot_general3A_64 {dimension_numbers = #tpu.dot_dimension_numbers<[1], [0], [0], [1], [0, 0, 1, 1], [], []>, transpose_lhs_hint = false} : vector<1000x128xf32>, vector<128x128xf32>, vector<1000x128xf32> -> vector<1000x128xf32>
    %get3A_66 = arith.constant 0 : index
    %get3A_67 = arith.constant 0 : index
    %get3A_68 = vector.load %arg7[%get3A_66, %get3A_67] : memref<1000x32xf32, #tpu.memory_space<vmem>>, vector<1000x32xf32>
    %reduce_sum3A_69 = arith.constant dense<0.000000e+00> : vector<1000xf32>
    %reduce_sum3A_70 = vector.multi_reduction <add>, %get3A_68, %reduce_sum3A_69 [1] : vector<1000x32xf32> to vector<1000xf32>
    %broadcast_in_dim3A_71 = vector.shape_cast %reduce_sum3A_70 : vector<1000xf32> to vector<1000x1xf32>
    %add3A_72 = arith.constant 1.000000e+00 : f32
    %add3A_73 = vector.broadcast %add3A_72 : f32 to vector<1000x1xf32>
    %add3A_74 = arith.addf %add3A_73, %broadcast_in_dim3A_71 : vector<1000x1xf32>
    %rsqrt3A = math.rsqrt %add3A_74 : vector<1000x1xf32>
    %mul3A_75 = vector.broadcast %rsqrt3A : vector<1000x1xf32> to vector<1000x128xf32>
    %mul3A_76 = arith.mulf %dot_general3A_65, %mul3A_75 : vector<1000x128xf32>
    %swap3A_77 = arith.constant 0 : index
    %swap3A_78 = arith.constant 0 : index
    %swap3A_79 = vector.load %arg9[%swap3A_77, %swap3A_78] : memref<1000x128xf32, #tpu.memory_space<vmem>>, vector<1000x128xf32>
    tpu.vector_store %arg9[%swap3A_77, %swap3A_78], %mul3A_76 {strides = array<i32>} : memref<1000x128xf32, #tpu.memory_space<vmem>>, vector<1000x128xf32>,
    return
  }
  func.func @transform_0(%arg0: i32) -> (i32, i32) {
    %c0_i32 = arith.constant 0 : i32
    %c0_i32_0 = arith.constant 0 : i32
    return %arg0, %c0_i32 : i32, i32
  }
  func.func @transform_1(%arg0: i32) -> (i32, i32) {
    %c0_i32 = arith.constant 0 : i32
    %c0_i32_0 = arith.constant 0 : i32
    %c0_i32_1 = arith.constant 0 : i32
    return %c0_i32, %c0_i32_0 : i32, i32
  }
  func.func @transform_2(%arg0: i32) -> (i32, i32) {
    %c0_i32 = arith.constant 0 : i32
    %c0_i32_0 = arith.constant 0 : i32
    %c0_i32_1 = arith.constant 0 : i32
    return %c0_i32, %c0_i32_0 : i32, i32
  }
  func.func @transform_3(%arg0: i32) -> (i32, i32) {
    %c0_i32 = arith.constant 0 : i32
    %c0_i32_0 = arith.constant 0 : i32
    %c0_i32_1 = arith.constant 0 : i32
    return %c0_i32, %c0_i32_0 : i32, i32
  }
  func.func @transform_4(%arg0: i32) -> (i32, i32) {
    %c0_i32 = arith.constant 0 : i32
    %c0_i32_0 = arith.constant 0 : i32
    %c0_i32_1 = arith.constant 0 : i32
    return %c0_i32, %c0_i32_0 : i32, i32
  }
  func.func @transform_5(%arg0: i32) -> (i32, i32) {
    %c0_i32 = arith.constant 0 : i32
    %c0_i32_0 = arith.constant 0 : i32
    %c0_i32_1 = arith.constant 0 : i32
    return %c0_i32, %c0_i32_0 : i32, i32
  }
  func.func @transform_6(%arg0: i32) -> (i32, i32) {
    %c0_i32 = arith.constant 0 : i32
    %c0_i32_0 = arith.constant 0 : i32
    return %arg0, %c0_i32 : i32, i32
  }
  func.func @transform_7(%arg0: i32) -> (i32, i32) {
    %c0_i32 = arith.constant 0 : i32
    %c0_i32_0 = arith.constant 0 : i32
    return %arg0, %c0_i32 : i32, i32
  }
  func.func @transform_8(%arg0: i32) -> (i32, i32) {
    %c0_i32 = arith.constant 0 : i32
    %c0_i32_0 = arith.constant 0 : i32
    return %arg0, %c0_i32 : i32, i32
  }
}

module attributes {stable_mosaic.version = 14 : i64} {
  func.func @_postpre_body(%arg0: i32, %arg1: memref<1000x128xf32, #tpu.memory_space<vmem>>, %arg2: memref<1000x128xf32, #tpu.memory_space<vmem>>, %arg3: memref<1000x128xf32, #tpu.memory_space<vmem>>, %arg4: memref<1000x128xf32, #tpu.memory_space<vmem>>, %arg5: memref<1000x32xf32, #tpu.memory_space<vmem>>, %arg6: memref<1x128xf32, #tpu.memory_space<vmem>>, %arg7: memref<1x128xf32, #tpu.memory_space<vmem>>, %arg8: memref<1x128xf32, #tpu.memory_space<vmem>>, %arg9: memref<128x128xf32, #tpu.memory_space<vmem>>, %arg10: memref<1000x128xf32, #tpu.memory_space<vmem>>, %arg11: memref<1000x128xf32, #tpu.memory_space<vmem>>) attributes {dimension_semantics = [#tpu.dimension_semantics<arbitrary>], iteration_bounds = array<i64: 10>, scalar_prefetch = 0 : i64, scratch_operands = 0 : i64, tpu.core_type = #tpu.core_type<tc>, window_params = [{transform_indices = @transform_0, window_bounds = array<i64: 1000, 128>}, {transform_indices = @transform_1, window_bounds = array<i64: 1000, 128>}, {transform_indices = @transform_2, window_bounds = array<i64: 1000, 128>}, {transform_indices = @transform_3, window_bounds = array<i64: 1000, 128>}, {transform_indices = @transform_4, window_bounds = array<i64: 1000, 32>}, {pipeline_mode = #tpu.pipeline_mode<synchronous>, transform_indices = @transform_5, window_bounds = array<i64: 1, 128>}, {pipeline_mode = #tpu.pipeline_mode<synchronous>, transform_indices = @transform_6, window_bounds = array<i64: 1, 128>}, {pipeline_mode = #tpu.pipeline_mode<synchronous>, transform_indices = @transform_7, window_bounds = array<i64: 1, 128>}, {pipeline_mode = #tpu.pipeline_mode<synchronous>, transform_indices = @transform_8, window_bounds = array<i64: 128, 128>}, {transform_indices = @transform_9, window_bounds = array<i64: 1000, 128>}, {transform_indices = @transform_10, window_bounds = array<i64: 1000, 128>}]} {
    %get3A = arith.constant 0 : index
    %get3A_0 = arith.constant 0 : index
    %get3A_1 = vector.load %arg5[%get3A, %get3A_0] : memref<1000x32xf32, #tpu.memory_space<vmem>>, vector<1000x32xf32>
    %reduce_sum3A = arith.constant dense<0.000000e+00> : vector<1000xf32>
    %reduce_sum3A_2 = vector.multi_reduction <add>, %get3A_1, %reduce_sum3A [1] : vector<1000x32xf32> to vector<1000xf32>
    %broadcast_in_dim3A = vector.shape_cast %reduce_sum3A_2 : vector<1000xf32> to vector<1000x1xf32>
    %add3A = arith.constant 1.000000e+00 : f32
    %add3A_3 = vector.broadcast %add3A : f32 to vector<1000x1xf32>
    %add3A_4 = arith.addf %add3A_3, %broadcast_in_dim3A : vector<1000x1xf32>
    %rsqrt3A = math.rsqrt %add3A_4 : vector<1000x1xf32>
    %get3A_5 = arith.constant 0 : index
    %get3A_6 = arith.constant 0 : index
    %get3A_7 = vector.load %arg2[%get3A_5, %get3A_6] : memref<1000x128xf32, #tpu.memory_space<vmem>>, vector<1000x128xf32>
    %get3A_8 = arith.constant 0 : index
    %get3A_9 = arith.constant 0 : index
    %get3A_10 = vector.load %arg3[%get3A_8, %get3A_9] : memref<1000x128xf32, #tpu.memory_space<vmem>>, vector<1000x128xf32>
    %add3A_11 = arith.addf %get3A_7, %get3A_10 : vector<1000x128xf32>
    %get3A_12 = arith.constant 0 : index
    %get3A_13 = arith.constant 0 : index
    %get3A_14 = vector.load %arg4[%get3A_12, %get3A_13] : memref<1000x128xf32, #tpu.memory_space<vmem>>, vector<1000x128xf32>
    %add3A_15 = arith.addf %add3A_11, %get3A_14 : vector<1000x128xf32>
    %mul3A = vector.broadcast %rsqrt3A : vector<1000x1xf32> to vector<1000x128xf32>
    %mul3A_16 = arith.mulf %add3A_15, %mul3A : vector<1000x128xf32>
    %get3A_17 = arith.constant 0 : index
    %get3A_18 = arith.constant 0 : index
    %get3A_19 = vector.load %arg6[%get3A_17, %get3A_18] : memref<1x128xf32, #tpu.memory_space<vmem>>, vector<1x128xf32>
    %add3A_20 = vector.broadcast %get3A_19 : vector<1x128xf32> to vector<1000x128xf32>
    %add3A_21 = arith.addf %mul3A_16, %add3A_20 : vector<1000x128xf32>
    %get3A_22 = arith.constant 0 : index
    %get3A_23 = arith.constant 0 : index
    %get3A_24 = vector.load %arg7[%get3A_22, %get3A_23] : memref<1x128xf32, #tpu.memory_space<vmem>>, vector<1x128xf32>
    %get3A_25 = arith.constant 0 : index
    %get3A_26 = arith.constant 0 : index
    %get3A_27 = vector.load %arg8[%get3A_25, %get3A_26] : memref<1x128xf32, #tpu.memory_space<vmem>>, vector<1x128xf32>
    %reduce_sum3A_28 = arith.constant dense<0.000000e+00> : vector<1000xf32>
    %reduce_sum3A_29 = vector.multi_reduction <add>, %add3A_21, %reduce_sum3A_28 [1] : vector<1000x128xf32> to vector<1000xf32>
    %broadcast_in_dim3A_30 = vector.shape_cast %reduce_sum3A_29 : vector<1000xf32> to vector<1000x1xf32>
    %div3A = arith.constant 1.280000e+02 : f32
    %div3A_31 = vector.broadcast %div3A : f32 to vector<1000x1xf32>
    %div3A_32 = arith.divf %broadcast_in_dim3A_30, %div3A_31 : vector<1000x1xf32>
    %jit3A = arith.constant 0 : i32
    %reduce_sum3A_33 = arith.constant dense<0.000000e+00> : vector<1000xf32>
    %reduce_sum3A_34 = vector.multi_reduction <add>, %add3A_21, %reduce_sum3A_33 [1] : vector<1000x128xf32> to vector<1000xf32>
    %broadcast_in_dim3A_35 = vector.shape_cast %reduce_sum3A_34 : vector<1000xf32> to vector<1000x1xf32>
    %div3A_36 = arith.constant 1.280000e+02 : f32
    %div3A_37 = vector.broadcast %div3A_36 : f32 to vector<1000x1xf32>
    %div3A_38 = arith.divf %broadcast_in_dim3A_35, %div3A_37 : vector<1000x1xf32>
    %sub3A = vector.broadcast %div3A_38 : vector<1000x1xf32> to vector<1000x128xf32>
    %sub3A_39 = arith.subf %add3A_21, %sub3A : vector<1000x128xf32>
    %square3A = arith.mulf %sub3A_39, %sub3A_39 : vector<1000x128xf32>
    %convert_element_type3A = arith.sitofp %jit3A : i32 to f32
    %sub3A_40 = arith.constant 1.280000e+02 : f32
    %sub3A_41 = arith.subf %sub3A_40, %convert_element_type3A : f32
    %reduce_sum3A_42 = arith.constant dense<0.000000e+00> : vector<1000xf32>
    %reduce_sum3A_43 = vector.multi_reduction <add>, %square3A, %reduce_sum3A_42 [1] : vector<1000x128xf32> to vector<1000xf32>
    %broadcast_in_dim3A_44 = vector.shape_cast %reduce_sum3A_43 : vector<1000xf32> to vector<1000x1xf32>
    %div3A_45 = vector.broadcast %sub3A_41 : f32 to vector<1000x1xf32>
    %div3A_46 = arith.divf %broadcast_in_dim3A_44, %div3A_45 : vector<1000x1xf32>
    %gt3A = arith.constant 0.000000e+00 : f32
    %gt3A_47 = arith.cmpf ogt, %sub3A_41, %gt3A : f32
    %jit3A_48 = arith.constant 0x7FC00000 : f32
    %broadcast_in_dim3A_49 = vector.broadcast %jit3A_48 : f32 to vector<1000x1xf32>
    %select_n3A = arith.select %gt3A_47, %div3A_46, %broadcast_in_dim3A_49 : vector<1000x1xf32>
    %sub3A_50 = vector.broadcast %div3A_32 : vector<1000x1xf32> to vector<1000x128xf32>
    %sub3A_51 = arith.subf %add3A_21, %sub3A_50 : vector<1000x128xf32>
    %add3A_52 = arith.constant 9.99999974E-6 : f32
    %add3A_53 = vector.broadcast %add3A_52 : f32 to vector<1000x1xf32>
    %add3A_54 = arith.addf %select_n3A, %add3A_53 : vector<1000x1xf32>
    %sqrt3A = math.sqrt %add3A_54 : vector<1000x1xf32>
    %div3A_55 = vector.broadcast %sqrt3A : vector<1000x1xf32> to vector<1000x128xf32>
    %div3A_56 = arith.divf %sub3A_51, %div3A_55 : vector<1000x128xf32>
    %mul3A_57 = vector.broadcast %get3A_24 : vector<1x128xf32> to vector<1000x128xf32>
    %mul3A_58 = arith.mulf %div3A_56, %mul3A_57 : vector<1000x128xf32>
    %add3A_59 = vector.broadcast %get3A_27 : vector<1x128xf32> to vector<1000x128xf32>
    %add3A_60 = arith.addf %mul3A_58, %add3A_59 : vector<1000x128xf32>
    %mul3A_61 = arith.constant 5.000000e-01 : f32
    %mul3A_62 = vector.broadcast %mul3A_61 : f32 to vector<1000x128xf32>
    %mul3A_63 = arith.mulf %mul3A_62, %add3A_60 : vector<1000x128xf32>
    %mul3A_64 = arith.constant 0.707106769 : f32
    %mul3A_65 = vector.broadcast %mul3A_64 : f32 to vector<1000x128xf32>
    %mul3A_66 = arith.mulf %add3A_60, %mul3A_65 : vector<1000x128xf32>
    %erf3A = math.erf %mul3A_66 : vector<1000x128xf32>
    %add3A_67 = arith.constant 1.000000e+00 : f32
    %add3A_68 = vector.broadcast %add3A_67 : f32 to vector<1000x128xf32>
    %add3A_69 = arith.addf %add3A_68, %erf3A : vector<1000x128xf32>
    %mul3A_70 = arith.mulf %mul3A_63, %add3A_69 : vector<1000x128xf32>
    %get3A_71 = arith.constant 0 : index
    %get3A_72 = arith.constant 0 : index
    %get3A_73 = vector.load %arg1[%get3A_71, %get3A_72] : memref<1000x128xf32, #tpu.memory_space<vmem>>, vector<1000x128xf32>
    %add3A_74 = arith.addf %mul3A_70, %get3A_73 : vector<1000x128xf32>
    %swap3A = arith.constant 0 : index
    %swap3A_75 = arith.constant 0 : index
    %swap3A_76 = vector.load %arg10[%swap3A, %swap3A_75] : memref<1000x128xf32, #tpu.memory_space<vmem>>, vector<1000x128xf32>
    tpu.vector_store %arg10[%swap3A, %swap3A_75], %add3A_74 {strides = array<i32>} : memref<1000x128xf32, #tpu.memory_space<vmem>>, vector<1000x128xf32>,
    %get3A_77 = arith.constant 0 : index
    %get3A_78 = arith.constant 0 : index
    %get3A_79 = vector.load %arg9[%get3A_77, %get3A_78] : memref<128x128xf32, #tpu.memory_space<vmem>>, vector<128x128xf32>
    %dot_general3A = arith.constant dense<0.000000e+00> : vector<1000x128xf32>
    %dot_general3A_80 = tpu.matmul %add3A_74, %get3A_79, %dot_general3A {dimension_numbers = #tpu.dot_dimension_numbers<[1], [0], [0], [1], [0, 0, 1, 1], [], []>, transpose_lhs_hint = false} : vector<1000x128xf32>, vector<128x128xf32>, vector<1000x128xf32> -> vector<1000x128xf32>
    %mul3A_81 = vector.broadcast %rsqrt3A : vector<1000x1xf32> to vector<1000x128xf32>
    %mul3A_82 = arith.mulf %dot_general3A_80, %mul3A_81 : vector<1000x128xf32>
    %swap3A_83 = arith.constant 0 : index
    %swap3A_84 = arith.constant 0 : index
    %swap3A_85 = vector.load %arg11[%swap3A_83, %swap3A_84] : memref<1000x128xf32, #tpu.memory_space<vmem>>, vector<1000x128xf32>
    tpu.vector_store %arg11[%swap3A_83, %swap3A_84], %mul3A_82 {strides = array<i32>} : memref<1000x128xf32, #tpu.memory_space<vmem>>, vector<1000x128xf32>,
    return
  }
  func.func @transform_0(%arg0: i32) -> (i32, i32) {
    %c0_i32 = arith.constant 0 : i32
    %c0_i32_0 = arith.constant 0 : i32
    return %arg0, %c0_i32 : i32, i32
  }
  func.func @transform_1(%arg0: i32) -> (i32, i32) {
    %c0_i32 = arith.constant 0 : i32
    %c0_i32_0 = arith.constant 0 : i32
    return %arg0, %c0_i32 : i32, i32
  }
  func.func @transform_2(%arg0: i32) -> (i32, i32) {
    %c0_i32 = arith.constant 0 : i32
    %c0_i32_0 = arith.constant 0 : i32
    return %arg0, %c0_i32 : i32, i32
  }
  func.func @transform_3(%arg0: i32) -> (i32, i32) {
    %c0_i32 = arith.constant 0 : i32
    %c0_i32_0 = arith.constant 0 : i32
    return %arg0, %c0_i32 : i32, i32
  }
  func.func @transform_4(%arg0: i32) -> (i32, i32) {
    %c0_i32 = arith.constant 0 : i32
    %c0_i32_0 = arith.constant 0 : i32
    return %arg0, %c0_i32 : i32, i32
  }
  func.func @transform_5(%arg0: i32) -> (i32, i32) {
    %c0_i32 = arith.constant 0 : i32
    %c0_i32_0 = arith.constant 0 : i32
    %c0_i32_1 = arith.constant 0 : i32
    return %c0_i32, %c0_i32_0 : i32, i32
  }
  func.func @transform_6(%arg0: i32) -> (i32, i32) {
    %c0_i32 = arith.constant 0 : i32
    %c0_i32_0 = arith.constant 0 : i32
    %c0_i32_1 = arith.constant 0 : i32
    return %c0_i32, %c0_i32_0 : i32, i32
  }
  func.func @transform_7(%arg0: i32) -> (i32, i32) {
    %c0_i32 = arith.constant 0 : i32
    %c0_i32_0 = arith.constant 0 : i32
    %c0_i32_1 = arith.constant 0 : i32
    return %c0_i32, %c0_i32_0 : i32, i32
  }
  func.func @transform_8(%arg0: i32) -> (i32, i32) {
    %c0_i32 = arith.constant 0 : i32
    %c0_i32_0 = arith.constant 0 : i32
    %c0_i32_1 = arith.constant 0 : i32
    return %c0_i32, %c0_i32_0 : i32, i32
  }
  func.func @transform_9(%arg0: i32) -> (i32, i32) {
    %c0_i32 = arith.constant 0 : i32
    %c0_i32_0 = arith.constant 0 : i32
    return %arg0, %c0_i32 : i32, i32
  }
  func.func @transform_10(%arg0: i32) -> (i32, i32) {
    %c0_i32 = arith.constant 0 : i32
    %c0_i32_0 = arith.constant 0 : i32
    return %arg0, %c0_i32 : i32, i32
  }
}

module attributes {stable_mosaic.version = 14 : i64} {
  func.func @_posthead_body(%arg0: i32, %arg1: memref<1000x128xf32, #tpu.memory_space<vmem>>, %arg2: memref<1000x128xf32, #tpu.memory_space<vmem>>, %arg3: memref<1000x128xf32, #tpu.memory_space<vmem>>, %arg4: memref<1000x128xf32, #tpu.memory_space<vmem>>, %arg5: memref<1000x32xf32, #tpu.memory_space<vmem>>, %arg6: memref<1x128xf32, #tpu.memory_space<vmem>>, %arg7: memref<1x128xf32, #tpu.memory_space<vmem>>, %arg8: memref<1x128xf32, #tpu.memory_space<vmem>>, %arg9: memref<128x1xf32, #tpu.memory_space<vmem>>, %arg10: memref<1x1xf32, #tpu.memory_space<vmem>>, %arg11: memref<1000x1xf32, #tpu.memory_space<vmem>>) attributes {dimension_semantics = [#tpu.dimension_semantics<arbitrary>], iteration_bounds = array<i64: 10>, scalar_prefetch = 0 : i64, scratch_operands = 0 : i64, tpu.core_type = #tpu.core_type<tc>, window_params = [{transform_indices = @transform_0, window_bounds = array<i64: 1000, 128>}, {transform_indices = @transform_1, window_bounds = array<i64: 1000, 128>}, {transform_indices = @transform_2, window_bounds = array<i64: 1000, 128>}, {transform_indices = @transform_3, window_bounds = array<i64: 1000, 128>}, {transform_indices = @transform_4, window_bounds = array<i64: 1000, 32>}, {pipeline_mode = #tpu.pipeline_mode<synchronous>, transform_indices = @transform_5, window_bounds = array<i64: 1, 128>}, {pipeline_mode = #tpu.pipeline_mode<synchronous>, transform_indices = @transform_6, window_bounds = array<i64: 1, 128>}, {pipeline_mode = #tpu.pipeline_mode<synchronous>, transform_indices = @transform_7, window_bounds = array<i64: 1, 128>}, {pipeline_mode = #tpu.pipeline_mode<synchronous>, transform_indices = @transform_8, window_bounds = array<i64: 128, 1>}, {pipeline_mode = #tpu.pipeline_mode<synchronous>, transform_indices = @transform_9, window_bounds = array<i64: 1, 1>}, {transform_indices = @transform_10, window_bounds = array<i64: 1000, 1>}]} {
    %get3A = arith.constant 0 : index
    %get3A_0 = arith.constant 0 : index
    %get3A_1 = vector.load %arg5[%get3A, %get3A_0] : memref<1000x32xf32, #tpu.memory_space<vmem>>, vector<1000x32xf32>
    %reduce_sum3A = arith.constant dense<0.000000e+00> : vector<1000xf32>
    %reduce_sum3A_2 = vector.multi_reduction <add>, %get3A_1, %reduce_sum3A [1] : vector<1000x32xf32> to vector<1000xf32>
    %broadcast_in_dim3A = vector.shape_cast %reduce_sum3A_2 : vector<1000xf32> to vector<1000x1xf32>
    %add3A = arith.constant 1.000000e+00 : f32
    %add3A_3 = vector.broadcast %add3A : f32 to vector<1000x1xf32>
    %add3A_4 = arith.addf %add3A_3, %broadcast_in_dim3A : vector<1000x1xf32>
    %rsqrt3A = math.rsqrt %add3A_4 : vector<1000x1xf32>
    %get3A_5 = arith.constant 0 : index
    %get3A_6 = arith.constant 0 : index
    %get3A_7 = vector.load %arg2[%get3A_5, %get3A_6] : memref<1000x128xf32, #tpu.memory_space<vmem>>, vector<1000x128xf32>
    %get3A_8 = arith.constant 0 : index
    %get3A_9 = arith.constant 0 : index
    %get3A_10 = vector.load %arg3[%get3A_8, %get3A_9] : memref<1000x128xf32, #tpu.memory_space<vmem>>, vector<1000x128xf32>
    %add3A_11 = arith.addf %get3A_7, %get3A_10 : vector<1000x128xf32>
    %get3A_12 = arith.constant 0 : index
    %get3A_13 = arith.constant 0 : index
    %get3A_14 = vector.load %arg4[%get3A_12, %get3A_13] : memref<1000x128xf32, #tpu.memory_space<vmem>>, vector<1000x128xf32>
    %add3A_15 = arith.addf %add3A_11, %get3A_14 : vector<1000x128xf32>
    %mul3A = vector.broadcast %rsqrt3A : vector<1000x1xf32> to vector<1000x128xf32>
    %mul3A_16 = arith.mulf %add3A_15, %mul3A : vector<1000x128xf32>
    %get3A_17 = arith.constant 0 : index
    %get3A_18 = arith.constant 0 : index
    %get3A_19 = vector.load %arg6[%get3A_17, %get3A_18] : memref<1x128xf32, #tpu.memory_space<vmem>>, vector<1x128xf32>
    %add3A_20 = vector.broadcast %get3A_19 : vector<1x128xf32> to vector<1000x128xf32>
    %add3A_21 = arith.addf %mul3A_16, %add3A_20 : vector<1000x128xf32>
    %get3A_22 = arith.constant 0 : index
    %get3A_23 = arith.constant 0 : index
    %get3A_24 = vector.load %arg7[%get3A_22, %get3A_23] : memref<1x128xf32, #tpu.memory_space<vmem>>, vector<1x128xf32>
    %get3A_25 = arith.constant 0 : index
    %get3A_26 = arith.constant 0 : index
    %get3A_27 = vector.load %arg8[%get3A_25, %get3A_26] : memref<1x128xf32, #tpu.memory_space<vmem>>, vector<1x128xf32>
    %reduce_sum3A_28 = arith.constant dense<0.000000e+00> : vector<1000xf32>
    %reduce_sum3A_29 = vector.multi_reduction <add>, %add3A_21, %reduce_sum3A_28 [1] : vector<1000x128xf32> to vector<1000xf32>
    %broadcast_in_dim3A_30 = vector.shape_cast %reduce_sum3A_29 : vector<1000xf32> to vector<1000x1xf32>
    %div3A = arith.constant 1.280000e+02 : f32
    %div3A_31 = vector.broadcast %div3A : f32 to vector<1000x1xf32>
    %div3A_32 = arith.divf %broadcast_in_dim3A_30, %div3A_31 : vector<1000x1xf32>
    %jit3A = arith.constant 0 : i32
    %reduce_sum3A_33 = arith.constant dense<0.000000e+00> : vector<1000xf32>
    %reduce_sum3A_34 = vector.multi_reduction <add>, %add3A_21, %reduce_sum3A_33 [1] : vector<1000x128xf32> to vector<1000xf32>
    %broadcast_in_dim3A_35 = vector.shape_cast %reduce_sum3A_34 : vector<1000xf32> to vector<1000x1xf32>
    %div3A_36 = arith.constant 1.280000e+02 : f32
    %div3A_37 = vector.broadcast %div3A_36 : f32 to vector<1000x1xf32>
    %div3A_38 = arith.divf %broadcast_in_dim3A_35, %div3A_37 : vector<1000x1xf32>
    %sub3A = vector.broadcast %div3A_38 : vector<1000x1xf32> to vector<1000x128xf32>
    %sub3A_39 = arith.subf %add3A_21, %sub3A : vector<1000x128xf32>
    %square3A = arith.mulf %sub3A_39, %sub3A_39 : vector<1000x128xf32>
    %convert_element_type3A = arith.sitofp %jit3A : i32 to f32
    %sub3A_40 = arith.constant 1.280000e+02 : f32
    %sub3A_41 = arith.subf %sub3A_40, %convert_element_type3A : f32
    %reduce_sum3A_42 = arith.constant dense<0.000000e+00> : vector<1000xf32>
    %reduce_sum3A_43 = vector.multi_reduction <add>, %square3A, %reduce_sum3A_42 [1] : vector<1000x128xf32> to vector<1000xf32>
    %broadcast_in_dim3A_44 = vector.shape_cast %reduce_sum3A_43 : vector<1000xf32> to vector<1000x1xf32>
    %div3A_45 = vector.broadcast %sub3A_41 : f32 to vector<1000x1xf32>
    %div3A_46 = arith.divf %broadcast_in_dim3A_44, %div3A_45 : vector<1000x1xf32>
    %gt3A = arith.constant 0.000000e+00 : f32
    %gt3A_47 = arith.cmpf ogt, %sub3A_41, %gt3A : f32
    %jit3A_48 = arith.constant 0x7FC00000 : f32
    %broadcast_in_dim3A_49 = vector.broadcast %jit3A_48 : f32 to vector<1000x1xf32>
    %select_n3A = arith.select %gt3A_47, %div3A_46, %broadcast_in_dim3A_49 : vector<1000x1xf32>
    %sub3A_50 = vector.broadcast %div3A_32 : vector<1000x1xf32> to vector<1000x128xf32>
    %sub3A_51 = arith.subf %add3A_21, %sub3A_50 : vector<1000x128xf32>
    %add3A_52 = arith.constant 9.99999974E-6 : f32
    %add3A_53 = vector.broadcast %add3A_52 : f32 to vector<1000x1xf32>
    %add3A_54 = arith.addf %select_n3A, %add3A_53 : vector<1000x1xf32>
    %sqrt3A = math.sqrt %add3A_54 : vector<1000x1xf32>
    %div3A_55 = vector.broadcast %sqrt3A : vector<1000x1xf32> to vector<1000x128xf32>
    %div3A_56 = arith.divf %sub3A_51, %div3A_55 : vector<1000x128xf32>
    %mul3A_57 = vector.broadcast %get3A_24 : vector<1x128xf32> to vector<1000x128xf32>
    %mul3A_58 = arith.mulf %div3A_56, %mul3A_57 : vector<1000x128xf32>
    %add3A_59 = vector.broadcast %get3A_27 : vector<1x128xf32> to vector<1000x128xf32>
    %add3A_60 = arith.addf %mul3A_58, %add3A_59 : vector<1000x128xf32>
    %mul3A_61 = arith.constant 5.000000e-01 : f32
    %mul3A_62 = vector.broadcast %mul3A_61 : f32 to vector<1000x128xf32>
    %mul3A_63 = arith.mulf %mul3A_62, %add3A_60 : vector<1000x128xf32>
    %mul3A_64 = arith.constant 0.707106769 : f32
    %mul3A_65 = vector.broadcast %mul3A_64 : f32 to vector<1000x128xf32>
    %mul3A_66 = arith.mulf %add3A_60, %mul3A_65 : vector<1000x128xf32>
    %erf3A = math.erf %mul3A_66 : vector<1000x128xf32>
    %add3A_67 = arith.constant 1.000000e+00 : f32
    %add3A_68 = vector.broadcast %add3A_67 : f32 to vector<1000x128xf32>
    %add3A_69 = arith.addf %add3A_68, %erf3A : vector<1000x128xf32>
    %mul3A_70 = arith.mulf %mul3A_63, %add3A_69 : vector<1000x128xf32>
    %get3A_71 = arith.constant 0 : index
    %get3A_72 = arith.constant 0 : index
    %get3A_73 = vector.load %arg1[%get3A_71, %get3A_72] : memref<1000x128xf32, #tpu.memory_space<vmem>>, vector<1000x128xf32>
    %add3A_74 = arith.addf %mul3A_70, %get3A_73 : vector<1000x128xf32>
    %get3A_75 = arith.constant 0 : index
    %get3A_76 = arith.constant 0 : index
    %get3A_77 = vector.load %arg9[%get3A_75, %get3A_76] : memref<128x1xf32, #tpu.memory_space<vmem>>, vector<128x1xf32>
    %dot_general3A = arith.constant dense<0.000000e+00> : vector<1000x1xf32>
    %dot_general3A_78 = tpu.matmul %add3A_74, %get3A_77, %dot_general3A {dimension_numbers = #tpu.dot_dimension_numbers<[1], [0], [0], [1], [0, 0, 1, 1], [], []>, transpose_lhs_hint = false} : vector<1000x128xf32>, vector<128x1xf32>, vector<1000x1xf32> -> vector<1000x1xf32>
    %get3A_79 = arith.constant 0 : index
    %get3A_80 = arith.constant 0 : index
    %get3A_81 = vector.load %arg10[%get3A_79, %get3A_80] : memref<1x1xf32, #tpu.memory_space<vmem>>, vector<1x1xf32>
    %add3A_82 = vector.broadcast %get3A_81 : vector<1x1xf32> to vector<1000x1xf32>
    %add3A_83 = arith.addf %dot_general3A_78, %add3A_82 : vector<1000x1xf32>
    %swap3A = arith.constant 0 : index
    %swap3A_84 = arith.constant 0 : index
    %swap3A_85 = vector.load %arg11[%swap3A, %swap3A_84] : memref<1000x1xf32, #tpu.memory_space<vmem>>, vector<1000x1xf32>
    tpu.vector_store %arg11[%swap3A, %swap3A_84], %add3A_83 {strides = array<i32>} : memref<1000x1xf32, #tpu.memory_space<vmem>>, vector<1000x1xf32>,
    return
  }
  func.func @transform_0(%arg0: i32) -> (i32, i32) {
    %c0_i32 = arith.constant 0 : i32
    %c0_i32_0 = arith.constant 0 : i32
    return %arg0, %c0_i32 : i32, i32
  }
  func.func @transform_1(%arg0: i32) -> (i32, i32) {
    %c0_i32 = arith.constant 0 : i32
    %c0_i32_0 = arith.constant 0 : i32
    return %arg0, %c0_i32 : i32, i32
  }
  func.func @transform_2(%arg0: i32) -> (i32, i32) {
    %c0_i32 = arith.constant 0 : i32
    %c0_i32_0 = arith.constant 0 : i32
    return %arg0, %c0_i32 : i32, i32
  }
  func.func @transform_3(%arg0: i32) -> (i32, i32) {
    %c0_i32 = arith.constant 0 : i32
    %c0_i32_0 = arith.constant 0 : i32
    return %arg0, %c0_i32 : i32, i32
  }
  func.func @transform_4(%arg0: i32) -> (i32, i32) {
    %c0_i32 = arith.constant 0 : i32
    %c0_i32_0 = arith.constant 0 : i32
    return %arg0, %c0_i32 : i32, i32
  }
  func.func @transform_5(%arg0: i32) -> (i32, i32) {
    %c0_i32 = arith.constant 0 : i32
    %c0_i32_0 = arith.constant 0 : i32
    %c0_i32_1 = arith.constant 0 : i32
    return %c0_i32, %c0_i32_0 : i32, i32
  }
  func.func @transform_6(%arg0: i32) -> (i32, i32) {
    %c0_i32 = arith.constant 0 : i32
    %c0_i32_0 = arith.constant 0 : i32
    %c0_i32_1 = arith.constant 0 : i32
    return %c0_i32, %c0_i32_0 : i32, i32
  }
  func.func @transform_7(%arg0: i32) -> (i32, i32) {
    %c0_i32 = arith.constant 0 : i32
    %c0_i32_0 = arith.constant 0 : i32
    %c0_i32_1 = arith.constant 0 : i32
    return %c0_i32, %c0_i32_0 : i32, i32
  }
  func.func @transform_8(%arg0: i32) -> (i32, i32) {
    %c0_i32 = arith.constant 0 : i32
    %c0_i32_0 = arith.constant 0 : i32
    %c0_i32_1 = arith.constant 0 : i32
    return %c0_i32, %c0_i32_0 : i32, i32
  }
  func.func @transform_9(%arg0: i32) -> (i32, i32) {
    %c0_i32 = arith.constant 0 : i32
    %c0_i32_0 = arith.constant 0 : i32
    %c0_i32_1 = arith.constant 0 : i32
    return %c0_i32, %c0_i32_0 : i32, i32
  }
  func.func @transform_10(%arg0: i32) -> (i32, i32) {
    %c0_i32 = arith.constant 0 : i32
    %c0_i32_0 = arith.constant 0 : i32
    return %arg0, %c0_i32 : i32, i32
  }
}

</mosaic_0001>

<sc_bundles>
// kernel: kernel.10.cloned.1.call-start
scs
__scs_entry_jumppad:
0x0: {  	(pc) =	sbr.rel $0x88, $3  }
0x1: {  	(tag) =	ssettag $0x0;
	lr =	simm.s32 $0x1  }
0x2: {  	[smem:$0x3F95] =	sst lr;
	_ =	strace $0xD0000000  }
0x3: {  	_ = 	snop  }
0x4: {  	_ = 	snop  }
0x5: {  	_ = 	snop  }
0x6: {  	_ = 	snop  }
0x7: {  	_ = 	snop  }
__scs_overlays_trampoline_lowered:
0x8: {  	[smem:$0x3FA4] =	sst s0  }
0x9: {  	[smem:$0x3FA5] =	sst s1  }
0xa: {  	[smem:$0x3FA6] =	sst s2  }
0xb: {  	[smem:$0x3FA7] =	sst s3  }
0xc: {  	[smem:$0x3FA8] =	sst s4  }
0xd: {  	[smem:$0x3FA9] =	sst s5  }
0xe: {  	[smem:$0x3FAA] =	sst s6  }
0xf: {  	[smem:$0x3FAB] =	sst s7  }
0x10: {  	[smem:$0x3FAC] =	sst s8  }
0x11: {  	[smem:$0x3FAD] =	sst s9;
	s0 =	simm.s32 @!p0 $0x0  }
0x12: {  	s1 =	sld [smem:$0x3F93];
	s0 =	simm.s32 @p0 $0x1  }
0x13: {  	[smem:$0x3FAE] =	sst s0;
	s0 =	simm.s32 @!p1 $0x0  }
0x14: {  	s2 =	sld [smem:$0x3F92];
	s0 =	simm.s32 @p1 $0x1  }
0x15: {  	[smem:$0x3FAF] =	sst s0;
	s0 =	simm.s32 @!p2 $0x0  }
0x16: {  	s3 =	sld [smem:$0x3FDB];
	s0 =	simm.s32 @p2 $0x1  }
0x17: {  	s4 =	simm.s32 $0x1BF5;
	[smem:$0x3FB1] =	sst s0  }
0x18: {  	s0 =	sld [smem:$0x3F94];
	_ =	swait.ge [sflag:s4], $0x0  }
0x19: {  	s7 =	sld [smem:$0x3F95]  }
0x1a: {  	s8 =	sadd.s32 $0xFFFFE003, lr  }
0x1b: {  	s9 =	sadd.s32 $0xFFFFFEF7, lr;
	s5 =	simm.s32 $0xFFFFFFFF;
	p2 =	slt.u32 s8, $0xFFFFF086  }
0x1c: {  	p1 =	slt.u32 s9, $0xF7A;
	s5 =	simm.s32 @!p2 $0x0  }
0x1d: {  	s5 =	simm.s32 @p1 $0x1;
	p0 =	seq.s32 s7, s2  }
0x1e: {  	s7 =	smul.u32 @!p0 $0xF7A, s2;
	p2 =	seq.s32 @!p0 s5, $0x0  }
0x1f: {  	s9 =	smul.u32 $0xF7A, s1;
	s8 =	simm.s32 @!p0 $0x1BF5;
	p2 =	por !p2, p0  }
0x20: {  	[sflag:s8] =	ssyncset.s32 @!p0 $0xFFFFF086;
	s6 =	sadd.s32 @!p0 s3, s7;
	s7 =	simm.s32 @!p0 $0x108  }
0x21: {  	s3 =	sadd.s32 s3, s9;
	s6 =	sadd.s32 @!p0 $0x88, s6;
	s7 =	simm.s32 @p2 $0x1082  }
0x22: {  	[simem:s7], [sflag:s8] =	dma.local @!p0 [hbm:s6], $0xF7A  }
0x23: {  	s9 =	sor.u32 $0xD0000000, s2;
	s6 =	simm.s32 $0x108;
	_ =	swait.ge @!p0 [sflag:s8], $0x0  }
0x24: {  	s3 =	sadd.s32 $0x88, s3;
	s6 =	simm.s32 @!p1 $0x1082;
	[sflag:s4] =	ssyncset.s32 $0xFFFFF086  }
0x25: {  	[simem:s6], [sflag:s4] =	dma.local [hbm:s3], $0xF7A  }
0x26: {  	[smem:$0x3F95] =	sst s1;
	(tag) =	ssettag s2;
	_ =	strace s9  }
0x27: {  	s1 =	sld [smem:$0x3FA5]  }
0x28: {  	s2 =	sld [smem:$0x3FA6]  }
0x29: {  	s4 =	sld [smem:$0x3FA8]  }
0x2a: {  	p0 =	seq.s32 s5, $0x0;
	s5 =	sld [smem:$0x3FA9]  }
0x2b: {  	s6 =	sld [smem:$0x3FAA]  }
0x2c: {  	s7 =	sld [smem:$0x3FAB]  }
0x2d: {  	s3 =	simm.s32 $0x108;
	s8 =	sld [smem:$0x3FAC]  }
0x2e: {  	s3 =	simm.s32 @!p0 $0x1082;
	s9 =	sld [smem:$0x3FAD]  }
0x2f: {  	lr =	sadd.s32 s0, s3;
	s0 =	sld [smem:$0x3FA4]  }
0x30: {  	s3 =	sld [smem:$0x3FA7]  }
0x31: {  	[smem:$0x3FB0] =	sst s10  }
0x32: {  	s10 =	sld [smem:$0x3FAE];
	_ =	sdelay $0x3  }
0x33: {  	p0 =	seq.s32 s10, $0x1;
	s10 =	sld [smem:$0x3FB0];
	_ =	sdelay $0x3  }
0x34: {  	[smem:$0x3FB0] =	sst s10  }
0x35: {  	s10 =	sld [smem:$0x3FAF];
	_ =	sdelay $0x3  }
0x36: {  	p1 =	seq.s32 s10, $0x1;
	s10 =	sld [smem:$0x3FB0];
	_ =	sdelay $0x3  }
0x37: {  	[smem:$0x3FB0] =	sst s10  }
0x38: {  	s10 =	sld [smem:$0x3FB1]  }
0x39: {  	_ = 	snop;
	(pc) =	sbr.ind lr, $3  }
0x3a: {  	_ = 	snop  }
0x3b: {  	_ = 	snop  }
0x3c: {  	p2 =	seq.s32 s10, $0x1;
	s10 =	sld [smem:$0x3FB0]  }
0x3d: {  	_ =	shalt  }
0x3e: {  	_ =	shalt  }
0x3f: {  	_ =	shalt  }
0x40: {  	_ =	shalt  }
0x41: {  	_ =	shalt  }
0x42: {  	_ =	shalt  }
0x43: {  	_ =	shalt  }
0x44: {  	_ =	shalt  }
0x45: {  	_ =	shalt  }
0x46: {  	_ =	shalt  }
0x47: {  	_ =	shalt  }
0x48: {  	_ =	shalt  }
0x49: {  	_ =	shalt  }
0x4a: {  	_ =	shalt  }
0x4b: {  	_ =	shalt  }
0x4c: {  	_ =	shalt  }
0x4d: {  	_ =	shalt  }
0x4e: {  	_ =	shalt  }
0x4f: {  	_ =	shalt  }
0x50: {  	_ =	shalt  }
0x51: {  	_ =	shalt  }
0x52: {  	_ =	shalt  }
0x53: {  	_ =	shalt  }
0x54: {  	_ =	shalt  }
0x55: {  	_ =	shalt  }
0x56: {  	_ =	shalt  }
0x57: {  	_ =	shalt  }
0x58: {  	_ =	shalt  }
0x59: {  	_ =	shalt  }
0x5a: {  	_ =	shalt  }
0x5b: {  	_ =	shalt  }
0x5c: {  	_ =	shalt  }
0x5d: {  	_ =	shalt  }
0x5e: {  	_ =	shalt  }
0x5f: {  	_ =	shalt  }
0x60: {  	_ =	shalt  }
0x61: {  	_ =	shalt  }
0x62: {  	_ =	shalt  }
0x63: {  	_ =	shalt  }
0x64: {  	_ =	shalt  }
0x65: {  	_ =	shalt  }
0x66: {  	_ =	shalt  }
0x67: {  	_ =	shalt  }
0x68: {  	_ =	shalt  }
0x69: {  	_ =	shalt  }
0x6a: {  	_ =	shalt  }
0x6b: {  	_ =	shalt  }
0x6c: {  	_ =	shalt  }
0x6d: {  	_ =	shalt  }
0x6e: {  	_ =	shalt  }
0x6f: {  	_ =	shalt  }
0x70: {  	_ =	shalt  }
0x71: {  	_ =	shalt  }
0x72: {  	_ =	shalt  }
0x73: {  	_ =	shalt  }
0x74: {  	_ =	shalt  }
0x75: {  	_ =	shalt  }
0x76: {  	_ =	shalt  }
0x77: {  	_ =	shalt  }
0x78: {  	_ =	shalt  }
0x79: {  	_ =	shalt  }
0x7a: {  	_ =	shalt  }
0x7b: {  	_ =	shalt  }
0x7c: {  	_ =	shalt  }
0x7d: {  	_ =	shalt  }
0x7e: {  	_ =	shalt  }
0x7f: {  	_ =	shalt  }
0x80: {  	_ =	shalt  }
0x81: {  	_ =	shalt  }
0x82: {  	_ =	shalt  }
0x83: {  	_ =	shalt  }
0x84: {  	_ =	shalt  }
0x85: {  	_ =	shalt  }
0x86: {  	_ =	shalt  }
0x87: {  	_ =	shalt  }
.Lfunc_end0:
.L_simem_size_0:
called_computation_lowered:
.L_overlay_start_0:
0x88: {  	s2 =	sld [smem:$0x3FD9]  }
0x89: {  	s3 =	sld [smem:$0x3FFE];
	_ =	sdelay $0x1  }
0x8a: {  	s1 =	srdreg.scid  }
0x8b: {  	s0 =	sand.u32 $0x1, s1  }
0x8c: {  	s16 =	sshll.u32 s0, $0xA;
	s2 =	sadd.s32 s3, s2  }
0x8d: {  	s2 =	sadd.s32 s2, s16  }
0x8e: {  	[smem:$0x3FBC] =	sst s2  }
0x8f: {  	_ = 	snop  }
0x90: {  	(tm) =	ssettm $0x1  }
0x91: {  	s17 =	sld [smem:$0x3FFB];
	_ =	sdelay $0x3  }
0x92: {  	_ =	strace s17  }
0x93: {  	s2 =	sld [smem:$0x3FFC];
	_ =	sdelay $0x3  }
0x94: {  	_ =	strace s2  }
0x95: {  	s2 =	sld [smem:$0x3FFD];
	_ =	sdelay $0x3  }
0x96: {  	_ =	strace s2  }
0x97: {  	_ =	strace $0x8FFFFFFF  }
0x98: {  	s18 =	sld [smem:$0x3FDB];
	_ =	sdelay $0x1  }
0x99: {  	s19 =	simm.s32 $_scs_section_size  }
0x9a: {  	s4 =	simm.s32 $_size__tile_overlayer_lowered;
	s5 =	simm.s32 $_tile_overlayer_lowered  }
0x9b: {  	s22 =	simm.s32 $0x1BFF;
	s21 =	sshll.u32 s5, $0x1;
	s2 =	sadd.s32 s19, s18  }
0x9c: {  	s6 =	simm.s32 $0x0;
	s20 =	sshll.u32 s4, $0x1;
	s4 =	sadd.s32 s21, s2  }
0x9d: {  	[timem:s6], [sflag:s22] =	dma.local [hbm:s4], s20  }
0x9e: {  	_ =	swait.ge [sflag:s22], s20  }
0x9f: {  	s3 =	ssub.s32 $0x0, s20;
	[sflag:s22] =	ssyncset.done $0x0  }
0xa0: {  	[sflag:s22] =	ssyncadd.s32 s3;
	_ =	sdelay $0x1  }
0xa1: {  	s23 =	simm.s32 $0x1B8B  }
0xa2: {  	_ =	swait.ge [sflag:s23], $0x1  }
0xa3: {  	[sflag:s23] =	ssyncset.done $0x0  }
0xa4: {  	s25 =	simm.s32 $0x1B8E;
	s24 =	sld [smem:$0x3FFE];
	[sflag:s23] =	ssyncadd.s32 $0xFFFFFFFF  }
0xa5: {  	s26 =	simm.s32 $execute0_lowered;
	[smem:$0x3FD2] =	sst s25  }
0xa6: {  	s4 =	sshll.u32 s26, $0x1;
	_ =	strace $0x80000046;
	[dreg:$0x1] =	wrdreg $0xFFFFFFFF  }
0xa7: {  	s28 =	simm.s32 $_size_execute0_lowered;
	s2 =	sadd.s32 s2, s4;
	[dreg:$0x0] =	wrdreg $0x0  }
0xa8: {  	s4 =	sshll.u32 s28, $0x1;
	[dreg:$0x2] =	wrdreg s2  }
0xa9: {  	[dreg:$0x3] =	wrdreg s4  }
0xaa: {  	[dreg:$0x4] =	wrdreg $0xC0  }
0xab: {  	_ =	task [dreg:s6], $0x5FFFF  }
0xac: {  	[dreg:$0x1] =	wrdreg $0xFFFFFFFF  }
0xad: {  	[dreg:$0x0] =	wrdreg $0x60  }
0xae: {  	[dreg:$0x2] =	wrdreg s24  }
0xaf: {  	[dreg:$0x3] =	wrdreg $0x9  }
0xb0: {  	_ =	task.clear_ibuf [dreg:s6], $0x4FFFF;
	_ =	strace $0x90000046  }
0xb1: {  	s29 =	simm.s32 $0x9;
	_ =	strace $0x80000048  }
0xb2: {  	_ =	swait.ge [sflag:s29], $0x1  }
0xb3: {  	[sflag:s29] =	ssyncadd.s32 $0xFFFFFFFF  }
0xb4: {  	_ =	strace $0x90000048  }
0xb5: {  	_ =	sfence  }
0xb6: {  	s30 =	sld [smem:$0x0];
	_ =	sdelay $0x2  }
0xb7: {  	s31 =	sshll.u32 s1, $0xD;
	s1 =	sshrl.u32 s1, $0x2  }
0xb8: {  	s3 =	sand.u32 $0x4000, s31;
	s1 =	sadd.s32 s1, s30  }
0xb9: {  	s0 =	sor.u32 s3, s0;
	s1 =	sshll.u32 s1, $0x11  }
0xba: {  	s0 =	sor.u32 s1, s0  }
0xbb: {  	s0 =	sadd.s32 $0x8F2B, s0  }
0xbc: {  	[sflag:s0] =	ssyncadd.remote.s32 $0x1  }
0xbd: {  	_ =	sfence.sel $0xFFFF  }
0xbe: {  	[dreg:$0x0] =	wrdreg $0xFFFFFFFF;
	(pc) =	sbr.abs _section_cstart, $3  }
0xbf: {  	[dreg:$0x1] =	wrdreg $0xFFFFFFFF  }
0xc0: {  	_ =	task.clear_ibuf [dreg:s6], $0x2FFFF;
	_ =	strace $0x9FFFFFFF  }
0xc1: {  	(tm) =	ssettm $0x7FFFFFFF  }
tec
execute0_lowered:
.L_overlay_start_1:
0x0: {  	(tag) =	ssettag $0x1  }
0x1: {  	s0 =	srdreg.scid  }
0x2: {  	s4 =	rddreg [dreg:$0x0];
	s3 =	sand.u32 $0x1, s0  }
0x3: {  	s1 =	stileid.u32;
	s7 =	simm.s32 $0x2800;
	s2 =	sshll.u32 s3, $0x4  }
0x4: {  	s0 =	rddreg [dreg:$0x1];
	s3 =	ssub.s32 $0x2, s3;
	s5 =	sor.u32 s1, s2  }
0x5: {  	s2 =	simm.s32 $0x0;
	s6 =	sshrl.u32 s3, $0x1;
	s5 =	smul.u32 $0x500, s5  }
0x6: {  	s8 =	simm.s32 $0x0;
	[smem:$0x7FF] =	sst s2;
	s31 =	ssub.s32 s3, s6  }
0x7: {  	s6 =	simm.s32 $0x1;
	_ =	strace $0x80000047;
	s4 =	sadd.s32 s5, s4  }
0x8: {  	v0 =	vimm.f32 $0.0e+00;
	v1 =	vimm.f32 $1.000000000e+00;
	s5 =	smax.u32 s31, $0x1;
	s3 =	sadd.s32 $0x3C00, s4;
	s4 =	sadd.s32 $0xDC00, s4  }
.LBB2_1:
0x9: {  	[tilespmem:s2], [sflag:$0x1] =	stream.linear.gather [hbm4b:s3+s2], $0x2780, $0x38;
	[tilespmem:$0x5000] =	vst v63  }
0xa: {  	_ =	swait.ge [sflag:s6], $0x2780  }
0xb: {  	[sflag:s6] =	ssyncset.done $0x0  }
0xc: {  	s9 =	simm.s32 $0x0;
	s10 =	simm.s32 $0x200;
	[sflag:s6] =	ssyncadd.s32 $0xFFFFD880  }
.LBB2_2:
0xd: {  	p0 =	sne.s32 s10, $0x9C00;
	[tilespmem:s9+$0x2870] =	vst v0  }
0xe: {  	[tilespmem:s9+$0x2800] =	vst v0  }
0xf: {  	[tilespmem:s9+$0x2810] =	vst v0  }
.Ltmp0:
0x10: {  	[tilespmem:s9+$0x2820] =	vst v0;
	(pc) =	sbr.rel @p0 .LBB2_2-.Ltmp0, $4  }
0x11: {  	[tilespmem:s9+$0x2830] =	vst v0  }
0x12: {  	[tilespmem:s9+$0x2840] =	vst v0  }
0x13: {  	[tilespmem:s9+$0x2850] =	vst v0  }
0x14: {  	[tilespmem:s9+$0x2860] =	vst v0;
	s9 =	sshra.s32 s10, $0x2;
	s10 =	sadd.s32 $0x200, s10  }
0x15: {  	[tilespmem:s9+$0x2870] =	vst v0  }
0x16: {  	[tilespmem:s9+$0x2800] =	vst v0  }
0x17: {  	[tilespmem:s9+$0x2810] =	vst v0  }
0x18: {  	[tilespmem:s9+$0x2820] =	vst v0  }
0x19: {  	[tilespmem:s9+$0x2830] =	vst v0  }
0x1a: {  	[tilespmem:s9+$0x2840] =	vst v0  }
0x1b: {  	[tilespmem:s9+$0x2850] =	vst v0  }
0x1c: {  	[tilespmem:s9+$0x2860] =	vst v0;
	s9 =	simm.s32 $0x0  }
.LBB2_4:
0x1d: {  	s10 =	sshra.s32 s9, $0x2  }
0x1e: {  	v2 =	vld [tilespmem:s10+$0x0];
	_ =	sdelay $0x7  }
0x1f: {  	[tilespmem:v2+s7+$0x0] =	vst.idx.add.f32.msk $0xffff, v1  }
0x20: {  	v2 =	vld [tilespmem:s10+$0x10];
	_ =	sdelay $0x7  }
0x21: {  	[tilespmem:v2+s7+$0x0] =	vst.idx.add.f32.msk $0xffff, v1  }
0x22: {  	v2 =	vld [tilespmem:s10+$0x20];
	_ =	sdelay $0x7  }
0x23: {  	[tilespmem:v2+s7+$0x0] =	vst.idx.add.f32.msk $0xffff, v1  }
0x24: {  	v2 =	vld [tilespmem:s10+$0x30];
	_ =	sdelay $0x7  }
0x25: {  	[tilespmem:v2+s7+$0x0] =	vst.idx.add.f32.msk $0xffff, v1  }
0x26: {  	v2 =	vld [tilespmem:s10+$0x40];
	_ =	sdelay $0x7  }
0x27: {  	[tilespmem:v2+s7+$0x0] =	vst.idx.add.f32.msk $0xffff, v1  }
0x28: {  	v2 =	vld [tilespmem:s10+$0x50];
	_ =	sdelay $0x7  }
0x29: {  	[tilespmem:v2+s7+$0x0] =	vst.idx.add.f32.msk $0xffff, v1  }
0x2a: {  	v2 =	vld [tilespmem:s10+$0x60];
	_ =	sdelay $0x7  }
0x2b: {  	[tilespmem:v2+s7+$0x0] =	vst.idx.add.f32.msk $0xffff, v1  }
0x2c: {  	v2 =	vld [tilespmem:s10+$0x70];
	_ =	sdelay $0x2  }
0x2d: {  	p0 =	sne.s32 s9, $0x9C00  }
.Ltmp1:
0x2e: {  	_ = 	snop;
	(pc) =	sbr.rel @p0 .LBB2_4-.Ltmp1, $2  }
0x2f: {  	_ =	sdelay $0x2  }
0x30: {  	s9 =	sadd.s32 $0x200, s9;
	[tilespmem:v2+s7+$0x0] =	vst.idx.add.f32.msk $0xffff, v1  }
0x31: {  	s8 =	sadd.s32 $0x1, s8  }
0x32: {  	p0 =	sne.s32 s8, s5  }
.Ltmp2:
0x33: {  	_ = 	snop;
	(pc) =	sbr.rel @p0 .LBB2_1-.Ltmp2, $4  }
0x34: {  	[hbm4b:s4+s2] =	stream.linear.scatter [tilespmem:s7], [sflag:$0x1], $0x2780, $0x38;
	[tilespmem:$0x5000] =	vst v63  }
0x35: {  	_ =	swait.ge [sflag:s6], $0x2780  }
0x36: {  	[sflag:s6] =	ssyncset.done $0x0  }
0x37: {  	[sflag:s6] =	ssyncadd.s32 $0xFFFFD880  }
0x38: {  	_ =	sfence.sel $0x180000  }
0x39: {  	[bflag:$0x0] =	sbarrier.arrive $0xFFFF  }
0x3a: {  	p0 =	sne.s32 s1, $0x0;
	_ =	strace $0x90000047  }
0x3b: {  	s0 =	sadd.s32 @!p0 $0x100000, s0;
	[bflag:$0x2] =	sbarrier.arrive $0xFFFF  }
0x3c: {  	[sflag:s0] =	ssyncadd.tile.s32 @!p0 $0x1;
	_ =	shalt  }
.Lfunc_end2:
_tile_overlayer_lowered:
.L_overlay_start_2:
0x3d: {  	(tag) =	ssettag $0x2  }
0x3e: {  	s0 =	rddreg [dreg:$0x0];
	s2 =	stileid.u32  }
0x3f: {  	s1 =	rddreg [dreg:$0x1];
	p0 =	sne.s32 s2, $0x0  }
0x40: {  	s3 =	rddreg [dreg:$0x2];
	[bflag:$0x3] =	sbarrier.arrive $0xFFFF;
	s2 =	simm.s32 @!p0 $0x1C01  }
0x41: {  	[timem:s3], [sflag:s2] =	dma.local @!p0 [hbm:s0], s1  }
0x42: {  	s0 =	simm.s32 @!p0 $0x1  }
0x43: {  	_ =	swait.ge @!p0 [sflag:s0], s1  }
0x44: {  	s1 =	ssub.s32 @!p0 $0x0, s1;
	[sflag:s0] =	ssyncset.done @!p0 $0x0  }
0x45: {  	[sflag:s0] =	ssyncadd.s32 @!p0 s1  }
0x46: {  	[bflag:$0x3] =	sbarrier.arrive $0xFFFF  }
0x47: {  	_ =	shalt  }

// kernel: kernel.13.cloned.1.call-start
scs
__scs_entry_jumppad:
0x0: {  	(pc) =	sbr.rel $0x88, $3  }
0x1: {  	(tag) =	ssettag $0x0;
	lr =	simm.s32 $0x1  }
0x2: {  	[smem:$0x3F95] =	sst lr;
	_ =	strace $0xD0000000  }
0x3: {  	_ = 	snop  }
0x4: {  	_ = 	snop  }
0x5: {  	_ = 	snop  }
0x6: {  	_ = 	snop  }
0x7: {  	_ = 	snop  }
__scs_overlays_trampoline_lowered:
0x8: {  	[smem:$0x3FA4] =	sst s0  }
0x9: {  	[smem:$0x3FA5] =	sst s1  }
0xa: {  	[smem:$0x3FA6] =	sst s2  }
0xb: {  	[smem:$0x3FA7] =	sst s3  }
0xc: {  	[smem:$0x3FA8] =	sst s4  }
0xd: {  	[smem:$0x3FA9] =	sst s5  }
0xe: {  	[smem:$0x3FAA] =	sst s6  }
0xf: {  	[smem:$0x3FAB] =	sst s7  }
0x10: {  	[smem:$0x3FAC] =	sst s8  }
0x11: {  	[smem:$0x3FAD] =	sst s9;
	s0 =	simm.s32 @!p0 $0x0  }
0x12: {  	s1 =	sld [smem:$0x3F93];
	s0 =	simm.s32 @p0 $0x1  }
0x13: {  	[smem:$0x3FAE] =	sst s0;
	s0 =	simm.s32 @!p1 $0x0  }
0x14: {  	s2 =	sld [smem:$0x3F92];
	s0 =	simm.s32 @p1 $0x1  }
0x15: {  	[smem:$0x3FAF] =	sst s0;
	s0 =	simm.s32 @!p2 $0x0  }
0x16: {  	s3 =	sld [smem:$0x3FDB];
	s0 =	simm.s32 @p2 $0x1  }
0x17: {  	s4 =	simm.s32 $0x1BF5;
	[smem:$0x3FB1] =	sst s0  }
0x18: {  	s0 =	sld [smem:$0x3F94];
	_ =	swait.ge [sflag:s4], $0x0  }
0x19: {  	s7 =	sld [smem:$0x3F95]  }
0x1a: {  	s8 =	sadd.s32 $0xFFFFE003, lr  }
0x1b: {  	s9 =	sadd.s32 $0xFFFFFEF7, lr;
	s5 =	simm.s32 $0xFFFFFFFF;
	p2 =	slt.u32 s8, $0xFFFFF086  }
0x1c: {  	p1 =	slt.u32 s9, $0xF7A;
	s5 =	simm.s32 @!p2 $0x0  }
0x1d: {  	s5 =	simm.s32 @p1 $0x1;
	p0 =	seq.s32 s7, s2  }
0x1e: {  	s7 =	smul.u32 @!p0 $0xF7A, s2;
	p2 =	seq.s32 @!p0 s5, $0x0  }
0x1f: {  	s9 =	smul.u32 $0xF7A, s1;
	s8 =	simm.s32 @!p0 $0x1BF5;
	p2 =	por !p2, p0  }
0x20: {  	[sflag:s8] =	ssyncset.s32 @!p0 $0xFFFFF086;
	s6 =	sadd.s32 @!p0 s3, s7;
	s7 =	simm.s32 @!p0 $0x108  }
0x21: {  	s3 =	sadd.s32 s3, s9;
	s6 =	sadd.s32 @!p0 $0x88, s6;
	s7 =	simm.s32 @p2 $0x1082  }
0x22: {  	[simem:s7], [sflag:s8] =	dma.local @!p0 [hbm:s6], $0xF7A  }
0x23: {  	s9 =	sor.u32 $0xD0000000, s2;
	s6 =	simm.s32 $0x108;
	_ =	swait.ge @!p0 [sflag:s8], $0x0  }
0x24: {  	s3 =	sadd.s32 $0x88, s3;
	s6 =	simm.s32 @!p1 $0x1082;
	[sflag:s4] =	ssyncset.s32 $0xFFFFF086  }
0x25: {  	[simem:s6], [sflag:s4] =	dma.local [hbm:s3], $0xF7A  }
0x26: {  	[smem:$0x3F95] =	sst s1;
	(tag) =	ssettag s2;
	_ =	strace s9  }
0x27: {  	s1 =	sld [smem:$0x3FA5]  }
0x28: {  	s2 =	sld [smem:$0x3FA6]  }
0x29: {  	s4 =	sld [smem:$0x3FA8]  }
0x2a: {  	p0 =	seq.s32 s5, $0x0;
	s5 =	sld [smem:$0x3FA9]  }
0x2b: {  	s6 =	sld [smem:$0x3FAA]  }
0x2c: {  	s7 =	sld [smem:$0x3FAB]  }
0x2d: {  	s3 =	simm.s32 $0x108;
	s8 =	sld [smem:$0x3FAC]  }
0x2e: {  	s3 =	simm.s32 @!p0 $0x1082;
	s9 =	sld [smem:$0x3FAD]  }
0x2f: {  	lr =	sadd.s32 s0, s3;
	s0 =	sld [smem:$0x3FA4]  }
0x30: {  	s3 =	sld [smem:$0x3FA7]  }
0x31: {  	[smem:$0x3FB0] =	sst s10  }
0x32: {  	s10 =	sld [smem:$0x3FAE];
	_ =	sdelay $0x3  }
0x33: {  	p0 =	seq.s32 s10, $0x1;
	s10 =	sld [smem:$0x3FB0];
	_ =	sdelay $0x3  }
0x34: {  	[smem:$0x3FB0] =	sst s10  }
0x35: {  	s10 =	sld [smem:$0x3FAF];
	_ =	sdelay $0x3  }
0x36: {  	p1 =	seq.s32 s10, $0x1;
	s10 =	sld [smem:$0x3FB0];
	_ =	sdelay $0x3  }
0x37: {  	[smem:$0x3FB0] =	sst s10  }
0x38: {  	s10 =	sld [smem:$0x3FB1]  }
0x39: {  	_ = 	snop;
	(pc) =	sbr.ind lr, $3  }
0x3a: {  	_ = 	snop  }
0x3b: {  	_ = 	snop  }
0x3c: {  	p2 =	seq.s32 s10, $0x1;
	s10 =	sld [smem:$0x3FB0]  }
0x3d: {  	_ =	shalt  }
0x3e: {  	_ =	shalt  }
0x3f: {  	_ =	shalt  }
0x40: {  	_ =	shalt  }
0x41: {  	_ =	shalt  }
0x42: {  	_ =	shalt  }
0x43: {  	_ =	shalt  }
0x44: {  	_ =	shalt  }
0x45: {  	_ =	shalt  }
0x46: {  	_ =	shalt  }
0x47: {  	_ =	shalt  }
0x48: {  	_ =	shalt  }
0x49: {  	_ =	shalt  }
0x4a: {  	_ =	shalt  }
0x4b: {  	_ =	shalt  }
0x4c: {  	_ =	shalt  }
0x4d: {  	_ =	shalt  }
0x4e: {  	_ =	shalt  }
0x4f: {  	_ =	shalt  }
0x50: {  	_ =	shalt  }
0x51: {  	_ =	shalt  }
0x52: {  	_ =	shalt  }
0x53: {  	_ =	shalt  }
0x54: {  	_ =	shalt  }
0x55: {  	_ =	shalt  }
0x56: {  	_ =	shalt  }
0x57: {  	_ =	shalt  }
0x58: {  	_ =	shalt  }
0x59: {  	_ =	shalt  }
0x5a: {  	_ =	shalt  }
0x5b: {  	_ =	shalt  }
0x5c: {  	_ =	shalt  }
0x5d: {  	_ =	shalt  }
0x5e: {  	_ =	shalt  }
0x5f: {  	_ =	shalt  }
0x60: {  	_ =	shalt  }
0x61: {  	_ =	shalt  }
0x62: {  	_ =	shalt  }
0x63: {  	_ =	shalt  }
0x64: {  	_ =	shalt  }
0x65: {  	_ =	shalt  }
0x66: {  	_ =	shalt  }
0x67: {  	_ =	shalt  }
0x68: {  	_ =	shalt  }
0x69: {  	_ =	shalt  }
0x6a: {  	_ =	shalt  }
0x6b: {  	_ =	shalt  }
0x6c: {  	_ =	shalt  }
0x6d: {  	_ =	shalt  }
0x6e: {  	_ =	shalt  }
0x6f: {  	_ =	shalt  }
0x70: {  	_ =	shalt  }
0x71: {  	_ =	shalt  }
0x72: {  	_ =	shalt  }
0x73: {  	_ =	shalt  }
0x74: {  	_ =	shalt  }
0x75: {  	_ =	shalt  }
0x76: {  	_ =	shalt  }
0x77: {  	_ =	shalt  }
0x78: {  	_ =	shalt  }
0x79: {  	_ =	shalt  }
0x7a: {  	_ =	shalt  }
0x7b: {  	_ =	shalt  }
0x7c: {  	_ =	shalt  }
0x7d: {  	_ =	shalt  }
0x7e: {  	_ =	shalt  }
0x7f: {  	_ =	shalt  }
0x80: {  	_ =	shalt  }
0x81: {  	_ =	shalt  }
0x82: {  	_ =	shalt  }
0x83: {  	_ =	shalt  }
0x84: {  	_ =	shalt  }
0x85: {  	_ =	shalt  }
0x86: {  	_ =	shalt  }
0x87: {  	_ =	shalt  }
.Lfunc_end0:
.L_simem_size_0:
called_computation.1_lowered:
.L_overlay_start_0:
0x88: {  	s2 =	sld [smem:$0x3FD9]  }
0x89: {  	s3 =	sld [smem:$0x3FFE];
	_ =	sdelay $0x1  }
0x8a: {  	s1 =	srdreg.scid  }
0x8b: {  	s0 =	sand.u32 $0x1, s1  }
0x8c: {  	s16 =	sshll.u32 s0, $0xA;
	s2 =	sadd.s32 s3, s2  }
0x8d: {  	s2 =	sadd.s32 s2, s16  }
0x8e: {  	[smem:$0x3FBC] =	sst s2  }
0x8f: {  	_ = 	snop  }
0x90: {  	(tm) =	ssettm $0x1  }
0x91: {  	s17 =	sld [smem:$0x3FFB];
	_ =	sdelay $0x3  }
0x92: {  	_ =	strace s17  }
0x93: {  	s2 =	sld [smem:$0x3FFC];
	_ =	sdelay $0x3  }
0x94: {  	_ =	strace s2  }
0x95: {  	s2 =	sld [smem:$0x3FFD];
	_ =	sdelay $0x3  }
0x96: {  	_ =	strace s2  }
0x97: {  	_ =	strace $0x8FFFFFFF  }
0x98: {  	s18 =	sld [smem:$0x3FDB];
	_ =	sdelay $0x1  }
0x99: {  	s19 =	simm.s32 $_scs_section_size  }
0x9a: {  	s4 =	simm.s32 $_size__tile_overlayer_lowered;
	s5 =	simm.s32 $_tile_overlayer_lowered  }
0x9b: {  	s22 =	simm.s32 $0x1BFF;
	s21 =	sshll.u32 s5, $0x1;
	s2 =	sadd.s32 s19, s18  }
0x9c: {  	s6 =	simm.s32 $0x0;
	s20 =	sshll.u32 s4, $0x1;
	s4 =	sadd.s32 s21, s2  }
0x9d: {  	[timem:s6], [sflag:s22] =	dma.local [hbm:s4], s20  }
0x9e: {  	_ =	swait.ge [sflag:s22], s20  }
0x9f: {  	s3 =	ssub.s32 $0x0, s20;
	[sflag:s22] =	ssyncset.done $0x0  }
0xa0: {  	[sflag:s22] =	ssyncadd.s32 s3;
	_ =	sdelay $0x1  }
0xa1: {  	s23 =	simm.s32 $0x1B8B  }
0xa2: {  	_ =	swait.ge [sflag:s23], $0x1  }
0xa3: {  	[sflag:s23] =	ssyncset.done $0x0  }
0xa4: {  	s25 =	simm.s32 $0x1B8E;
	s24 =	sld [smem:$0x3FFE];
	[sflag:s23] =	ssyncadd.s32 $0xFFFFFFFF  }
0xa5: {  	s26 =	simm.s32 $execute0_lowered;
	[smem:$0x3FD2] =	sst s25  }
0xa6: {  	s4 =	sshll.u32 s26, $0x1;
	_ =	strace $0x80000049;
	[dreg:$0x1] =	wrdreg $0xFFFFFFFF  }
0xa7: {  	s28 =	simm.s32 $_size_execute0_lowered;
	s2 =	sadd.s32 s2, s4;
	[dreg:$0x0] =	wrdreg $0x0  }
0xa8: {  	s4 =	sshll.u32 s28, $0x1;
	[dreg:$0x2] =	wrdreg s2  }
0xa9: {  	[dreg:$0x3] =	wrdreg s4  }
0xaa: {  	[dreg:$0x4] =	wrdreg $0xC0  }
0xab: {  	_ =	task [dreg:s6], $0x5FFFF  }
0xac: {  	[dreg:$0x1] =	wrdreg $0xFFFFFFFF  }
0xad: {  	[dreg:$0x0] =	wrdreg $0x60  }
0xae: {  	[dreg:$0x2] =	wrdreg s24  }
0xaf: {  	[dreg:$0x3] =	wrdreg $0xAA000  }
0xb0: {  	[dreg:$0x4] =	wrdreg $0x9  }
0xb1: {  	_ =	task.clear_ibuf [dreg:s6], $0x5FFFF;
	_ =	strace $0x90000049  }
0xb2: {  	s29 =	simm.s32 $0x9;
	_ =	strace $0x8000004B  }
0xb3: {  	_ =	swait.ge [sflag:s29], $0x1  }
0xb4: {  	[sflag:s29] =	ssyncadd.s32 $0xFFFFFFFF  }
0xb5: {  	_ =	strace $0x9000004B  }
0xb6: {  	_ =	sfence  }
0xb7: {  	s30 =	sld [smem:$0x0];
	_ =	sdelay $0x2  }
0xb8: {  	s31 =	sshll.u32 s1, $0xD;
	s1 =	sshrl.u32 s1, $0x2  }
0xb9: {  	s3 =	sand.u32 $0x4000, s31;
	s1 =	sadd.s32 s1, s30  }
0xba: {  	s0 =	sor.u32 s3, s0;
	s1 =	sshll.u32 s1, $0x11  }
0xbb: {  	s0 =	sor.u32 s1, s0  }
0xbc: {  	s0 =	sadd.s32 $0x8F2B, s0  }
0xbd: {  	[sflag:s0] =	ssyncadd.remote.s32 $0x1  }
0xbe: {  	_ =	sfence.sel $0xFFFF  }
0xbf: {  	[dreg:$0x0] =	wrdreg $0xFFFFFFFF;
	(pc) =	sbr.abs _section_cstart, $3  }
0xc0: {  	[dreg:$0x1] =	wrdreg $0xFFFFFFFF  }
0xc1: {  	_ =	task.clear_ibuf [dreg:s6], $0x2FFFF;
	_ =	strace $0x9FFFFFFF  }
0xc2: {  	(tm) =	ssettm $0x7FFFFFFF  }
0xc3: {  	_ =	shalt  }
tec
execute0_lowered:
.L_overlay_start_1:
0x0: {  	(tag) =	ssettag $0x1  }
0x1: {  	s0 =	srdreg.scid;
	s1 =	rddreg [dreg:$0x0]  }
0x2: {  	s12 =	stileid.u32;
	s2 =	rddreg [dreg:$0x1]  }
0x3: {  	s17 =	simm.s32 $0x7;
	s18 =	simm.s32 $0x2800;
	s19 =	simm.s32 $0x2880  }
0x4: {  	s20 =	simm.s32 $0x2900;
	s21 =	simm.s32 $0x2980;
	s28 =	simm.s32 $0x2  }
0x5: {  	s29 =	simm.s32 $0x4;
	s30 =	simm.s32 $0x5;
	s31 =	simm.s32 $0x6  }
0x6: {  	s0 =	sand.u32 $0x1, s0;
	s7 =	smul.u32 $0x13C00, s12;
	s5 =	sadd.s32 $0x48E00, s1  }
0x7: {  	s6 =	sadd.s32 $0x3C00, s1;
	s22 =	smul.u32 $0x4F000, s12;
	s25 =	sshll.u32 s12, $0x6  }
0x8: {  	s3 =	sshll.u32 s0, $0x4;
	s8 =	smul.u32 $0x13C000, s0;
	s0 =	ssub.s32 $0x2, s0  }
0x9: {  	s4 =	sor.u32 s12, s3;
	s3 =	simm.s32 $0x0;
	s11 =	sshrl.u32 s7, $0x3  }
0xa: {  	s23 =	sshrl.u32 s0, $0x1;
	s4 =	smul.u32 $0x2800, s4;
	[smem:$0x7FF] =	sst s3  }
0xb: {  	s7 =	sadd.s32 s7, s8;
	s11 =	sadd.s32 s11, s1;
	s8 =	sshrl.u32 s22, $0x2  }
0xc: {  	s0 =	ssub.s32 s0, s23;
	s22 =	simm.s32 $0x80;
	s23 =	simm.s32 $0x2A00  }
0xd: {  	_ =	strace $0x8000004A;
	s7 =	sshrl.u32 s7, $0x3;
	s24 =	sadd.s32 s8, s2  }
0xe: {  	s11 =	sadd.s32 $0x70000, s11;
	s8 =	sor.u32 $0x1C07, s25;
	s15 =	smax.u32 s0, $0x1  }
0xf: {  	s25 =	simm.s32 $0x1;
	s9 =	sshrl.u32 s4, $0x3;
	[dreg:$0x3] =	wrdreg s11  }
.Ltmp0:
0x10: {  	s16 =	sshrl.u32 s24, $0x3;
	s24 =	simm.s32 $0x6A00;
	(pc) =	sbr.rel .LBB2_1-.Ltmp0, $4  }
0x11: {  	s10 =	sadd.s32 s9, s1;
	s1 =	sadd.s32 s7, s1;
	s9 =	sadd.s32 s6, s9  }
0x12: {  	s10 =	sadd.s32 $0x17C00, s10;
	s26 =	sadd.s32 $0x10, s9;
	s12 =	sadd.s32 $0x20, s9  }
0x13: {  	s13 =	sadd.s32 $0x30, s9;
	s14 =	sadd.s32 $0x97800, s1;
	[dreg:$0x4] =	wrdreg s10  }
0x14: {  	s1 =	simm.s32 $0x0;
	[dreg:$0x5] =	wrdreg s26;
	s26 =	simm.s32 $0x3  }
.LBB2_4:
0x15: {  	s0 =	simm.s32 $0x2680  }
0x16: {  	[tilespmem:s24], [sflag:$0x2] =	stream.indirect.gather [hbm4b:s5+s22], $0x80, s0, s22, $0xb8;
	[tilespmem:$0x1E600] =	vst v63  }
0x17: {  	_ =	swait.ge [sflag:s25], $0x4000  }
0x18: {  	[sflag:s25] =	ssyncset.done $0x0  }
0x19: {  	[sflag:s25] =	ssyncadd.s32 $0xFFFFC000  }
0x1a: {  	_ =	swait.ge [sflag:s26], $0x80  }
0x1b: {  	[sflag:s26] =	ssyncset.done $0x0  }
0x1c: {  	[sflag:s26] =	ssyncadd.s32 $0xFFFFFF80  }
0x1d: {  	[spmem:s2] =	stream.indirect.scatter.add.f32 [tilespmem:s23], [sflag:$0x7], $0x80, s18, s22, $0xb8;
	[tilespmem:$0x1E600] =	vst v63  }
0x1e: {  	_ =	swait.ge [sflag:s17], $0x4000  }
0x1f: {  	[sflag:s17] =	ssyncset.done $0x0  }
0x20: {  	s11 =	simm.s32 $0x2700;
	[sflag:s17] =	ssyncadd.s32 $0xFFFFC000  }
0x21: {  	[tilespmem:s23], [sflag:$0x1] =	stream.indirect.gather [hbm4b:s5+s22], $0x80, s11, s22, $0xb8;
	[tilespmem:$0x1E600] =	vst v63  }
0x22: {  	_ =	swait.ge [sflag:s28], $0x4000  }
0x23: {  	[sflag:s28] =	ssyncset.done $0x0  }
0x24: {  	[sflag:s28] =	ssyncadd.s32 $0xFFFFC000  }
0x25: {  	_ =	swait.ge [sflag:s29], $0x80  }
0x26: {  	[sflag:s29] =	ssyncset.done $0x0  }
0x27: {  	[sflag:s29] =	ssyncadd.s32 $0xFFFFFF80  }
0x28: {  	[spmem:s2] =	stream.indirect.scatter.add.f32 [tilespmem:s24], [sflag:$0x7], $0x80, s19, s22, $0xb8;
	[tilespmem:$0x1E600] =	vst v63  }
0x29: {  	_ =	swait.ge [sflag:s17], $0x4000  }
0x2a: {  	[sflag:s17] =	ssyncset.done $0x0  }
0x2b: {  	[sflag:s17] =	ssyncadd.s32 $0xFFFFC000  }
0x2c: {  	_ =	swait.ge [sflag:s25], $0x4000  }
0x2d: {  	[sflag:s25] =	ssyncset.done $0x0  }
0x2e: {  	[sflag:s25] =	ssyncadd.s32 $0xFFFFC000  }
0x2f: {  	_ =	swait.ge [sflag:s30], $0x80  }
0x30: {  	[sflag:s30] =	ssyncset.done $0x0  }
0x31: {  	[sflag:s30] =	ssyncadd.s32 $0xFFFFFF80  }
0x32: {  	[spmem:s2] =	stream.indirect.scatter.add.f32 [tilespmem:s23], [sflag:$0x7], $0x80, s20, s22, $0xb8;
	[tilespmem:$0x1E600] =	vst v63  }
0x33: {  	_ =	swait.ge [sflag:s17], $0x4000  }
0x34: {  	s1 =	sadd.s32 $0x1, s1;
	[sflag:s17] =	ssyncset.done $0x0  }
0x35: {  	p0 =	sne.s32 s1, s15;
	[sflag:s17] =	ssyncadd.s32 $0xFFFFC000  }
.Ltmp1:
0x36: {  	[bflag:$0x0] =	sbarrier.arrive $0xFFFF;
	(pc) =	sbr.rel @!p0 .LBB2_5-.Ltmp1, $4  }
0x37: {  	[hbm:s14], [sflag:s8] =	dma.local [spmem:s16], $0x2780  }
0x38: {  	_ =	swait.ge [sflag:s17], $0x2780  }
0x39: {  	[sflag:s17] =	ssyncset.done $0x0  }
0x3a: {  	[sflag:s17] =	ssyncadd.s32 $0xFFFFD880  }
.LBB2_1:
0x3b: {  	s0 =	rddreg [dreg:$0x3]  }
0x3c: {  	[spmem:s16], [sflag:s8] =	dma.local [hbm:s0], $0x2780  }
0x3d: {  	_ =	swait.ge [sflag:s17], $0x2780  }
0x3e: {  	[sflag:s17] =	ssyncset.done $0x0  }
0x3f: {  	s10 =	rddreg [dreg:$0x4];
	[sflag:s17] =	ssyncadd.s32 $0xFFFFD880  }
0x40: {  	[tilespmem:s3], [sflag:$0x7] =	stream.linear.gather [hbm4b:s10+s3], $0x2780, $0x38;
	[tilespmem:$0x1E600] =	vst v63  }
0x41: {  	_ =	swait.ge [sflag:s17], $0x2780  }
0x42: {  	[sflag:s17] =	ssyncset.done $0x0  }
0x43: {  	[sflag:s17] =	ssyncadd.s32 $0xFFFFD880  }
0x44: {  	[bflag:$0x0] =	sbarrier.arrive $0xFFFF  }
0x45: {  	[tilespmem:s18], [sflag:$0x3] =	stream.linear.gather [hbm4b:s9+s3], $0x80, $0x38;
	[tilespmem:$0x1E600] =	vst v63  }
0x46: {  	s11 =	rddreg [dreg:$0x5]  }
0x47: {  	[tilespmem:s19], [sflag:$0x4] =	stream.linear.gather [hbm4b:s11+s3], $0x80, $0x38;
	[tilespmem:$0x1E600] =	vst v63  }
0x48: {  	_ = 	snop  }
0x49: {  	[tilespmem:s20], [sflag:$0x5] =	stream.linear.gather [hbm4b:s12+s3], $0x80, $0x38;
	[tilespmem:$0x1E600] =	vst v63  }
0x4a: {  	_ = 	snop  }
0x4b: {  	[tilespmem:s21], [sflag:$0x6] =	stream.linear.gather [hbm4b:s13+s3], $0x80, $0x38;
	[tilespmem:$0x1E600] =	vst v63  }
0x4c: {  	s7 =	simm.s32 $0x380;
	s0 =	simm.s32 $0x200  }
0x4d: {  	[tilespmem:s23], [sflag:$0x1] =	stream.indirect.gather [hbm4b:s5+s22], $0x80, s3, s22, $0xb8;
	[tilespmem:$0x1E600] =	vst v63  }
.LBB2_2:
0x4e: {  	s10 =	sadd.s32 $0xFFFFFE80, s0  }
0x4f: {  	[tilespmem:s24], [sflag:$0x2] =	stream.indirect.gather [hbm4b:s5+s22], $0x80, s10, s22, $0xb8;
	[tilespmem:$0x1E600] =	vst v63  }
0x50: {  	_ =	swait.ge [sflag:s25], $0x4000  }
0x51: {  	[sflag:s25] =	ssyncset.done $0x0  }
0x52: {  	[sflag:s25] =	ssyncadd.s32 $0xFFFFC000  }
0x53: {  	s10 =	sadd.s32 $0xFFFFFE80, s7;
	_ =	swait.ge [sflag:s26], $0x80  }
0x54: {  	s11 =	sand.u32 $0x7C00, s10;
	[sflag:s26] =	ssyncset.done $0x0  }
0x55: {  	s10 =	sand.u32 $0x200, s10;
	s11 =	sadd.s32 s4, s11;
	[sflag:s26] =	ssyncadd.s32 $0xFFFFFF80  }
0x56: {  	[spmem:s2] =	stream.indirect.scatter.add.f32 [tilespmem:s23], [sflag:$0x7], $0x80, s18, s22, $0xb8;
	[tilespmem:$0x1E600] =	vst v63  }
0x57: {  	s10 =	sor.u32 s10, s11;
	_ =	swait.ge [sflag:s17], $0x4000  }
0x58: {  	s10 =	sshrl.u32 s10, $0x3;
	[sflag:s17] =	ssyncset.done $0x0  }
0x59: {  	s10 =	sadd.s32 s6, s10;
	[sflag:s17] =	ssyncadd.s32 $0xFFFFC000  }
0x5a: {  	[tilespmem:s18], [sflag:$0x3] =	stream.linear.gather [hbm4b:s10+s3], $0x80, $0x38;
	[tilespmem:$0x1E600] =	vst v63  }
0x5b: {  	s11 =	sadd.s32 $0xFFFFFF00, s0  }
0x5c: {  	[tilespmem:s23], [sflag:$0x1] =	stream.indirect.gather [hbm4b:s5+s22], $0x80, s11, s22, $0xb8;
	[tilespmem:$0x1E600] =	vst v63  }
0x5d: {  	_ =	swait.ge [sflag:s28], $0x4000  }
0x5e: {  	[sflag:s28] =	ssyncset.done $0x0  }
0x5f: {  	[sflag:s28] =	ssyncadd.s32 $0xFFFFC000  }
0x60: {  	s10 =	sadd.s32 $0xFFFFFF00, s7;
	_ =	swait.ge [sflag:s29], $0x80  }
0x61: {  	s11 =	sand.u32 $0x7C00, s10;
	[sflag:s29] =	ssyncset.done $0x0  }
0x62: {  	s10 =	sand.u32 $0x280, s10;
	s11 =	sadd.s32 s4, s11;
	[sflag:s29] =	ssyncadd.s32 $0xFFFFFF80  }
0x63: {  	[spmem:s2] =	stream.indirect.scatter.add.f32 [tilespmem:s24], [sflag:$0x7], $0x80, s19, s22, $0xb8;
	[tilespmem:$0x1E600] =	vst v63  }
0x64: {  	s10 =	sor.u32 s10, s11;
	_ =	swait.ge [sflag:s17], $0x4000  }
0x65: {  	s10 =	sshrl.u32 s10, $0x3;
	[sflag:s17] =	ssyncset.done $0x0  }
0x66: {  	s10 =	sadd.s32 s6, s10;
	[sflag:s17] =	ssyncadd.s32 $0xFFFFC000  }
0x67: {  	[tilespmem:s19], [sflag:$0x4] =	stream.linear.gather [hbm4b:s10+s3], $0x80, $0x38;
	[tilespmem:$0x1E600] =	vst v63  }
0x68: {  	s11 =	sadd.s32 $0xFFFFFF80, s0  }
0x69: {  	[tilespmem:s24], [sflag:$0x2] =	stream.indirect.gather [hbm4b:s5+s22], $0x80, s11, s22, $0xb8;
	[tilespmem:$0x1E600] =	vst v63  }
0x6a: {  	_ =	swait.ge [sflag:s25], $0x4000  }
0x6b: {  	[sflag:s25] =	ssyncset.done $0x0  }
0x6c: {  	[sflag:s25] =	ssyncadd.s32 $0xFFFFC000  }
0x6d: {  	s10 =	sadd.s32 $0xFFFFFF80, s7;
	_ =	swait.ge [sflag:s30], $0x80  }
0x6e: {  	s11 =	sand.u32 $0x7C00, s10;
	[sflag:s30] =	ssyncset.done $0x0  }
0x6f: {  	s10 =	sand.u32 $0x300, s10;
	s11 =	sadd.s32 s4, s11;
	[sflag:s30] =	ssyncadd.s32 $0xFFFFFF80  }
0x70: {  	[spmem:s2] =	stream.indirect.scatter.add.f32 [tilespmem:s23], [sflag:$0x7], $0x80, s20, s22, $0xb8;
	[tilespmem:$0x1E600] =	vst v63  }
0x71: {  	s10 =	sor.u32 s10, s11;
	_ =	swait.ge [sflag:s17], $0x4000  }
0x72: {  	s10 =	sshrl.u32 s10, $0x3;
	[sflag:s17] =	ssyncset.done $0x0  }
0x73: {  	s10 =	sadd.s32 s6, s10;
	[sflag:s17] =	ssyncadd.s32 $0xFFFFC000  }
0x74: {  	[tilespmem:s20], [sflag:$0x5] =	stream.linear.gather [hbm4b:s10+s3], $0x80, $0x38;
	[tilespmem:$0x1E600] =	vst v63  }
0x75: {  	_ = 	snop  }
0x76: {  	[tilespmem:s23], [sflag:$0x1] =	stream.indirect.gather [hbm4b:s5+s22], $0x80, s0, s22, $0xb8;
	[tilespmem:$0x1E600] =	vst v63  }
0x77: {  	_ =	swait.ge [sflag:s28], $0x4000  }
0x78: {  	[sflag:s28] =	ssyncset.done $0x0  }
0x79: {  	[sflag:s28] =	ssyncadd.s32 $0xFFFFC000  }
0x7a: {  	_ =	swait.ge [sflag:s31], $0x80  }
0x7b: {  	p0 =	seq.s32 s7, $0x2780;
	[sflag:s31] =	ssyncset.done $0x0  }
.Ltmp2:
0x7c: {  	[sflag:s31] =	ssyncadd.s32 $0xFFFFFF80;
	(pc) =	sbr.rel @p0 .LBB2_4-.Ltmp2, $4  }
0x7d: {  	[spmem:s2] =	stream.indirect.scatter.add.f32 [tilespmem:s24], [sflag:$0x7], $0x80, s21, s22, $0xb8;
	[tilespmem:$0x1E600] =	vst v63  }
0x7e: {  	_ =	swait.ge [sflag:s17], $0x4000  }
0x7f: {  	[sflag:s17] =	ssyncset.done $0x0  }
0x80: {  	[sflag:s17] =	ssyncadd.s32 $0xFFFFC000  }
0x81: {  	s10 =	sand.u32 $0x7C00, s7  }
.Ltmp3:
0x82: {  	s11 =	sand.u32 $0x380, s7;
	s10 =	sadd.s32 s4, s10;
	(pc) =	sbr.rel .LBB2_2-.Ltmp3, $4  }
0x83: {  	s10 =	sor.u32 s11, s10  }
0x84: {  	s10 =	sshrl.u32 s10, $0x3  }
0x85: {  	s0 =	sadd.s32 $0x200, s0;
	s7 =	sadd.s32 $0x200, s7;
	s10 =	sadd.s32 s6, s10  }
0x86: {  	[tilespmem:s21], [sflag:$0x6] =	stream.linear.gather [hbm4b:s10+s3], $0x80, $0x38;
	[tilespmem:$0x1E600] =	vst v63  }
.LBB2_5:
0x87: {  	_ =	sfence.sel $0x180000  }
0x88: {  	[bflag:$0x0] =	sbarrier.arrive $0xFFFF  }
0x89: {  	_ =	strace $0x9000004A  }
0x8a: {  	s0 =	stileid.u32;
	[bflag:$0x2] =	sbarrier.arrive $0xFFFF  }
0x8b: {  	p0 =	sne.s32 s0, $0x0;
	s0 =	rddreg [dreg:$0x2]  }
0x8c: {  	s0 =	sadd.s32 @!p0 $0x100000, s0  }
0x8d: {  	[sflag:s0] =	ssyncadd.tile.s32 @!p0 $0x1;
	_ =	shalt  }
.Lfunc_end2:
_tile_overlayer_lowered:
.L_overlay_start_2:
0x8e: {  	(tag) =	ssettag $0x2  }
0x8f: {  	s0 =	rddreg [dreg:$0x0];
	s2 =	stileid.u32  }
0x90: {  	s1 =	rddreg [dreg:$0x1];
	p0 =	sne.s32 s2, $0x0  }
0x91: {  	s3 =	rddreg [dreg:$0x2];
	[bflag:$0x3] =	sbarrier.arrive $0xFFFF;
	s2 =	simm.s32 @!p0 $0x1C07  }
0x92: {  	[timem:s3], [sflag:s2] =	dma.local @!p0 [hbm:s0], s1  }
0x93: {  	s0 =	simm.s32 @!p0 $0x7  }
0x94: {  	_ =	swait.ge @!p0 [sflag:s0], s1  }
0x95: {  	s1 =	ssub.s32 @!p0 $0x0, s1;
	[sflag:s0] =	ssyncset.done @!p0 $0x0  }
0x96: {  	[sflag:s0] =	ssyncadd.s32 @!p0 s1  }
0x97: {  	[bflag:$0x3] =	sbarrier.arrive $0xFFFF  }
0x98: {  	_ =	shalt  }

// kernel: kernel.16.cloned.1.call-start
scs
__scs_entry_jumppad:
0x0: {  	(pc) =	sbr.rel $0x88, $3  }
0x1: {  	(tag) =	ssettag $0x0;
	lr =	simm.s32 $0x1  }
0x2: {  	[smem:$0x3F95] =	sst lr;
	_ =	strace $0xD0000000  }
0x3: {  	_ = 	snop  }
0x4: {  	_ = 	snop  }
0x5: {  	_ = 	snop  }
0x6: {  	_ = 	snop  }
0x7: {  	_ = 	snop  }
__scs_overlays_trampoline_lowered:
0x8: {  	[smem:$0x3FA4] =	sst s0  }
0x9: {  	[smem:$0x3FA5] =	sst s1  }
0xa: {  	[smem:$0x3FA6] =	sst s2  }
0xb: {  	[smem:$0x3FA7] =	sst s3  }
0xc: {  	[smem:$0x3FA8] =	sst s4  }
0xd: {  	[smem:$0x3FA9] =	sst s5  }
0xe: {  	[smem:$0x3FAA] =	sst s6  }
0xf: {  	[smem:$0x3FAB] =	sst s7  }
0x10: {  	[smem:$0x3FAC] =	sst s8  }
0x11: {  	[smem:$0x3FAD] =	sst s9;
	s0 =	simm.s32 @!p0 $0x0  }
0x12: {  	s1 =	sld [smem:$0x3F93];
	s0 =	simm.s32 @p0 $0x1  }
0x13: {  	[smem:$0x3FAE] =	sst s0;
	s0 =	simm.s32 @!p1 $0x0  }
0x14: {  	s2 =	sld [smem:$0x3F92];
	s0 =	simm.s32 @p1 $0x1  }
0x15: {  	[smem:$0x3FAF] =	sst s0;
	s0 =	simm.s32 @!p2 $0x0  }
0x16: {  	s3 =	sld [smem:$0x3FDB];
	s0 =	simm.s32 @p2 $0x1  }
0x17: {  	s4 =	simm.s32 $0x1BF5;
	[smem:$0x3FB1] =	sst s0  }
0x18: {  	s0 =	sld [smem:$0x3F94];
	_ =	swait.ge [sflag:s4], $0x0  }
0x19: {  	s7 =	sld [smem:$0x3F95]  }
0x1a: {  	s8 =	sadd.s32 $0xFFFFE003, lr  }
0x1b: {  	s9 =	sadd.s32 $0xFFFFFEF7, lr;
	s5 =	simm.s32 $0xFFFFFFFF;
	p2 =	slt.u32 s8, $0xFFFFF086  }
0x1c: {  	p1 =	slt.u32 s9, $0xF7A;
	s5 =	simm.s32 @!p2 $0x0  }
0x1d: {  	s5 =	simm.s32 @p1 $0x1;
	p0 =	seq.s32 s7, s2  }
0x1e: {  	s7 =	smul.u32 @!p0 $0xF7A, s2;
	p2 =	seq.s32 @!p0 s5, $0x0  }
0x1f: {  	s9 =	smul.u32 $0xF7A, s1;
	s8 =	simm.s32 @!p0 $0x1BF5;
	p2 =	por !p2, p0  }
0x20: {  	[sflag:s8] =	ssyncset.s32 @!p0 $0xFFFFF086;
	s6 =	sadd.s32 @!p0 s3, s7;
	s7 =	simm.s32 @!p0 $0x108  }
0x21: {  	s3 =	sadd.s32 s3, s9;
	s6 =	sadd.s32 @!p0 $0x88, s6;
	s7 =	simm.s32 @p2 $0x1082  }
0x22: {  	[simem:s7], [sflag:s8] =	dma.local @!p0 [hbm:s6], $0xF7A  }
0x23: {  	s9 =	sor.u32 $0xD0000000, s2;
	s6 =	simm.s32 $0x108;
	_ =	swait.ge @!p0 [sflag:s8], $0x0  }
0x24: {  	s3 =	sadd.s32 $0x88, s3;
	s6 =	simm.s32 @!p1 $0x1082;
	[sflag:s4] =	ssyncset.s32 $0xFFFFF086  }
0x25: {  	[simem:s6], [sflag:s4] =	dma.local [hbm:s3], $0xF7A  }
0x26: {  	[smem:$0x3F95] =	sst s1;
	(tag) =	ssettag s2;
	_ =	strace s9  }
0x27: {  	s1 =	sld [smem:$0x3FA5]  }
0x28: {  	s2 =	sld [smem:$0x3FA6]  }
0x29: {  	s4 =	sld [smem:$0x3FA8]  }
0x2a: {  	p0 =	seq.s32 s5, $0x0;
	s5 =	sld [smem:$0x3FA9]  }
0x2b: {  	s6 =	sld [smem:$0x3FAA]  }
0x2c: {  	s7 =	sld [smem:$0x3FAB]  }
0x2d: {  	s3 =	simm.s32 $0x108;
	s8 =	sld [smem:$0x3FAC]  }
0x2e: {  	s3 =	simm.s32 @!p0 $0x1082;
	s9 =	sld [smem:$0x3FAD]  }
0x2f: {  	lr =	sadd.s32 s0, s3;
	s0 =	sld [smem:$0x3FA4]  }
0x30: {  	s3 =	sld [smem:$0x3FA7]  }
0x31: {  	[smem:$0x3FB0] =	sst s10  }
0x32: {  	s10 =	sld [smem:$0x3FAE];
	_ =	sdelay $0x3  }
0x33: {  	p0 =	seq.s32 s10, $0x1;
	s10 =	sld [smem:$0x3FB0];
	_ =	sdelay $0x3  }
0x34: {  	[smem:$0x3FB0] =	sst s10  }
0x35: {  	s10 =	sld [smem:$0x3FAF];
	_ =	sdelay $0x3  }
0x36: {  	p1 =	seq.s32 s10, $0x1;
	s10 =	sld [smem:$0x3FB0];
	_ =	sdelay $0x3  }
0x37: {  	[smem:$0x3FB0] =	sst s10  }
0x38: {  	s10 =	sld [smem:$0x3FB1]  }
0x39: {  	_ = 	snop;
	(pc) =	sbr.ind lr, $3  }
0x3a: {  	_ = 	snop  }
0x3b: {  	_ = 	snop  }
0x3c: {  	p2 =	seq.s32 s10, $0x1;
	s10 =	sld [smem:$0x3FB0]  }
0x3d: {  	_ =	shalt  }
0x3e: {  	_ =	shalt  }
0x3f: {  	_ =	shalt  }
0x40: {  	_ =	shalt  }
0x41: {  	_ =	shalt  }
0x42: {  	_ =	shalt  }
0x43: {  	_ =	shalt  }
0x44: {  	_ =	shalt  }
0x45: {  	_ =	shalt  }
0x46: {  	_ =	shalt  }
0x47: {  	_ =	shalt  }
0x48: {  	_ =	shalt  }
0x49: {  	_ =	shalt  }
0x4a: {  	_ =	shalt  }
0x4b: {  	_ =	shalt  }
0x4c: {  	_ =	shalt  }
0x4d: {  	_ =	shalt  }
0x4e: {  	_ =	shalt  }
0x4f: {  	_ =	shalt  }
0x50: {  	_ =	shalt  }
0x51: {  	_ =	shalt  }
0x52: {  	_ =	shalt  }
0x53: {  	_ =	shalt  }
0x54: {  	_ =	shalt  }
0x55: {  	_ =	shalt  }
0x56: {  	_ =	shalt  }
0x57: {  	_ =	shalt  }
0x58: {  	_ =	shalt  }
0x59: {  	_ =	shalt  }
0x5a: {  	_ =	shalt  }
0x5b: {  	_ =	shalt  }
0x5c: {  	_ =	shalt  }
0x5d: {  	_ =	shalt  }
0x5e: {  	_ =	shalt  }
0x5f: {  	_ =	shalt  }
0x60: {  	_ =	shalt  }
0x61: {  	_ =	shalt  }
0x62: {  	_ =	shalt  }
0x63: {  	_ =	shalt  }
0x64: {  	_ =	shalt  }
0x65: {  	_ =	shalt  }
0x66: {  	_ =	shalt  }
0x67: {  	_ =	shalt  }
0x68: {  	_ =	shalt  }
0x69: {  	_ =	shalt  }
0x6a: {  	_ =	shalt  }
0x6b: {  	_ =	shalt  }
0x6c: {  	_ =	shalt  }
0x6d: {  	_ =	shalt  }
0x6e: {  	_ =	shalt  }
0x6f: {  	_ =	shalt  }
0x70: {  	_ =	shalt  }
0x71: {  	_ =	shalt  }
0x72: {  	_ =	shalt  }
0x73: {  	_ =	shalt  }
0x74: {  	_ =	shalt  }
0x75: {  	_ =	shalt  }
0x76: {  	_ =	shalt  }
0x77: {  	_ =	shalt  }
0x78: {  	_ =	shalt  }
0x79: {  	_ =	shalt  }
0x7a: {  	_ =	shalt  }
0x7b: {  	_ =	shalt  }
0x7c: {  	_ =	shalt  }
0x7d: {  	_ =	shalt  }
0x7e: {  	_ =	shalt  }
0x7f: {  	_ =	shalt  }
0x80: {  	_ =	shalt  }
0x81: {  	_ =	shalt  }
0x82: {  	_ =	shalt  }
0x83: {  	_ =	shalt  }
0x84: {  	_ =	shalt  }
0x85: {  	_ =	shalt  }
0x86: {  	_ =	shalt  }
0x87: {  	_ =	shalt  }
.Lfunc_end0:
.L_simem_size_0:
called_computation.2_lowered:
.L_overlay_start_0:
0x88: {  	s2 =	sld [smem:$0x3FD9]  }
0x89: {  	s3 =	sld [smem:$0x3FFE];
	_ =	sdelay $0x1  }
0x8a: {  	s1 =	srdreg.scid  }
0x8b: {  	s0 =	sand.u32 $0x1, s1  }
0x8c: {  	s16 =	sshll.u32 s0, $0xA;
	s2 =	sadd.s32 s3, s2  }
0x8d: {  	s2 =	sadd.s32 s2, s16  }
0x8e: {  	[smem:$0x3FBC] =	sst s2  }
0x8f: {  	_ = 	snop  }
0x90: {  	(tm) =	ssettm $0x1  }
0x91: {  	s17 =	sld [smem:$0x3FFB];
	_ =	sdelay $0x3  }
0x92: {  	_ =	strace s17  }
0x93: {  	s2 =	sld [smem:$0x3FFC];
	_ =	sdelay $0x3  }
0x94: {  	_ =	strace s2  }
0x95: {  	s2 =	sld [smem:$0x3FFD];
	_ =	sdelay $0x3  }
0x96: {  	_ =	strace s2  }
0x97: {  	_ =	strace $0x8FFFFFFF  }
0x98: {  	s18 =	sld [smem:$0x3FDB];
	_ =	sdelay $0x1  }
0x99: {  	s19 =	simm.s32 $_scs_section_size  }
0x9a: {  	s4 =	simm.s32 $_size__tile_overlayer_lowered;
	s5 =	simm.s32 $_tile_overlayer_lowered  }
0x9b: {  	s22 =	simm.s32 $0x1BFF;
	s21 =	sshll.u32 s5, $0x1;
	s2 =	sadd.s32 s19, s18  }
0x9c: {  	s6 =	simm.s32 $0x0;
	s20 =	sshll.u32 s4, $0x1;
	s4 =	sadd.s32 s21, s2  }
0x9d: {  	[timem:s6], [sflag:s22] =	dma.local [hbm:s4], s20  }
0x9e: {  	_ =	swait.ge [sflag:s22], s20  }
0x9f: {  	s3 =	ssub.s32 $0x0, s20;
	[sflag:s22] =	ssyncset.done $0x0  }
0xa0: {  	[sflag:s22] =	ssyncadd.s32 s3;
	_ =	sdelay $0x1  }
0xa1: {  	s23 =	simm.s32 $0x1B8B  }
0xa2: {  	_ =	swait.ge [sflag:s23], $0x1  }
0xa3: {  	[sflag:s23] =	ssyncset.done $0x0  }
0xa4: {  	s25 =	simm.s32 $0x1B8E;
	s24 =	sld [smem:$0x3FFE];
	[sflag:s23] =	ssyncadd.s32 $0xFFFFFFFF  }
0xa5: {  	s26 =	simm.s32 $execute0_lowered;
	[smem:$0x3FD2] =	sst s25  }
0xa6: {  	s4 =	sshll.u32 s26, $0x1;
	_ =	strace $0x8000004C;
	[dreg:$0x1] =	wrdreg $0xFFFFFFFF  }
0xa7: {  	s28 =	simm.s32 $_size_execute0_lowered;
	s2 =	sadd.s32 s2, s4;
	[dreg:$0x0] =	wrdreg $0x0  }
0xa8: {  	s4 =	sshll.u32 s28, $0x1;
	[dreg:$0x2] =	wrdreg s2  }
0xa9: {  	[dreg:$0x3] =	wrdreg s4  }
0xaa: {  	[dreg:$0x4] =	wrdreg $0xC0  }
0xab: {  	_ =	task [dreg:s6], $0x5FFFF  }
0xac: {  	[dreg:$0x1] =	wrdreg $0xFFFFFFFF  }
0xad: {  	[dreg:$0x0] =	wrdreg $0x60  }
0xae: {  	[dreg:$0x2] =	wrdreg s24  }
0xaf: {  	[dreg:$0x3] =	wrdreg $0xAA000  }
0xb0: {  	[dreg:$0x4] =	wrdreg $0x9  }
0xb1: {  	_ =	task.clear_ibuf [dreg:s6], $0x5FFFF;
	_ =	strace $0x9000004C  }
0xb2: {  	s29 =	simm.s32 $0x9;
	_ =	strace $0x8000004E  }
0xb3: {  	_ =	swait.ge [sflag:s29], $0x1  }
0xb4: {  	[sflag:s29] =	ssyncadd.s32 $0xFFFFFFFF  }
0xb5: {  	_ =	strace $0x9000004E  }
0xb6: {  	_ =	sfence  }
0xb7: {  	s30 =	sld [smem:$0x0];
	_ =	sdelay $0x2  }
0xb8: {  	s31 =	sshll.u32 s1, $0xD;
	s1 =	sshrl.u32 s1, $0x2  }
0xb9: {  	s3 =	sand.u32 $0x4000, s31;
	s1 =	sadd.s32 s1, s30  }
0xba: {  	s0 =	sor.u32 s3, s0;
	s1 =	sshll.u32 s1, $0x11  }
0xbb: {  	s0 =	sor.u32 s1, s0  }
0xbc: {  	s0 =	sadd.s32 $0x8F2B, s0  }
0xbd: {  	[sflag:s0] =	ssyncadd.remote.s32 $0x1  }
0xbe: {  	_ =	sfence.sel $0xFFFF  }
0xbf: {  	[dreg:$0x0] =	wrdreg $0xFFFFFFFF;
	(pc) =	sbr.abs _section_cstart, $3  }
0xc0: {  	[dreg:$0x1] =	wrdreg $0xFFFFFFFF  }
0xc1: {  	_ =	task.clear_ibuf [dreg:s6], $0x2FFFF;
	_ =	strace $0x9FFFFFFF  }
0xc2: {  	(tm) =	ssettm $0x7FFFFFFF  }
0xc3: {  	_ =	shalt  }
tec
execute0_lowered:
.L_overlay_start_1:
0x0: {  	(tag) =	ssettag $0x1  }
0x1: {  	s0 =	srdreg.scid;
	s1 =	rddreg [dreg:$0x0]  }
0x2: {  	s12 =	stileid.u32;
	s2 =	rddreg [dreg:$0x1]  }
0x3: {  	s17 =	simm.s32 $0x7;
	s18 =	simm.s32 $0x2800;
	s19 =	simm.s32 $0x2880  }
0x4: {  	s20 =	simm.s32 $0x2900;
	s21 =	simm.s32 $0x2980;
	s28 =	simm.s32 $0x2  }
0x5: {  	s29 =	simm.s32 $0x4;
	s30 =	simm.s32 $0x5;
	s31 =	simm.s32 $0x6  }
0x6: {  	s0 =	sand.u32 $0x1, s0;
	s7 =	smul.u32 $0x13C00, s12;
	s5 =	sadd.s32 $0x48E00, s1  }
0x7: {  	s6 =	sadd.s32 $0x3C00, s1;
	s22 =	smul.u32 $0x4F000, s12;
	s25 =	sshll.u32 s12, $0x6  }
0x8: {  	s3 =	sshll.u32 s0, $0x4;
	s8 =	smul.u32 $0x13C000, s0;
	s0 =	ssub.s32 $0x2, s0  }
0x9: {  	s4 =	sor.u32 s12, s3;
	s3 =	simm.s32 $0x0;
	s11 =	sshrl.u32 s7, $0x3  }
0xa: {  	s23 =	sshrl.u32 s0, $0x1;
	s4 =	smul.u32 $0x2800, s4;
	[smem:$0x7FF] =	sst s3  }
0xb: {  	s7 =	sadd.s32 s7, s8;
	s11 =	sadd.s32 s11, s1;
	s8 =	sshrl.u32 s22, $0x2  }
0xc: {  	s0 =	ssub.s32 s0, s23;
	s22 =	simm.s32 $0x80;
	s23 =	simm.s32 $0x2A00  }
0xd: {  	_ =	strace $0x8000004D;
	s7 =	sshrl.u32 s7, $0x3;
	s24 =	sadd.s32 s8, s2  }
0xe: {  	s11 =	sadd.s32 $0x70000, s11;
	s8 =	sor.u32 $0x1C07, s25;
	s15 =	smax.u32 s0, $0x1  }
0xf: {  	s25 =	simm.s32 $0x1;
	s9 =	sshrl.u32 s4, $0x3;
	[dreg:$0x3] =	wrdreg s11  }
.Ltmp0:
0x10: {  	s16 =	sshrl.u32 s24, $0x3;
	s24 =	simm.s32 $0x6A00;
	(pc) =	sbr.rel .LBB2_1-.Ltmp0, $4  }
0x11: {  	s10 =	sadd.s32 s9, s1;
	s1 =	sadd.s32 s7, s1;
	s9 =	sadd.s32 s6, s9  }
0x12: {  	s10 =	sadd.s32 $0x17C00, s10;
	s26 =	sadd.s32 $0x10, s9;
	s12 =	sadd.s32 $0x20, s9  }
0x13: {  	s13 =	sadd.s32 $0x30, s9;
	s14 =	sadd.s32 $0x97800, s1;
	[dreg:$0x4] =	wrdreg s10  }
0x14: {  	s1 =	simm.s32 $0x0;
	[dreg:$0x5] =	wrdreg s26;
	s26 =	simm.s32 $0x3  }
.LBB2_4:
0x15: {  	s0 =	simm.s32 $0x2680  }
0x16: {  	[tilespmem:s24], [sflag:$0x2] =	stream.indirect.gather [hbm4b:s5+s22], $0x80, s0, s22, $0xb8;
	[tilespmem:$0x1E600] =	vst v63  }
0x17: {  	_ =	swait.ge [sflag:s25], $0x4000  }
0x18: {  	[sflag:s25] =	ssyncset.done $0x0  }
0x19: {  	[sflag:s25] =	ssyncadd.s32 $0xFFFFC000  }
0x1a: {  	_ =	swait.ge [sflag:s26], $0x80  }
0x1b: {  	[sflag:s26] =	ssyncset.done $0x0  }
0x1c: {  	[sflag:s26] =	ssyncadd.s32 $0xFFFFFF80  }
0x1d: {  	[spmem:s2] =	stream.indirect.scatter.add.f32 [tilespmem:s23], [sflag:$0x7], $0x80, s18, s22, $0xb8;
	[tilespmem:$0x1E600] =	vst v63  }
0x1e: {  	_ =	swait.ge [sflag:s17], $0x4000  }
0x1f: {  	[sflag:s17] =	ssyncset.done $0x0  }
0x20: {  	s11 =	simm.s32 $0x2700;
	[sflag:s17] =	ssyncadd.s32 $0xFFFFC000  }
0x21: {  	[tilespmem:s23], [sflag:$0x1] =	stream.indirect.gather [hbm4b:s5+s22], $0x80, s11, s22, $0xb8;
	[tilespmem:$0x1E600] =	vst v63  }
0x22: {  	_ =	swait.ge [sflag:s28], $0x4000  }
0x23: {  	[sflag:s28] =	ssyncset.done $0x0  }
0x24: {  	[sflag:s28] =	ssyncadd.s32 $0xFFFFC000  }
0x25: {  	_ =	swait.ge [sflag:s29], $0x80  }
0x26: {  	[sflag:s29] =	ssyncset.done $0x0  }
0x27: {  	[sflag:s29] =	ssyncadd.s32 $0xFFFFFF80  }
0x28: {  	[spmem:s2] =	stream.indirect.scatter.add.f32 [tilespmem:s24], [sflag:$0x7], $0x80, s19, s22, $0xb8;
	[tilespmem:$0x1E600] =	vst v63  }
0x29: {  	_ =	swait.ge [sflag:s17], $0x4000  }
0x2a: {  	[sflag:s17] =	ssyncset.done $0x0  }
0x2b: {  	[sflag:s17] =	ssyncadd.s32 $0xFFFFC000  }
0x2c: {  	_ =	swait.ge [sflag:s25], $0x4000  }
0x2d: {  	[sflag:s25] =	ssyncset.done $0x0  }
0x2e: {  	[sflag:s25] =	ssyncadd.s32 $0xFFFFC000  }
0x2f: {  	_ =	swait.ge [sflag:s30], $0x80  }
0x30: {  	[sflag:s30] =	ssyncset.done $0x0  }
0x31: {  	[sflag:s30] =	ssyncadd.s32 $0xFFFFFF80  }
0x32: {  	[spmem:s2] =	stream.indirect.scatter.add.f32 [tilespmem:s23], [sflag:$0x7], $0x80, s20, s22, $0xb8;
	[tilespmem:$0x1E600] =	vst v63  }
0x33: {  	_ =	swait.ge [sflag:s17], $0x4000  }
0x34: {  	s1 =	sadd.s32 $0x1, s1;
	[sflag:s17] =	ssyncset.done $0x0  }
0x35: {  	p0 =	sne.s32 s1, s15;
	[sflag:s17] =	ssyncadd.s32 $0xFFFFC000  }
.Ltmp1:
0x36: {  	[bflag:$0x0] =	sbarrier.arrive $0xFFFF;
	(pc) =	sbr.rel @!p0 .LBB2_5-.Ltmp1, $4  }
0x37: {  	[hbm:s14], [sflag:s8] =	dma.local [spmem:s16], $0x2780  }
0x38: {  	_ =	swait.ge [sflag:s17], $0x2780  }
0x39: {  	[sflag:s17] =	ssyncset.done $0x0  }
0x3a: {  	[sflag:s17] =	ssyncadd.s32 $0xFFFFD880  }
.LBB2_1:
0x3b: {  	s0 =	rddreg [dreg:$0x3]  }
0x3c: {  	[spmem:s16], [sflag:s8] =	dma.local [hbm:s0], $0x2780  }
0x3d: {  	_ =	swait.ge [sflag:s17], $0x2780  }
0x3e: {  	[sflag:s17] =	ssyncset.done $0x0  }
0x3f: {  	s10 =	rddreg [dreg:$0x4];
	[sflag:s17] =	ssyncadd.s32 $0xFFFFD880  }
0x40: {  	[tilespmem:s3], [sflag:$0x7] =	stream.linear.gather [hbm4b:s10+s3], $0x2780, $0x38;
	[tilespmem:$0x1E600] =	vst v63  }
0x41: {  	_ =	swait.ge [sflag:s17], $0x2780  }
0x42: {  	[sflag:s17] =	ssyncset.done $0x0  }
0x43: {  	[sflag:s17] =	ssyncadd.s32 $0xFFFFD880  }
0x44: {  	[bflag:$0x0] =	sbarrier.arrive $0xFFFF  }
0x45: {  	[tilespmem:s18], [sflag:$0x3] =	stream.linear.gather [hbm4b:s9+s3], $0x80, $0x38;
	[tilespmem:$0x1E600] =	vst v63  }
0x46: {  	s11 =	rddreg [dreg:$0x5]  }
0x47: {  	[tilespmem:s19], [sflag:$0x4] =	stream.linear.gather [hbm4b:s11+s3], $0x80, $0x38;
	[tilespmem:$0x1E600] =	vst v63  }
0x48: {  	_ = 	snop  }
0x49: {  	[tilespmem:s20], [sflag:$0x5] =	stream.linear.gather [hbm4b:s12+s3], $0x80, $0x38;
	[tilespmem:$0x1E600] =	vst v63  }
0x4a: {  	_ = 	snop  }
0x4b: {  	[tilespmem:s21], [sflag:$0x6] =	stream.linear.gather [hbm4b:s13+s3], $0x80, $0x38;
	[tilespmem:$0x1E600] =	vst v63  }
0x4c: {  	s7 =	simm.s32 $0x380;
	s0 =	simm.s32 $0x200  }
0x4d: {  	[tilespmem:s23], [sflag:$0x1] =	stream.indirect.gather [hbm4b:s5+s22], $0x80, s3, s22, $0xb8;
	[tilespmem:$0x1E600] =	vst v63  }
.LBB2_2:
0x4e: {  	s10 =	sadd.s32 $0xFFFFFE80, s0  }
0x4f: {  	[tilespmem:s24], [sflag:$0x2] =	stream.indirect.gather [hbm4b:s5+s22], $0x80, s10, s22, $0xb8;
	[tilespmem:$0x1E600] =	vst v63  }
0x50: {  	_ =	swait.ge [sflag:s25], $0x4000  }
0x51: {  	[sflag:s25] =	ssyncset.done $0x0  }
0x52: {  	[sflag:s25] =	ssyncadd.s32 $0xFFFFC000  }
0x53: {  	s10 =	sadd.s32 $0xFFFFFE80, s7;
	_ =	swait.ge [sflag:s26], $0x80  }
0x54: {  	s11 =	sand.u32 $0x7C00, s10;
	[sflag:s26] =	ssyncset.done $0x0  }
0x55: {  	s10 =	sand.u32 $0x200, s10;
	s11 =	sadd.s32 s4, s11;
	[sflag:s26] =	ssyncadd.s32 $0xFFFFFF80  }
0x56: {  	[spmem:s2] =	stream.indirect.scatter.add.f32 [tilespmem:s23], [sflag:$0x7], $0x80, s18, s22, $0xb8;
	[tilespmem:$0x1E600] =	vst v63  }
0x57: {  	s10 =	sor.u32 s10, s11;
	_ =	swait.ge [sflag:s17], $0x4000  }
0x58: {  	s10 =	sshrl.u32 s10, $0x3;
	[sflag:s17] =	ssyncset.done $0x0  }
0x59: {  	s10 =	sadd.s32 s6, s10;
	[sflag:s17] =	ssyncadd.s32 $0xFFFFC000  }
0x5a: {  	[tilespmem:s18], [sflag:$0x3] =	stream.linear.gather [hbm4b:s10+s3], $0x80, $0x38;
	[tilespmem:$0x1E600] =	vst v63  }
0x5b: {  	s11 =	sadd.s32 $0xFFFFFF00, s0  }
0x5c: {  	[tilespmem:s23], [sflag:$0x1] =	stream.indirect.gather [hbm4b:s5+s22], $0x80, s11, s22, $0xb8;
	[tilespmem:$0x1E600] =	vst v63  }
0x5d: {  	_ =	swait.ge [sflag:s28], $0x4000  }
0x5e: {  	[sflag:s28] =	ssyncset.done $0x0  }
0x5f: {  	[sflag:s28] =	ssyncadd.s32 $0xFFFFC000  }
0x60: {  	s10 =	sadd.s32 $0xFFFFFF00, s7;
	_ =	swait.ge [sflag:s29], $0x80  }
0x61: {  	s11 =	sand.u32 $0x7C00, s10;
	[sflag:s29] =	ssyncset.done $0x0  }
0x62: {  	s10 =	sand.u32 $0x280, s10;
	s11 =	sadd.s32 s4, s11;
	[sflag:s29] =	ssyncadd.s32 $0xFFFFFF80  }
0x63: {  	[spmem:s2] =	stream.indirect.scatter.add.f32 [tilespmem:s24], [sflag:$0x7], $0x80, s19, s22, $0xb8;
	[tilespmem:$0x1E600] =	vst v63  }
0x64: {  	s10 =	sor.u32 s10, s11;
	_ =	swait.ge [sflag:s17], $0x4000  }
0x65: {  	s10 =	sshrl.u32 s10, $0x3;
	[sflag:s17] =	ssyncset.done $0x0  }
0x66: {  	s10 =	sadd.s32 s6, s10;
	[sflag:s17] =	ssyncadd.s32 $0xFFFFC000  }
0x67: {  	[tilespmem:s19], [sflag:$0x4] =	stream.linear.gather [hbm4b:s10+s3], $0x80, $0x38;
	[tilespmem:$0x1E600] =	vst v63  }
0x68: {  	s11 =	sadd.s32 $0xFFFFFF80, s0  }
0x69: {  	[tilespmem:s24], [sflag:$0x2] =	stream.indirect.gather [hbm4b:s5+s22], $0x80, s11, s22, $0xb8;
	[tilespmem:$0x1E600] =	vst v63  }
0x6a: {  	_ =	swait.ge [sflag:s25], $0x4000  }
0x6b: {  	[sflag:s25] =	ssyncset.done $0x0  }
0x6c: {  	[sflag:s25] =	ssyncadd.s32 $0xFFFFC000  }
0x6d: {  	s10 =	sadd.s32 $0xFFFFFF80, s7;
	_ =	swait.ge [sflag:s30], $0x80  }
0x6e: {  	s11 =	sand.u32 $0x7C00, s10;
	[sflag:s30] =	ssyncset.done $0x0  }
0x6f: {  	s10 =	sand.u32 $0x300, s10;
	s11 =	sadd.s32 s4, s11;
	[sflag:s30] =	ssyncadd.s32 $0xFFFFFF80  }
0x70: {  	[spmem:s2] =	stream.indirect.scatter.add.f32 [tilespmem:s23], [sflag:$0x7], $0x80, s20, s22, $0xb8;
	[tilespmem:$0x1E600] =	vst v63  }
0x71: {  	s10 =	sor.u32 s10, s11;
	_ =	swait.ge [sflag:s17], $0x4000  }
0x72: {  	s10 =	sshrl.u32 s10, $0x3;
	[sflag:s17] =	ssyncset.done $0x0  }
0x73: {  	s10 =	sadd.s32 s6, s10;
	[sflag:s17] =	ssyncadd.s32 $0xFFFFC000  }
0x74: {  	[tilespmem:s20], [sflag:$0x5] =	stream.linear.gather [hbm4b:s10+s3], $0x80, $0x38;
	[tilespmem:$0x1E600] =	vst v63  }
0x75: {  	_ = 	snop  }
0x76: {  	[tilespmem:s23], [sflag:$0x1] =	stream.indirect.gather [hbm4b:s5+s22], $0x80, s0, s22, $0xb8;
	[tilespmem:$0x1E600] =	vst v63  }
0x77: {  	_ =	swait.ge [sflag:s28], $0x4000  }
0x78: {  	[sflag:s28] =	ssyncset.done $0x0  }
0x79: {  	[sflag:s28] =	ssyncadd.s32 $0xFFFFC000  }
0x7a: {  	_ =	swait.ge [sflag:s31], $0x80  }
0x7b: {  	p0 =	seq.s32 s7, $0x2780;
	[sflag:s31] =	ssyncset.done $0x0  }
.Ltmp2:
0x7c: {  	[sflag:s31] =	ssyncadd.s32 $0xFFFFFF80;
	(pc) =	sbr.rel @p0 .LBB2_4-.Ltmp2, $4  }
0x7d: {  	[spmem:s2] =	stream.indirect.scatter.add.f32 [tilespmem:s24], [sflag:$0x7], $0x80, s21, s22, $0xb8;
	[tilespmem:$0x1E600] =	vst v63  }
0x7e: {  	_ =	swait.ge [sflag:s17], $0x4000  }
0x7f: {  	[sflag:s17] =	ssyncset.done $0x0  }
0x80: {  	[sflag:s17] =	ssyncadd.s32 $0xFFFFC000  }
0x81: {  	s10 =	sand.u32 $0x7C00, s7  }
.Ltmp3:
0x82: {  	s11 =	sand.u32 $0x380, s7;
	s10 =	sadd.s32 s4, s10;
	(pc) =	sbr.rel .LBB2_2-.Ltmp3, $4  }
0x83: {  	s10 =	sor.u32 s11, s10  }
0x84: {  	s10 =	sshrl.u32 s10, $0x3  }
0x85: {  	s0 =	sadd.s32 $0x200, s0;
	s7 =	sadd.s32 $0x200, s7;
	s10 =	sadd.s32 s6, s10  }
0x86: {  	[tilespmem:s21], [sflag:$0x6] =	stream.linear.gather [hbm4b:s10+s3], $0x80, $0x38;
	[tilespmem:$0x1E600] =	vst v63  }
.LBB2_5:
0x87: {  	_ =	sfence.sel $0x180000  }
0x88: {  	[bflag:$0x0] =	sbarrier.arrive $0xFFFF  }
0x89: {  	_ =	strace $0x9000004D  }
0x8a: {  	s0 =	stileid.u32;
	[bflag:$0x2] =	sbarrier.arrive $0xFFFF  }
0x8b: {  	p0 =	sne.s32 s0, $0x0;
	s0 =	rddreg [dreg:$0x2]  }
0x8c: {  	s0 =	sadd.s32 @!p0 $0x100000, s0  }
0x8d: {  	[sflag:s0] =	ssyncadd.tile.s32 @!p0 $0x1;
	_ =	shalt  }
.Lfunc_end2:
_tile_overlayer_lowered:
.L_overlay_start_2:
0x8e: {  	(tag) =	ssettag $0x2  }
0x8f: {  	s0 =	rddreg [dreg:$0x0];
	s2 =	stileid.u32  }
0x90: {  	s1 =	rddreg [dreg:$0x1];
	p0 =	sne.s32 s2, $0x0  }
0x91: {  	s3 =	rddreg [dreg:$0x2];
	[bflag:$0x3] =	sbarrier.arrive $0xFFFF;
	s2 =	simm.s32 @!p0 $0x1C07  }
0x92: {  	[timem:s3], [sflag:s2] =	dma.local @!p0 [hbm:s0], s1  }
0x93: {  	s0 =	simm.s32 @!p0 $0x7  }
0x94: {  	_ =	swait.ge @!p0 [sflag:s0], s1  }
0x95: {  	s1 =	ssub.s32 @!p0 $0x0, s1;
	[sflag:s0] =	ssyncset.done @!p0 $0x0  }
0x96: {  	[sflag:s0] =	ssyncadd.s32 @!p0 s1  }
0x97: {  	[bflag:$0x3] =	sbarrier.arrive $0xFFFF  }
0x98: {  	_ =	shalt  }

// kernel: kernel.19.cloned.1.call-start
scs
__scs_entry_jumppad:
0x0: {  	(pc) =	sbr.rel $0x88, $3  }
0x1: {  	(tag) =	ssettag $0x0;
	lr =	simm.s32 $0x1  }
0x2: {  	[smem:$0x3F95] =	sst lr;
	_ =	strace $0xD0000000  }
0x3: {  	_ = 	snop  }
0x4: {  	_ = 	snop  }
0x5: {  	_ = 	snop  }
0x6: {  	_ = 	snop  }
0x7: {  	_ = 	snop  }
__scs_overlays_trampoline_lowered:
0x8: {  	[smem:$0x3FA4] =	sst s0  }
0x9: {  	[smem:$0x3FA5] =	sst s1  }
0xa: {  	[smem:$0x3FA6] =	sst s2  }
0xb: {  	[smem:$0x3FA7] =	sst s3  }
0xc: {  	[smem:$0x3FA8] =	sst s4  }
0xd: {  	[smem:$0x3FA9] =	sst s5  }
0xe: {  	[smem:$0x3FAA] =	sst s6  }
0xf: {  	[smem:$0x3FAB] =	sst s7  }
0x10: {  	[smem:$0x3FAC] =	sst s8  }
0x11: {  	[smem:$0x3FAD] =	sst s9;
	s0 =	simm.s32 @!p0 $0x0  }
0x12: {  	s1 =	sld [smem:$0x3F93];
	s0 =	simm.s32 @p0 $0x1  }
0x13: {  	[smem:$0x3FAE] =	sst s0;
	s0 =	simm.s32 @!p1 $0x0  }
0x14: {  	s2 =	sld [smem:$0x3F92];
	s0 =	simm.s32 @p1 $0x1  }
0x15: {  	[smem:$0x3FAF] =	sst s0;
	s0 =	simm.s32 @!p2 $0x0  }
0x16: {  	s3 =	sld [smem:$0x3FDB];
	s0 =	simm.s32 @p2 $0x1  }
0x17: {  	s4 =	simm.s32 $0x1BF5;
	[smem:$0x3FB1] =	sst s0  }
0x18: {  	s0 =	sld [smem:$0x3F94];
	_ =	swait.ge [sflag:s4], $0x0  }
0x19: {  	s7 =	sld [smem:$0x3F95]  }
0x1a: {  	s8 =	sadd.s32 $0xFFFFE003, lr  }
0x1b: {  	s9 =	sadd.s32 $0xFFFFFEF7, lr;
	s5 =	simm.s32 $0xFFFFFFFF;
	p2 =	slt.u32 s8, $0xFFFFF086  }
0x1c: {  	p1 =	slt.u32 s9, $0xF7A;
	s5 =	simm.s32 @!p2 $0x0  }
0x1d: {  	s5 =	simm.s32 @p1 $0x1;
	p0 =	seq.s32 s7, s2  }
0x1e: {  	s7 =	smul.u32 @!p0 $0xF7A, s2;
	p2 =	seq.s32 @!p0 s5, $0x0  }
0x1f: {  	s9 =	smul.u32 $0xF7A, s1;
	s8 =	simm.s32 @!p0 $0x1BF5;
	p2 =	por !p2, p0  }
0x20: {  	[sflag:s8] =	ssyncset.s32 @!p0 $0xFFFFF086;
	s6 =	sadd.s32 @!p0 s3, s7;
	s7 =	simm.s32 @!p0 $0x108  }
0x21: {  	s3 =	sadd.s32 s3, s9;
	s6 =	sadd.s32 @!p0 $0x88, s6;
	s7 =	simm.s32 @p2 $0x1082  }
0x22: {  	[simem:s7], [sflag:s8] =	dma.local @!p0 [hbm:s6], $0xF7A  }
0x23: {  	s9 =	sor.u32 $0xD0000000, s2;
	s6 =	simm.s32 $0x108;
	_ =	swait.ge @!p0 [sflag:s8], $0x0  }
0x24: {  	s3 =	sadd.s32 $0x88, s3;
	s6 =	simm.s32 @!p1 $0x1082;
	[sflag:s4] =	ssyncset.s32 $0xFFFFF086  }
0x25: {  	[simem:s6], [sflag:s4] =	dma.local [hbm:s3], $0xF7A  }
0x26: {  	[smem:$0x3F95] =	sst s1;
	(tag) =	ssettag s2;
	_ =	strace s9  }
0x27: {  	s1 =	sld [smem:$0x3FA5]  }
0x28: {  	s2 =	sld [smem:$0x3FA6]  }
0x29: {  	s4 =	sld [smem:$0x3FA8]  }
0x2a: {  	p0 =	seq.s32 s5, $0x0;
	s5 =	sld [smem:$0x3FA9]  }
0x2b: {  	s6 =	sld [smem:$0x3FAA]  }
0x2c: {  	s7 =	sld [smem:$0x3FAB]  }
0x2d: {  	s3 =	simm.s32 $0x108;
	s8 =	sld [smem:$0x3FAC]  }
0x2e: {  	s3 =	simm.s32 @!p0 $0x1082;
	s9 =	sld [smem:$0x3FAD]  }
0x2f: {  	lr =	sadd.s32 s0, s3;
	s0 =	sld [smem:$0x3FA4]  }
0x30: {  	s3 =	sld [smem:$0x3FA7]  }
0x31: {  	[smem:$0x3FB0] =	sst s10  }
0x32: {  	s10 =	sld [smem:$0x3FAE];
	_ =	sdelay $0x3  }
0x33: {  	p0 =	seq.s32 s10, $0x1;
	s10 =	sld [smem:$0x3FB0];
	_ =	sdelay $0x3  }
0x34: {  	[smem:$0x3FB0] =	sst s10  }
0x35: {  	s10 =	sld [smem:$0x3FAF];
	_ =	sdelay $0x3  }
0x36: {  	p1 =	seq.s32 s10, $0x1;
	s10 =	sld [smem:$0x3FB0];
	_ =	sdelay $0x3  }
0x37: {  	[smem:$0x3FB0] =	sst s10  }
0x38: {  	s10 =	sld [smem:$0x3FB1]  }
0x39: {  	_ = 	snop;
	(pc) =	sbr.ind lr, $3  }
0x3a: {  	_ = 	snop  }
0x3b: {  	_ = 	snop  }
0x3c: {  	p2 =	seq.s32 s10, $0x1;
	s10 =	sld [smem:$0x3FB0]  }
0x3d: {  	_ =	shalt  }
0x3e: {  	_ =	shalt  }
0x3f: {  	_ =	shalt  }
0x40: {  	_ =	shalt  }
0x41: {  	_ =	shalt  }
0x42: {  	_ =	shalt  }
0x43: {  	_ =	shalt  }
0x44: {  	_ =	shalt  }
0x45: {  	_ =	shalt  }
0x46: {  	_ =	shalt  }
0x47: {  	_ =	shalt  }
0x48: {  	_ =	shalt  }
0x49: {  	_ =	shalt  }
0x4a: {  	_ =	shalt  }
0x4b: {  	_ =	shalt  }
0x4c: {  	_ =	shalt  }
0x4d: {  	_ =	shalt  }
0x4e: {  	_ =	shalt  }
0x4f: {  	_ =	shalt  }
0x50: {  	_ =	shalt  }
0x51: {  	_ =	shalt  }
0x52: {  	_ =	shalt  }
0x53: {  	_ =	shalt  }
0x54: {  	_ =	shalt  }
0x55: {  	_ =	shalt  }
0x56: {  	_ =	shalt  }
0x57: {  	_ =	shalt  }
0x58: {  	_ =	shalt  }
0x59: {  	_ =	shalt  }
0x5a: {  	_ =	shalt  }
0x5b: {  	_ =	shalt  }
0x5c: {  	_ =	shalt  }
0x5d: {  	_ =	shalt  }
0x5e: {  	_ =	shalt  }
0x5f: {  	_ =	shalt  }
0x60: {  	_ =	shalt  }
0x61: {  	_ =	shalt  }
0x62: {  	_ =	shalt  }
0x63: {  	_ =	shalt  }
0x64: {  	_ =	shalt  }
0x65: {  	_ =	shalt  }
0x66: {  	_ =	shalt  }
0x67: {  	_ =	shalt  }
0x68: {  	_ =	shalt  }
0x69: {  	_ =	shalt  }
0x6a: {  	_ =	shalt  }
0x6b: {  	_ =	shalt  }
0x6c: {  	_ =	shalt  }
0x6d: {  	_ =	shalt  }
0x6e: {  	_ =	shalt  }
0x6f: {  	_ =	shalt  }
0x70: {  	_ =	shalt  }
0x71: {  	_ =	shalt  }
0x72: {  	_ =	shalt  }
0x73: {  	_ =	shalt  }
0x74: {  	_ =	shalt  }
0x75: {  	_ =	shalt  }
0x76: {  	_ =	shalt  }
0x77: {  	_ =	shalt  }
0x78: {  	_ =	shalt  }
0x79: {  	_ =	shalt  }
0x7a: {  	_ =	shalt  }
0x7b: {  	_ =	shalt  }
0x7c: {  	_ =	shalt  }
0x7d: {  	_ =	shalt  }
0x7e: {  	_ =	shalt  }
0x7f: {  	_ =	shalt  }
0x80: {  	_ =	shalt  }
0x81: {  	_ =	shalt  }
0x82: {  	_ =	shalt  }
0x83: {  	_ =	shalt  }
0x84: {  	_ =	shalt  }
0x85: {  	_ =	shalt  }
0x86: {  	_ =	shalt  }
0x87: {  	_ =	shalt  }
.Lfunc_end0:
.L_simem_size_0:
called_computation.3_lowered:
.L_overlay_start_0:
0x88: {  	s2 =	sld [smem:$0x3FD9]  }
0x89: {  	s3 =	sld [smem:$0x3FFE];
	_ =	sdelay $0x1  }
0x8a: {  	s1 =	srdreg.scid  }
0x8b: {  	s0 =	sand.u32 $0x1, s1  }
0x8c: {  	s16 =	sshll.u32 s0, $0xA;
	s2 =	sadd.s32 s3, s2  }
0x8d: {  	s2 =	sadd.s32 s2, s16  }
0x8e: {  	[smem:$0x3FBC] =	sst s2  }
0x8f: {  	_ = 	snop  }
0x90: {  	(tm) =	ssettm $0x1  }
0x91: {  	s17 =	sld [smem:$0x3FFB];
	_ =	sdelay $0x3  }
0x92: {  	_ =	strace s17  }
0x93: {  	s2 =	sld [smem:$0x3FFC];
	_ =	sdelay $0x3  }
0x94: {  	_ =	strace s2  }
0x95: {  	s2 =	sld [smem:$0x3FFD];
	_ =	sdelay $0x3  }
0x96: {  	_ =	strace s2  }
0x97: {  	_ =	strace $0x8FFFFFFF  }
0x98: {  	s18 =	sld [smem:$0x3FDB];
	_ =	sdelay $0x1  }
0x99: {  	s19 =	simm.s32 $_scs_section_size  }
0x9a: {  	s4 =	simm.s32 $_size__tile_overlayer_lowered;
	s5 =	simm.s32 $_tile_overlayer_lowered  }
0x9b: {  	s22 =	simm.s32 $0x1BFF;
	s21 =	sshll.u32 s5, $0x1;
	s2 =	sadd.s32 s19, s18  }
0x9c: {  	s6 =	simm.s32 $0x0;
	s20 =	sshll.u32 s4, $0x1;
	s4 =	sadd.s32 s21, s2  }
0x9d: {  	[timem:s6], [sflag:s22] =	dma.local [hbm:s4], s20  }
0x9e: {  	_ =	swait.ge [sflag:s22], s20  }
0x9f: {  	s3 =	ssub.s32 $0x0, s20;
	[sflag:s22] =	ssyncset.done $0x0  }
0xa0: {  	[sflag:s22] =	ssyncadd.s32 s3;
	_ =	sdelay $0x1  }
0xa1: {  	s23 =	simm.s32 $0x1B8B  }
0xa2: {  	_ =	swait.ge [sflag:s23], $0x1  }
0xa3: {  	[sflag:s23] =	ssyncset.done $0x0  }
0xa4: {  	s25 =	simm.s32 $0x1B8E;
	s24 =	sld [smem:$0x3FFE];
	[sflag:s23] =	ssyncadd.s32 $0xFFFFFFFF  }
0xa5: {  	s26 =	simm.s32 $execute0_lowered;
	[smem:$0x3FD2] =	sst s25  }
0xa6: {  	s4 =	sshll.u32 s26, $0x1;
	_ =	strace $0x8000004F;
	[dreg:$0x1] =	wrdreg $0xFFFFFFFF  }
0xa7: {  	s28 =	simm.s32 $_size_execute0_lowered;
	s2 =	sadd.s32 s2, s4;
	[dreg:$0x0] =	wrdreg $0x0  }
0xa8: {  	s4 =	sshll.u32 s28, $0x1;
	[dreg:$0x2] =	wrdreg s2  }
0xa9: {  	[dreg:$0x3] =	wrdreg s4  }
0xaa: {  	[dreg:$0x4] =	wrdreg $0xC0  }
0xab: {  	_ =	task [dreg:s6], $0x5FFFF  }
0xac: {  	[dreg:$0x1] =	wrdreg $0xFFFFFFFF  }
0xad: {  	[dreg:$0x0] =	wrdreg $0x60  }
0xae: {  	[dreg:$0x2] =	wrdreg s24  }
0xaf: {  	[dreg:$0x3] =	wrdreg $0xAA000  }
0xb0: {  	[dreg:$0x4] =	wrdreg $0x9  }
0xb1: {  	_ =	task.clear_ibuf [dreg:s6], $0x5FFFF;
	_ =	strace $0x9000004F  }
0xb2: {  	s29 =	simm.s32 $0x9;
	_ =	strace $0x80000051  }
0xb3: {  	_ =	swait.ge [sflag:s29], $0x1  }
0xb4: {  	[sflag:s29] =	ssyncadd.s32 $0xFFFFFFFF  }
0xb5: {  	_ =	strace $0x90000051  }
0xb6: {  	_ =	sfence  }
0xb7: {  	s30 =	sld [smem:$0x0];
	_ =	sdelay $0x2  }
0xb8: {  	s31 =	sshll.u32 s1, $0xD;
	s1 =	sshrl.u32 s1, $0x2  }
0xb9: {  	s3 =	sand.u32 $0x4000, s31;
	s1 =	sadd.s32 s1, s30  }
0xba: {  	s0 =	sor.u32 s3, s0;
	s1 =	sshll.u32 s1, $0x11  }
0xbb: {  	s0 =	sor.u32 s1, s0  }
0xbc: {  	s0 =	sadd.s32 $0x8F2B, s0  }
0xbd: {  	[sflag:s0] =	ssyncadd.remote.s32 $0x1  }
0xbe: {  	_ =	sfence.sel $0xFFFF  }
0xbf: {  	[dreg:$0x0] =	wrdreg $0xFFFFFFFF;
	(pc) =	sbr.abs _section_cstart, $3  }
0xc0: {  	[dreg:$0x1] =	wrdreg $0xFFFFFFFF  }
0xc1: {  	_ =	task.clear_ibuf [dreg:s6], $0x2FFFF;
	_ =	strace $0x9FFFFFFF  }
0xc2: {  	(tm) =	ssettm $0x7FFFFFFF  }
0xc3: {  	_ =	shalt  }
tec
execute0_lowered:
.L_overlay_start_1:
0x0: {  	(tag) =	ssettag $0x1  }
0x1: {  	s0 =	srdreg.scid;
	s1 =	rddreg [dreg:$0x0]  }
0x2: {  	s12 =	stileid.u32;
	s2 =	rddreg [dreg:$0x1]  }
0x3: {  	s17 =	simm.s32 $0x7;
	s18 =	simm.s32 $0x2800;
	s19 =	simm.s32 $0x2880  }
0x4: {  	s20 =	simm.s32 $0x2900;
	s21 =	simm.s32 $0x2980;
	s28 =	simm.s32 $0x2  }
0x5: {  	s29 =	simm.s32 $0x4;
	s30 =	simm.s32 $0x5;
	s31 =	simm.s32 $0x6  }
0x6: {  	s0 =	sand.u32 $0x1, s0;
	s7 =	smul.u32 $0x13C00, s12;
	s5 =	sadd.s32 $0x48E00, s1  }
0x7: {  	s6 =	sadd.s32 $0x3C00, s1;
	s22 =	smul.u32 $0x4F000, s12;
	s25 =	sshll.u32 s12, $0x6  }
0x8: {  	s3 =	sshll.u32 s0, $0x4;
	s8 =	smul.u32 $0x13C000, s0;
	s0 =	ssub.s32 $0x2, s0  }
0x9: {  	s4 =	sor.u32 s12, s3;
	s3 =	simm.s32 $0x0;
	s11 =	sshrl.u32 s7, $0x3  }
0xa: {  	s23 =	sshrl.u32 s0, $0x1;
	s4 =	smul.u32 $0x2800, s4;
	[smem:$0x7FF] =	sst s3  }
0xb: {  	s7 =	sadd.s32 s7, s8;
	s11 =	sadd.s32 s11, s1;
	s8 =	sshrl.u32 s22, $0x2  }
0xc: {  	s0 =	ssub.s32 s0, s23;
	s22 =	simm.s32 $0x80;
	s23 =	simm.s32 $0x2A00  }
0xd: {  	_ =	strace $0x80000050;
	s7 =	sshrl.u32 s7, $0x3;
	s24 =	sadd.s32 s8, s2  }
0xe: {  	s11 =	sadd.s32 $0x70000, s11;
	s8 =	sor.u32 $0x1C07, s25;
	s15 =	smax.u32 s0, $0x1  }
0xf: {  	s25 =	simm.s32 $0x1;
	s9 =	sshrl.u32 s4, $0x3;
	[dreg:$0x3] =	wrdreg s11  }
.Ltmp0:
0x10: {  	s16 =	sshrl.u32 s24, $0x3;
	s24 =	simm.s32 $0x6A00;
	(pc) =	sbr.rel .LBB2_1-.Ltmp0, $4  }
0x11: {  	s10 =	sadd.s32 s9, s1;
	s1 =	sadd.s32 s7, s1;
	s9 =	sadd.s32 s6, s9  }
0x12: {  	s10 =	sadd.s32 $0x17C00, s10;
	s26 =	sadd.s32 $0x10, s9;
	s12 =	sadd.s32 $0x20, s9  }
0x13: {  	s13 =	sadd.s32 $0x30, s9;
	s14 =	sadd.s32 $0x97800, s1;
	[dreg:$0x4] =	wrdreg s10  }
0x14: {  	s1 =	simm.s32 $0x0;
	[dreg:$0x5] =	wrdreg s26;
	s26 =	simm.s32 $0x3  }
.LBB2_4:
0x15: {  	s0 =	simm.s32 $0x2680  }
0x16: {  	[tilespmem:s24], [sflag:$0x2] =	stream.indirect.gather [hbm4b:s5+s22], $0x80, s0, s22, $0xb8;
	[tilespmem:$0x1E600] =	vst v63  }
0x17: {  	_ =	swait.ge [sflag:s25], $0x4000  }
0x18: {  	[sflag:s25] =	ssyncset.done $0x0  }
0x19: {  	[sflag:s25] =	ssyncadd.s32 $0xFFFFC000  }
0x1a: {  	_ =	swait.ge [sflag:s26], $0x80  }
0x1b: {  	[sflag:s26] =	ssyncset.done $0x0  }
0x1c: {  	[sflag:s26] =	ssyncadd.s32 $0xFFFFFF80  }
0x1d: {  	[spmem:s2] =	stream.indirect.scatter.add.f32 [tilespmem:s23], [sflag:$0x7], $0x80, s18, s22, $0xb8;
	[tilespmem:$0x1E600] =	vst v63  }
0x1e: {  	_ =	swait.ge [sflag:s17], $0x4000  }
0x1f: {  	[sflag:s17] =	ssyncset.done $0x0  }
0x20: {  	s11 =	simm.s32 $0x2700;
	[sflag:s17] =	ssyncadd.s32 $0xFFFFC000  }
0x21: {  	[tilespmem:s23], [sflag:$0x1] =	stream.indirect.gather [hbm4b:s5+s22], $0x80, s11, s22, $0xb8;
	[tilespmem:$0x1E600] =	vst v63  }
0x22: {  	_ =	swait.ge [sflag:s28], $0x4000  }
0x23: {  	[sflag:s28] =	ssyncset.done $0x0  }
0x24: {  	[sflag:s28] =	ssyncadd.s32 $0xFFFFC000  }
0x25: {  	_ =	swait.ge [sflag:s29], $0x80  }
0x26: {  	[sflag:s29] =	ssyncset.done $0x0  }
0x27: {  	[sflag:s29] =	ssyncadd.s32 $0xFFFFFF80  }
0x28: {  	[spmem:s2] =	stream.indirect.scatter.add.f32 [tilespmem:s24], [sflag:$0x7], $0x80, s19, s22, $0xb8;
	[tilespmem:$0x1E600] =	vst v63  }
0x29: {  	_ =	swait.ge [sflag:s17], $0x4000  }
0x2a: {  	[sflag:s17] =	ssyncset.done $0x0  }
0x2b: {  	[sflag:s17] =	ssyncadd.s32 $0xFFFFC000  }
0x2c: {  	_ =	swait.ge [sflag:s25], $0x4000  }
0x2d: {  	[sflag:s25] =	ssyncset.done $0x0  }
0x2e: {  	[sflag:s25] =	ssyncadd.s32 $0xFFFFC000  }
0x2f: {  	_ =	swait.ge [sflag:s30], $0x80  }
0x30: {  	[sflag:s30] =	ssyncset.done $0x0  }
0x31: {  	[sflag:s30] =	ssyncadd.s32 $0xFFFFFF80  }
0x32: {  	[spmem:s2] =	stream.indirect.scatter.add.f32 [tilespmem:s23], [sflag:$0x7], $0x80, s20, s22, $0xb8;
	[tilespmem:$0x1E600] =	vst v63  }
0x33: {  	_ =	swait.ge [sflag:s17], $0x4000  }
0x34: {  	s1 =	sadd.s32 $0x1, s1;
	[sflag:s17] =	ssyncset.done $0x0  }
0x35: {  	p0 =	sne.s32 s1, s15;
	[sflag:s17] =	ssyncadd.s32 $0xFFFFC000  }
.Ltmp1:
0x36: {  	[bflag:$0x0] =	sbarrier.arrive $0xFFFF;
	(pc) =	sbr.rel @!p0 .LBB2_5-.Ltmp1, $4  }
0x37: {  	[hbm:s14], [sflag:s8] =	dma.local [spmem:s16], $0x2780  }
0x38: {  	_ =	swait.ge [sflag:s17], $0x2780  }
0x39: {  	[sflag:s17] =	ssyncset.done $0x0  }
0x3a: {  	[sflag:s17] =	ssyncadd.s32 $0xFFFFD880  }
.LBB2_1:
0x3b: {  	s0 =	rddreg [dreg:$0x3]  }
0x3c: {  	[spmem:s16], [sflag:s8] =	dma.local [hbm:s0], $0x2780  }
0x3d: {  	_ =	swait.ge [sflag:s17], $0x2780  }
0x3e: {  	[sflag:s17] =	ssyncset.done $0x0  }
0x3f: {  	s10 =	rddreg [dreg:$0x4];
	[sflag:s17] =	ssyncadd.s32 $0xFFFFD880  }
0x40: {  	[tilespmem:s3], [sflag:$0x7] =	stream.linear.gather [hbm4b:s10+s3], $0x2780, $0x38;
	[tilespmem:$0x1E600] =	vst v63  }
0x41: {  	_ =	swait.ge [sflag:s17], $0x2780  }
0x42: {  	[sflag:s17] =	ssyncset.done $0x0  }
0x43: {  	[sflag:s17] =	ssyncadd.s32 $0xFFFFD880  }
0x44: {  	[bflag:$0x0] =	sbarrier.arrive $0xFFFF  }
0x45: {  	[tilespmem:s18], [sflag:$0x3] =	stream.linear.gather [hbm4b:s9+s3], $0x80, $0x38;
	[tilespmem:$0x1E600] =	vst v63  }
0x46: {  	s11 =	rddreg [dreg:$0x5]  }
0x47: {  	[tilespmem:s19], [sflag:$0x4] =	stream.linear.gather [hbm4b:s11+s3], $0x80, $0x38;
	[tilespmem:$0x1E600] =	vst v63  }
0x48: {  	_ = 	snop  }
0x49: {  	[tilespmem:s20], [sflag:$0x5] =	stream.linear.gather [hbm4b:s12+s3], $0x80, $0x38;
	[tilespmem:$0x1E600] =	vst v63  }
0x4a: {  	_ = 	snop  }
0x4b: {  	[tilespmem:s21], [sflag:$0x6] =	stream.linear.gather [hbm4b:s13+s3], $0x80, $0x38;
	[tilespmem:$0x1E600] =	vst v63  }
0x4c: {  	s7 =	simm.s32 $0x380;
	s0 =	simm.s32 $0x200  }
0x4d: {  	[tilespmem:s23], [sflag:$0x1] =	stream.indirect.gather [hbm4b:s5+s22], $0x80, s3, s22, $0xb8;
	[tilespmem:$0x1E600] =	vst v63  }
.LBB2_2:
0x4e: {  	s10 =	sadd.s32 $0xFFFFFE80, s0  }
0x4f: {  	[tilespmem:s24], [sflag:$0x2] =	stream.indirect.gather [hbm4b:s5+s22], $0x80, s10, s22, $0xb8;
	[tilespmem:$0x1E600] =	vst v63  }
0x50: {  	_ =	swait.ge [sflag:s25], $0x4000  }
0x51: {  	[sflag:s25] =	ssyncset.done $0x0  }
0x52: {  	[sflag:s25] =	ssyncadd.s32 $0xFFFFC000  }
0x53: {  	s10 =	sadd.s32 $0xFFFFFE80, s7;
	_ =	swait.ge [sflag:s26], $0x80  }
0x54: {  	s11 =	sand.u32 $0x7C00, s10;
	[sflag:s26] =	ssyncset.done $0x0  }
0x55: {  	s10 =	sand.u32 $0x200, s10;
	s11 =	sadd.s32 s4, s11;
	[sflag:s26] =	ssyncadd.s32 $0xFFFFFF80  }
0x56: {  	[spmem:s2] =	stream.indirect.scatter.add.f32 [tilespmem:s23], [sflag:$0x7], $0x80, s18, s22, $0xb8;
	[tilespmem:$0x1E600] =	vst v63  }
0x57: {  	s10 =	sor.u32 s10, s11;
	_ =	swait.ge [sflag:s17], $0x4000  }
0x58: {  	s10 =	sshrl.u32 s10, $0x3;
	[sflag:s17] =	ssyncset.done $0x0  }
0x59: {  	s10 =	sadd.s32 s6, s10;
	[sflag:s17] =	ssyncadd.s32 $0xFFFFC000  }
0x5a: {  	[tilespmem:s18], [sflag:$0x3] =	stream.linear.gather [hbm4b:s10+s3], $0x80, $0x38;
	[tilespmem:$0x1E600] =	vst v63  }
0x5b: {  	s11 =	sadd.s32 $0xFFFFFF00, s0  }
0x5c: {  	[tilespmem:s23], [sflag:$0x1] =	stream.indirect.gather [hbm4b:s5+s22], $0x80, s11, s22, $0xb8;
	[tilespmem:$0x1E600] =	vst v63  }
0x5d: {  	_ =	swait.ge [sflag:s28], $0x4000  }
0x5e: {  	[sflag:s28] =	ssyncset.done $0x0  }
0x5f: {  	[sflag:s28] =	ssyncadd.s32 $0xFFFFC000  }
0x60: {  	s10 =	sadd.s32 $0xFFFFFF00, s7;
	_ =	swait.ge [sflag:s29], $0x80  }
0x61: {  	s11 =	sand.u32 $0x7C00, s10;
	[sflag:s29] =	ssyncset.done $0x0  }
0x62: {  	s10 =	sand.u32 $0x280, s10;
	s11 =	sadd.s32 s4, s11;
	[sflag:s29] =	ssyncadd.s32 $0xFFFFFF80  }
0x63: {  	[spmem:s2] =	stream.indirect.scatter.add.f32 [tilespmem:s24], [sflag:$0x7], $0x80, s19, s22, $0xb8;
	[tilespmem:$0x1E600] =	vst v63  }
0x64: {  	s10 =	sor.u32 s10, s11;
	_ =	swait.ge [sflag:s17], $0x4000  }
0x65: {  	s10 =	sshrl.u32 s10, $0x3;
	[sflag:s17] =	ssyncset.done $0x0  }
0x66: {  	s10 =	sadd.s32 s6, s10;
	[sflag:s17] =	ssyncadd.s32 $0xFFFFC000  }
0x67: {  	[tilespmem:s19], [sflag:$0x4] =	stream.linear.gather [hbm4b:s10+s3], $0x80, $0x38;
	[tilespmem:$0x1E600] =	vst v63  }
0x68: {  	s11 =	sadd.s32 $0xFFFFFF80, s0  }
0x69: {  	[tilespmem:s24], [sflag:$0x2] =	stream.indirect.gather [hbm4b:s5+s22], $0x80, s11, s22, $0xb8;
	[tilespmem:$0x1E600] =	vst v63  }
0x6a: {  	_ =	swait.ge [sflag:s25], $0x4000  }
0x6b: {  	[sflag:s25] =	ssyncset.done $0x0  }
0x6c: {  	[sflag:s25] =	ssyncadd.s32 $0xFFFFC000  }
0x6d: {  	s10 =	sadd.s32 $0xFFFFFF80, s7;
	_ =	swait.ge [sflag:s30], $0x80  }
0x6e: {  	s11 =	sand.u32 $0x7C00, s10;
	[sflag:s30] =	ssyncset.done $0x0  }
0x6f: {  	s10 =	sand.u32 $0x300, s10;
	s11 =	sadd.s32 s4, s11;
	[sflag:s30] =	ssyncadd.s32 $0xFFFFFF80  }
0x70: {  	[spmem:s2] =	stream.indirect.scatter.add.f32 [tilespmem:s23], [sflag:$0x7], $0x80, s20, s22, $0xb8;
	[tilespmem:$0x1E600] =	vst v63  }
0x71: {  	s10 =	sor.u32 s10, s11;
	_ =	swait.ge [sflag:s17], $0x4000  }
0x72: {  	s10 =	sshrl.u32 s10, $0x3;
	[sflag:s17] =	ssyncset.done $0x0  }
0x73: {  	s10 =	sadd.s32 s6, s10;
	[sflag:s17] =	ssyncadd.s32 $0xFFFFC000  }
0x74: {  	[tilespmem:s20], [sflag:$0x5] =	stream.linear.gather [hbm4b:s10+s3], $0x80, $0x38;
	[tilespmem:$0x1E600] =	vst v63  }
0x75: {  	_ = 	snop  }
0x76: {  	[tilespmem:s23], [sflag:$0x1] =	stream.indirect.gather [hbm4b:s5+s22], $0x80, s0, s22, $0xb8;
	[tilespmem:$0x1E600] =	vst v63  }
0x77: {  	_ =	swait.ge [sflag:s28], $0x4000  }
0x78: {  	[sflag:s28] =	ssyncset.done $0x0  }
0x79: {  	[sflag:s28] =	ssyncadd.s32 $0xFFFFC000  }
0x7a: {  	_ =	swait.ge [sflag:s31], $0x80  }
0x7b: {  	p0 =	seq.s32 s7, $0x2780;
	[sflag:s31] =	ssyncset.done $0x0  }
.Ltmp2:
0x7c: {  	[sflag:s31] =	ssyncadd.s32 $0xFFFFFF80;
	(pc) =	sbr.rel @p0 .LBB2_4-.Ltmp2, $4  }
0x7d: {  	[spmem:s2] =	stream.indirect.scatter.add.f32 [tilespmem:s24], [sflag:$0x7], $0x80, s21, s22, $0xb8;
	[tilespmem:$0x1E600] =	vst v63  }
0x7e: {  	_ =	swait.ge [sflag:s17], $0x4000  }
0x7f: {  	[sflag:s17] =	ssyncset.done $0x0  }
0x80: {  	[sflag:s17] =	ssyncadd.s32 $0xFFFFC000  }
0x81: {  	s10 =	sand.u32 $0x7C00, s7  }
.Ltmp3:
0x82: {  	s11 =	sand.u32 $0x380, s7;
	s10 =	sadd.s32 s4, s10;
	(pc) =	sbr.rel .LBB2_2-.Ltmp3, $4  }
0x83: {  	s10 =	sor.u32 s11, s10  }
0x84: {  	s10 =	sshrl.u32 s10, $0x3  }
0x85: {  	s0 =	sadd.s32 $0x200, s0;
	s7 =	sadd.s32 $0x200, s7;
	s10 =	sadd.s32 s6, s10  }
0x86: {  	[tilespmem:s21], [sflag:$0x6] =	stream.linear.gather [hbm4b:s10+s3], $0x80, $0x38;
	[tilespmem:$0x1E600] =	vst v63  }
.LBB2_5:
0x87: {  	_ =	sfence.sel $0x180000  }
0x88: {  	[bflag:$0x0] =	sbarrier.arrive $0xFFFF  }
0x89: {  	_ =	strace $0x90000050  }
0x8a: {  	s0 =	stileid.u32;
	[bflag:$0x2] =	sbarrier.arrive $0xFFFF  }
0x8b: {  	p0 =	sne.s32 s0, $0x0;
	s0 =	rddreg [dreg:$0x2]  }
0x8c: {  	s0 =	sadd.s32 @!p0 $0x100000, s0  }
0x8d: {  	[sflag:s0] =	ssyncadd.tile.s32 @!p0 $0x1;
	_ =	shalt  }
.Lfunc_end2:
_tile_overlayer_lowered:
.L_overlay_start_2:
0x8e: {  	(tag) =	ssettag $0x2  }
0x8f: {  	s0 =	rddreg [dreg:$0x0];
	s2 =	stileid.u32  }
0x90: {  	s1 =	rddreg [dreg:$0x1];
	p0 =	sne.s32 s2, $0x0  }
0x91: {  	s3 =	rddreg [dreg:$0x2];
	[bflag:$0x3] =	sbarrier.arrive $0xFFFF;
	s2 =	simm.s32 @!p0 $0x1C07  }
0x92: {  	[timem:s3], [sflag:s2] =	dma.local @!p0 [hbm:s0], s1  }
0x93: {  	s0 =	simm.s32 @!p0 $0x7  }
0x94: {  	_ =	swait.ge @!p0 [sflag:s0], s1  }
0x95: {  	s1 =	ssub.s32 @!p0 $0x0, s1;
	[sflag:s0] =	ssyncset.done @!p0 $0x0  }
0x96: {  	[sflag:s0] =	ssyncadd.s32 @!p0 s1  }
0x97: {  	[bflag:$0x3] =	sbarrier.arrive $0xFFFF  }
0x98: {  	_ =	shalt  }

</sc_bundles>
